<compile_context>
chip_gen: v7x
topology: tpu7x:2x2x1
jax: 0.10.2.dev20260603
libtpu: 0.0.44.dev20260713+nightly
codegen_flags: <defaults>
</compile_context>

<pallas_src>
import jax
import jax.numpy as jnp
from jax import lax
from jax.experimental import pallas as pl
from jax.experimental.pallas import tpu as pltpu
from jax.experimental.pallas import tpu_sc as plsc

N = 10000
E = 320000
D = 128
NB = 16
NC = 2
NS = 16
NW = NC * NS
L = 16

BE = 6400
C2 = 80
C4 = 1280
FPT = 8
EH = 2
MP = 10000

_NEG_INF = float("-inf")



def _r_body(ea_ref, wea_ref, be_ref, rowg_ref, x_ref, wex_ref, wnx_ref,
            r_ref, flag_ref, q_ref, p_ref):
    @pl.when(pl.program_id(0) == 0)
    def _():
        xb = x_ref[...]
        q_ref[...] = lax.dot_general(xb, wex_ref[...], (((1,), (1,)), ((), ())),
                                     preferred_element_type=jnp.float32)
        p_ref[...] = lax.dot_general(xb, wnx_ref[...], (((1,), (1,)), ((), ())),
                                     preferred_element_type=jnp.float32)

    r_ref[...] = lax.dot_general(ea_ref[...], wea_ref[...],
                                 (((1,), (1,)), ((), ())),
                                 preferred_element_type=jnp.float32) + be_ref[...]
    rg = rowg_ref[...]
    dup = None
    for sh in range(1, 16):
        c = jnp.concatenate([rg[:, sh:], rg[:, :sh]], axis=1)
        m = rg == c
        dup = m if dup is None else (dup | m)
    dupg = jnp.any(dup, axis=1)
    pairs = dupg.reshape(BE // 32, 2)
    flag_ref[...] = (pairs[:, 0] | pairs[:, 1]).astype(jnp.int32) \
        .reshape(BE // 32, 1)


def _k1b(edge_attr, Wea, be2d, rowg, x, Wex, Wnx):
    return pl.pallas_call(
        _r_body,
        grid=(E // BE,),
        in_specs=[
            pl.BlockSpec((BE, 16), lambda i: (i, 0)),
            pl.BlockSpec((D, 16), lambda i: (0, 0)),
            pl.BlockSpec((1, D), lambda i: (0, 0)),
            pl.BlockSpec((BE // 16, 16), lambda i: (i, 0)),
            pl.BlockSpec((N, D), lambda i: (0, 0)),
            pl.BlockSpec((D, D), lambda i: (0, 0)),
            pl.BlockSpec((D, D), lambda i: (0, 0)),
        ],
        out_specs=[
            pl.BlockSpec((BE, D), lambda i: (i, 0)),
            pl.BlockSpec((BE // 32, 1), lambda i: (i, 0)),
            pl.BlockSpec((N, D), lambda i: (0, 0)),
            pl.BlockSpec((N, D), lambda i: (0, 0)),
        ],
        out_shape=[
            jax.ShapeDtypeStruct((E, D), jnp.float32),
            jax.ShapeDtypeStruct((E // 32, 1), jnp.int32),
            jax.ShapeDtypeStruct((N, D), jnp.float32),
            jax.ShapeDtypeStruct((N, D), jnp.float32),
        ],
    )(edge_attr, Wea, be2d, rowg, x, Wex, Wnx)


def _hT_body(e_ref, pc_ref, wne_ref, bn_ref, hT_ref):
    hT_ref[...] = (lax.dot_general(wne_ref[...], e_ref[...],
                                   (((1,), (1,)), ((), ())),
                                   preferred_element_type=jnp.float32)
                   + lax.transpose(pc_ref[...], (1, 0)) + bn_ref[...])


def _k3(e, pc, Wne, bn2d):
    return pl.pallas_call(
        _hT_body,
        grid=(E // BE,),
        in_specs=[
            pl.BlockSpec((BE, D), lambda i: (i, 0)),
            pl.BlockSpec((BE, D), lambda i: (i, 0)),
            pl.BlockSpec((D, D), lambda i: (0, 0)),
            pl.BlockSpec((D, 1), lambda i: (0, 0)),
        ],
        out_specs=pl.BlockSpec((D, BE), lambda i: (0, i)),
        out_shape=jax.ShapeDtypeStruct((D, E), jnp.float32),
    )(e, pc, Wne, bn2d)


def _final_body(aggT_ref, b2d_ref, glob_ref, w2a_ref, b2_ref, w2g_ref,
                wgg_ref, wgm_ref, bg_ref, xn_ref, u_ref):
    aggT = aggT_ref[...]
    xb = lax.dot_general(aggT, w2a_ref[...], (((0,), (1,)), ((), ())),
                         preferred_element_type=jnp.float32)
    oh = (b2d_ref[...] == lax.broadcasted_iota(jnp.int32, (N, NB), 1))
    oh = oh.astype(jnp.float32)
    G2 = lax.dot_general(glob_ref[...], w2g_ref[...], (((1,), (1,)), ((), ())),
                         preferred_element_type=jnp.float32)
    xn = xb + lax.dot_general(oh, G2, (((1,), (0,)), ((), ())),
                              preferred_element_type=jnp.float32) + b2_ref[...]
    xn = jnp.maximum(xn, 0.0)
    xn_ref[...] = xn

    S = lax.dot_general(oh, xn, (((0,), (0,)), ((), ())),
                        preferred_element_type=jnp.float32)
    cnt = lax.dot_general(oh, jnp.ones((N, D), jnp.float32),
                          (((0,), (0,)), ((), ())),
                          preferred_element_type=jnp.float32)
    mean = S / jnp.maximum(cnt, 1.0)
    u = (lax.dot_general(glob_ref[...], wgg_ref[...],
                         (((1,), (1,)), ((), ())),
                         preferred_element_type=jnp.float32)
         + lax.dot_general(mean, wgm_ref[...], (((1,), (1,)), ((), ())),
                           preferred_element_type=jnp.float32)
         + bg_ref[...])
    u_ref[...] = jnp.maximum(u, 0.0)


def _k5(aggT, batch2d, glob, W2a, b22d, W2g, Wgg, Wgm, bg2d):
    return pl.pallas_call(
        _final_body,
        out_shape=[
            jax.ShapeDtypeStruct((N, D), jnp.float32),
            jax.ShapeDtypeStruct((NB, 32), jnp.float32),
        ],
    )(aggT, batch2d, glob, W2a, b22d, W2g, Wgg, Wgm, bg2d)



def _sc_mesh():
    return plsc.VectorSubcoreMesh(core_axis_name="c", subcore_axis_name="s")


_SC_PARAMS = pltpu.CompilerParams(needs_layout_passes=False,
                                  use_tc_tiling_on_sc=False)


def _edge_sc_body(q_hbm, p_hbm, row_hbm, col_hbm, r_hbm, e_hbm, pc_hbm,
                  idxr0, idxc0, qrows0, prows0, rbuf0,
                  idxr1, idxc1, qrows1, prows1, rbuf1,
                  semi0, semg0, semo0, semi1, semg1, semo1):
    wid = lax.axis_index("s") * NC + lax.axis_index("c")
    base0 = wid * (E // NW)
    nchunks = (E // NW) // C2
    slots = ((idxr0, idxc0, qrows0, prows0, rbuf0, semi0, semg0, semo0),
             (idxr1, idxc1, qrows1, prows1, rbuf1, semi1, semg1, semo1))

    def issue_idx(ci, s):
        idxr, idxc, _, _, _, semi, _, _ = slots[s]
        base = base0 + ci * C2
        pltpu.async_copy(row_hbm.at[pl.ds(base, C2)], idxr, semi)
        pltpu.async_copy(col_hbm.at[pl.ds(base, C2)], idxc, semi)

    def wait_idx(ci, s):
        idxr, idxc, _, _, _, semi, _, _ = slots[s]
        base = base0 + ci * C2
        pltpu.make_async_copy(row_hbm.at[pl.ds(base, C2)], idxr, semi).wait()
        pltpu.make_async_copy(col_hbm.at[pl.ds(base, C2)], idxc, semi).wait()

    def issue_g(ci, s):
        idxr, idxc, qrows, prows, rbuf, _, semg, _ = slots[s]
        base = base0 + ci * C2
        pltpu.async_copy(q_hbm.at[idxr], qrows, semg)
        pltpu.async_copy(p_hbm.at[idxc], prows, semg)
        pltpu.async_copy(r_hbm.at[pl.ds(base, C2)], rbuf, semg)

    def wait_g(ci, s):
        idxr, idxc, qrows, prows, rbuf, _, semg, _ = slots[s]
        base = base0 + ci * C2
        pltpu.make_async_copy(q_hbm.at[idxr], qrows, semg).wait()
        pltpu.make_async_copy(p_hbm.at[idxc], prows, semg).wait()
        pltpu.make_async_copy(r_hbm.at[pl.ds(base, C2)], rbuf, semg).wait()

    def issue_out(ci, s):
        _, _, qrows, prows, _, _, _, semo = slots[s]
        base = base0 + ci * C2
        pltpu.async_copy(qrows, e_hbm.at[pl.ds(base, C2)], semo)
        pltpu.async_copy(prows, pc_hbm.at[pl.ds(base, C2)], semo)

    def wait_out(ci, s):
        _, _, qrows, prows, _, _, _, semo = slots[s]
        base = base0 + ci * C2
        pltpu.make_async_copy(qrows, e_hbm.at[pl.ds(base, C2)], semo).wait()
        pltpu.make_async_copy(prows, pc_hbm.at[pl.ds(base, C2)], semo).wait()

    issue_idx(0, 0)
    issue_idx(1, 1)
    wait_idx(0, 0)
    issue_g(0, 0)

    def pair(i, carry):
        for s in (0, 1):
            ci = 2 * i + s
            so = 1 - s

            @pl.when((ci + 1 < nchunks) & (ci >= 1))
            def _():
                wait_out(ci - 1, so)

            @pl.when(ci + 1 < nchunks)
            def _():
                wait_idx(ci + 1, so)
                issue_g(ci + 1, so)

            wait_g(ci, s)
            compute(s)
            issue_out(ci, s)

            @pl.when(ci + 2 < nchunks)
            def _():
                issue_idx(ci + 2, s)
        return carry

    def compute(s):
        _, _, qrows, prows, rbuf, _, _, _ = slots[s]

        def rowloop(ii, c2):
            for j in range(D // L):
                slc = pl.ds(j * L, L)
                v = qrows[ii, slc] + rbuf[ii, slc]
                qrows[ii, slc] = jnp.maximum(v, 0.0)
            return c2

        lax.fori_loop(0, C2, rowloop, 0)

    lax.fori_loop(0, nchunks // 2, pair, 0)
    wait_g(nchunks - 1, 0)
    compute(0)
    issue_out(nchunks - 1, 0)
    wait_out(nchunks - 2, 1)
    wait_out(nchunks - 1, 0)


def _k2(q, p, row, col, r):
    fn = pl.kernel(
        _edge_sc_body,
        out_type=[
            jax.ShapeDtypeStruct((E, D), jnp.float32),
            jax.ShapeDtypeStruct((E, D), jnp.float32),
        ],
        mesh=_sc_mesh(),
        compiler_params=_SC_PARAMS,
        scratch_types=[
            pltpu.VMEM((C2,), jnp.int32),
            pltpu.VMEM((C2,), jnp.int32),
            pltpu.VMEM((C2, D), jnp.float32),
            pltpu.VMEM((C2, D), jnp.float32),
            pltpu.VMEM((C2, D), jnp.float32),
            pltpu.VMEM((C2,), jnp.int32),
            pltpu.VMEM((C2,), jnp.int32),
            pltpu.VMEM((C2, D), jnp.float32),
            pltpu.VMEM((C2, D), jnp.float32),
            pltpu.VMEM((C2, D), jnp.float32),
            pltpu.SemaphoreType.DMA,
            pltpu.SemaphoreType.DMA,
            pltpu.SemaphoreType.DMA,
            pltpu.SemaphoreType.DMA,
            pltpu.SemaphoreType.DMA,
            pltpu.SemaphoreType.DMA,
        ],
    )
    return fn(q, p, row, col, r)


def _segmax_body(hT_hbm, row_hbm, dupf_hbm, aggT_hbm, agg_v,
                 hbuf0, rowb0, fbuf0, hbuf1, rowb1, fbuf1, mbuf, shr,
                 sem0, sem1):
    c = lax.axis_index("c")
    s = lax.axis_index("s")
    pid = s // 2
    eh = s % 2
    f0 = (c * 8 + pid) * FPT
    ebase = eh * (E // EH)
    fbase = eh * (E // EH // 32)
    NP = C4 // 32
    nchunks = (E // EH) // C4
    slots = ((hbuf0, rowb0, fbuf0, sem0), (hbuf1, rowb1, fbuf1, sem1))

    def issue(ci, slot):
        hbuf, rowb, fbuf, sem = slots[slot]
        base = ebase + ci * C4
        pltpu.async_copy(row_hbm.at[pl.ds(base, C4)], rowb, sem)
        pltpu.async_copy(dupf_hbm.at[pl.ds(fbase + ci * NP, NP)],
                         fbuf.at[pl.ds(0, NP)], sem)
        for f in range(FPT):
            pltpu.async_copy(hT_hbm.at[f0 + f, pl.ds(base, C4)],
                             hbuf.at[pl.ds(f * C4, C4)], sem)

    def wait(ci, slot):
        hbuf, rowb, fbuf, sem = slots[slot]
        base = ebase + ci * C4
        pltpu.make_async_copy(row_hbm.at[pl.ds(base, C4)], rowb, sem).wait()
        pltpu.make_async_copy(dupf_hbm.at[pl.ds(fbase + ci * NP, NP)],
                              fbuf.at[pl.ds(0, NP)], sem).wait()
        for f in range(FPT):
            pltpu.make_async_copy(hT_hbm.at[f0 + f, pl.ds(base, C4)],
                                  hbuf.at[pl.ds(f * C4, C4)], sem).wait()

    issue(0, 0)
    issue(1, 1)

    neg = jnp.full((L,), _NEG_INF, jnp.float32)

    def initloop(i, carry):
        agg_v[pl.ds(i * L, L)] = neg
        return carry

    lax.fori_loop(0, (FPT * N) // L, initloop, 0)

    def process(hbuf, rowb, fbuf):
        def load_group(k):
            sl = pl.ds(k * L, L)
            rv = rowb[sl]
            hvs = []
            for f in range(FPT):
                hvs.append(hbuf[pl.ds(f * C4 + k * L, L)])
            return rv, hvs

        def fast_group(rv, hvs):
            ris = [rv + (f * N) for f in range(FPT)]
            curs = [plsc.load_gather(agg_v, [ris[f]]) for f in range(FPT)]
            for f in range(FPT):
                plsc.store_scatter(agg_v, [ris[f]],
                                   jnp.maximum(curs[f], hvs[f]))

        def slow_group(rv, hvs):
            for f in range(FPT):
                ri = rv + (f * N)
                hv = hvs[f]

                def cond(m):
                    return jnp.any(m)

                def body(m):
                    cur = plsc.load_gather(agg_v, [ri])
                    val = jnp.maximum(cur, hv)
                    plsc.store_scatter(agg_v, [ri], val, mask=m)
                    chk = plsc.load_gather(agg_v, [ri])
                    return m & (chk < hv)

                lax.while_loop(cond, body, jnp.ones((L,), jnp.bool_))

        def group2(g, c2):
            rv0, hvs0 = load_group(2 * g)
            rv1, hvs1 = load_group(2 * g + 1)
            fv = fbuf[pl.ds(g, L)]
            has_dup = fv[0] != 0

            def fast(_):
                fast_group(rv0, hvs0)
                fast_group(rv1, hvs1)
                return 0

            def slow(_):
                slow_group(rv0, hvs0)
                slow_group(rv1, hvs1)
                return 0

            lax.cond(has_dup, slow, fast, 0)
            return c2

        lax.fori_loop(0, C4 // L // 2, group2, 0)

    def pair(i, carry):
        for slot in (0, 1):
            ci = 2 * i + slot
            wait(ci, slot)
            hbuf, rowb, fbuf, _ = slots[slot]
            process(hbuf, rowb, fbuf)

            @pl.when(ci + 2 < nchunks)
            def _():
                issue(ci + 2, slot)
        return carry

    lax.fori_loop(0, nchunks // 2, pair, 0)
    wait(nchunks - 1, 0)
    process(hbuf0, rowb0, fbuf0)

    def mergeloop(j, carry):
        @pl.when(eh == 1)
        def _():
            pltpu.sync_copy(agg_v.at[pl.ds(j * MP, MP)], shr.at[pid])

        plsc.subcore_barrier()

        @pl.when(eh == 0)
        def _():
            pltpu.sync_copy(shr.at[pid], mbuf)

            def vloop(i, c2):
                slc = pl.ds(j * MP + i * L, L)
                agg_v[slc] = jnp.maximum(agg_v[slc], mbuf[pl.ds(i * L, L)])
                return c2

            lax.fori_loop(0, MP // L, vloop, 0)

        plsc.subcore_barrier()
        return carry

    lax.fori_loop(0, (FPT * N) // MP, mergeloop, 0)

    @pl.when(eh == 0)
    def _():
        def fixloop(i, carry):
            sl = pl.ds(i * L, L)
            v = agg_v[sl]
            ok = (v - v) == 0.0
            agg_v[sl] = jnp.where(ok, v, 0.0)
            return carry

        lax.fori_loop(0, (FPT * N) // L, fixloop, 0)
        for f in range(FPT):
            pltpu.sync_copy(agg_v.at[pl.ds(f * N, N)], aggT_hbm.at[f0 + f])


def _k4(hT, row, dupf):
    fn = pl.kernel(
        _segmax_body,
        out_type=jax.ShapeDtypeStruct((D, N), jnp.float32),
        mesh=_sc_mesh(),
        compiler_params=_SC_PARAMS,
        scratch_types=[
            pltpu.VMEM((FPT * N,), jnp.float32),
            pltpu.VMEM((FPT * C4,), jnp.float32),
            pltpu.VMEM((C4,), jnp.int32),
            pltpu.VMEM((C4 // 32 + L,), jnp.int32),
            pltpu.VMEM((FPT * C4,), jnp.float32),
            pltpu.VMEM((C4,), jnp.int32),
            pltpu.VMEM((C4 // 32 + L,), jnp.int32),
            pltpu.VMEM((MP,), jnp.float32),
            pltpu.VMEM_SHARED((8, MP), jnp.float32),
            pltpu.SemaphoreType.DMA,
            pltpu.SemaphoreType.DMA,
        ],
    )
    return fn(hT, row, dupf)



def kernel(x, edge_index, edge_attr, glob, batch,
           W_edge, b_edge, W_node, b_node, W_node2, b_node2, W_glob, b_glob):
    row = edge_index[0]
    col = edge_index[1]
    Wex, Wea = W_edge[:, :D], W_edge[:, D:]
    Wnx, Wne = W_node[:, :D], W_node[:, D:]
    W2a, W2g = W_node2[:, :D], W_node2[:, D:]
    Wgg, Wgm = W_glob[:, :32], W_glob[:, 32:]
    be2d = b_edge.reshape(1, D)
    bn2d = b_node.reshape(D, 1)
    b22d = b_node2.reshape(1, D)
    bg2d = b_glob.reshape(1, 32)
    batch2d = batch.reshape(N, 1)

    rowg = row.reshape(E // 16, 16)
    r, dupf2d, q, p = _k1b(edge_attr, Wea, be2d, rowg, x, Wex, Wnx)
    dupf = dupf2d.reshape(E // 32)
    e, pc = _k2(q, p, row, col, r)
    hT = _k3(e, pc, Wne, bn2d)
    aggT = _k4(hT, row, dupf)
    xn, u = _k5(aggT, batch2d, glob, W2a, b22d, W2g, Wgg, Wgm, bg2d)
    return (xn, e, u)

# --- scband reference (transcript-rebuilt; emitter-appended) ---
"""Pipeline reference for scband-acnet-14388140442037 (READ-ONLY COPY).

The authoritative reference and input builder live on the scoring server;
editing this copy changes nothing except your own understanding.
"""

import jax, jax.numpy as jnp
import numpy as np

N = 10000
E = 320000
NODE_IN = 128
EDGE_IN = 16
GLOB_IN = 32
NODE_OUT = 128
EDGE_OUT = 128
GLOB_OUT = 32
B = 16


def setup_inputs(seed: int = 0) -> dict:
    key = jax.random.key(seed)
    ks = jax.random.split(key, 14)
    x = jax.random.normal(ks[0], (N, NODE_IN), dtype=jnp.float32)
    edge_index = jax.random.randint(ks[1], (2, E), 0, N, dtype=jnp.int32)
    edge_attr = jax.random.normal(ks[2], (E, EDGE_IN), dtype=jnp.float32)
    glob = jax.random.normal(ks[3], (B, GLOB_IN), dtype=jnp.float32)
    batch = jnp.sort(jax.random.randint(ks[4], (N,), 0, B, dtype=jnp.int32))
    # learned parameters (GN_block)
    W_edge = jax.random.normal(ks[5], (EDGE_OUT, NODE_IN + EDGE_IN), dtype=jnp.float32) * 0.05
    b_edge = jnp.zeros((EDGE_OUT,), dtype=jnp.float32)
    W_node = jax.random.normal(ks[6], (NODE_OUT, NODE_IN + EDGE_OUT), dtype=jnp.float32) * 0.05
    b_node = jnp.zeros((NODE_OUT,), dtype=jnp.float32)
    W_node2 = jax.random.normal(ks[7], (NODE_OUT, NODE_OUT + GLOB_IN), dtype=jnp.float32) * 0.05
    b_node2 = jnp.zeros((NODE_OUT,), dtype=jnp.float32)
    W_glob = jax.random.normal(ks[8], (GLOB_OUT, GLOB_IN + NODE_OUT), dtype=jnp.float32) * 0.05
    b_glob = jnp.zeros((GLOB_OUT,), dtype=jnp.float32)
    return {
        "x": x, "edge_index": edge_index, "edge_attr": edge_attr,
        "glob": glob, "batch": batch,
        "W_edge": W_edge, "b_edge": b_edge,
        "W_node": W_node, "b_node": b_node,
        "W_node2": W_node2, "b_node2": b_node2,
        "W_glob": W_glob, "b_glob": b_glob,
    }


def reference(x, edge_index, edge_attr, glob, batch,
              W_edge, b_edge, W_node, b_node, W_node2, b_node2, W_glob, b_glob):
    row, col = edge_index[0], edge_index[1]
    # edge model: e' = relu(Lin(cat[x[src], edge_attr]))
    src = jnp.take(x, row, axis=0)
    e = jax.nn.relu(jnp.concatenate([src, edge_attr], axis=1) @ W_edge.T + b_edge)
    # node model: scatter_max over destination (row) of Lin(cat[x[col], e])
    dst_feat = jnp.take(x, col, axis=0)
    h = jnp.concatenate([dst_feat, e], axis=1) @ W_node.T + b_node
    agg = jax.ops.segment_max(h, row, num_segments=N)
    agg = jnp.where(jnp.isfinite(agg), agg, 0.0)  # empty segments -> 0 (torch_scatter fill)
    xn = jax.nn.relu(jnp.concatenate([agg, jnp.take(glob, batch, axis=0)], axis=1) @ W_node2.T + b_node2)
    # global model: cat[glob, scatter_mean(x', batch)]
    sums = jax.ops.segment_sum(xn, batch, num_segments=B)
    cnt = jax.ops.segment_sum(jnp.ones((N, 1), dtype=x.dtype), batch, num_segments=B)
    mean = sums / jnp.maximum(cnt, 1.0)
    u = jax.nn.relu(jnp.concatenate([glob, mean], axis=1) @ W_glob.T + b_glob)
    return (xn, e, u)

if __name__ == "__main__":
    import jax
    _d = setup_inputs()
    print(jax.jit(kernel)(*tuple(_d.values())))

</pallas_src>

<mosaic_0001>
#map = affine_map<(d0, d1) -> (0, 0)>
#map1 = affine_map<(d0, d1) -> (0)>
module attributes {stable_mosaic.version = 14 : i64} {
  func.func @_segmax_body(%arg0: i32, %arg1: i32, %arg2: memref<128x320000xf32, #tpu.memory_space<hbm>>, %arg3: memref<320000xi32, #tpu.memory_space<hbm>>, %arg4: memref<10000xi32, #tpu.memory_space<hbm>>, %arg5: memref<128x10000xf32, #tpu.memory_space<hbm>>, %arg6: memref<80000xf32, #tpu.memory_space<vmem>>, %arg7: memref<10240xf32, #tpu.memory_space<vmem>>, %arg8: memref<1280xi32, #tpu.memory_space<vmem>>, %arg9: memref<56xi32, #tpu.memory_space<vmem>>, %arg10: memref<10240xf32, #tpu.memory_space<vmem>>, %arg11: memref<1280xi32, #tpu.memory_space<vmem>>, %arg12: memref<56xi32, #tpu.memory_space<vmem>>, %arg13: memref<10000xf32, #tpu.memory_space<vmem>>, %arg14: memref<8x10000xf32, #tpu.memory_space<vmem_shared>>, %arg15: memref<!tpu.dma_semaphore, #tpu.memory_space<semaphore_mem>>, %arg16: memref<!tpu.dma_semaphore, #tpu.memory_space<semaphore_mem>>) attributes {dimension_semantics = [#tpu.dimension_semantics<core_parallel>, #tpu.dimension_semantics<subcore_parallel>], iteration_bounds = array<i64: 2, 16>, scalar_prefetch = 0 : i64, scratch_operands = 11 : i64, tpu.core_type = #tpu.core_type<sc_vector_subcore>, window_params = [{transform_indices = #map}, {transform_indices = #map1}, {transform_indices = #map1}, {transform_indices = #map}]} {
    %jit3A = arith.constant 2 : i32
    %div3A = arith.divsi %arg1, %jit3A : i32
    %sign3A = arith.constant 0 : i32
    %sign3A_0 = arith.cmpi sgt, %arg1, %sign3A : i32
    %sign3A_1 = arith.extui %sign3A_0 : i1 to i32
    %sign3A_2 = arith.constant 0 : i32
    %sign3A_3 = arith.cmpi slt, %arg1, %sign3A_2 : i32
    %sign3A_4 = arith.extui %sign3A_3 : i1 to i32
    %sign3A_5 = arith.subi %sign3A_1, %sign3A_4 : i32
    %sign3A_6 = arith.constant 0 : i32
    %sign3A_7 = arith.cmpi sgt, %jit3A, %sign3A_6 : i32
    %sign3A_8 = arith.extui %sign3A_7 : i1 to i32
    %sign3A_9 = arith.constant 0 : i32
    %sign3A_10 = arith.cmpi slt, %jit3A, %sign3A_9 : i32
    %sign3A_11 = arith.extui %sign3A_10 : i1 to i32
    %sign3A_12 = arith.subi %sign3A_8, %sign3A_11 : i32
    %ne3A = arith.cmpi ne, %sign3A_5, %sign3A_12 : i32
    %rem3A = arith.remsi %arg1, %jit3A : i32
    %ne3A_13 = arith.constant 0 : i32
    %ne3A_14 = arith.cmpi ne, %rem3A, %ne3A_13 : i32
    %and3A = arith.andi %ne3A, %ne3A_14 : i1
    %sub3A = arith.constant 1 : i32
    %sub3A_15 = arith.subi %div3A, %sub3A : i32
    %select_n3A = arith.select %and3A, %sub3A_15, %div3A : i32
    %jit3A_16 = arith.constant 2 : i32
    %eq3A = arith.constant 0 : i32
    %eq3A_17 = arith.cmpi eq, %jit3A_16, %eq3A : i32
    %jit3A_18 = arith.constant 1 : i32
    %select_n3A_19 = arith.select %eq3A_17, %jit3A_18, %jit3A_16 : i32
    %rem3A_20 = arith.remsi %arg1, %select_n3A_19 : i32
    %ne3A_21 = arith.constant 0 : i32
    %ne3A_22 = arith.cmpi ne, %rem3A_20, %ne3A_21 : i32
    %lt3A = arith.constant 0 : i32
    %lt3A_23 = arith.cmpi slt, %rem3A_20, %lt3A : i32
    %lt3A_24 = arith.constant 0 : i32
    %lt3A_25 = arith.cmpi slt, %select_n3A_19, %lt3A_24 : i32
    %ne3A_26 = arith.xori %lt3A_23, %lt3A_25 : i1
    %and3A_27 = arith.andi %ne3A_26, %ne3A_22 : i1
    %add3A = arith.addi %rem3A_20, %select_n3A_19 : i32
    %select_n3A_28 = arith.select %and3A_27, %add3A, %rem3A_20 : i32
    %mul3A = arith.constant 8 : i32
    %mul3A_29 = arith.muli %arg0, %mul3A : i32
    %add3A_30 = arith.addi %mul3A_29, %select_n3A : i32
    %mul3A_31 = arith.constant 8 : i32
    %mul3A_32 = arith.muli %add3A_30, %mul3A_31 : i32
    %mul3A_33 = arith.constant 160000 : i32
    %mul3A_34 = arith.muli %select_n3A_28, %mul3A_33 : i32
    %mul3A_35 = arith.constant 5000 : i32
    %mul3A_36 = arith.muli %select_n3A_28, %mul3A_35 : i32
    %add3A_37 = arith.constant 0 : i32
    %add3A_38 = arith.addi %mul3A_34, %add3A_37 : i32
    %dma_start3A = tpu.memref_slice %arg3[%add3A_38] : memref<320000xi32, #tpu.memory_space<hbm>> -> memref<1280xi32, #tpu.memory_space<hbm>>
    %dma_start3A_39 = tpu.memref_slice %arg3[%add3A_38] : memref<320000xi32, #tpu.memory_space<hbm>> -> memref<1280xi32, #tpu.memory_space<hbm>>
    tpu.enqueue_dma source(%dma_start3A_39 : memref<1280xi32, #tpu.memory_space<hbm>>) target(%arg8 : memref<1280xi32, #tpu.memory_space<vmem>>) target_semaphore(%arg15 : memref<!tpu.dma_semaphore, #tpu.memory_space<semaphore_mem>>)
    %add3A_40 = arith.constant 0 : i32
    %add3A_41 = arith.addi %mul3A_36, %add3A_40 : i32
    %dma_start3A_42 = arith.constant 0 : i32
    %dma_start3A_43 = tpu.memref_slice %arg9[%dma_start3A_42] : memref<56xi32, #tpu.memory_space<vmem>> -> memref<40xi32, #tpu.memory_space<vmem>>
    %dma_start3A_44 = tpu.memref_slice %arg4[%add3A_41] : memref<10000xi32, #tpu.memory_space<hbm>> -> memref<40xi32, #tpu.memory_space<hbm>>
    %dma_start3A_45 = arith.constant 0 : i32
    %dma_start3A_46 = tpu.memref_slice %arg9[%dma_start3A_45] : memref<56xi32, #tpu.memory_space<vmem>> -> memref<40xi32, #tpu.memory_space<vmem>>
    %dma_start3A_47 = tpu.memref_slice %arg4[%add3A_41] : memref<10000xi32, #tpu.memory_space<hbm>> -> memref<40xi32, #tpu.memory_space<hbm>>
    tpu.enqueue_dma source(%dma_start3A_47 : memref<40xi32, #tpu.memory_space<hbm>>) target(%dma_start3A_46 : memref<40xi32, #tpu.memory_space<vmem>>) target_semaphore(%arg15 : memref<!tpu.dma_semaphore, #tpu.memory_space<semaphore_mem>>)
    %add3A_48 = arith.constant 0 : i32
    %add3A_49 = arith.addi %mul3A_32, %add3A_48 : i32
    %dma_start3A_50 = arith.constant 0 : i32
    %dma_start3A_51 = tpu.memref_slice %arg7[%dma_start3A_50] : memref<10240xf32, #tpu.memory_space<vmem>> -> memref<1280xf32, #tpu.memory_space<vmem>>
    %dma_start3A_52 = tpu.memref_slice %arg2[%add3A_49, %add3A_38] : memref<128x320000xf32, #tpu.memory_space<hbm>> -> memref<1x1280xf32, #tpu.memory_space<hbm>>
    %dma_start3A_53 = tpu.memref_squeeze %dma_start3A_52 : memref<1x1280xf32, #tpu.memory_space<hbm>> -> memref<1280xf32, #tpu.memory_space<hbm>>
    %dma_start3A_54 = arith.constant 0 : i32
    %dma_start3A_55 = tpu.memref_slice %arg7[%dma_start3A_54] : memref<10240xf32, #tpu.memory_space<vmem>> -> memref<1280xf32, #tpu.memory_space<vmem>>
    %dma_start3A_56 = tpu.memref_slice %arg2[%add3A_49, %add3A_38] : memref<128x320000xf32, #tpu.memory_space<hbm>> -> memref<1x1280xf32, #tpu.memory_space<hbm>>
    %dma_start3A_57 = tpu.memref_squeeze %dma_start3A_56 : memref<1x1280xf32, #tpu.memory_space<hbm>> -> memref<1280xf32, #tpu.memory_space<hbm>>
    tpu.enqueue_dma source(%dma_start3A_57 : memref<1280xf32, #tpu.memory_space<hbm>>) target(%dma_start3A_55 : memref<1280xf32, #tpu.memory_space<vmem>>) target_semaphore(%arg15 : memref<!tpu.dma_semaphore, #tpu.memory_space<semaphore_mem>>)
    %add3A_58 = arith.constant 1 : i32
    %add3A_59 = arith.addi %mul3A_32, %add3A_58 : i32
    %dma_start3A_60 = arith.constant 1280 : i32
    %dma_start3A_61 = tpu.memref_slice %arg7[%dma_start3A_60] : memref<10240xf32, #tpu.memory_space<vmem>> -> memref<1280xf32, #tpu.memory_space<vmem>>
    %dma_start3A_62 = tpu.memref_slice %arg2[%add3A_59, %add3A_38] : memref<128x320000xf32, #tpu.memory_space<hbm>> -> memref<1x1280xf32, #tpu.memory_space<hbm>>
    %dma_start3A_63 = tpu.memref_squeeze %dma_start3A_62 : memref<1x1280xf32, #tpu.memory_space<hbm>> -> memref<1280xf32, #tpu.memory_space<hbm>>
    %dma_start3A_64 = arith.constant 1280 : i32
    %dma_start3A_65 = tpu.memref_slice %arg7[%dma_start3A_64] : memref<10240xf32, #tpu.memory_space<vmem>> -> memref<1280xf32, #tpu.memory_space<vmem>>
    %dma_start3A_66 = tpu.memref_slice %arg2[%add3A_59, %add3A_38] : memref<128x320000xf32, #tpu.memory_space<hbm>> -> memref<1x1280xf32, #tpu.memory_space<hbm>>
    %dma_start3A_67 = tpu.memref_squeeze %dma_start3A_66 : memref<1x1280xf32, #tpu.memory_space<hbm>> -> memref<1280xf32, #tpu.memory_space<hbm>>
    tpu.enqueue_dma source(%dma_start3A_67 : memref<1280xf32, #tpu.memory_space<hbm>>) target(%dma_start3A_65 : memref<1280xf32, #tpu.memory_space<vmem>>) target_semaphore(%arg15 : memref<!tpu.dma_semaphore, #tpu.memory_space<semaphore_mem>>)
    %add3A_68 = arith.constant 2 : i32
    %add3A_69 = arith.addi %mul3A_32, %add3A_68 : i32
    %dma_start3A_70 = arith.constant 2560 : i32
    %dma_start3A_71 = tpu.memref_slice %arg7[%dma_start3A_70] : memref<10240xf32, #tpu.memory_space<vmem>> -> memref<1280xf32, #tpu.memory_space<vmem>>
    %dma_start3A_72 = tpu.memref_slice %arg2[%add3A_69, %add3A_38] : memref<128x320000xf32, #tpu.memory_space<hbm>> -> memref<1x1280xf32, #tpu.memory_space<hbm>>
    %dma_start3A_73 = tpu.memref_squeeze %dma_start3A_72 : memref<1x1280xf32, #tpu.memory_space<hbm>> -> memref<1280xf32, #tpu.memory_space<hbm>>
    %dma_start3A_74 = arith.constant 2560 : i32
    %dma_start3A_75 = tpu.memref_slice %arg7[%dma_start3A_74] : memref<10240xf32, #tpu.memory_space<vmem>> -> memref<1280xf32, #tpu.memory_space<vmem>>
    %dma_start3A_76 = tpu.memref_slice %arg2[%add3A_69, %add3A_38] : memref<128x320000xf32, #tpu.memory_space<hbm>> -> memref<1x1280xf32, #tpu.memory_space<hbm>>
    %dma_start3A_77 = tpu.memref_squeeze %dma_start3A_76 : memref<1x1280xf32, #tpu.memory_space<hbm>> -> memref<1280xf32, #tpu.memory_space<hbm>>
    tpu.enqueue_dma source(%dma_start3A_77 : memref<1280xf32, #tpu.memory_space<hbm>>) target(%dma_start3A_75 : memref<1280xf32, #tpu.memory_space<vmem>>) target_semaphore(%arg15 : memref<!tpu.dma_semaphore, #tpu.memory_space<semaphore_mem>>)
    %add3A_78 = arith.constant 3 : i32
    %add3A_79 = arith.addi %mul3A_32, %add3A_78 : i32
    %dma_start3A_80 = arith.constant 3840 : i32
    %dma_start3A_81 = tpu.memref_slice %arg7[%dma_start3A_80] : memref<10240xf32, #tpu.memory_space<vmem>> -> memref<1280xf32, #tpu.memory_space<vmem>>
    %dma_start3A_82 = tpu.memref_slice %arg2[%add3A_79, %add3A_38] : memref<128x320000xf32, #tpu.memory_space<hbm>> -> memref<1x1280xf32, #tpu.memory_space<hbm>>
    %dma_start3A_83 = tpu.memref_squeeze %dma_start3A_82 : memref<1x1280xf32, #tpu.memory_space<hbm>> -> memref<1280xf32, #tpu.memory_space<hbm>>
    %dma_start3A_84 = arith.constant 3840 : i32
    %dma_start3A_85 = tpu.memref_slice %arg7[%dma_start3A_84] : memref<10240xf32, #tpu.memory_space<vmem>> -> memref<1280xf32, #tpu.memory_space<vmem>>
    %dma_start3A_86 = tpu.memref_slice %arg2[%add3A_79, %add3A_38] : memref<128x320000xf32, #tpu.memory_space<hbm>> -> memref<1x1280xf32, #tpu.memory_space<hbm>>
    %dma_start3A_87 = tpu.memref_squeeze %dma_start3A_86 : memref<1x1280xf32, #tpu.memory_space<hbm>> -> memref<1280xf32, #tpu.memory_space<hbm>>
    tpu.enqueue_dma source(%dma_start3A_87 : memref<1280xf32, #tpu.memory_space<hbm>>) target(%dma_start3A_85 : memref<1280xf32, #tpu.memory_space<vmem>>) target_semaphore(%arg15 : memref<!tpu.dma_semaphore, #tpu.memory_space<semaphore_mem>>)
    %add3A_88 = arith.constant 4 : i32
    %add3A_89 = arith.addi %mul3A_32, %add3A_88 : i32
    %dma_start3A_90 = arith.constant 5120 : i32
    %dma_start3A_91 = tpu.memref_slice %arg7[%dma_start3A_90] : memref<10240xf32, #tpu.memory_space<vmem>> -> memref<1280xf32, #tpu.memory_space<vmem>>
    %dma_start3A_92 = tpu.memref_slice %arg2[%add3A_89, %add3A_38] : memref<128x320000xf32, #tpu.memory_space<hbm>> -> memref<1x1280xf32, #tpu.memory_space<hbm>>
    %dma_start3A_93 = tpu.memref_squeeze %dma_start3A_92 : memref<1x1280xf32, #tpu.memory_space<hbm>> -> memref<1280xf32, #tpu.memory_space<hbm>>
    %dma_start3A_94 = arith.constant 5120 : i32
    %dma_start3A_95 = tpu.memref_slice %arg7[%dma_start3A_94] : memref<10240xf32, #tpu.memory_space<vmem>> -> memref<1280xf32, #tpu.memory_space<vmem>>
    %dma_start3A_96 = tpu.memref_slice %arg2[%add3A_89, %add3A_38] : memref<128x320000xf32, #tpu.memory_space<hbm>> -> memref<1x1280xf32, #tpu.memory_space<hbm>>
    %dma_start3A_97 = tpu.memref_squeeze %dma_start3A_96 : memref<1x1280xf32, #tpu.memory_space<hbm>> -> memref<1280xf32, #tpu.memory_space<hbm>>
    tpu.enqueue_dma source(%dma_start3A_97 : memref<1280xf32, #tpu.memory_space<hbm>>) target(%dma_start3A_95 : memref<1280xf32, #tpu.memory_space<vmem>>) target_semaphore(%arg15 : memref<!tpu.dma_semaphore, #tpu.memory_space<semaphore_mem>>)
    %add3A_98 = arith.constant 5 : i32
    %add3A_99 = arith.addi %mul3A_32, %add3A_98 : i32
    %dma_start3A_100 = arith.constant 6400 : i32
    %dma_start3A_101 = tpu.memref_slice %arg7[%dma_start3A_100] : memref<10240xf32, #tpu.memory_space<vmem>> -> memref<1280xf32, #tpu.memory_space<vmem>>
    %dma_start3A_102 = tpu.memref_slice %arg2[%add3A_99, %add3A_38] : memref<128x320000xf32, #tpu.memory_space<hbm>> -> memref<1x1280xf32, #tpu.memory_space<hbm>>
    %dma_start3A_103 = tpu.memref_squeeze %dma_start3A_102 : memref<1x1280xf32, #tpu.memory_space<hbm>> -> memref<1280xf32, #tpu.memory_space<hbm>>
    %dma_start3A_104 = arith.constant 6400 : i32
    %dma_start3A_105 = tpu.memref_slice %arg7[%dma_start3A_104] : memref<10240xf32, #tpu.memory_space<vmem>> -> memref<1280xf32, #tpu.memory_space<vmem>>
    %dma_start3A_106 = tpu.memref_slice %arg2[%add3A_99, %add3A_38] : memref<128x320000xf32, #tpu.memory_space<hbm>> -> memref<1x1280xf32, #tpu.memory_space<hbm>>
    %dma_start3A_107 = tpu.memref_squeeze %dma_start3A_106 : memref<1x1280xf32, #tpu.memory_space<hbm>> -> memref<1280xf32, #tpu.memory_space<hbm>>
    tpu.enqueue_dma source(%dma_start3A_107 : memref<1280xf32, #tpu.memory_space<hbm>>) target(%dma_start3A_105 : memref<1280xf32, #tpu.memory_space<vmem>>) target_semaphore(%arg15 : memref<!tpu.dma_semaphore, #tpu.memory_space<semaphore_mem>>)
    %add3A_108 = arith.constant 6 : i32
    %add3A_109 = arith.addi %mul3A_32, %add3A_108 : i32
    %dma_start3A_110 = arith.constant 7680 : i32
    %dma_start3A_111 = tpu.memref_slice %arg7[%dma_start3A_110] : memref<10240xf32, #tpu.memory_space<vmem>> -> memref<1280xf32, #tpu.memory_space<vmem>>
    %dma_start3A_112 = tpu.memref_slice %arg2[%add3A_109, %add3A_38] : memref<128x320000xf32, #tpu.memory_space<hbm>> -> memref<1x1280xf32, #tpu.memory_space<hbm>>
    %dma_start3A_113 = tpu.memref_squeeze %dma_start3A_112 : memref<1x1280xf32, #tpu.memory_space<hbm>> -> memref<1280xf32, #tpu.memory_space<hbm>>
    %dma_start3A_114 = arith.constant 7680 : i32
    %dma_start3A_115 = tpu.memref_slice %arg7[%dma_start3A_114] : memref<10240xf32, #tpu.memory_space<vmem>> -> memref<1280xf32, #tpu.memory_space<vmem>>
    %dma_start3A_116 = tpu.memref_slice %arg2[%add3A_109, %add3A_38] : memref<128x320000xf32, #tpu.memory_space<hbm>> -> memref<1x1280xf32, #tpu.memory_space<hbm>>
    %dma_start3A_117 = tpu.memref_squeeze %dma_start3A_116 : memref<1x1280xf32, #tpu.memory_space<hbm>> -> memref<1280xf32, #tpu.memory_space<hbm>>
    tpu.enqueue_dma source(%dma_start3A_117 : memref<1280xf32, #tpu.memory_space<hbm>>) target(%dma_start3A_115 : memref<1280xf32, #tpu.memory_space<vmem>>) target_semaphore(%arg15 : memref<!tpu.dma_semaphore, #tpu.memory_space<semaphore_mem>>)
    %add3A_118 = arith.constant 7 : i32
    %add3A_119 = arith.addi %mul3A_32, %add3A_118 : i32
    %dma_start3A_120 = arith.constant 8960 : i32
    %dma_start3A_121 = tpu.memref_slice %arg7[%dma_start3A_120] : memref<10240xf32, #tpu.memory_space<vmem>> -> memref<1280xf32, #tpu.memory_space<vmem>>
    %dma_start3A_122 = tpu.memref_slice %arg2[%add3A_119, %add3A_38] : memref<128x320000xf32, #tpu.memory_space<hbm>> -> memref<1x1280xf32, #tpu.memory_space<hbm>>
    %dma_start3A_123 = tpu.memref_squeeze %dma_start3A_122 : memref<1x1280xf32, #tpu.memory_space<hbm>> -> memref<1280xf32, #tpu.memory_space<hbm>>
    %dma_start3A_124 = arith.constant 8960 : i32
    %dma_start3A_125 = tpu.memref_slice %arg7[%dma_start3A_124] : memref<10240xf32, #tpu.memory_space<vmem>> -> memref<1280xf32, #tpu.memory_space<vmem>>
    %dma_start3A_126 = tpu.memref_slice %arg2[%add3A_119, %add3A_38] : memref<128x320000xf32, #tpu.memory_space<hbm>> -> memref<1x1280xf32, #tpu.memory_space<hbm>>
    %dma_start3A_127 = tpu.memref_squeeze %dma_start3A_126 : memref<1x1280xf32, #tpu.memory_space<hbm>> -> memref<1280xf32, #tpu.memory_space<hbm>>
    tpu.enqueue_dma source(%dma_start3A_127 : memref<1280xf32, #tpu.memory_space<hbm>>) target(%dma_start3A_125 : memref<1280xf32, #tpu.memory_space<vmem>>) target_semaphore(%arg15 : memref<!tpu.dma_semaphore, #tpu.memory_space<semaphore_mem>>)
    %add3A_128 = arith.constant 1280 : i32
    %add3A_129 = arith.addi %mul3A_34, %add3A_128 : i32
    %dma_start3A_130 = tpu.memref_slice %arg3[%add3A_129] : memref<320000xi32, #tpu.memory_space<hbm>> -> memref<1280xi32, #tpu.memory_space<hbm>>
    %dma_start3A_131 = tpu.memref_slice %arg3[%add3A_129] : memref<320000xi32, #tpu.memory_space<hbm>> -> memref<1280xi32, #tpu.memory_space<hbm>>
    tpu.enqueue_dma source(%dma_start3A_131 : memref<1280xi32, #tpu.memory_space<hbm>>) target(%arg11 : memref<1280xi32, #tpu.memory_space<vmem>>) target_semaphore(%arg16 : memref<!tpu.dma_semaphore, #tpu.memory_space<semaphore_mem>>)
    %add3A_132 = arith.constant 40 : i32
    %add3A_133 = arith.addi %mul3A_36, %add3A_132 : i32
    %dma_start3A_134 = arith.constant 0 : i32
    %dma_start3A_135 = tpu.memref_slice %arg12[%dma_start3A_134] : memref<56xi32, #tpu.memory_space<vmem>> -> memref<40xi32, #tpu.memory_space<vmem>>
    %dma_start3A_136 = tpu.memref_slice %arg4[%add3A_133] : memref<10000xi32, #tpu.memory_space<hbm>> -> memref<40xi32, #tpu.memory_space<hbm>>
    %dma_start3A_137 = arith.constant 0 : i32
    %dma_start3A_138 = tpu.memref_slice %arg12[%dma_start3A_137] : memref<56xi32, #tpu.memory_space<vmem>> -> memref<40xi32, #tpu.memory_space<vmem>>
    %dma_start3A_139 = tpu.memref_slice %arg4[%add3A_133] : memref<10000xi32, #tpu.memory_space<hbm>> -> memref<40xi32, #tpu.memory_space<hbm>>
    tpu.enqueue_dma source(%dma_start3A_139 : memref<40xi32, #tpu.memory_space<hbm>>) target(%dma_start3A_138 : memref<40xi32, #tpu.memory_space<vmem>>) target_semaphore(%arg16 : memref<!tpu.dma_semaphore, #tpu.memory_space<semaphore_mem>>)
    %add3A_140 = arith.constant 0 : i32
    %add3A_141 = arith.addi %mul3A_32, %add3A_140 : i32
    %dma_start3A_142 = arith.constant 0 : i32
    %dma_start3A_143 = tpu.memref_slice %arg10[%dma_start3A_142] : memref<10240xf32, #tpu.memory_space<vmem>> -> memref<1280xf32, #tpu.memory_space<vmem>>
    %dma_start3A_144 = tpu.memref_slice %arg2[%add3A_141, %add3A_129] : memref<128x320000xf32, #tpu.memory_space<hbm>> -> memref<1x1280xf32, #tpu.memory_space<hbm>>
    %dma_start3A_145 = tpu.memref_squeeze %dma_start3A_144 : memref<1x1280xf32, #tpu.memory_space<hbm>> -> memref<1280xf32, #tpu.memory_space<hbm>>
    %dma_start3A_146 = arith.constant 0 : i32
    %dma_start3A_147 = tpu.memref_slice %arg10[%dma_start3A_146] : memref<10240xf32, #tpu.memory_space<vmem>> -> memref<1280xf32, #tpu.memory_space<vmem>>
    %dma_start3A_148 = tpu.memref_slice %arg2[%add3A_141, %add3A_129] : memref<128x320000xf32, #tpu.memory_space<hbm>> -> memref<1x1280xf32, #tpu.memory_space<hbm>>
    %dma_start3A_149 = tpu.memref_squeeze %dma_start3A_148 : memref<1x1280xf32, #tpu.memory_space<hbm>> -> memref<1280xf32, #tpu.memory_space<hbm>>
    tpu.enqueue_dma source(%dma_start3A_149 : memref<1280xf32, #tpu.memory_space<hbm>>) target(%dma_start3A_147 : memref<1280xf32, #tpu.memory_space<vmem>>) target_semaphore(%arg16 : memref<!tpu.dma_semaphore, #tpu.memory_space<semaphore_mem>>)
    %add3A_150 = arith.constant 1 : i32
    %add3A_151 = arith.addi %mul3A_32, %add3A_150 : i32
    %dma_start3A_152 = arith.constant 1280 : i32
    %dma_start3A_153 = tpu.memref_slice %arg10[%dma_start3A_152] : memref<10240xf32, #tpu.memory_space<vmem>> -> memref<1280xf32, #tpu.memory_space<vmem>>
    %dma_start3A_154 = tpu.memref_slice %arg2[%add3A_151, %add3A_129] : memref<128x320000xf32, #tpu.memory_space<hbm>> -> memref<1x1280xf32, #tpu.memory_space<hbm>>
    %dma_start3A_155 = tpu.memref_squeeze %dma_start3A_154 : memref<1x1280xf32, #tpu.memory_space<hbm>> -> memref<1280xf32, #tpu.memory_space<hbm>>
    %dma_start3A_156 = arith.constant 1280 : i32
    %dma_start3A_157 = tpu.memref_slice %arg10[%dma_start3A_156] : memref<10240xf32, #tpu.memory_space<vmem>> -> memref<1280xf32, #tpu.memory_space<vmem>>
    %dma_start3A_158 = tpu.memref_slice %arg2[%add3A_151, %add3A_129] : memref<128x320000xf32, #tpu.memory_space<hbm>> -> memref<1x1280xf32, #tpu.memory_space<hbm>>
    %dma_start3A_159 = tpu.memref_squeeze %dma_start3A_158 : memref<1x1280xf32, #tpu.memory_space<hbm>> -> memref<1280xf32, #tpu.memory_space<hbm>>
    tpu.enqueue_dma source(%dma_start3A_159 : memref<1280xf32, #tpu.memory_space<hbm>>) target(%dma_start3A_157 : memref<1280xf32, #tpu.memory_space<vmem>>) target_semaphore(%arg16 : memref<!tpu.dma_semaphore, #tpu.memory_space<semaphore_mem>>)
    %add3A_160 = arith.constant 2 : i32
    %add3A_161 = arith.addi %mul3A_32, %add3A_160 : i32
    %dma_start3A_162 = arith.constant 2560 : i32
    %dma_start3A_163 = tpu.memref_slice %arg10[%dma_start3A_162] : memref<10240xf32, #tpu.memory_space<vmem>> -> memref<1280xf32, #tpu.memory_space<vmem>>
    %dma_start3A_164 = tpu.memref_slice %arg2[%add3A_161, %add3A_129] : memref<128x320000xf32, #tpu.memory_space<hbm>> -> memref<1x1280xf32, #tpu.memory_space<hbm>>
    %dma_start3A_165 = tpu.memref_squeeze %dma_start3A_164 : memref<1x1280xf32, #tpu.memory_space<hbm>> -> memref<1280xf32, #tpu.memory_space<hbm>>
    %dma_start3A_166 = arith.constant 2560 : i32
    %dma_start3A_167 = tpu.memref_slice %arg10[%dma_start3A_166] : memref<10240xf32, #tpu.memory_space<vmem>> -> memref<1280xf32, #tpu.memory_space<vmem>>
    %dma_start3A_168 = tpu.memref_slice %arg2[%add3A_161, %add3A_129] : memref<128x320000xf32, #tpu.memory_space<hbm>> -> memref<1x1280xf32, #tpu.memory_space<hbm>>
    %dma_start3A_169 = tpu.memref_squeeze %dma_start3A_168 : memref<1x1280xf32, #tpu.memory_space<hbm>> -> memref<1280xf32, #tpu.memory_space<hbm>>
    tpu.enqueue_dma source(%dma_start3A_169 : memref<1280xf32, #tpu.memory_space<hbm>>) target(%dma_start3A_167 : memref<1280xf32, #tpu.memory_space<vmem>>) target_semaphore(%arg16 : memref<!tpu.dma_semaphore, #tpu.memory_space<semaphore_mem>>)
    %add3A_170 = arith.constant 3 : i32
    %add3A_171 = arith.addi %mul3A_32, %add3A_170 : i32
    %dma_start3A_172 = arith.constant 3840 : i32
    %dma_start3A_173 = tpu.memref_slice %arg10[%dma_start3A_172] : memref<10240xf32, #tpu.memory_space<vmem>> -> memref<1280xf32, #tpu.memory_space<vmem>>
    %dma_start3A_174 = tpu.memref_slice %arg2[%add3A_171, %add3A_129] : memref<128x320000xf32, #tpu.memory_space<hbm>> -> memref<1x1280xf32, #tpu.memory_space<hbm>>
    %dma_start3A_175 = tpu.memref_squeeze %dma_start3A_174 : memref<1x1280xf32, #tpu.memory_space<hbm>> -> memref<1280xf32, #tpu.memory_space<hbm>>
    %dma_start3A_176 = arith.constant 3840 : i32
    %dma_start3A_177 = tpu.memref_slice %arg10[%dma_start3A_176] : memref<10240xf32, #tpu.memory_space<vmem>> -> memref<1280xf32, #tpu.memory_space<vmem>>
    %dma_start3A_178 = tpu.memref_slice %arg2[%add3A_171, %add3A_129] : memref<128x320000xf32, #tpu.memory_space<hbm>> -> memref<1x1280xf32, #tpu.memory_space<hbm>>
    %dma_start3A_179 = tpu.memref_squeeze %dma_start3A_178 : memref<1x1280xf32, #tpu.memory_space<hbm>> -> memref<1280xf32, #tpu.memory_space<hbm>>
    tpu.enqueue_dma source(%dma_start3A_179 : memref<1280xf32, #tpu.memory_space<hbm>>) target(%dma_start3A_177 : memref<1280xf32, #tpu.memory_space<vmem>>) target_semaphore(%arg16 : memref<!tpu.dma_semaphore, #tpu.memory_space<semaphore_mem>>)
    %add3A_180 = arith.constant 4 : i32
    %add3A_181 = arith.addi %mul3A_32, %add3A_180 : i32
    %dma_start3A_182 = arith.constant 5120 : i32
    %dma_start3A_183 = tpu.memref_slice %arg10[%dma_start3A_182] : memref<10240xf32, #tpu.memory_space<vmem>> -> memref<1280xf32, #tpu.memory_space<vmem>>
    %dma_start3A_184 = tpu.memref_slice %arg2[%add3A_181, %add3A_129] : memref<128x320000xf32, #tpu.memory_space<hbm>> -> memref<1x1280xf32, #tpu.memory_space<hbm>>
    %dma_start3A_185 = tpu.memref_squeeze %dma_start3A_184 : memref<1x1280xf32, #tpu.memory_space<hbm>> -> memref<1280xf32, #tpu.memory_space<hbm>>
    %dma_start3A_186 = arith.constant 5120 : i32
    %dma_start3A_187 = tpu.memref_slice %arg10[%dma_start3A_186] : memref<10240xf32, #tpu.memory_space<vmem>> -> memref<1280xf32, #tpu.memory_space<vmem>>
    %dma_start3A_188 = tpu.memref_slice %arg2[%add3A_181, %add3A_129] : memref<128x320000xf32, #tpu.memory_space<hbm>> -> memref<1x1280xf32, #tpu.memory_space<hbm>>
    %dma_start3A_189 = tpu.memref_squeeze %dma_start3A_188 : memref<1x1280xf32, #tpu.memory_space<hbm>> -> memref<1280xf32, #tpu.memory_space<hbm>>
    tpu.enqueue_dma source(%dma_start3A_189 : memref<1280xf32, #tpu.memory_space<hbm>>) target(%dma_start3A_187 : memref<1280xf32, #tpu.memory_space<vmem>>) target_semaphore(%arg16 : memref<!tpu.dma_semaphore, #tpu.memory_space<semaphore_mem>>)
    %add3A_190 = arith.constant 5 : i32
    %add3A_191 = arith.addi %mul3A_32, %add3A_190 : i32
    %dma_start3A_192 = arith.constant 6400 : i32
    %dma_start3A_193 = tpu.memref_slice %arg10[%dma_start3A_192] : memref<10240xf32, #tpu.memory_space<vmem>> -> memref<1280xf32, #tpu.memory_space<vmem>>
    %dma_start3A_194 = tpu.memref_slice %arg2[%add3A_191, %add3A_129] : memref<128x320000xf32, #tpu.memory_space<hbm>> -> memref<1x1280xf32, #tpu.memory_space<hbm>>
    %dma_start3A_195 = tpu.memref_squeeze %dma_start3A_194 : memref<1x1280xf32, #tpu.memory_space<hbm>> -> memref<1280xf32, #tpu.memory_space<hbm>>
    %dma_start3A_196 = arith.constant 6400 : i32
    %dma_start3A_197 = tpu.memref_slice %arg10[%dma_start3A_196] : memref<10240xf32, #tpu.memory_space<vmem>> -> memref<1280xf32, #tpu.memory_space<vmem>>
    %dma_start3A_198 = tpu.memref_slice %arg2[%add3A_191, %add3A_129] : memref<128x320000xf32, #tpu.memory_space<hbm>> -> memref<1x1280xf32, #tpu.memory_space<hbm>>
    %dma_start3A_199 = tpu.memref_squeeze %dma_start3A_198 : memref<1x1280xf32, #tpu.memory_space<hbm>> -> memref<1280xf32, #tpu.memory_space<hbm>>
    tpu.enqueue_dma source(%dma_start3A_199 : memref<1280xf32, #tpu.memory_space<hbm>>) target(%dma_start3A_197 : memref<1280xf32, #tpu.memory_space<vmem>>) target_semaphore(%arg16 : memref<!tpu.dma_semaphore, #tpu.memory_space<semaphore_mem>>)
    %add3A_200 = arith.constant 6 : i32
    %add3A_201 = arith.addi %mul3A_32, %add3A_200 : i32
    %dma_start3A_202 = arith.constant 7680 : i32
    %dma_start3A_203 = tpu.memref_slice %arg10[%dma_start3A_202] : memref<10240xf32, #tpu.memory_space<vmem>> -> memref<1280xf32, #tpu.memory_space<vmem>>
    %dma_start3A_204 = tpu.memref_slice %arg2[%add3A_201, %add3A_129] : memref<128x320000xf32, #tpu.memory_space<hbm>> -> memref<1x1280xf32, #tpu.memory_space<hbm>>
    %dma_start3A_205 = tpu.memref_squeeze %dma_start3A_204 : memref<1x1280xf32, #tpu.memory_space<hbm>> -> memref<1280xf32, #tpu.memory_space<hbm>>
    %dma_start3A_206 = arith.constant 7680 : i32
    %dma_start3A_207 = tpu.memref_slice %arg10[%dma_start3A_206] : memref<10240xf32, #tpu.memory_space<vmem>> -> memref<1280xf32, #tpu.memory_space<vmem>>
    %dma_start3A_208 = tpu.memref_slice %arg2[%add3A_201, %add3A_129] : memref<128x320000xf32, #tpu.memory_space<hbm>> -> memref<1x1280xf32, #tpu.memory_space<hbm>>
    %dma_start3A_209 = tpu.memref_squeeze %dma_start3A_208 : memref<1x1280xf32, #tpu.memory_space<hbm>> -> memref<1280xf32, #tpu.memory_space<hbm>>
    tpu.enqueue_dma source(%dma_start3A_209 : memref<1280xf32, #tpu.memory_space<hbm>>) target(%dma_start3A_207 : memref<1280xf32, #tpu.memory_space<vmem>>) target_semaphore(%arg16 : memref<!tpu.dma_semaphore, #tpu.memory_space<semaphore_mem>>)
    %add3A_210 = arith.constant 7 : i32
    %add3A_211 = arith.addi %mul3A_32, %add3A_210 : i32
    %dma_start3A_212 = arith.constant 8960 : i32
    %dma_start3A_213 = tpu.memref_slice %arg10[%dma_start3A_212] : memref<10240xf32, #tpu.memory_space<vmem>> -> memref<1280xf32, #tpu.memory_space<vmem>>
    %dma_start3A_214 = tpu.memref_slice %arg2[%add3A_211, %add3A_129] : memref<128x320000xf32, #tpu.memory_space<hbm>> -> memref<1x1280xf32, #tpu.memory_space<hbm>>
    %dma_start3A_215 = tpu.memref_squeeze %dma_start3A_214 : memref<1x1280xf32, #tpu.memory_space<hbm>> -> memref<1280xf32, #tpu.memory_space<hbm>>
    %dma_start3A_216 = arith.constant 8960 : i32
    %dma_start3A_217 = tpu.memref_slice %arg10[%dma_start3A_216] : memref<10240xf32, #tpu.memory_space<vmem>> -> memref<1280xf32, #tpu.memory_space<vmem>>
    %dma_start3A_218 = tpu.memref_slice %arg2[%add3A_211, %add3A_129] : memref<128x320000xf32, #tpu.memory_space<hbm>> -> memref<1x1280xf32, #tpu.memory_space<hbm>>
    %dma_start3A_219 = tpu.memref_squeeze %dma_start3A_218 : memref<1x1280xf32, #tpu.memory_space<hbm>> -> memref<1280xf32, #tpu.memory_space<hbm>>
    tpu.enqueue_dma source(%dma_start3A_219 : memref<1280xf32, #tpu.memory_space<hbm>>) target(%dma_start3A_217 : memref<1280xf32, #tpu.memory_space<vmem>>) target_semaphore(%arg16 : memref<!tpu.dma_semaphore, #tpu.memory_space<semaphore_mem>>)
    %broadcast_in_dim3A = arith.constant 0xFF800000 : f32
    %broadcast_in_dim3A_220 = vector.broadcast %broadcast_in_dim3A : f32 to vector<16xf32>
    %scan3A = arith.constant 0 : i32
    %scan3A_221 = arith.constant 0 : i32
    %scan3A_222 = arith.constant 5000 : i32
    %scan3A_223 = arith.addi %scan3A_221, %scan3A_222 : i32
    %scan3A_224 = arith.constant 1 : i32
    scf.for %scan3A_338 = %scan3A_221 to %scan3A_223 step %scan3A_224  : i32 {
      %mul3A_339 = arith.constant 16 : i32
      %mul3A_340 = arith.muli %scan3A_338, %mul3A_339 : i32
      %swap3A = arith.index_cast %mul3A_340 : i32 to index
      %swap3A_341 = tpu.vector_load %arg6[%swap3A] {strides = array<i32>} : memref<80000xf32, #tpu.memory_space<vmem>>, vector<16xf32>,
      tpu.vector_store %arg6[%swap3A], %broadcast_in_dim3A_220 {strides = array<i32>} : memref<80000xf32, #tpu.memory_space<vmem>>, vector<16xf32>,
    }
    %scan3A_225 = arith.constant 5000 : i32
    %scan3A_226 = arith.constant 0 : i32
    %scan3A_227 = arith.constant 0 : i32
    %scan3A_228 = arith.constant 62 : i32
    %scan3A_229 = arith.addi %scan3A_227, %scan3A_228 : i32
    %scan3A_230 = arith.constant 1 : i32
    scf.for %scan3A_338 = %scan3A_227 to %scan3A_229 step %scan3A_230  : i32 {
      %mul3A_339 = arith.constant 2 : i32
      %mul3A_340 = arith.muli %mul3A_339, %scan3A_338 : i32
      %add3A_341 = arith.constant 0 : i32
      %add3A_342 = arith.addi %mul3A_340, %add3A_341 : i32
      %mul3A_343 = arith.constant 1280 : i32
      %mul3A_344 = arith.muli %add3A_342, %mul3A_343 : i32
      %add3A_345 = arith.addi %mul3A_34, %mul3A_344 : i32
      %dma_wait3A_346 = tpu.memref_slice %arg3[%add3A_345] : memref<320000xi32, #tpu.memory_space<hbm>> -> memref<1280xi32, #tpu.memory_space<hbm>>
      %dma_wait3A_347 = tpu.memref_slice %arg3[%add3A_345] : memref<320000xi32, #tpu.memory_space<hbm>> -> memref<1280xi32, #tpu.memory_space<hbm>>
      tpu.wait_dma2 semaphore(%arg15 : memref<!tpu.dma_semaphore, #tpu.memory_space<semaphore_mem>>) src(%dma_wait3A_347 : memref<1280xi32, #tpu.memory_space<hbm>>) dst(%arg8 : memref<1280xi32, #tpu.memory_space<vmem>>)
      %mul3A_348 = arith.constant 40 : i32
      %mul3A_349 = arith.muli %add3A_342, %mul3A_348 : i32
      %add3A_350 = arith.addi %mul3A_36, %mul3A_349 : i32
      %dma_wait3A_351 = arith.constant 0 : i32
      %dma_wait3A_352 = tpu.memref_slice %arg9[%dma_wait3A_351] : memref<56xi32, #tpu.memory_space<vmem>> -> memref<40xi32, #tpu.memory_space<vmem>>
      %dma_wait3A_353 = tpu.memref_slice %arg4[%add3A_350] : memref<10000xi32, #tpu.memory_space<hbm>> -> memref<40xi32, #tpu.memory_space<hbm>>
      %dma_wait3A_354 = arith.constant 0 : i32
      %dma_wait3A_355 = tpu.memref_slice %arg9[%dma_wait3A_354] : memref<56xi32, #tpu.memory_space<vmem>> -> memref<40xi32, #tpu.memory_space<vmem>>
      %dma_wait3A_356 = tpu.memref_slice %arg4[%add3A_350] : memref<10000xi32, #tpu.memory_space<hbm>> -> memref<40xi32, #tpu.memory_space<hbm>>
      tpu.wait_dma2 semaphore(%arg15 : memref<!tpu.dma_semaphore, #tpu.memory_space<semaphore_mem>>) src(%dma_wait3A_356 : memref<40xi32, #tpu.memory_space<hbm>>) dst(%dma_wait3A_355 : memref<40xi32, #tpu.memory_space<vmem>>)
      %add3A_357 = arith.constant 0 : i32
      %add3A_358 = arith.addi %mul3A_32, %add3A_357 : i32
      %dma_wait3A_359 = arith.constant 0 : i32
      %dma_wait3A_360 = tpu.memref_slice %arg7[%dma_wait3A_359] : memref<10240xf32, #tpu.memory_space<vmem>> -> memref<1280xf32, #tpu.memory_space<vmem>>
      %dma_wait3A_361 = tpu.memref_slice %arg2[%add3A_358, %add3A_345] : memref<128x320000xf32, #tpu.memory_space<hbm>> -> memref<1x1280xf32, #tpu.memory_space<hbm>>
      %dma_wait3A_362 = tpu.memref_squeeze %dma_wait3A_361 : memref<1x1280xf32, #tpu.memory_space<hbm>> -> memref<1280xf32, #tpu.memory_space<hbm>>
      %dma_wait3A_363 = arith.constant 0 : i32
      %dma_wait3A_364 = tpu.memref_slice %arg7[%dma_wait3A_363] : memref<10240xf32, #tpu.memory_space<vmem>> -> memref<1280xf32, #tpu.memory_space<vmem>>
      %dma_wait3A_365 = tpu.memref_slice %arg2[%add3A_358, %add3A_345] : memref<128x320000xf32, #tpu.memory_space<hbm>> -> memref<1x1280xf32, #tpu.memory_space<hbm>>
      %dma_wait3A_366 = tpu.memref_squeeze %dma_wait3A_365 : memref<1x1280xf32, #tpu.memory_space<hbm>> -> memref<1280xf32, #tpu.memory_space<hbm>>
      tpu.wait_dma2 semaphore(%arg15 : memref<!tpu.dma_semaphore, #tpu.memory_space<semaphore_mem>>) src(%dma_wait3A_366 : memref<1280xf32, #tpu.memory_space<hbm>>) dst(%dma_wait3A_364 : memref<1280xf32, #tpu.memory_space<vmem>>)
      %add3A_367 = arith.constant 1 : i32
      %add3A_368 = arith.addi %mul3A_32, %add3A_367 : i32
      %dma_wait3A_369 = arith.constant 1280 : i32
      %dma_wait3A_370 = tpu.memref_slice %arg7[%dma_wait3A_369] : memref<10240xf32, #tpu.memory_space<vmem>> -> memref<1280xf32, #tpu.memory_space<vmem>>
      %dma_wait3A_371 = tpu.memref_slice %arg2[%add3A_368, %add3A_345] : memref<128x320000xf32, #tpu.memory_space<hbm>> -> memref<1x1280xf32, #tpu.memory_space<hbm>>
      %dma_wait3A_372 = tpu.memref_squeeze %dma_wait3A_371 : memref<1x1280xf32, #tpu.memory_space<hbm>> -> memref<1280xf32, #tpu.memory_space<hbm>>
      %dma_wait3A_373 = arith.constant 1280 : i32
      %dma_wait3A_374 = tpu.memref_slice %arg7[%dma_wait3A_373] : memref<10240xf32, #tpu.memory_space<vmem>> -> memref<1280xf32, #tpu.memory_space<vmem>>
      %dma_wait3A_375 = tpu.memref_slice %arg2[%add3A_368, %add3A_345] : memref<128x320000xf32, #tpu.memory_space<hbm>> -> memref<1x1280xf32, #tpu.memory_space<hbm>>
      %dma_wait3A_376 = tpu.memref_squeeze %dma_wait3A_375 : memref<1x1280xf32, #tpu.memory_space<hbm>> -> memref<1280xf32, #tpu.memory_space<hbm>>
      tpu.wait_dma2 semaphore(%arg15 : memref<!tpu.dma_semaphore, #tpu.memory_space<semaphore_mem>>) src(%dma_wait3A_376 : memref<1280xf32, #tpu.memory_space<hbm>>) dst(%dma_wait3A_374 : memref<1280xf32, #tpu.memory_space<vmem>>)
      %add3A_377 = arith.constant 2 : i32
      %add3A_378 = arith.addi %mul3A_32, %add3A_377 : i32
      %dma_wait3A_379 = arith.constant 2560 : i32
      %dma_wait3A_380 = tpu.memref_slice %arg7[%dma_wait3A_379] : memref<10240xf32, #tpu.memory_space<vmem>> -> memref<1280xf32, #tpu.memory_space<vmem>>
      %dma_wait3A_381 = tpu.memref_slice %arg2[%add3A_378, %add3A_345] : memref<128x320000xf32, #tpu.memory_space<hbm>> -> memref<1x1280xf32, #tpu.memory_space<hbm>>
      %dma_wait3A_382 = tpu.memref_squeeze %dma_wait3A_381 : memref<1x1280xf32, #tpu.memory_space<hbm>> -> memref<1280xf32, #tpu.memory_space<hbm>>
      %dma_wait3A_383 = arith.constant 2560 : i32
      %dma_wait3A_384 = tpu.memref_slice %arg7[%dma_wait3A_383] : memref<10240xf32, #tpu.memory_space<vmem>> -> memref<1280xf32, #tpu.memory_space<vmem>>
      %dma_wait3A_385 = tpu.memref_slice %arg2[%add3A_378, %add3A_345] : memref<128x320000xf32, #tpu.memory_space<hbm>> -> memref<1x1280xf32, #tpu.memory_space<hbm>>
      %dma_wait3A_386 = tpu.memref_squeeze %dma_wait3A_385 : memref<1x1280xf32, #tpu.memory_space<hbm>> -> memref<1280xf32, #tpu.memory_space<hbm>>
      tpu.wait_dma2 semaphore(%arg15 : memref<!tpu.dma_semaphore, #tpu.memory_space<semaphore_mem>>) src(%dma_wait3A_386 : memref<1280xf32, #tpu.memory_space<hbm>>) dst(%dma_wait3A_384 : memref<1280xf32, #tpu.memory_space<vmem>>)
      %add3A_387 = arith.constant 3 : i32
      %add3A_388 = arith.addi %mul3A_32, %add3A_387 : i32
      %dma_wait3A_389 = arith.constant 3840 : i32
      %dma_wait3A_390 = tpu.memref_slice %arg7[%dma_wait3A_389] : memref<10240xf32, #tpu.memory_space<vmem>> -> memref<1280xf32, #tpu.memory_space<vmem>>
      %dma_wait3A_391 = tpu.memref_slice %arg2[%add3A_388, %add3A_345] : memref<128x320000xf32, #tpu.memory_space<hbm>> -> memref<1x1280xf32, #tpu.memory_space<hbm>>
      %dma_wait3A_392 = tpu.memref_squeeze %dma_wait3A_391 : memref<1x1280xf32, #tpu.memory_space<hbm>> -> memref<1280xf32, #tpu.memory_space<hbm>>
      %dma_wait3A_393 = arith.constant 3840 : i32
      %dma_wait3A_394 = tpu.memref_slice %arg7[%dma_wait3A_393] : memref<10240xf32, #tpu.memory_space<vmem>> -> memref<1280xf32, #tpu.memory_space<vmem>>
      %dma_wait3A_395 = tpu.memref_slice %arg2[%add3A_388, %add3A_345] : memref<128x320000xf32, #tpu.memory_space<hbm>> -> memref<1x1280xf32, #tpu.memory_space<hbm>>
      %dma_wait3A_396 = tpu.memref_squeeze %dma_wait3A_395 : memref<1x1280xf32, #tpu.memory_space<hbm>> -> memref<1280xf32, #tpu.memory_space<hbm>>
      tpu.wait_dma2 semaphore(%arg15 : memref<!tpu.dma_semaphore, #tpu.memory_space<semaphore_mem>>) src(%dma_wait3A_396 : memref<1280xf32, #tpu.memory_space<hbm>>) dst(%dma_wait3A_394 : memref<1280xf32, #tpu.memory_space<vmem>>)
      %add3A_397 = arith.constant 4 : i32
      %add3A_398 = arith.addi %mul3A_32, %add3A_397 : i32
      %dma_wait3A_399 = arith.constant 5120 : i32
      %dma_wait3A_400 = tpu.memref_slice %arg7[%dma_wait3A_399] : memref<10240xf32, #tpu.memory_space<vmem>> -> memref<1280xf32, #tpu.memory_space<vmem>>
      %dma_wait3A_401 = tpu.memref_slice %arg2[%add3A_398, %add3A_345] : memref<128x320000xf32, #tpu.memory_space<hbm>> -> memref<1x1280xf32, #tpu.memory_space<hbm>>
      %dma_wait3A_402 = tpu.memref_squeeze %dma_wait3A_401 : memref<1x1280xf32, #tpu.memory_space<hbm>> -> memref<1280xf32, #tpu.memory_space<hbm>>
      %dma_wait3A_403 = arith.constant 5120 : i32
      %dma_wait3A_404 = tpu.memref_slice %arg7[%dma_wait3A_403] : memref<10240xf32, #tpu.memory_space<vmem>> -> memref<1280xf32, #tpu.memory_space<vmem>>
      %dma_wait3A_405 = tpu.memref_slice %arg2[%add3A_398, %add3A_345] : memref<128x320000xf32, #tpu.memory_space<hbm>> -> memref<1x1280xf32, #tpu.memory_space<hbm>>
      %dma_wait3A_406 = tpu.memref_squeeze %dma_wait3A_405 : memref<1x1280xf32, #tpu.memory_space<hbm>> -> memref<1280xf32, #tpu.memory_space<hbm>>
      tpu.wait_dma2 semaphore(%arg15 : memref<!tpu.dma_semaphore, #tpu.memory_space<semaphore_mem>>) src(%dma_wait3A_406 : memref<1280xf32, #tpu.memory_space<hbm>>) dst(%dma_wait3A_404 : memref<1280xf32, #tpu.memory_space<vmem>>)
      %add3A_407 = arith.constant 5 : i32
      %add3A_408 = arith.addi %mul3A_32, %add3A_407 : i32
      %dma_wait3A_409 = arith.constant 6400 : i32
      %dma_wait3A_410 = tpu.memref_slice %arg7[%dma_wait3A_409] : memref<10240xf32, #tpu.memory_space<vmem>> -> memref<1280xf32, #tpu.memory_space<vmem>>
      %dma_wait3A_411 = tpu.memref_slice %arg2[%add3A_408, %add3A_345] : memref<128x320000xf32, #tpu.memory_space<hbm>> -> memref<1x1280xf32, #tpu.memory_space<hbm>>
      %dma_wait3A_412 = tpu.memref_squeeze %dma_wait3A_411 : memref<1x1280xf32, #tpu.memory_space<hbm>> -> memref<1280xf32, #tpu.memory_space<hbm>>
      %dma_wait3A_413 = arith.constant 6400 : i32
      %dma_wait3A_414 = tpu.memref_slice %arg7[%dma_wait3A_413] : memref<10240xf32, #tpu.memory_space<vmem>> -> memref<1280xf32, #tpu.memory_space<vmem>>
      %dma_wait3A_415 = tpu.memref_slice %arg2[%add3A_408, %add3A_345] : memref<128x320000xf32, #tpu.memory_space<hbm>> -> memref<1x1280xf32, #tpu.memory_space<hbm>>
      %dma_wait3A_416 = tpu.memref_squeeze %dma_wait3A_415 : memref<1x1280xf32, #tpu.memory_space<hbm>> -> memref<1280xf32, #tpu.memory_space<hbm>>
      tpu.wait_dma2 semaphore(%arg15 : memref<!tpu.dma_semaphore, #tpu.memory_space<semaphore_mem>>) src(%dma_wait3A_416 : memref<1280xf32, #tpu.memory_space<hbm>>) dst(%dma_wait3A_414 : memref<1280xf32, #tpu.memory_space<vmem>>)
      %add3A_417 = arith.constant 6 : i32
      %add3A_418 = arith.addi %mul3A_32, %add3A_417 : i32
      %dma_wait3A_419 = arith.constant 7680 : i32
      %dma_wait3A_420 = tpu.memref_slice %arg7[%dma_wait3A_419] : memref<10240xf32, #tpu.memory_space<vmem>> -> memref<1280xf32, #tpu.memory_space<vmem>>
      %dma_wait3A_421 = tpu.memref_slice %arg2[%add3A_418, %add3A_345] : memref<128x320000xf32, #tpu.memory_space<hbm>> -> memref<1x1280xf32, #tpu.memory_space<hbm>>
      %dma_wait3A_422 = tpu.memref_squeeze %dma_wait3A_421 : memref<1x1280xf32, #tpu.memory_space<hbm>> -> memref<1280xf32, #tpu.memory_space<hbm>>
      %dma_wait3A_423 = arith.constant 7680 : i32
      %dma_wait3A_424 = tpu.memref_slice %arg7[%dma_wait3A_423] : memref<10240xf32, #tpu.memory_space<vmem>> -> memref<1280xf32, #tpu.memory_space<vmem>>
      %dma_wait3A_425 = tpu.memref_slice %arg2[%add3A_418, %add3A_345] : memref<128x320000xf32, #tpu.memory_space<hbm>> -> memref<1x1280xf32, #tpu.memory_space<hbm>>
      %dma_wait3A_426 = tpu.memref_squeeze %dma_wait3A_425 : memref<1x1280xf32, #tpu.memory_space<hbm>> -> memref<1280xf32, #tpu.memory_space<hbm>>
      tpu.wait_dma2 semaphore(%arg15 : memref<!tpu.dma_semaphore, #tpu.memory_space<semaphore_mem>>) src(%dma_wait3A_426 : memref<1280xf32, #tpu.memory_space<hbm>>) dst(%dma_wait3A_424 : memref<1280xf32, #tpu.memory_space<vmem>>)
      %add3A_427 = arith.constant 7 : i32
      %add3A_428 = arith.addi %mul3A_32, %add3A_427 : i32
      %dma_wait3A_429 = arith.constant 8960 : i32
      %dma_wait3A_430 = tpu.memref_slice %arg7[%dma_wait3A_429] : memref<10240xf32, #tpu.memory_space<vmem>> -> memref<1280xf32, #tpu.memory_space<vmem>>
      %dma_wait3A_431 = tpu.memref_slice %arg2[%add3A_428, %add3A_345] : memref<128x320000xf32, #tpu.memory_space<hbm>> -> memref<1x1280xf32, #tpu.memory_space<hbm>>
      %dma_wait3A_432 = tpu.memref_squeeze %dma_wait3A_431 : memref<1x1280xf32, #tpu.memory_space<hbm>> -> memref<1280xf32, #tpu.memory_space<hbm>>
      %dma_wait3A_433 = arith.constant 8960 : i32
      %dma_wait3A_434 = tpu.memref_slice %arg7[%dma_wait3A_433] : memref<10240xf32, #tpu.memory_space<vmem>> -> memref<1280xf32, #tpu.memory_space<vmem>>
      %dma_wait3A_435 = tpu.memref_slice %arg2[%add3A_428, %add3A_345] : memref<128x320000xf32, #tpu.memory_space<hbm>> -> memref<1x1280xf32, #tpu.memory_space<hbm>>
      %dma_wait3A_436 = tpu.memref_squeeze %dma_wait3A_435 : memref<1x1280xf32, #tpu.memory_space<hbm>> -> memref<1280xf32, #tpu.memory_space<hbm>>
      tpu.wait_dma2 semaphore(%arg15 : memref<!tpu.dma_semaphore, #tpu.memory_space<semaphore_mem>>) src(%dma_wait3A_436 : memref<1280xf32, #tpu.memory_space<hbm>>) dst(%dma_wait3A_434 : memref<1280xf32, #tpu.memory_space<vmem>>)
      %scan3A_437 = arith.constant 0 : i32
      %scan3A_438 = arith.constant 0 : i32
      %scan3A_439 = arith.constant 40 : i32
      %scan3A_440 = arith.addi %scan3A_438, %scan3A_439 : i32
      %scan3A_441 = arith.constant 1 : i32
      scf.for %scan3A_561 = %scan3A_438 to %scan3A_440 step %scan3A_441  : i32 {
        %mul3A_562 = arith.constant 2 : i32
        %mul3A_563 = arith.muli %mul3A_562, %scan3A_561 : i32
        %mul3A_564 = arith.constant 16 : i32
        %mul3A_565 = arith.muli %mul3A_563, %mul3A_564 : i32
        %get3A = arith.index_cast %mul3A_565 : i32 to index
        %get3A_566 = tpu.vector_load %arg8[%get3A] {strides = array<i32>} : memref<1280xi32, #tpu.memory_space<vmem>>, vector<16xi32>,
        %mul3A_567 = arith.constant 16 : i32
        %mul3A_568 = arith.muli %mul3A_563, %mul3A_567 : i32
        %add3A_569 = arith.constant 0 : i32
        %add3A_570 = arith.addi %add3A_569, %mul3A_568 : i32
        %get3A_571 = arith.index_cast %add3A_570 : i32 to index
        %get3A_572 = tpu.vector_load %arg7[%get3A_571] {strides = array<i32>} : memref<10240xf32, #tpu.memory_space<vmem>>, vector<16xf32>,
        %mul3A_573 = arith.constant 16 : i32
        %mul3A_574 = arith.muli %mul3A_563, %mul3A_573 : i32
        %add3A_575 = arith.constant 1280 : i32
        %add3A_576 = arith.addi %add3A_575, %mul3A_574 : i32
        %get3A_577 = arith.index_cast %add3A_576 : i32 to index
        %get3A_578 = tpu.vector_load %arg7[%get3A_577] {strides = array<i32>} : memref<10240xf32, #tpu.memory_space<vmem>>, vector<16xf32>,
        %mul3A_579 = arith.constant 16 : i32
        %mul3A_580 = arith.muli %mul3A_563, %mul3A_579 : i32
        %add3A_581 = arith.constant 2560 : i32
        %add3A_582 = arith.addi %add3A_581, %mul3A_580 : i32
        %get3A_583 = arith.index_cast %add3A_582 : i32 to index
        %get3A_584 = tpu.vector_load %arg7[%get3A_583] {strides = array<i32>} : memref<10240xf32, #tpu.memory_space<vmem>>, vector<16xf32>,
        %mul3A_585 = arith.constant 16 : i32
        %mul3A_586 = arith.muli %mul3A_563, %mul3A_585 : i32
        %add3A_587 = arith.constant 3840 : i32
        %add3A_588 = arith.addi %add3A_587, %mul3A_586 : i32
        %get3A_589 = arith.index_cast %add3A_588 : i32 to index
        %get3A_590 = tpu.vector_load %arg7[%get3A_589] {strides = array<i32>} : memref<10240xf32, #tpu.memory_space<vmem>>, vector<16xf32>,
        %mul3A_591 = arith.constant 16 : i32
        %mul3A_592 = arith.muli %mul3A_563, %mul3A_591 : i32
        %add3A_593 = arith.constant 5120 : i32
        %add3A_594 = arith.addi %add3A_593, %mul3A_592 : i32
        %get3A_595 = arith.index_cast %add3A_594 : i32 to index
        %get3A_596 = tpu.vector_load %arg7[%get3A_595] {strides = array<i32>} : memref<10240xf32, #tpu.memory_space<vmem>>, vector<16xf32>,
        %mul3A_597 = arith.constant 16 : i32
        %mul3A_598 = arith.muli %mul3A_563, %mul3A_597 : i32
        %add3A_599 = arith.constant 6400 : i32
        %add3A_600 = arith.addi %add3A_599, %mul3A_598 : i32
        %get3A_601 = arith.index_cast %add3A_600 : i32 to index
        %get3A_602 = tpu.vector_load %arg7[%get3A_601] {strides = array<i32>} : memref<10240xf32, #tpu.memory_space<vmem>>, vector<16xf32>,
        %mul3A_603 = arith.constant 16 : i32
        %mul3A_604 = arith.muli %mul3A_563, %mul3A_603 : i32
        %add3A_605 = arith.constant 7680 : i32
        %add3A_606 = arith.addi %add3A_605, %mul3A_604 : i32
        %get3A_607 = arith.index_cast %add3A_606 : i32 to index
        %get3A_608 = tpu.vector_load %arg7[%get3A_607] {strides = array<i32>} : memref<10240xf32, #tpu.memory_space<vmem>>, vector<16xf32>,
        %mul3A_609 = arith.constant 16 : i32
        %mul3A_610 = arith.muli %mul3A_563, %mul3A_609 : i32
        %add3A_611 = arith.constant 8960 : i32
        %add3A_612 = arith.addi %add3A_611, %mul3A_610 : i32
        %get3A_613 = arith.index_cast %add3A_612 : i32 to index
        %get3A_614 = tpu.vector_load %arg7[%get3A_613] {strides = array<i32>} : memref<10240xf32, #tpu.memory_space<vmem>>, vector<16xf32>,
        %mul3A_615 = arith.constant 2 : i32
        %mul3A_616 = arith.muli %mul3A_615, %scan3A_561 : i32
        %add3A_617 = arith.constant 1 : i32
        %add3A_618 = arith.addi %mul3A_616, %add3A_617 : i32
        %mul3A_619 = arith.constant 16 : i32
        %mul3A_620 = arith.muli %add3A_618, %mul3A_619 : i32
        %get3A_621 = arith.index_cast %mul3A_620 : i32 to index
        %get3A_622 = tpu.vector_load %arg8[%get3A_621] {strides = array<i32>} : memref<1280xi32, #tpu.memory_space<vmem>>, vector<16xi32>,
        %mul3A_623 = arith.constant 16 : i32
        %mul3A_624 = arith.muli %add3A_618, %mul3A_623 : i32
        %add3A_625 = arith.constant 0 : i32
        %add3A_626 = arith.addi %add3A_625, %mul3A_624 : i32
        %get3A_627 = arith.index_cast %add3A_626 : i32 to index
        %get3A_628 = tpu.vector_load %arg7[%get3A_627] {strides = array<i32>} : memref<10240xf32, #tpu.memory_space<vmem>>, vector<16xf32>,
        %mul3A_629 = arith.constant 16 : i32
        %mul3A_630 = arith.muli %add3A_618, %mul3A_629 : i32
        %add3A_631 = arith.constant 1280 : i32
        %add3A_632 = arith.addi %add3A_631, %mul3A_630 : i32
        %get3A_633 = arith.index_cast %add3A_632 : i32 to index
        %get3A_634 = tpu.vector_load %arg7[%get3A_633] {strides = array<i32>} : memref<10240xf32, #tpu.memory_space<vmem>>, vector<16xf32>,
        %mul3A_635 = arith.constant 16 : i32
        %mul3A_636 = arith.muli %add3A_618, %mul3A_635 : i32
        %add3A_637 = arith.constant 2560 : i32
        %add3A_638 = arith.addi %add3A_637, %mul3A_636 : i32
        %get3A_639 = arith.index_cast %add3A_638 : i32 to index
        %get3A_640 = tpu.vector_load %arg7[%get3A_639] {strides = array<i32>} : memref<10240xf32, #tpu.memory_space<vmem>>, vector<16xf32>,
        %mul3A_641 = arith.constant 16 : i32
        %mul3A_642 = arith.muli %add3A_618, %mul3A_641 : i32
        %add3A_643 = arith.constant 3840 : i32
        %add3A_644 = arith.addi %add3A_643, %mul3A_642 : i32
        %get3A_645 = arith.index_cast %add3A_644 : i32 to index
        %get3A_646 = tpu.vector_load %arg7[%get3A_645] {strides = array<i32>} : memref<10240xf32, #tpu.memory_space<vmem>>, vector<16xf32>,
        %mul3A_647 = arith.constant 16 : i32
        %mul3A_648 = arith.muli %add3A_618, %mul3A_647 : i32
        %add3A_649 = arith.constant 5120 : i32
        %add3A_650 = arith.addi %add3A_649, %mul3A_648 : i32
        %get3A_651 = arith.index_cast %add3A_650 : i32 to index
        %get3A_652 = tpu.vector_load %arg7[%get3A_651] {strides = array<i32>} : memref<10240xf32, #tpu.memory_space<vmem>>, vector<16xf32>,
        %mul3A_653 = arith.constant 16 : i32
        %mul3A_654 = arith.muli %add3A_618, %mul3A_653 : i32
        %add3A_655 = arith.constant 6400 : i32
        %add3A_656 = arith.addi %add3A_655, %mul3A_654 : i32
        %get3A_657 = arith.index_cast %add3A_656 : i32 to index
        %get3A_658 = tpu.vector_load %arg7[%get3A_657] {strides = array<i32>} : memref<10240xf32, #tpu.memory_space<vmem>>, vector<16xf32>,
        %mul3A_659 = arith.constant 16 : i32
        %mul3A_660 = arith.muli %add3A_618, %mul3A_659 : i32
        %add3A_661 = arith.constant 7680 : i32
        %add3A_662 = arith.addi %add3A_661, %mul3A_660 : i32
        %get3A_663 = arith.index_cast %add3A_662 : i32 to index
        %get3A_664 = tpu.vector_load %arg7[%get3A_663] {strides = array<i32>} : memref<10240xf32, #tpu.memory_space<vmem>>, vector<16xf32>,
        %mul3A_665 = arith.constant 16 : i32
        %mul3A_666 = arith.muli %add3A_618, %mul3A_665 : i32
        %add3A_667 = arith.constant 8960 : i32
        %add3A_668 = arith.addi %add3A_667, %mul3A_666 : i32
        %get3A_669 = arith.index_cast %add3A_668 : i32 to index
        %get3A_670 = tpu.vector_load %arg7[%get3A_669] {strides = array<i32>} : memref<10240xf32, #tpu.memory_space<vmem>>, vector<16xf32>,
        %get3A_671 = arith.index_cast %scan3A_561 : i32 to index
        %get3A_672 = tpu.vector_load %arg9[%get3A_671] {strides = array<i32>} : memref<56xi32, #tpu.memory_space<vmem>>, vector<16xi32>,
        %slice3A = vector.extract_strided_slice %get3A_672 {offsets = [0], sizes = [1], strides = [1]} : vector<16xi32> to vector<1xi32>
        %squeeze3A = vector.extract %slice3A[0] : i32 from vector<1xi32>
        %ne3A_673 = arith.constant 0 : i32
        %ne3A_674 = arith.cmpi ne, %squeeze3A, %ne3A_673 : i32
        %convert_element_type3A_675 = arith.extui %ne3A_674 : i1 to i32
        %cond3A_676 = arith.constant 0 : i32
        %cond3A_677 = arith.constant 0 : i32
        %cond3A_678 = arith.cmpi ne, %convert_element_type3A_675, %cond3A_677 : i32
        %cond3A_679 = scf.if %cond3A_678 -> (i32) {
          %add3A_680 = arith.constant 0 : i32
          %add3A_681 = vector.broadcast %add3A_680 : i32 to vector<16xi32>
          %add3A_682 = arith.addi %get3A_566, %add3A_681 : vector<16xi32>
          %broadcast_in_dim3A_683 = arith.constant true
          %broadcast_in_dim3A_684 = vector.broadcast %broadcast_in_dim3A_683 : i1 to vector<16xi1>
          %while3A = scf.while (%while3A_776 = %broadcast_in_dim3A_684) : (vector<16xi1>) -> vector<16xi1> {
            %reduce_or3A = arith.constant 1.000000e+00 : f32
            %reduce_or3A_777 = arith.constant 0.000000e+00 : f32
            %reduce_or3A_778 = vector.broadcast %reduce_or3A : f32 to vector<16xf32>
            %reduce_or3A_779 = vector.broadcast %reduce_or3A_777 : f32 to vector<16xf32>
            %reduce_or3A_780 = arith.select %while3A_776, %reduce_or3A_778, %reduce_or3A_779 : vector<16xi1>, vector<16xf32>
            %reduce_or3A_781 = arith.constant true
            %reduce_or3A_782 = vector.broadcast %reduce_or3A_781 : i1 to vector<16xi1>
            %reduce_or3A_783 = tpu.scan <max>, %reduce_or3A_780 masked %reduce_or3A_782 : vector<16xf32>, vector<16xi1> -> vector<16xf32>
            %reduce_or3A_784 = vector.extract %reduce_or3A_783[15] : f32 from vector<16xf32>
            %reduce_or3A_785 = arith.constant 0.000000e+00 : f32
            %reduce_or3A_786 = arith.cmpf ogt, %reduce_or3A_784, %reduce_or3A_785 : f32
            scf.condition(%reduce_or3A_786) %while3A_776 : vector<16xi1>
          } do {
          ^bb0(%while3A_776: vector<16xi1>):
            %gather3A = tpu.vector_load_idx %arg6[%add3A_682] : memref<80000xf32, #tpu.memory_space<vmem>>[vector<16xi32>], vector<16xf32>,
            %max3A = arith.maximumf %gather3A, %get3A_572 : vector<16xf32>
            tpu.vector_store_idx %arg6[%add3A_682], %max3A masked %while3A_776 : memref<80000xf32, #tpu.memory_space<vmem>>[vector<16xi32>], vector<16xf32>, vector<16xi1>
            %gather3A_777 = tpu.vector_load_idx %arg6[%add3A_682] : memref<80000xf32, #tpu.memory_space<vmem>>[vector<16xi32>], vector<16xf32>,
            %lt3A_778 = arith.cmpf olt, %gather3A_777, %get3A_572 : vector<16xf32>
            %and3A_779 = arith.andi %while3A_776, %lt3A_778 : vector<16xi1>
            scf.yield %and3A_779 : vector<16xi1>
          }
          %add3A_685 = arith.constant 10000 : i32
          %add3A_686 = vector.broadcast %add3A_685 : i32 to vector<16xi32>
          %add3A_687 = arith.addi %get3A_566, %add3A_686 : vector<16xi32>
          %broadcast_in_dim3A_688 = arith.constant true
          %broadcast_in_dim3A_689 = vector.broadcast %broadcast_in_dim3A_688 : i1 to vector<16xi1>
          %while3A_690 = scf.while (%while3A_776 = %broadcast_in_dim3A_689) : (vector<16xi1>) -> vector<16xi1> {
            %reduce_or3A = arith.constant 1.000000e+00 : f32
            %reduce_or3A_777 = arith.constant 0.000000e+00 : f32
            %reduce_or3A_778 = vector.broadcast %reduce_or3A : f32 to vector<16xf32>
            %reduce_or3A_779 = vector.broadcast %reduce_or3A_777 : f32 to vector<16xf32>
            %reduce_or3A_780 = arith.select %while3A_776, %reduce_or3A_778, %reduce_or3A_779 : vector<16xi1>, vector<16xf32>
            %reduce_or3A_781 = arith.constant true
            %reduce_or3A_782 = vector.broadcast %reduce_or3A_781 : i1 to vector<16xi1>
            %reduce_or3A_783 = tpu.scan <max>, %reduce_or3A_780 masked %reduce_or3A_782 : vector<16xf32>, vector<16xi1> -> vector<16xf32>
            %reduce_or3A_784 = vector.extract %reduce_or3A_783[15] : f32 from vector<16xf32>
            %reduce_or3A_785 = arith.constant 0.000000e+00 : f32
            %reduce_or3A_786 = arith.cmpf ogt, %reduce_or3A_784, %reduce_or3A_785 : f32
            scf.condition(%reduce_or3A_786) %while3A_776 : vector<16xi1>
          } do {
          ^bb0(%while3A_776: vector<16xi1>):
            %gather3A = tpu.vector_load_idx %arg6[%add3A_687] : memref<80000xf32, #tpu.memory_space<vmem>>[vector<16xi32>], vector<16xf32>,
            %max3A = arith.maximumf %gather3A, %get3A_578 : vector<16xf32>
            tpu.vector_store_idx %arg6[%add3A_687], %max3A masked %while3A_776 : memref<80000xf32, #tpu.memory_space<vmem>>[vector<16xi32>], vector<16xf32>, vector<16xi1>
            %gather3A_777 = tpu.vector_load_idx %arg6[%add3A_687] : memref<80000xf32, #tpu.memory_space<vmem>>[vector<16xi32>], vector<16xf32>,
            %lt3A_778 = arith.cmpf olt, %gather3A_777, %get3A_578 : vector<16xf32>
            %and3A_779 = arith.andi %while3A_776, %lt3A_778 : vector<16xi1>
            scf.yield %and3A_779 : vector<16xi1>
          }
          %add3A_691 = arith.constant 20000 : i32
          %add3A_692 = vector.broadcast %add3A_691 : i32 to vector<16xi32>
          %add3A_693 = arith.addi %get3A_566, %add3A_692 : vector<16xi32>
          %broadcast_in_dim3A_694 = arith.constant true
          %broadcast_in_dim3A_695 = vector.broadcast %broadcast_in_dim3A_694 : i1 to vector<16xi1>
          %while3A_696 = scf.while (%while3A_776 = %broadcast_in_dim3A_695) : (vector<16xi1>) -> vector<16xi1> {
            %reduce_or3A = arith.constant 1.000000e+00 : f32
            %reduce_or3A_777 = arith.constant 0.000000e+00 : f32
            %reduce_or3A_778 = vector.broadcast %reduce_or3A : f32 to vector<16xf32>
            %reduce_or3A_779 = vector.broadcast %reduce_or3A_777 : f32 to vector<16xf32>
            %reduce_or3A_780 = arith.select %while3A_776, %reduce_or3A_778, %reduce_or3A_779 : vector<16xi1>, vector<16xf32>
            %reduce_or3A_781 = arith.constant true
            %reduce_or3A_782 = vector.broadcast %reduce_or3A_781 : i1 to vector<16xi1>
            %reduce_or3A_783 = tpu.scan <max>, %reduce_or3A_780 masked %reduce_or3A_782 : vector<16xf32>, vector<16xi1> -> vector<16xf32>
            %reduce_or3A_784 = vector.extract %reduce_or3A_783[15] : f32 from vector<16xf32>
            %reduce_or3A_785 = arith.constant 0.000000e+00 : f32
            %reduce_or3A_786 = arith.cmpf ogt, %reduce_or3A_784, %reduce_or3A_785 : f32
            scf.condition(%reduce_or3A_786) %while3A_776 : vector<16xi1>
          } do {
          ^bb0(%while3A_776: vector<16xi1>):
            %gather3A = tpu.vector_load_idx %arg6[%add3A_693] : memref<80000xf32, #tpu.memory_space<vmem>>[vector<16xi32>], vector<16xf32>,
            %max3A = arith.maximumf %gather3A, %get3A_584 : vector<16xf32>
            tpu.vector_store_idx %arg6[%add3A_693], %max3A masked %while3A_776 : memref<80000xf32, #tpu.memory_space<vmem>>[vector<16xi32>], vector<16xf32>, vector<16xi1>
            %gather3A_777 = tpu.vector_load_idx %arg6[%add3A_693] : memref<80000xf32, #tpu.memory_space<vmem>>[vector<16xi32>], vector<16xf32>,
            %lt3A_778 = arith.cmpf olt, %gather3A_777, %get3A_584 : vector<16xf32>
            %and3A_779 = arith.andi %while3A_776, %lt3A_778 : vector<16xi1>
            scf.yield %and3A_779 : vector<16xi1>
          }
          %add3A_697 = arith.constant 30000 : i32
          %add3A_698 = vector.broadcast %add3A_697 : i32 to vector<16xi32>
          %add3A_699 = arith.addi %get3A_566, %add3A_698 : vector<16xi32>
          %broadcast_in_dim3A_700 = arith.constant true
          %broadcast_in_dim3A_701 = vector.broadcast %broadcast_in_dim3A_700 : i1 to vector<16xi1>
          %while3A_702 = scf.while (%while3A_776 = %broadcast_in_dim3A_701) : (vector<16xi1>) -> vector<16xi1> {
            %reduce_or3A = arith.constant 1.000000e+00 : f32
            %reduce_or3A_777 = arith.constant 0.000000e+00 : f32
            %reduce_or3A_778 = vector.broadcast %reduce_or3A : f32 to vector<16xf32>
            %reduce_or3A_779 = vector.broadcast %reduce_or3A_777 : f32 to vector<16xf32>
            %reduce_or3A_780 = arith.select %while3A_776, %reduce_or3A_778, %reduce_or3A_779 : vector<16xi1>, vector<16xf32>
            %reduce_or3A_781 = arith.constant true
            %reduce_or3A_782 = vector.broadcast %reduce_or3A_781 : i1 to vector<16xi1>
            %reduce_or3A_783 = tpu.scan <max>, %reduce_or3A_780 masked %reduce_or3A_782 : vector<16xf32>, vector<16xi1> -> vector<16xf32>
            %reduce_or3A_784 = vector.extract %reduce_or3A_783[15] : f32 from vector<16xf32>
            %reduce_or3A_785 = arith.constant 0.000000e+00 : f32
            %reduce_or3A_786 = arith.cmpf ogt, %reduce_or3A_784, %reduce_or3A_785 : f32
            scf.condition(%reduce_or3A_786) %while3A_776 : vector<16xi1>
          } do {
          ^bb0(%while3A_776: vector<16xi1>):
            %gather3A = tpu.vector_load_idx %arg6[%add3A_699] : memref<80000xf32, #tpu.memory_space<vmem>>[vector<16xi32>], vector<16xf32>,
            %max3A = arith.maximumf %gather3A, %get3A_590 : vector<16xf32>
            tpu.vector_store_idx %arg6[%add3A_699], %max3A masked %while3A_776 : memref<80000xf32, #tpu.memory_space<vmem>>[vector<16xi32>], vector<16xf32>, vector<16xi1>
            %gather3A_777 = tpu.vector_load_idx %arg6[%add3A_699] : memref<80000xf32, #tpu.memory_space<vmem>>[vector<16xi32>], vector<16xf32>,
            %lt3A_778 = arith.cmpf olt, %gather3A_777, %get3A_590 : vector<16xf32>
            %and3A_779 = arith.andi %while3A_776, %lt3A_778 : vector<16xi1>
            scf.yield %and3A_779 : vector<16xi1>
          }
          %add3A_703 = arith.constant 40000 : i32
          %add3A_704 = vector.broadcast %add3A_703 : i32 to vector<16xi32>
          %add3A_705 = arith.addi %get3A_566, %add3A_704 : vector<16xi32>
          %broadcast_in_dim3A_706 = arith.constant true
          %broadcast_in_dim3A_707 = vector.broadcast %broadcast_in_dim3A_706 : i1 to vector<16xi1>
          %while3A_708 = scf.while (%while3A_776 = %broadcast_in_dim3A_707) : (vector<16xi1>) -> vector<16xi1> {
            %reduce_or3A = arith.constant 1.000000e+00 : f32
            %reduce_or3A_777 = arith.constant 0.000000e+00 : f32
            %reduce_or3A_778 = vector.broadcast %reduce_or3A : f32 to vector<16xf32>
            %reduce_or3A_779 = vector.broadcast %reduce_or3A_777 : f32 to vector<16xf32>
            %reduce_or3A_780 = arith.select %while3A_776, %reduce_or3A_778, %reduce_or3A_779 : vector<16xi1>, vector<16xf32>
            %reduce_or3A_781 = arith.constant true
            %reduce_or3A_782 = vector.broadcast %reduce_or3A_781 : i1 to vector<16xi1>
            %reduce_or3A_783 = tpu.scan <max>, %reduce_or3A_780 masked %reduce_or3A_782 : vector<16xf32>, vector<16xi1> -> vector<16xf32>
            %reduce_or3A_784 = vector.extract %reduce_or3A_783[15] : f32 from vector<16xf32>
            %reduce_or3A_785 = arith.constant 0.000000e+00 : f32
            %reduce_or3A_786 = arith.cmpf ogt, %reduce_or3A_784, %reduce_or3A_785 : f32
            scf.condition(%reduce_or3A_786) %while3A_776 : vector<16xi1>
          } do {
          ^bb0(%while3A_776: vector<16xi1>):
            %gather3A = tpu.vector_load_idx %arg6[%add3A_705] : memref<80000xf32, #tpu.memory_space<vmem>>[vector<16xi32>], vector<16xf32>,
            %max3A = arith.maximumf %gather3A, %get3A_596 : vector<16xf32>
            tpu.vector_store_idx %arg6[%add3A_705], %max3A masked %while3A_776 : memref<80000xf32, #tpu.memory_space<vmem>>[vector<16xi32>], vector<16xf32>, vector<16xi1>
            %gather3A_777 = tpu.vector_load_idx %arg6[%add3A_705] : memref<80000xf32, #tpu.memory_space<vmem>>[vector<16xi32>], vector<16xf32>,
            %lt3A_778 = arith.cmpf olt, %gather3A_777, %get3A_596 : vector<16xf32>
            %and3A_779 = arith.andi %while3A_776, %lt3A_778 : vector<16xi1>
            scf.yield %and3A_779 : vector<16xi1>
          }
          %add3A_709 = arith.constant 50000 : i32
          %add3A_710 = vector.broadcast %add3A_709 : i32 to vector<16xi32>
          %add3A_711 = arith.addi %get3A_566, %add3A_710 : vector<16xi32>
          %broadcast_in_dim3A_712 = arith.constant true
          %broadcast_in_dim3A_713 = vector.broadcast %broadcast_in_dim3A_712 : i1 to vector<16xi1>
          %while3A_714 = scf.while (%while3A_776 = %broadcast_in_dim3A_713) : (vector<16xi1>) -> vector<16xi1> {
            %reduce_or3A = arith.constant 1.000000e+00 : f32
            %reduce_or3A_777 = arith.constant 0.000000e+00 : f32
            %reduce_or3A_778 = vector.broadcast %reduce_or3A : f32 to vector<16xf32>
            %reduce_or3A_779 = vector.broadcast %reduce_or3A_777 : f32 to vector<16xf32>
            %reduce_or3A_780 = arith.select %while3A_776, %reduce_or3A_778, %reduce_or3A_779 : vector<16xi1>, vector<16xf32>
            %reduce_or3A_781 = arith.constant true
            %reduce_or3A_782 = vector.broadcast %reduce_or3A_781 : i1 to vector<16xi1>
            %reduce_or3A_783 = tpu.scan <max>, %reduce_or3A_780 masked %reduce_or3A_782 : vector<16xf32>, vector<16xi1> -> vector<16xf32>
            %reduce_or3A_784 = vector.extract %reduce_or3A_783[15] : f32 from vector<16xf32>
            %reduce_or3A_785 = arith.constant 0.000000e+00 : f32
            %reduce_or3A_786 = arith.cmpf ogt, %reduce_or3A_784, %reduce_or3A_785 : f32
            scf.condition(%reduce_or3A_786) %while3A_776 : vector<16xi1>
          } do {
          ^bb0(%while3A_776: vector<16xi1>):
            %gather3A = tpu.vector_load_idx %arg6[%add3A_711] : memref<80000xf32, #tpu.memory_space<vmem>>[vector<16xi32>], vector<16xf32>,
            %max3A = arith.maximumf %gather3A, %get3A_602 : vector<16xf32>
            tpu.vector_store_idx %arg6[%add3A_711], %max3A masked %while3A_776 : memref<80000xf32, #tpu.memory_space<vmem>>[vector<16xi32>], vector<16xf32>, vector<16xi1>
            %gather3A_777 = tpu.vector_load_idx %arg6[%add3A_711] : memref<80000xf32, #tpu.memory_space<vmem>>[vector<16xi32>], vector<16xf32>,
            %lt3A_778 = arith.cmpf olt, %gather3A_777, %get3A_602 : vector<16xf32>
            %and3A_779 = arith.andi %while3A_776, %lt3A_778 : vector<16xi1>
            scf.yield %and3A_779 : vector<16xi1>
          }
          %add3A_715 = arith.constant 60000 : i32
          %add3A_716 = vector.broadcast %add3A_715 : i32 to vector<16xi32>
          %add3A_717 = arith.addi %get3A_566, %add3A_716 : vector<16xi32>
          %broadcast_in_dim3A_718 = arith.constant true
          %broadcast_in_dim3A_719 = vector.broadcast %broadcast_in_dim3A_718 : i1 to vector<16xi1>
          %while3A_720 = scf.while (%while3A_776 = %broadcast_in_dim3A_719) : (vector<16xi1>) -> vector<16xi1> {
            %reduce_or3A = arith.constant 1.000000e+00 : f32
            %reduce_or3A_777 = arith.constant 0.000000e+00 : f32
            %reduce_or3A_778 = vector.broadcast %reduce_or3A : f32 to vector<16xf32>
            %reduce_or3A_779 = vector.broadcast %reduce_or3A_777 : f32 to vector<16xf32>
            %reduce_or3A_780 = arith.select %while3A_776, %reduce_or3A_778, %reduce_or3A_779 : vector<16xi1>, vector<16xf32>
            %reduce_or3A_781 = arith.constant true
            %reduce_or3A_782 = vector.broadcast %reduce_or3A_781 : i1 to vector<16xi1>
            %reduce_or3A_783 = tpu.scan <max>, %reduce_or3A_780 masked %reduce_or3A_782 : vector<16xf32>, vector<16xi1> -> vector<16xf32>
            %reduce_or3A_784 = vector.extract %reduce_or3A_783[15] : f32 from vector<16xf32>
            %reduce_or3A_785 = arith.constant 0.000000e+00 : f32
            %reduce_or3A_786 = arith.cmpf ogt, %reduce_or3A_784, %reduce_or3A_785 : f32
            scf.condition(%reduce_or3A_786) %while3A_776 : vector<16xi1>
          } do {
          ^bb0(%while3A_776: vector<16xi1>):
            %gather3A = tpu.vector_load_idx %arg6[%add3A_717] : memref<80000xf32, #tpu.memory_space<vmem>>[vector<16xi32>], vector<16xf32>,
            %max3A = arith.maximumf %gather3A, %get3A_608 : vector<16xf32>
            tpu.vector_store_idx %arg6[%add3A_717], %max3A masked %while3A_776 : memref<80000xf32, #tpu.memory_space<vmem>>[vector<16xi32>], vector<16xf32>, vector<16xi1>
            %gather3A_777 = tpu.vector_load_idx %arg6[%add3A_717] : memref<80000xf32, #tpu.memory_space<vmem>>[vector<16xi32>], vector<16xf32>,
            %lt3A_778 = arith.cmpf olt, %gather3A_777, %get3A_608 : vector<16xf32>
            %and3A_779 = arith.andi %while3A_776, %lt3A_778 : vector<16xi1>
            scf.yield %and3A_779 : vector<16xi1>
          }
          %add3A_721 = arith.constant 70000 : i32
          %add3A_722 = vector.broadcast %add3A_721 : i32 to vector<16xi32>
          %add3A_723 = arith.addi %get3A_566, %add3A_722 : vector<16xi32>
          %broadcast_in_dim3A_724 = arith.constant true
          %broadcast_in_dim3A_725 = vector.broadcast %broadcast_in_dim3A_724 : i1 to vector<16xi1>
          %while3A_726 = scf.while (%while3A_776 = %broadcast_in_dim3A_725) : (vector<16xi1>) -> vector<16xi1> {
            %reduce_or3A = arith.constant 1.000000e+00 : f32
            %reduce_or3A_777 = arith.constant 0.000000e+00 : f32
            %reduce_or3A_778 = vector.broadcast %reduce_or3A : f32 to vector<16xf32>
            %reduce_or3A_779 = vector.broadcast %reduce_or3A_777 : f32 to vector<16xf32>
            %reduce_or3A_780 = arith.select %while3A_776, %reduce_or3A_778, %reduce_or3A_779 : vector<16xi1>, vector<16xf32>
            %reduce_or3A_781 = arith.constant true
            %reduce_or3A_782 = vector.broadcast %reduce_or3A_781 : i1 to vector<16xi1>
            %reduce_or3A_783 = tpu.scan <max>, %reduce_or3A_780 masked %reduce_or3A_782 : vector<16xf32>, vector<16xi1> -> vector<16xf32>
            %reduce_or3A_784 = vector.extract %reduce_or3A_783[15] : f32 from vector<16xf32>
            %reduce_or3A_785 = arith.constant 0.000000e+00 : f32
            %reduce_or3A_786 = arith.cmpf ogt, %reduce_or3A_784, %reduce_or3A_785 : f32
            scf.condition(%reduce_or3A_786) %while3A_776 : vector<16xi1>
          } do {
          ^bb0(%while3A_776: vector<16xi1>):
            %gather3A = tpu.vector_load_idx %arg6[%add3A_723] : memref<80000xf32, #tpu.memory_space<vmem>>[vector<16xi32>], vector<16xf32>,
            %max3A = arith.maximumf %gather3A, %get3A_614 : vector<16xf32>
            tpu.vector_store_idx %arg6[%add3A_723], %max3A masked %while3A_776 : memref<80000xf32, #tpu.memory_space<vmem>>[vector<16xi32>], vector<16xf32>, vector<16xi1>
            %gather3A_777 = tpu.vector_load_idx %arg6[%add3A_723] : memref<80000xf32, #tpu.memory_space<vmem>>[vector<16xi32>], vector<16xf32>,
            %lt3A_778 = arith.cmpf olt, %gather3A_777, %get3A_614 : vector<16xf32>
            %and3A_779 = arith.andi %while3A_776, %lt3A_778 : vector<16xi1>
            scf.yield %and3A_779 : vector<16xi1>
          }
          %add3A_727 = arith.constant 0 : i32
          %add3A_728 = vector.broadcast %add3A_727 : i32 to vector<16xi32>
          %add3A_729 = arith.addi %get3A_622, %add3A_728 : vector<16xi32>
          %broadcast_in_dim3A_730 = arith.constant true
          %broadcast_in_dim3A_731 = vector.broadcast %broadcast_in_dim3A_730 : i1 to vector<16xi1>
          %while3A_732 = scf.while (%while3A_776 = %broadcast_in_dim3A_731) : (vector<16xi1>) -> vector<16xi1> {
            %reduce_or3A = arith.constant 1.000000e+00 : f32
            %reduce_or3A_777 = arith.constant 0.000000e+00 : f32
            %reduce_or3A_778 = vector.broadcast %reduce_or3A : f32 to vector<16xf32>
            %reduce_or3A_779 = vector.broadcast %reduce_or3A_777 : f32 to vector<16xf32>
            %reduce_or3A_780 = arith.select %while3A_776, %reduce_or3A_778, %reduce_or3A_779 : vector<16xi1>, vector<16xf32>
            %reduce_or3A_781 = arith.constant true
            %reduce_or3A_782 = vector.broadcast %reduce_or3A_781 : i1 to vector<16xi1>
            %reduce_or3A_783 = tpu.scan <max>, %reduce_or3A_780 masked %reduce_or3A_782 : vector<16xf32>, vector<16xi1> -> vector<16xf32>
            %reduce_or3A_784 = vector.extract %reduce_or3A_783[15] : f32 from vector<16xf32>
            %reduce_or3A_785 = arith.constant 0.000000e+00 : f32
            %reduce_or3A_786 = arith.cmpf ogt, %reduce_or3A_784, %reduce_or3A_785 : f32
            scf.condition(%reduce_or3A_786) %while3A_776 : vector<16xi1>
          } do {
          ^bb0(%while3A_776: vector<16xi1>):
            %gather3A = tpu.vector_load_idx %arg6[%add3A_729] : memref<80000xf32, #tpu.memory_space<vmem>>[vector<16xi32>], vector<16xf32>,
            %max3A = arith.maximumf %gather3A, %get3A_628 : vector<16xf32>
            tpu.vector_store_idx %arg6[%add3A_729], %max3A masked %while3A_776 : memref<80000xf32, #tpu.memory_space<vmem>>[vector<16xi32>], vector<16xf32>, vector<16xi1>
            %gather3A_777 = tpu.vector_load_idx %arg6[%add3A_729] : memref<80000xf32, #tpu.memory_space<vmem>>[vector<16xi32>], vector<16xf32>,
            %lt3A_778 = arith.cmpf olt, %gather3A_777, %get3A_628 : vector<16xf32>
            %and3A_779 = arith.andi %while3A_776, %lt3A_778 : vector<16xi1>
            scf.yield %and3A_779 : vector<16xi1>
          }
          %add3A_733 = arith.constant 10000 : i32
          %add3A_734 = vector.broadcast %add3A_733 : i32 to vector<16xi32>
          %add3A_735 = arith.addi %get3A_622, %add3A_734 : vector<16xi32>
          %broadcast_in_dim3A_736 = arith.constant true
          %broadcast_in_dim3A_737 = vector.broadcast %broadcast_in_dim3A_736 : i1 to vector<16xi1>
          %while3A_738 = scf.while (%while3A_776 = %broadcast_in_dim3A_737) : (vector<16xi1>) -> vector<16xi1> {
            %reduce_or3A = arith.constant 1.000000e+00 : f32
            %reduce_or3A_777 = arith.constant 0.000000e+00 : f32
            %reduce_or3A_778 = vector.broadcast %reduce_or3A : f32 to vector<16xf32>
            %reduce_or3A_779 = vector.broadcast %reduce_or3A_777 : f32 to vector<16xf32>
            %reduce_or3A_780 = arith.select %while3A_776, %reduce_or3A_778, %reduce_or3A_779 : vector<16xi1>, vector<16xf32>
            %reduce_or3A_781 = arith.constant true
            %reduce_or3A_782 = vector.broadcast %reduce_or3A_781 : i1 to vector<16xi1>
            %reduce_or3A_783 = tpu.scan <max>, %reduce_or3A_780 masked %reduce_or3A_782 : vector<16xf32>, vector<16xi1> -> vector<16xf32>
            %reduce_or3A_784 = vector.extract %reduce_or3A_783[15] : f32 from vector<16xf32>
            %reduce_or3A_785 = arith.constant 0.000000e+00 : f32
            %reduce_or3A_786 = arith.cmpf ogt, %reduce_or3A_784, %reduce_or3A_785 : f32
            scf.condition(%reduce_or3A_786) %while3A_776 : vector<16xi1>
          } do {
          ^bb0(%while3A_776: vector<16xi1>):
            %gather3A = tpu.vector_load_idx %arg6[%add3A_735] : memref<80000xf32, #tpu.memory_space<vmem>>[vector<16xi32>], vector<16xf32>,
            %max3A = arith.maximumf %gather3A, %get3A_634 : vector<16xf32>
            tpu.vector_store_idx %arg6[%add3A_735], %max3A masked %while3A_776 : memref<80000xf32, #tpu.memory_space<vmem>>[vector<16xi32>], vector<16xf32>, vector<16xi1>
            %gather3A_777 = tpu.vector_load_idx %arg6[%add3A_735] : memref<80000xf32, #tpu.memory_space<vmem>>[vector<16xi32>], vector<16xf32>,
            %lt3A_778 = arith.cmpf olt, %gather3A_777, %get3A_634 : vector<16xf32>
            %and3A_779 = arith.andi %while3A_776, %lt3A_778 : vector<16xi1>
            scf.yield %and3A_779 : vector<16xi1>
          }
          %add3A_739 = arith.constant 20000 : i32
          %add3A_740 = vector.broadcast %add3A_739 : i32 to vector<16xi32>
          %add3A_741 = arith.addi %get3A_622, %add3A_740 : vector<16xi32>
          %broadcast_in_dim3A_742 = arith.constant true
          %broadcast_in_dim3A_743 = vector.broadcast %broadcast_in_dim3A_742 : i1 to vector<16xi1>
          %while3A_744 = scf.while (%while3A_776 = %broadcast_in_dim3A_743) : (vector<16xi1>) -> vector<16xi1> {
            %reduce_or3A = arith.constant 1.000000e+00 : f32
            %reduce_or3A_777 = arith.constant 0.000000e+00 : f32
            %reduce_or3A_778 = vector.broadcast %reduce_or3A : f32 to vector<16xf32>
            %reduce_or3A_779 = vector.broadcast %reduce_or3A_777 : f32 to vector<16xf32>
            %reduce_or3A_780 = arith.select %while3A_776, %reduce_or3A_778, %reduce_or3A_779 : vector<16xi1>, vector<16xf32>
            %reduce_or3A_781 = arith.constant true
            %reduce_or3A_782 = vector.broadcast %reduce_or3A_781 : i1 to vector<16xi1>
            %reduce_or3A_783 = tpu.scan <max>, %reduce_or3A_780 masked %reduce_or3A_782 : vector<16xf32>, vector<16xi1> -> vector<16xf32>
            %reduce_or3A_784 = vector.extract %reduce_or3A_783[15] : f32 from vector<16xf32>
            %reduce_or3A_785 = arith.constant 0.000000e+00 : f32
            %reduce_or3A_786 = arith.cmpf ogt, %reduce_or3A_784, %reduce_or3A_785 : f32
            scf.condition(%reduce_or3A_786) %while3A_776 : vector<16xi1>
          } do {
          ^bb0(%while3A_776: vector<16xi1>):
            %gather3A = tpu.vector_load_idx %arg6[%add3A_741] : memref<80000xf32, #tpu.memory_space<vmem>>[vector<16xi32>], vector<16xf32>,
            %max3A = arith.maximumf %gather3A, %get3A_640 : vector<16xf32>
            tpu.vector_store_idx %arg6[%add3A_741], %max3A masked %while3A_776 : memref<80000xf32, #tpu.memory_space<vmem>>[vector<16xi32>], vector<16xf32>, vector<16xi1>
            %gather3A_777 = tpu.vector_load_idx %arg6[%add3A_741] : memref<80000xf32, #tpu.memory_space<vmem>>[vector<16xi32>], vector<16xf32>,
            %lt3A_778 = arith.cmpf olt, %gather3A_777, %get3A_640 : vector<16xf32>
            %and3A_779 = arith.andi %while3A_776, %lt3A_778 : vector<16xi1>
            scf.yield %and3A_779 : vector<16xi1>
          }
          %add3A_745 = arith.constant 30000 : i32
          %add3A_746 = vector.broadcast %add3A_745 : i32 to vector<16xi32>
          %add3A_747 = arith.addi %get3A_622, %add3A_746 : vector<16xi32>
          %broadcast_in_dim3A_748 = arith.constant true
          %broadcast_in_dim3A_749 = vector.broadcast %broadcast_in_dim3A_748 : i1 to vector<16xi1>
          %while3A_750 = scf.while (%while3A_776 = %broadcast_in_dim3A_749) : (vector<16xi1>) -> vector<16xi1> {
            %reduce_or3A = arith.constant 1.000000e+00 : f32
            %reduce_or3A_777 = arith.constant 0.000000e+00 : f32
            %reduce_or3A_778 = vector.broadcast %reduce_or3A : f32 to vector<16xf32>
            %reduce_or3A_779 = vector.broadcast %reduce_or3A_777 : f32 to vector<16xf32>
            %reduce_or3A_780 = arith.select %while3A_776, %reduce_or3A_778, %reduce_or3A_779 : vector<16xi1>, vector<16xf32>
            %reduce_or3A_781 = arith.constant true
            %reduce_or3A_782 = vector.broadcast %reduce_or3A_781 : i1 to vector<16xi1>
            %reduce_or3A_783 = tpu.scan <max>, %reduce_or3A_780 masked %reduce_or3A_782 : vector<16xf32>, vector<16xi1> -> vector<16xf32>
            %reduce_or3A_784 = vector.extract %reduce_or3A_783[15] : f32 from vector<16xf32>
            %reduce_or3A_785 = arith.constant 0.000000e+00 : f32
            %reduce_or3A_786 = arith.cmpf ogt, %reduce_or3A_784, %reduce_or3A_785 : f32
            scf.condition(%reduce_or3A_786) %while3A_776 : vector<16xi1>
          } do {
          ^bb0(%while3A_776: vector<16xi1>):
            %gather3A = tpu.vector_load_idx %arg6[%add3A_747] : memref<80000xf32, #tpu.memory_space<vmem>>[vector<16xi32>], vector<16xf32>,
            %max3A = arith.maximumf %gather3A, %get3A_646 : vector<16xf32>
            tpu.vector_store_idx %arg6[%add3A_747], %max3A masked %while3A_776 : memref<80000xf32, #tpu.memory_space<vmem>>[vector<16xi32>], vector<16xf32>, vector<16xi1>
            %gather3A_777 = tpu.vector_load_idx %arg6[%add3A_747] : memref<80000xf32, #tpu.memory_space<vmem>>[vector<16xi32>], vector<16xf32>,
            %lt3A_778 = arith.cmpf olt, %gather3A_777, %get3A_646 : vector<16xf32>
            %and3A_779 = arith.andi %while3A_776, %lt3A_778 : vector<16xi1>
            scf.yield %and3A_779 : vector<16xi1>
          }
          %add3A_751 = arith.constant 40000 : i32
          %add3A_752 = vector.broadcast %add3A_751 : i32 to vector<16xi32>
          %add3A_753 = arith.addi %get3A_622, %add3A_752 : vector<16xi32>
          %broadcast_in_dim3A_754 = arith.constant true
          %broadcast_in_dim3A_755 = vector.broadcast %broadcast_in_dim3A_754 : i1 to vector<16xi1>
          %while3A_756 = scf.while (%while3A_776 = %broadcast_in_dim3A_755) : (vector<16xi1>) -> vector<16xi1> {
            %reduce_or3A = arith.constant 1.000000e+00 : f32
            %reduce_or3A_777 = arith.constant 0.000000e+00 : f32
            %reduce_or3A_778 = vector.broadcast %reduce_or3A : f32 to vector<16xf32>
            %reduce_or3A_779 = vector.broadcast %reduce_or3A_777 : f32 to vector<16xf32>
            %reduce_or3A_780 = arith.select %while3A_776, %reduce_or3A_778, %reduce_or3A_779 : vector<16xi1>, vector<16xf32>
            %reduce_or3A_781 = arith.constant true
            %reduce_or3A_782 = vector.broadcast %reduce_or3A_781 : i1 to vector<16xi1>
            %reduce_or3A_783 = tpu.scan <max>, %reduce_or3A_780 masked %reduce_or3A_782 : vector<16xf32>, vector<16xi1> -> vector<16xf32>
            %reduce_or3A_784 = vector.extract %reduce_or3A_783[15] : f32 from vector<16xf32>
            %reduce_or3A_785 = arith.constant 0.000000e+00 : f32
            %reduce_or3A_786 = arith.cmpf ogt, %reduce_or3A_784, %reduce_or3A_785 : f32
            scf.condition(%reduce_or3A_786) %while3A_776 : vector<16xi1>
          } do {
          ^bb0(%while3A_776: vector<16xi1>):
            %gather3A = tpu.vector_load_idx %arg6[%add3A_753] : memref<80000xf32, #tpu.memory_space<vmem>>[vector<16xi32>], vector<16xf32>,
            %max3A = arith.maximumf %gather3A, %get3A_652 : vector<16xf32>
            tpu.vector_store_idx %arg6[%add3A_753], %max3A masked %while3A_776 : memref<80000xf32, #tpu.memory_space<vmem>>[vector<16xi32>], vector<16xf32>, vector<16xi1>
            %gather3A_777 = tpu.vector_load_idx %arg6[%add3A_753] : memref<80000xf32, #tpu.memory_space<vmem>>[vector<16xi32>], vector<16xf32>,
            %lt3A_778 = arith.cmpf olt, %gather3A_777, %get3A_652 : vector<16xf32>
            %and3A_779 = arith.andi %while3A_776, %lt3A_778 : vector<16xi1>
            scf.yield %and3A_779 : vector<16xi1>
          }
          %add3A_757 = arith.constant 50000 : i32
          %add3A_758 = vector.broadcast %add3A_757 : i32 to vector<16xi32>
          %add3A_759 = arith.addi %get3A_622, %add3A_758 : vector<16xi32>
          %broadcast_in_dim3A_760 = arith.constant true
          %broadcast_in_dim3A_761 = vector.broadcast %broadcast_in_dim3A_760 : i1 to vector<16xi1>
          %while3A_762 = scf.while (%while3A_776 = %broadcast_in_dim3A_761) : (vector<16xi1>) -> vector<16xi1> {
            %reduce_or3A = arith.constant 1.000000e+00 : f32
            %reduce_or3A_777 = arith.constant 0.000000e+00 : f32
            %reduce_or3A_778 = vector.broadcast %reduce_or3A : f32 to vector<16xf32>
            %reduce_or3A_779 = vector.broadcast %reduce_or3A_777 : f32 to vector<16xf32>
            %reduce_or3A_780 = arith.select %while3A_776, %reduce_or3A_778, %reduce_or3A_779 : vector<16xi1>, vector<16xf32>
            %reduce_or3A_781 = arith.constant true
            %reduce_or3A_782 = vector.broadcast %reduce_or3A_781 : i1 to vector<16xi1>
            %reduce_or3A_783 = tpu.scan <max>, %reduce_or3A_780 masked %reduce_or3A_782 : vector<16xf32>, vector<16xi1> -> vector<16xf32>
            %reduce_or3A_784 = vector.extract %reduce_or3A_783[15] : f32 from vector<16xf32>
            %reduce_or3A_785 = arith.constant 0.000000e+00 : f32
            %reduce_or3A_786 = arith.cmpf ogt, %reduce_or3A_784, %reduce_or3A_785 : f32
            scf.condition(%reduce_or3A_786) %while3A_776 : vector<16xi1>
          } do {
          ^bb0(%while3A_776: vector<16xi1>):
            %gather3A = tpu.vector_load_idx %arg6[%add3A_759] : memref<80000xf32, #tpu.memory_space<vmem>>[vector<16xi32>], vector<16xf32>,
            %max3A = arith.maximumf %gather3A, %get3A_658 : vector<16xf32>
            tpu.vector_store_idx %arg6[%add3A_759], %max3A masked %while3A_776 : memref<80000xf32, #tpu.memory_space<vmem>>[vector<16xi32>], vector<16xf32>, vector<16xi1>
            %gather3A_777 = tpu.vector_load_idx %arg6[%add3A_759] : memref<80000xf32, #tpu.memory_space<vmem>>[vector<16xi32>], vector<16xf32>,
            %lt3A_778 = arith.cmpf olt, %gather3A_777, %get3A_658 : vector<16xf32>
            %and3A_779 = arith.andi %while3A_776, %lt3A_778 : vector<16xi1>
            scf.yield %and3A_779 : vector<16xi1>
          }
          %add3A_763 = arith.constant 60000 : i32
          %add3A_764 = vector.broadcast %add3A_763 : i32 to vector<16xi32>
          %add3A_765 = arith.addi %get3A_622, %add3A_764 : vector<16xi32>
          %broadcast_in_dim3A_766 = arith.constant true
          %broadcast_in_dim3A_767 = vector.broadcast %broadcast_in_dim3A_766 : i1 to vector<16xi1>
          %while3A_768 = scf.while (%while3A_776 = %broadcast_in_dim3A_767) : (vector<16xi1>) -> vector<16xi1> {
            %reduce_or3A = arith.constant 1.000000e+00 : f32
            %reduce_or3A_777 = arith.constant 0.000000e+00 : f32
            %reduce_or3A_778 = vector.broadcast %reduce_or3A : f32 to vector<16xf32>
            %reduce_or3A_779 = vector.broadcast %reduce_or3A_777 : f32 to vector<16xf32>
            %reduce_or3A_780 = arith.select %while3A_776, %reduce_or3A_778, %reduce_or3A_779 : vector<16xi1>, vector<16xf32>
            %reduce_or3A_781 = arith.constant true
            %reduce_or3A_782 = vector.broadcast %reduce_or3A_781 : i1 to vector<16xi1>
            %reduce_or3A_783 = tpu.scan <max>, %reduce_or3A_780 masked %reduce_or3A_782 : vector<16xf32>, vector<16xi1> -> vector<16xf32>
            %reduce_or3A_784 = vector.extract %reduce_or3A_783[15] : f32 from vector<16xf32>
            %reduce_or3A_785 = arith.constant 0.000000e+00 : f32
            %reduce_or3A_786 = arith.cmpf ogt, %reduce_or3A_784, %reduce_or3A_785 : f32
            scf.condition(%reduce_or3A_786) %while3A_776 : vector<16xi1>
          } do {
          ^bb0(%while3A_776: vector<16xi1>):
            %gather3A = tpu.vector_load_idx %arg6[%add3A_765] : memref<80000xf32, #tpu.memory_space<vmem>>[vector<16xi32>], vector<16xf32>,
            %max3A = arith.maximumf %gather3A, %get3A_664 : vector<16xf32>
            tpu.vector_store_idx %arg6[%add3A_765], %max3A masked %while3A_776 : memref<80000xf32, #tpu.memory_space<vmem>>[vector<16xi32>], vector<16xf32>, vector<16xi1>
            %gather3A_777 = tpu.vector_load_idx %arg6[%add3A_765] : memref<80000xf32, #tpu.memory_space<vmem>>[vector<16xi32>], vector<16xf32>,
            %lt3A_778 = arith.cmpf olt, %gather3A_777, %get3A_664 : vector<16xf32>
            %and3A_779 = arith.andi %while3A_776, %lt3A_778 : vector<16xi1>
            scf.yield %and3A_779 : vector<16xi1>
          }
          %add3A_769 = arith.constant 70000 : i32
          %add3A_770 = vector.broadcast %add3A_769 : i32 to vector<16xi32>
          %add3A_771 = arith.addi %get3A_622, %add3A_770 : vector<16xi32>
          %broadcast_in_dim3A_772 = arith.constant true
          %broadcast_in_dim3A_773 = vector.broadcast %broadcast_in_dim3A_772 : i1 to vector<16xi1>
          %while3A_774 = scf.while (%while3A_776 = %broadcast_in_dim3A_773) : (vector<16xi1>) -> vector<16xi1> {
            %reduce_or3A = arith.constant 1.000000e+00 : f32
            %reduce_or3A_777 = arith.constant 0.000000e+00 : f32
            %reduce_or3A_778 = vector.broadcast %reduce_or3A : f32 to vector<16xf32>
            %reduce_or3A_779 = vector.broadcast %reduce_or3A_777 : f32 to vector<16xf32>
            %reduce_or3A_780 = arith.select %while3A_776, %reduce_or3A_778, %reduce_or3A_779 : vector<16xi1>, vector<16xf32>
            %reduce_or3A_781 = arith.constant true
            %reduce_or3A_782 = vector.broadcast %reduce_or3A_781 : i1 to vector<16xi1>
            %reduce_or3A_783 = tpu.scan <max>, %reduce_or3A_780 masked %reduce_or3A_782 : vector<16xf32>, vector<16xi1> -> vector<16xf32>
            %reduce_or3A_784 = vector.extract %reduce_or3A_783[15] : f32 from vector<16xf32>
            %reduce_or3A_785 = arith.constant 0.000000e+00 : f32
            %reduce_or3A_786 = arith.cmpf ogt, %reduce_or3A_784, %reduce_or3A_785 : f32
            scf.condition(%reduce_or3A_786) %while3A_776 : vector<16xi1>
          } do {
          ^bb0(%while3A_776: vector<16xi1>):
            %gather3A = tpu.vector_load_idx %arg6[%add3A_771] : memref<80000xf32, #tpu.memory_space<vmem>>[vector<16xi32>], vector<16xf32>,
            %max3A = arith.maximumf %gather3A, %get3A_670 : vector<16xf32>
            tpu.vector_store_idx %arg6[%add3A_771], %max3A masked %while3A_776 : memref<80000xf32, #tpu.memory_space<vmem>>[vector<16xi32>], vector<16xf32>, vector<16xi1>
            %gather3A_777 = tpu.vector_load_idx %arg6[%add3A_771] : memref<80000xf32, #tpu.memory_space<vmem>>[vector<16xi32>], vector<16xf32>,
            %lt3A_778 = arith.cmpf olt, %gather3A_777, %get3A_670 : vector<16xf32>
            %and3A_779 = arith.andi %while3A_776, %lt3A_778 : vector<16xi1>
            scf.yield %and3A_779 : vector<16xi1>
          }
          %cond3A_775 = arith.constant 0 : i32
          scf.yield %cond3A_775 : i32
        } else {
          %add3A_680 = arith.constant 0 : i32
          %add3A_681 = vector.broadcast %add3A_680 : i32 to vector<16xi32>
          %add3A_682 = arith.addi %get3A_566, %add3A_681 : vector<16xi32>
          %add3A_683 = arith.constant 10000 : i32
          %add3A_684 = vector.broadcast %add3A_683 : i32 to vector<16xi32>
          %add3A_685 = arith.addi %get3A_566, %add3A_684 : vector<16xi32>
          %add3A_686 = arith.constant 20000 : i32
          %add3A_687 = vector.broadcast %add3A_686 : i32 to vector<16xi32>
          %add3A_688 = arith.addi %get3A_566, %add3A_687 : vector<16xi32>
          %add3A_689 = arith.constant 30000 : i32
          %add3A_690 = vector.broadcast %add3A_689 : i32 to vector<16xi32>
          %add3A_691 = arith.addi %get3A_566, %add3A_690 : vector<16xi32>
          %add3A_692 = arith.constant 40000 : i32
          %add3A_693 = vector.broadcast %add3A_692 : i32 to vector<16xi32>
          %add3A_694 = arith.addi %get3A_566, %add3A_693 : vector<16xi32>
          %add3A_695 = arith.constant 50000 : i32
          %add3A_696 = vector.broadcast %add3A_695 : i32 to vector<16xi32>
          %add3A_697 = arith.addi %get3A_566, %add3A_696 : vector<16xi32>
          %add3A_698 = arith.constant 60000 : i32
          %add3A_699 = vector.broadcast %add3A_698 : i32 to vector<16xi32>
          %add3A_700 = arith.addi %get3A_566, %add3A_699 : vector<16xi32>
          %add3A_701 = arith.constant 70000 : i32
          %add3A_702 = vector.broadcast %add3A_701 : i32 to vector<16xi32>
          %add3A_703 = arith.addi %get3A_566, %add3A_702 : vector<16xi32>
          %gather3A = tpu.vector_load_idx %arg6[%add3A_682] : memref<80000xf32, #tpu.memory_space<vmem>>[vector<16xi32>], vector<16xf32>,
          %gather3A_704 = tpu.vector_load_idx %arg6[%add3A_685] : memref<80000xf32, #tpu.memory_space<vmem>>[vector<16xi32>], vector<16xf32>,
          %gather3A_705 = tpu.vector_load_idx %arg6[%add3A_688] : memref<80000xf32, #tpu.memory_space<vmem>>[vector<16xi32>], vector<16xf32>,
          %gather3A_706 = tpu.vector_load_idx %arg6[%add3A_691] : memref<80000xf32, #tpu.memory_space<vmem>>[vector<16xi32>], vector<16xf32>,
          %gather3A_707 = tpu.vector_load_idx %arg6[%add3A_694] : memref<80000xf32, #tpu.memory_space<vmem>>[vector<16xi32>], vector<16xf32>,
          %gather3A_708 = tpu.vector_load_idx %arg6[%add3A_697] : memref<80000xf32, #tpu.memory_space<vmem>>[vector<16xi32>], vector<16xf32>,
          %gather3A_709 = tpu.vector_load_idx %arg6[%add3A_700] : memref<80000xf32, #tpu.memory_space<vmem>>[vector<16xi32>], vector<16xf32>,
          %gather3A_710 = tpu.vector_load_idx %arg6[%add3A_703] : memref<80000xf32, #tpu.memory_space<vmem>>[vector<16xi32>], vector<16xf32>,
          %max3A = arith.maximumf %gather3A, %get3A_572 : vector<16xf32>
          tpu.vector_store_idx %arg6[%add3A_682], %max3A : memref<80000xf32, #tpu.memory_space<vmem>>[vector<16xi32>], vector<16xf32>,
          %max3A_711 = arith.maximumf %gather3A_704, %get3A_578 : vector<16xf32>
          tpu.vector_store_idx %arg6[%add3A_685], %max3A_711 : memref<80000xf32, #tpu.memory_space<vmem>>[vector<16xi32>], vector<16xf32>,
          %max3A_712 = arith.maximumf %gather3A_705, %get3A_584 : vector<16xf32>
          tpu.vector_store_idx %arg6[%add3A_688], %max3A_712 : memref<80000xf32, #tpu.memory_space<vmem>>[vector<16xi32>], vector<16xf32>,
          %max3A_713 = arith.maximumf %gather3A_706, %get3A_590 : vector<16xf32>
          tpu.vector_store_idx %arg6[%add3A_691], %max3A_713 : memref<80000xf32, #tpu.memory_space<vmem>>[vector<16xi32>], vector<16xf32>,
          %max3A_714 = arith.maximumf %gather3A_707, %get3A_596 : vector<16xf32>
          tpu.vector_store_idx %arg6[%add3A_694], %max3A_714 : memref<80000xf32, #tpu.memory_space<vmem>>[vector<16xi32>], vector<16xf32>,
          %max3A_715 = arith.maximumf %gather3A_708, %get3A_602 : vector<16xf32>
          tpu.vector_store_idx %arg6[%add3A_697], %max3A_715 : memref<80000xf32, #tpu.memory_space<vmem>>[vector<16xi32>], vector<16xf32>,
          %max3A_716 = arith.maximumf %gather3A_709, %get3A_608 : vector<16xf32>
          tpu.vector_store_idx %arg6[%add3A_700], %max3A_716 : memref<80000xf32, #tpu.memory_space<vmem>>[vector<16xi32>], vector<16xf32>,
          %max3A_717 = arith.maximumf %gather3A_710, %get3A_614 : vector<16xf32>
          tpu.vector_store_idx %arg6[%add3A_703], %max3A_717 : memref<80000xf32, #tpu.memory_space<vmem>>[vector<16xi32>], vector<16xf32>,
          %add3A_718 = arith.constant 0 : i32
          %add3A_719 = vector.broadcast %add3A_718 : i32 to vector<16xi32>
          %add3A_720 = arith.addi %get3A_622, %add3A_719 : vector<16xi32>
          %add3A_721 = arith.constant 10000 : i32
          %add3A_722 = vector.broadcast %add3A_721 : i32 to vector<16xi32>
          %add3A_723 = arith.addi %get3A_622, %add3A_722 : vector<16xi32>
          %add3A_724 = arith.constant 20000 : i32
          %add3A_725 = vector.broadcast %add3A_724 : i32 to vector<16xi32>
          %add3A_726 = arith.addi %get3A_622, %add3A_725 : vector<16xi32>
          %add3A_727 = arith.constant 30000 : i32
          %add3A_728 = vector.broadcast %add3A_727 : i32 to vector<16xi32>
          %add3A_729 = arith.addi %get3A_622, %add3A_728 : vector<16xi32>
          %add3A_730 = arith.constant 40000 : i32
          %add3A_731 = vector.broadcast %add3A_730 : i32 to vector<16xi32>
          %add3A_732 = arith.addi %get3A_622, %add3A_731 : vector<16xi32>
          %add3A_733 = arith.constant 50000 : i32
          %add3A_734 = vector.broadcast %add3A_733 : i32 to vector<16xi32>
          %add3A_735 = arith.addi %get3A_622, %add3A_734 : vector<16xi32>
          %add3A_736 = arith.constant 60000 : i32
          %add3A_737 = vector.broadcast %add3A_736 : i32 to vector<16xi32>
          %add3A_738 = arith.addi %get3A_622, %add3A_737 : vector<16xi32>
          %add3A_739 = arith.constant 70000 : i32
          %add3A_740 = vector.broadcast %add3A_739 : i32 to vector<16xi32>
          %add3A_741 = arith.addi %get3A_622, %add3A_740 : vector<16xi32>
          %gather3A_742 = tpu.vector_load_idx %arg6[%add3A_720] : memref<80000xf32, #tpu.memory_space<vmem>>[vector<16xi32>], vector<16xf32>,
          %gather3A_743 = tpu.vector_load_idx %arg6[%add3A_723] : memref<80000xf32, #tpu.memory_space<vmem>>[vector<16xi32>], vector<16xf32>,
          %gather3A_744 = tpu.vector_load_idx %arg6[%add3A_726] : memref<80000xf32, #tpu.memory_space<vmem>>[vector<16xi32>], vector<16xf32>,
          %gather3A_745 = tpu.vector_load_idx %arg6[%add3A_729] : memref<80000xf32, #tpu.memory_space<vmem>>[vector<16xi32>], vector<16xf32>,
          %gather3A_746 = tpu.vector_load_idx %arg6[%add3A_732] : memref<80000xf32, #tpu.memory_space<vmem>>[vector<16xi32>], vector<16xf32>,
          %gather3A_747 = tpu.vector_load_idx %arg6[%add3A_735] : memref<80000xf32, #tpu.memory_space<vmem>>[vector<16xi32>], vector<16xf32>,
          %gather3A_748 = tpu.vector_load_idx %arg6[%add3A_738] : memref<80000xf32, #tpu.memory_space<vmem>>[vector<16xi32>], vector<16xf32>,
          %gather3A_749 = tpu.vector_load_idx %arg6[%add3A_741] : memref<80000xf32, #tpu.memory_space<vmem>>[vector<16xi32>], vector<16xf32>,
          %max3A_750 = arith.maximumf %gather3A_742, %get3A_628 : vector<16xf32>
          tpu.vector_store_idx %arg6[%add3A_720], %max3A_750 : memref<80000xf32, #tpu.memory_space<vmem>>[vector<16xi32>], vector<16xf32>,
          %max3A_751 = arith.maximumf %gather3A_743, %get3A_634 : vector<16xf32>
          tpu.vector_store_idx %arg6[%add3A_723], %max3A_751 : memref<80000xf32, #tpu.memory_space<vmem>>[vector<16xi32>], vector<16xf32>,
          %max3A_752 = arith.maximumf %gather3A_744, %get3A_640 : vector<16xf32>
          tpu.vector_store_idx %arg6[%add3A_726], %max3A_752 : memref<80000xf32, #tpu.memory_space<vmem>>[vector<16xi32>], vector<16xf32>,
          %max3A_753 = arith.maximumf %gather3A_745, %get3A_646 : vector<16xf32>
          tpu.vector_store_idx %arg6[%add3A_729], %max3A_753 : memref<80000xf32, #tpu.memory_space<vmem>>[vector<16xi32>], vector<16xf32>,
          %max3A_754 = arith.maximumf %gather3A_746, %get3A_652 : vector<16xf32>
          tpu.vector_store_idx %arg6[%add3A_732], %max3A_754 : memref<80000xf32, #tpu.memory_space<vmem>>[vector<16xi32>], vector<16xf32>,
          %max3A_755 = arith.maximumf %gather3A_747, %get3A_658 : vector<16xf32>
          tpu.vector_store_idx %arg6[%add3A_735], %max3A_755 : memref<80000xf32, #tpu.memory_space<vmem>>[vector<16xi32>], vector<16xf32>,
          %max3A_756 = arith.maximumf %gather3A_748, %get3A_664 : vector<16xf32>
          tpu.vector_store_idx %arg6[%add3A_738], %max3A_756 : memref<80000xf32, #tpu.memory_space<vmem>>[vector<16xi32>], vector<16xf32>,
          %max3A_757 = arith.maximumf %gather3A_749, %get3A_670 : vector<16xf32>
          tpu.vector_store_idx %arg6[%add3A_741], %max3A_757 : memref<80000xf32, #tpu.memory_space<vmem>>[vector<16xi32>], vector<16xf32>,
          %cond3A_758 = arith.constant 0 : i32
          scf.yield %cond3A_758 : i32
        }
      }
      %scan3A_442 = arith.constant 40 : i32
      %add3A_443 = arith.constant 2 : i32
      %add3A_444 = arith.addi %add3A_342, %add3A_443 : i32
      %lt3A_445 = arith.constant 125 : i32
      %lt3A_446 = arith.cmpi slt, %add3A_444, %lt3A_445 : i32
      %convert_element_type3A_447 = arith.extui %lt3A_446 : i1 to i32
      %cond3A_448 = arith.constant 0 : i32
      %cond3A_449 = arith.cmpi ne, %convert_element_type3A_447, %cond3A_448 : i32
      scf.if %cond3A_449 {
        %add3A_561 = arith.constant 2 : i32
        %add3A_562 = arith.addi %add3A_342, %add3A_561 : i32
        %mul3A_563 = arith.constant 1280 : i32
        %mul3A_564 = arith.muli %add3A_562, %mul3A_563 : i32
        %add3A_565 = arith.addi %mul3A_34, %mul3A_564 : i32
        %dma_start3A_566 = tpu.memref_slice %arg3[%add3A_565] : memref<320000xi32, #tpu.memory_space<hbm>> -> memref<1280xi32, #tpu.memory_space<hbm>>
        %dma_start3A_567 = tpu.memref_slice %arg3[%add3A_565] : memref<320000xi32, #tpu.memory_space<hbm>> -> memref<1280xi32, #tpu.memory_space<hbm>>
        tpu.enqueue_dma source(%dma_start3A_567 : memref<1280xi32, #tpu.memory_space<hbm>>) target(%arg8 : memref<1280xi32, #tpu.memory_space<vmem>>) target_semaphore(%arg15 : memref<!tpu.dma_semaphore, #tpu.memory_space<semaphore_mem>>)
        %mul3A_568 = arith.constant 40 : i32
        %mul3A_569 = arith.muli %add3A_562, %mul3A_568 : i32
        %add3A_570 = arith.addi %mul3A_36, %mul3A_569 : i32
        %dma_start3A_571 = arith.constant 0 : i32
        %dma_start3A_572 = tpu.memref_slice %arg9[%dma_start3A_571] : memref<56xi32, #tpu.memory_space<vmem>> -> memref<40xi32, #tpu.memory_space<vmem>>
        %dma_start3A_573 = tpu.memref_slice %arg4[%add3A_570] : memref<10000xi32, #tpu.memory_space<hbm>> -> memref<40xi32, #tpu.memory_space<hbm>>
        %dma_start3A_574 = arith.constant 0 : i32
        %dma_start3A_575 = tpu.memref_slice %arg9[%dma_start3A_574] : memref<56xi32, #tpu.memory_space<vmem>> -> memref<40xi32, #tpu.memory_space<vmem>>
        %dma_start3A_576 = tpu.memref_slice %arg4[%add3A_570] : memref<10000xi32, #tpu.memory_space<hbm>> -> memref<40xi32, #tpu.memory_space<hbm>>
        tpu.enqueue_dma source(%dma_start3A_576 : memref<40xi32, #tpu.memory_space<hbm>>) target(%dma_start3A_575 : memref<40xi32, #tpu.memory_space<vmem>>) target_semaphore(%arg15 : memref<!tpu.dma_semaphore, #tpu.memory_space<semaphore_mem>>)
        %add3A_577 = arith.constant 0 : i32
        %add3A_578 = arith.addi %mul3A_32, %add3A_577 : i32
        %dma_start3A_579 = arith.constant 0 : i32
        %dma_start3A_580 = tpu.memref_slice %arg7[%dma_start3A_579] : memref<10240xf32, #tpu.memory_space<vmem>> -> memref<1280xf32, #tpu.memory_space<vmem>>
        %dma_start3A_581 = tpu.memref_slice %arg2[%add3A_578, %add3A_565] : memref<128x320000xf32, #tpu.memory_space<hbm>> -> memref<1x1280xf32, #tpu.memory_space<hbm>>
        %dma_start3A_582 = tpu.memref_squeeze %dma_start3A_581 : memref<1x1280xf32, #tpu.memory_space<hbm>> -> memref<1280xf32, #tpu.memory_space<hbm>>
        %dma_start3A_583 = arith.constant 0 : i32
        %dma_start3A_584 = tpu.memref_slice %arg7[%dma_start3A_583] : memref<10240xf32, #tpu.memory_space<vmem>> -> memref<1280xf32, #tpu.memory_space<vmem>>
        %dma_start3A_585 = tpu.memref_slice %arg2[%add3A_578, %add3A_565] : memref<128x320000xf32, #tpu.memory_space<hbm>> -> memref<1x1280xf32, #tpu.memory_space<hbm>>
        %dma_start3A_586 = tpu.memref_squeeze %dma_start3A_585 : memref<1x1280xf32, #tpu.memory_space<hbm>> -> memref<1280xf32, #tpu.memory_space<hbm>>
        tpu.enqueue_dma source(%dma_start3A_586 : memref<1280xf32, #tpu.memory_space<hbm>>) target(%dma_start3A_584 : memref<1280xf32, #tpu.memory_space<vmem>>) target_semaphore(%arg15 : memref<!tpu.dma_semaphore, #tpu.memory_space<semaphore_mem>>)
        %add3A_587 = arith.constant 1 : i32
        %add3A_588 = arith.addi %mul3A_32, %add3A_587 : i32
        %dma_start3A_589 = arith.constant 1280 : i32
        %dma_start3A_590 = tpu.memref_slice %arg7[%dma_start3A_589] : memref<10240xf32, #tpu.memory_space<vmem>> -> memref<1280xf32, #tpu.memory_space<vmem>>
        %dma_start3A_591 = tpu.memref_slice %arg2[%add3A_588, %add3A_565] : memref<128x320000xf32, #tpu.memory_space<hbm>> -> memref<1x1280xf32, #tpu.memory_space<hbm>>
        %dma_start3A_592 = tpu.memref_squeeze %dma_start3A_591 : memref<1x1280xf32, #tpu.memory_space<hbm>> -> memref<1280xf32, #tpu.memory_space<hbm>>
        %dma_start3A_593 = arith.constant 1280 : i32
        %dma_start3A_594 = tpu.memref_slice %arg7[%dma_start3A_593] : memref<10240xf32, #tpu.memory_space<vmem>> -> memref<1280xf32, #tpu.memory_space<vmem>>
        %dma_start3A_595 = tpu.memref_slice %arg2[%add3A_588, %add3A_565] : memref<128x320000xf32, #tpu.memory_space<hbm>> -> memref<1x1280xf32, #tpu.memory_space<hbm>>
        %dma_start3A_596 = tpu.memref_squeeze %dma_start3A_595 : memref<1x1280xf32, #tpu.memory_space<hbm>> -> memref<1280xf32, #tpu.memory_space<hbm>>
        tpu.enqueue_dma source(%dma_start3A_596 : memref<1280xf32, #tpu.memory_space<hbm>>) target(%dma_start3A_594 : memref<1280xf32, #tpu.memory_space<vmem>>) target_semaphore(%arg15 : memref<!tpu.dma_semaphore, #tpu.memory_space<semaphore_mem>>)
        %add3A_597 = arith.constant 2 : i32
        %add3A_598 = arith.addi %mul3A_32, %add3A_597 : i32
        %dma_start3A_599 = arith.constant 2560 : i32
        %dma_start3A_600 = tpu.memref_slice %arg7[%dma_start3A_599] : memref<10240xf32, #tpu.memory_space<vmem>> -> memref<1280xf32, #tpu.memory_space<vmem>>
        %dma_start3A_601 = tpu.memref_slice %arg2[%add3A_598, %add3A_565] : memref<128x320000xf32, #tpu.memory_space<hbm>> -> memref<1x1280xf32, #tpu.memory_space<hbm>>
        %dma_start3A_602 = tpu.memref_squeeze %dma_start3A_601 : memref<1x1280xf32, #tpu.memory_space<hbm>> -> memref<1280xf32, #tpu.memory_space<hbm>>
        %dma_start3A_603 = arith.constant 2560 : i32
        %dma_start3A_604 = tpu.memref_slice %arg7[%dma_start3A_603] : memref<10240xf32, #tpu.memory_space<vmem>> -> memref<1280xf32, #tpu.memory_space<vmem>>
        %dma_start3A_605 = tpu.memref_slice %arg2[%add3A_598, %add3A_565] : memref<128x320000xf32, #tpu.memory_space<hbm>> -> memref<1x1280xf32, #tpu.memory_space<hbm>>
        %dma_start3A_606 = tpu.memref_squeeze %dma_start3A_605 : memref<1x1280xf32, #tpu.memory_space<hbm>> -> memref<1280xf32, #tpu.memory_space<hbm>>
        tpu.enqueue_dma source(%dma_start3A_606 : memref<1280xf32, #tpu.memory_space<hbm>>) target(%dma_start3A_604 : memref<1280xf32, #tpu.memory_space<vmem>>) target_semaphore(%arg15 : memref<!tpu.dma_semaphore, #tpu.memory_space<semaphore_mem>>)
        %add3A_607 = arith.constant 3 : i32
        %add3A_608 = arith.addi %mul3A_32, %add3A_607 : i32
        %dma_start3A_609 = arith.constant 3840 : i32
        %dma_start3A_610 = tpu.memref_slice %arg7[%dma_start3A_609] : memref<10240xf32, #tpu.memory_space<vmem>> -> memref<1280xf32, #tpu.memory_space<vmem>>
        %dma_start3A_611 = tpu.memref_slice %arg2[%add3A_608, %add3A_565] : memref<128x320000xf32, #tpu.memory_space<hbm>> -> memref<1x1280xf32, #tpu.memory_space<hbm>>
        %dma_start3A_612 = tpu.memref_squeeze %dma_start3A_611 : memref<1x1280xf32, #tpu.memory_space<hbm>> -> memref<1280xf32, #tpu.memory_space<hbm>>
        %dma_start3A_613 = arith.constant 3840 : i32
        %dma_start3A_614 = tpu.memref_slice %arg7[%dma_start3A_613] : memref<10240xf32, #tpu.memory_space<vmem>> -> memref<1280xf32, #tpu.memory_space<vmem>>
        %dma_start3A_615 = tpu.memref_slice %arg2[%add3A_608, %add3A_565] : memref<128x320000xf32, #tpu.memory_space<hbm>> -> memref<1x1280xf32, #tpu.memory_space<hbm>>
        %dma_start3A_616 = tpu.memref_squeeze %dma_start3A_615 : memref<1x1280xf32, #tpu.memory_space<hbm>> -> memref<1280xf32, #tpu.memory_space<hbm>>
        tpu.enqueue_dma source(%dma_start3A_616 : memref<1280xf32, #tpu.memory_space<hbm>>) target(%dma_start3A_614 : memref<1280xf32, #tpu.memory_space<vmem>>) target_semaphore(%arg15 : memref<!tpu.dma_semaphore, #tpu.memory_space<semaphore_mem>>)
        %add3A_617 = arith.constant 4 : i32
        %add3A_618 = arith.addi %mul3A_32, %add3A_617 : i32
        %dma_start3A_619 = arith.constant 5120 : i32
        %dma_start3A_620 = tpu.memref_slice %arg7[%dma_start3A_619] : memref<10240xf32, #tpu.memory_space<vmem>> -> memref<1280xf32, #tpu.memory_space<vmem>>
        %dma_start3A_621 = tpu.memref_slice %arg2[%add3A_618, %add3A_565] : memref<128x320000xf32, #tpu.memory_space<hbm>> -> memref<1x1280xf32, #tpu.memory_space<hbm>>
        %dma_start3A_622 = tpu.memref_squeeze %dma_start3A_621 : memref<1x1280xf32, #tpu.memory_space<hbm>> -> memref<1280xf32, #tpu.memory_space<hbm>>
        %dma_start3A_623 = arith.constant 5120 : i32
        %dma_start3A_624 = tpu.memref_slice %arg7[%dma_start3A_623] : memref<10240xf32, #tpu.memory_space<vmem>> -> memref<1280xf32, #tpu.memory_space<vmem>>
        %dma_start3A_625 = tpu.memref_slice %arg2[%add3A_618, %add3A_565] : memref<128x320000xf32, #tpu.memory_space<hbm>> -> memref<1x1280xf32, #tpu.memory_space<hbm>>
        %dma_start3A_626 = tpu.memref_squeeze %dma_start3A_625 : memref<1x1280xf32, #tpu.memory_space<hbm>> -> memref<1280xf32, #tpu.memory_space<hbm>>
        tpu.enqueue_dma source(%dma_start3A_626 : memref<1280xf32, #tpu.memory_space<hbm>>) target(%dma_start3A_624 : memref<1280xf32, #tpu.memory_space<vmem>>) target_semaphore(%arg15 : memref<!tpu.dma_semaphore, #tpu.memory_space<semaphore_mem>>)
        %add3A_627 = arith.constant 5 : i32
        %add3A_628 = arith.addi %mul3A_32, %add3A_627 : i32
        %dma_start3A_629 = arith.constant 6400 : i32
        %dma_start3A_630 = tpu.memref_slice %arg7[%dma_start3A_629] : memref<10240xf32, #tpu.memory_space<vmem>> -> memref<1280xf32, #tpu.memory_space<vmem>>
        %dma_start3A_631 = tpu.memref_slice %arg2[%add3A_628, %add3A_565] : memref<128x320000xf32, #tpu.memory_space<hbm>> -> memref<1x1280xf32, #tpu.memory_space<hbm>>
        %dma_start3A_632 = tpu.memref_squeeze %dma_start3A_631 : memref<1x1280xf32, #tpu.memory_space<hbm>> -> memref<1280xf32, #tpu.memory_space<hbm>>
        %dma_start3A_633 = arith.constant 6400 : i32
        %dma_start3A_634 = tpu.memref_slice %arg7[%dma_start3A_633] : memref<10240xf32, #tpu.memory_space<vmem>> -> memref<1280xf32, #tpu.memory_space<vmem>>
        %dma_start3A_635 = tpu.memref_slice %arg2[%add3A_628, %add3A_565] : memref<128x320000xf32, #tpu.memory_space<hbm>> -> memref<1x1280xf32, #tpu.memory_space<hbm>>
        %dma_start3A_636 = tpu.memref_squeeze %dma_start3A_635 : memref<1x1280xf32, #tpu.memory_space<hbm>> -> memref<1280xf32, #tpu.memory_space<hbm>>
        tpu.enqueue_dma source(%dma_start3A_636 : memref<1280xf32, #tpu.memory_space<hbm>>) target(%dma_start3A_634 : memref<1280xf32, #tpu.memory_space<vmem>>) target_semaphore(%arg15 : memref<!tpu.dma_semaphore, #tpu.memory_space<semaphore_mem>>)
        %add3A_637 = arith.constant 6 : i32
        %add3A_638 = arith.addi %mul3A_32, %add3A_637 : i32
        %dma_start3A_639 = arith.constant 7680 : i32
        %dma_start3A_640 = tpu.memref_slice %arg7[%dma_start3A_639] : memref<10240xf32, #tpu.memory_space<vmem>> -> memref<1280xf32, #tpu.memory_space<vmem>>
        %dma_start3A_641 = tpu.memref_slice %arg2[%add3A_638, %add3A_565] : memref<128x320000xf32, #tpu.memory_space<hbm>> -> memref<1x1280xf32, #tpu.memory_space<hbm>>
        %dma_start3A_642 = tpu.memref_squeeze %dma_start3A_641 : memref<1x1280xf32, #tpu.memory_space<hbm>> -> memref<1280xf32, #tpu.memory_space<hbm>>
        %dma_start3A_643 = arith.constant 7680 : i32
        %dma_start3A_644 = tpu.memref_slice %arg7[%dma_start3A_643] : memref<10240xf32, #tpu.memory_space<vmem>> -> memref<1280xf32, #tpu.memory_space<vmem>>
        %dma_start3A_645 = tpu.memref_slice %arg2[%add3A_638, %add3A_565] : memref<128x320000xf32, #tpu.memory_space<hbm>> -> memref<1x1280xf32, #tpu.memory_space<hbm>>
        %dma_start3A_646 = tpu.memref_squeeze %dma_start3A_645 : memref<1x1280xf32, #tpu.memory_space<hbm>> -> memref<1280xf32, #tpu.memory_space<hbm>>
        tpu.enqueue_dma source(%dma_start3A_646 : memref<1280xf32, #tpu.memory_space<hbm>>) target(%dma_start3A_644 : memref<1280xf32, #tpu.memory_space<vmem>>) target_semaphore(%arg15 : memref<!tpu.dma_semaphore, #tpu.memory_space<semaphore_mem>>)
        %add3A_647 = arith.constant 7 : i32
        %add3A_648 = arith.addi %mul3A_32, %add3A_647 : i32
        %dma_start3A_649 = arith.constant 8960 : i32
        %dma_start3A_650 = tpu.memref_slice %arg7[%dma_start3A_649] : memref<10240xf32, #tpu.memory_space<vmem>> -> memref<1280xf32, #tpu.memory_space<vmem>>
        %dma_start3A_651 = tpu.memref_slice %arg2[%add3A_648, %add3A_565] : memref<128x320000xf32, #tpu.memory_space<hbm>> -> memref<1x1280xf32, #tpu.memory_space<hbm>>
        %dma_start3A_652 = tpu.memref_squeeze %dma_start3A_651 : memref<1x1280xf32, #tpu.memory_space<hbm>> -> memref<1280xf32, #tpu.memory_space<hbm>>
        %dma_start3A_653 = arith.constant 8960 : i32
        %dma_start3A_654 = tpu.memref_slice %arg7[%dma_start3A_653] : memref<10240xf32, #tpu.memory_space<vmem>> -> memref<1280xf32, #tpu.memory_space<vmem>>
        %dma_start3A_655 = tpu.memref_slice %arg2[%add3A_648, %add3A_565] : memref<128x320000xf32, #tpu.memory_space<hbm>> -> memref<1x1280xf32, #tpu.memory_space<hbm>>
        %dma_start3A_656 = tpu.memref_squeeze %dma_start3A_655 : memref<1x1280xf32, #tpu.memory_space<hbm>> -> memref<1280xf32, #tpu.memory_space<hbm>>
        tpu.enqueue_dma source(%dma_start3A_656 : memref<1280xf32, #tpu.memory_space<hbm>>) target(%dma_start3A_654 : memref<1280xf32, #tpu.memory_space<vmem>>) target_semaphore(%arg15 : memref<!tpu.dma_semaphore, #tpu.memory_space<semaphore_mem>>)
      } else {
      }
      %mul3A_450 = arith.constant 2 : i32
      %mul3A_451 = arith.muli %mul3A_450, %scan3A_338 : i32
      %add3A_452 = arith.constant 1 : i32
      %add3A_453 = arith.addi %mul3A_451, %add3A_452 : i32
      %mul3A_454 = arith.constant 1280 : i32
      %mul3A_455 = arith.muli %add3A_453, %mul3A_454 : i32
      %add3A_456 = arith.addi %mul3A_34, %mul3A_455 : i32
      %dma_wait3A_457 = tpu.memref_slice %arg3[%add3A_456] : memref<320000xi32, #tpu.memory_space<hbm>> -> memref<1280xi32, #tpu.memory_space<hbm>>
      %dma_wait3A_458 = tpu.memref_slice %arg3[%add3A_456] : memref<320000xi32, #tpu.memory_space<hbm>> -> memref<1280xi32, #tpu.memory_space<hbm>>
      tpu.wait_dma2 semaphore(%arg16 : memref<!tpu.dma_semaphore, #tpu.memory_space<semaphore_mem>>) src(%dma_wait3A_458 : memref<1280xi32, #tpu.memory_space<hbm>>) dst(%arg11 : memref<1280xi32, #tpu.memory_space<vmem>>)
      %mul3A_459 = arith.constant 40 : i32
      %mul3A_460 = arith.muli %add3A_453, %mul3A_459 : i32
      %add3A_461 = arith.addi %mul3A_36, %mul3A_460 : i32
      %dma_wait3A_462 = arith.constant 0 : i32
      %dma_wait3A_463 = tpu.memref_slice %arg12[%dma_wait3A_462] : memref<56xi32, #tpu.memory_space<vmem>> -> memref<40xi32, #tpu.memory_space<vmem>>
      %dma_wait3A_464 = tpu.memref_slice %arg4[%add3A_461] : memref<10000xi32, #tpu.memory_space<hbm>> -> memref<40xi32, #tpu.memory_space<hbm>>
      %dma_wait3A_465 = arith.constant 0 : i32
      %dma_wait3A_466 = tpu.memref_slice %arg12[%dma_wait3A_465] : memref<56xi32, #tpu.memory_space<vmem>> -> memref<40xi32, #tpu.memory_space<vmem>>
      %dma_wait3A_467 = tpu.memref_slice %arg4[%add3A_461] : memref<10000xi32, #tpu.memory_space<hbm>> -> memref<40xi32, #tpu.memory_space<hbm>>
      tpu.wait_dma2 semaphore(%arg16 : memref<!tpu.dma_semaphore, #tpu.memory_space<semaphore_mem>>) src(%dma_wait3A_467 : memref<40xi32, #tpu.memory_space<hbm>>) dst(%dma_wait3A_466 : memref<40xi32, #tpu.memory_space<vmem>>)
      %add3A_468 = arith.constant 0 : i32
      %add3A_469 = arith.addi %mul3A_32, %add3A_468 : i32
      %dma_wait3A_470 = arith.constant 0 : i32
      %dma_wait3A_471 = tpu.memref_slice %arg10[%dma_wait3A_470] : memref<10240xf32, #tpu.memory_space<vmem>> -> memref<1280xf32, #tpu.memory_space<vmem>>
      %dma_wait3A_472 = tpu.memref_slice %arg2[%add3A_469, %add3A_456] : memref<128x320000xf32, #tpu.memory_space<hbm>> -> memref<1x1280xf32, #tpu.memory_space<hbm>>
      %dma_wait3A_473 = tpu.memref_squeeze %dma_wait3A_472 : memref<1x1280xf32, #tpu.memory_space<hbm>> -> memref<1280xf32, #tpu.memory_space<hbm>>
      %dma_wait3A_474 = arith.constant 0 : i32
      %dma_wait3A_475 = tpu.memref_slice %arg10[%dma_wait3A_474] : memref<10240xf32, #tpu.memory_space<vmem>> -> memref<1280xf32, #tpu.memory_space<vmem>>
      %dma_wait3A_476 = tpu.memref_slice %arg2[%add3A_469, %add3A_456] : memref<128x320000xf32, #tpu.memory_space<hbm>> -> memref<1x1280xf32, #tpu.memory_space<hbm>>
      %dma_wait3A_477 = tpu.memref_squeeze %dma_wait3A_476 : memref<1x1280xf32, #tpu.memory_space<hbm>> -> memref<1280xf32, #tpu.memory_space<hbm>>
      tpu.wait_dma2 semaphore(%arg16 : memref<!tpu.dma_semaphore, #tpu.memory_space<semaphore_mem>>) src(%dma_wait3A_477 : memref<1280xf32, #tpu.memory_space<hbm>>) dst(%dma_wait3A_475 : memref<1280xf32, #tpu.memory_space<vmem>>)
      %add3A_478 = arith.constant 1 : i32
      %add3A_479 = arith.addi %mul3A_32, %add3A_478 : i32
      %dma_wait3A_480 = arith.constant 1280 : i32
      %dma_wait3A_481 = tpu.memref_slice %arg10[%dma_wait3A_480] : memref<10240xf32, #tpu.memory_space<vmem>> -> memref<1280xf32, #tpu.memory_space<vmem>>
      %dma_wait3A_482 = tpu.memref_slice %arg2[%add3A_479, %add3A_456] : memref<128x320000xf32, #tpu.memory_space<hbm>> -> memref<1x1280xf32, #tpu.memory_space<hbm>>
      %dma_wait3A_483 = tpu.memref_squeeze %dma_wait3A_482 : memref<1x1280xf32, #tpu.memory_space<hbm>> -> memref<1280xf32, #tpu.memory_space<hbm>>
      %dma_wait3A_484 = arith.constant 1280 : i32
      %dma_wait3A_485 = tpu.memref_slice %arg10[%dma_wait3A_484] : memref<10240xf32, #tpu.memory_space<vmem>> -> memref<1280xf32, #tpu.memory_space<vmem>>
      %dma_wait3A_486 = tpu.memref_slice %arg2[%add3A_479, %add3A_456] : memref<128x320000xf32, #tpu.memory_space<hbm>> -> memref<1x1280xf32, #tpu.memory_space<hbm>>
      %dma_wait3A_487 = tpu.memref_squeeze %dma_wait3A_486 : memref<1x1280xf32, #tpu.memory_space<hbm>> -> memref<1280xf32, #tpu.memory_space<hbm>>
      tpu.wait_dma2 semaphore(%arg16 : memref<!tpu.dma_semaphore, #tpu.memory_space<semaphore_mem>>) src(%dma_wait3A_487 : memref<1280xf32, #tpu.memory_space<hbm>>) dst(%dma_wait3A_485 : memref<1280xf32, #tpu.memory_space<vmem>>)
      %add3A_488 = arith.constant 2 : i32
      %add3A_489 = arith.addi %mul3A_32, %add3A_488 : i32
      %dma_wait3A_490 = arith.constant 2560 : i32
      %dma_wait3A_491 = tpu.memref_slice %arg10[%dma_wait3A_490] : memref<10240xf32, #tpu.memory_space<vmem>> -> memref<1280xf32, #tpu.memory_space<vmem>>
      %dma_wait3A_492 = tpu.memref_slice %arg2[%add3A_489, %add3A_456] : memref<128x320000xf32, #tpu.memory_space<hbm>> -> memref<1x1280xf32, #tpu.memory_space<hbm>>
      %dma_wait3A_493 = tpu.memref_squeeze %dma_wait3A_492 : memref<1x1280xf32, #tpu.memory_space<hbm>> -> memref<1280xf32, #tpu.memory_space<hbm>>
      %dma_wait3A_494 = arith.constant 2560 : i32
      %dma_wait3A_495 = tpu.memref_slice %arg10[%dma_wait3A_494] : memref<10240xf32, #tpu.memory_space<vmem>> -> memref<1280xf32, #tpu.memory_space<vmem>>
      %dma_wait3A_496 = tpu.memref_slice %arg2[%add3A_489, %add3A_456] : memref<128x320000xf32, #tpu.memory_space<hbm>> -> memref<1x1280xf32, #tpu.memory_space<hbm>>
      %dma_wait3A_497 = tpu.memref_squeeze %dma_wait3A_496 : memref<1x1280xf32, #tpu.memory_space<hbm>> -> memref<1280xf32, #tpu.memory_space<hbm>>
      tpu.wait_dma2 semaphore(%arg16 : memref<!tpu.dma_semaphore, #tpu.memory_space<semaphore_mem>>) src(%dma_wait3A_497 : memref<1280xf32, #tpu.memory_space<hbm>>) dst(%dma_wait3A_495 : memref<1280xf32, #tpu.memory_space<vmem>>)
      %add3A_498 = arith.constant 3 : i32
      %add3A_499 = arith.addi %mul3A_32, %add3A_498 : i32
      %dma_wait3A_500 = arith.constant 3840 : i32
      %dma_wait3A_501 = tpu.memref_slice %arg10[%dma_wait3A_500] : memref<10240xf32, #tpu.memory_space<vmem>> -> memref<1280xf32, #tpu.memory_space<vmem>>
      %dma_wait3A_502 = tpu.memref_slice %arg2[%add3A_499, %add3A_456] : memref<128x320000xf32, #tpu.memory_space<hbm>> -> memref<1x1280xf32, #tpu.memory_space<hbm>>
      %dma_wait3A_503 = tpu.memref_squeeze %dma_wait3A_502 : memref<1x1280xf32, #tpu.memory_space<hbm>> -> memref<1280xf32, #tpu.memory_space<hbm>>
      %dma_wait3A_504 = arith.constant 3840 : i32
      %dma_wait3A_505 = tpu.memref_slice %arg10[%dma_wait3A_504] : memref<10240xf32, #tpu.memory_space<vmem>> -> memref<1280xf32, #tpu.memory_space<vmem>>
      %dma_wait3A_506 = tpu.memref_slice %arg2[%add3A_499, %add3A_456] : memref<128x320000xf32, #tpu.memory_space<hbm>> -> memref<1x1280xf32, #tpu.memory_space<hbm>>
      %dma_wait3A_507 = tpu.memref_squeeze %dma_wait3A_506 : memref<1x1280xf32, #tpu.memory_space<hbm>> -> memref<1280xf32, #tpu.memory_space<hbm>>
      tpu.wait_dma2 semaphore(%arg16 : memref<!tpu.dma_semaphore, #tpu.memory_space<semaphore_mem>>) src(%dma_wait3A_507 : memref<1280xf32, #tpu.memory_space<hbm>>) dst(%dma_wait3A_505 : memref<1280xf32, #tpu.memory_space<vmem>>)
      %add3A_508 = arith.constant 4 : i32
      %add3A_509 = arith.addi %mul3A_32, %add3A_508 : i32
      %dma_wait3A_510 = arith.constant 5120 : i32
      %dma_wait3A_511 = tpu.memref_slice %arg10[%dma_wait3A_510] : memref<10240xf32, #tpu.memory_space<vmem>> -> memref<1280xf32, #tpu.memory_space<vmem>>
      %dma_wait3A_512 = tpu.memref_slice %arg2[%add3A_509, %add3A_456] : memref<128x320000xf32, #tpu.memory_space<hbm>> -> memref<1x1280xf32, #tpu.memory_space<hbm>>
      %dma_wait3A_513 = tpu.memref_squeeze %dma_wait3A_512 : memref<1x1280xf32, #tpu.memory_space<hbm>> -> memref<1280xf32, #tpu.memory_space<hbm>>
      %dma_wait3A_514 = arith.constant 5120 : i32
      %dma_wait3A_515 = tpu.memref_slice %arg10[%dma_wait3A_514] : memref<10240xf32, #tpu.memory_space<vmem>> -> memref<1280xf32, #tpu.memory_space<vmem>>
      %dma_wait3A_516 = tpu.memref_slice %arg2[%add3A_509, %add3A_456] : memref<128x320000xf32, #tpu.memory_space<hbm>> -> memref<1x1280xf32, #tpu.memory_space<hbm>>
      %dma_wait3A_517 = tpu.memref_squeeze %dma_wait3A_516 : memref<1x1280xf32, #tpu.memory_space<hbm>> -> memref<1280xf32, #tpu.memory_space<hbm>>
      tpu.wait_dma2 semaphore(%arg16 : memref<!tpu.dma_semaphore, #tpu.memory_space<semaphore_mem>>) src(%dma_wait3A_517 : memref<1280xf32, #tpu.memory_space<hbm>>) dst(%dma_wait3A_515 : memref<1280xf32, #tpu.memory_space<vmem>>)
      %add3A_518 = arith.constant 5 : i32
      %add3A_519 = arith.addi %mul3A_32, %add3A_518 : i32
      %dma_wait3A_520 = arith.constant 6400 : i32
      %dma_wait3A_521 = tpu.memref_slice %arg10[%dma_wait3A_520] : memref<10240xf32, #tpu.memory_space<vmem>> -> memref<1280xf32, #tpu.memory_space<vmem>>
      %dma_wait3A_522 = tpu.memref_slice %arg2[%add3A_519, %add3A_456] : memref<128x320000xf32, #tpu.memory_space<hbm>> -> memref<1x1280xf32, #tpu.memory_space<hbm>>
      %dma_wait3A_523 = tpu.memref_squeeze %dma_wait3A_522 : memref<1x1280xf32, #tpu.memory_space<hbm>> -> memref<1280xf32, #tpu.memory_space<hbm>>
      %dma_wait3A_524 = arith.constant 6400 : i32
      %dma_wait3A_525 = tpu.memref_slice %arg10[%dma_wait3A_524] : memref<10240xf32, #tpu.memory_space<vmem>> -> memref<1280xf32, #tpu.memory_space<vmem>>
      %dma_wait3A_526 = tpu.memref_slice %arg2[%add3A_519, %add3A_456] : memref<128x320000xf32, #tpu.memory_space<hbm>> -> memref<1x1280xf32, #tpu.memory_space<hbm>>
      %dma_wait3A_527 = tpu.memref_squeeze %dma_wait3A_526 : memref<1x1280xf32, #tpu.memory_space<hbm>> -> memref<1280xf32, #tpu.memory_space<hbm>>
      tpu.wait_dma2 semaphore(%arg16 : memref<!tpu.dma_semaphore, #tpu.memory_space<semaphore_mem>>) src(%dma_wait3A_527 : memref<1280xf32, #tpu.memory_space<hbm>>) dst(%dma_wait3A_525 : memref<1280xf32, #tpu.memory_space<vmem>>)
      %add3A_528 = arith.constant 6 : i32
      %add3A_529 = arith.addi %mul3A_32, %add3A_528 : i32
      %dma_wait3A_530 = arith.constant 7680 : i32
      %dma_wait3A_531 = tpu.memref_slice %arg10[%dma_wait3A_530] : memref<10240xf32, #tpu.memory_space<vmem>> -> memref<1280xf32, #tpu.memory_space<vmem>>
      %dma_wait3A_532 = tpu.memref_slice %arg2[%add3A_529, %add3A_456] : memref<128x320000xf32, #tpu.memory_space<hbm>> -> memref<1x1280xf32, #tpu.memory_space<hbm>>
      %dma_wait3A_533 = tpu.memref_squeeze %dma_wait3A_532 : memref<1x1280xf32, #tpu.memory_space<hbm>> -> memref<1280xf32, #tpu.memory_space<hbm>>
      %dma_wait3A_534 = arith.constant 7680 : i32
      %dma_wait3A_535 = tpu.memref_slice %arg10[%dma_wait3A_534] : memref<10240xf32, #tpu.memory_space<vmem>> -> memref<1280xf32, #tpu.memory_space<vmem>>
      %dma_wait3A_536 = tpu.memref_slice %arg2[%add3A_529, %add3A_456] : memref<128x320000xf32, #tpu.memory_space<hbm>> -> memref<1x1280xf32, #tpu.memory_space<hbm>>
      %dma_wait3A_537 = tpu.memref_squeeze %dma_wait3A_536 : memref<1x1280xf32, #tpu.memory_space<hbm>> -> memref<1280xf32, #tpu.memory_space<hbm>>
      tpu.wait_dma2 semaphore(%arg16 : memref<!tpu.dma_semaphore, #tpu.memory_space<semaphore_mem>>) src(%dma_wait3A_537 : memref<1280xf32, #tpu.memory_space<hbm>>) dst(%dma_wait3A_535 : memref<1280xf32, #tpu.memory_space<vmem>>)
      %add3A_538 = arith.constant 7 : i32
      %add3A_539 = arith.addi %mul3A_32, %add3A_538 : i32
      %dma_wait3A_540 = arith.constant 8960 : i32
      %dma_wait3A_541 = tpu.memref_slice %arg10[%dma_wait3A_540] : memref<10240xf32, #tpu.memory_space<vmem>> -> memref<1280xf32, #tpu.memory_space<vmem>>
      %dma_wait3A_542 = tpu.memref_slice %arg2[%add3A_539, %add3A_456] : memref<128x320000xf32, #tpu.memory_space<hbm>> -> memref<1x1280xf32, #tpu.memory_space<hbm>>
      %dma_wait3A_543 = tpu.memref_squeeze %dma_wait3A_542 : memref<1x1280xf32, #tpu.memory_space<hbm>> -> memref<1280xf32, #tpu.memory_space<hbm>>
      %dma_wait3A_544 = arith.constant 8960 : i32
      %dma_wait3A_545 = tpu.memref_slice %arg10[%dma_wait3A_544] : memref<10240xf32, #tpu.memory_space<vmem>> -> memref<1280xf32, #tpu.memory_space<vmem>>
      %dma_wait3A_546 = tpu.memref_slice %arg2[%add3A_539, %add3A_456] : memref<128x320000xf32, #tpu.memory_space<hbm>> -> memref<1x1280xf32, #tpu.memory_space<hbm>>
      %dma_wait3A_547 = tpu.memref_squeeze %dma_wait3A_546 : memref<1x1280xf32, #tpu.memory_space<hbm>> -> memref<1280xf32, #tpu.memory_space<hbm>>
      tpu.wait_dma2 semaphore(%arg16 : memref<!tpu.dma_semaphore, #tpu.memory_space<semaphore_mem>>) src(%dma_wait3A_547 : memref<1280xf32, #tpu.memory_space<hbm>>) dst(%dma_wait3A_545 : memref<1280xf32, #tpu.memory_space<vmem>>)
      %scan3A_548 = arith.constant 0 : i32
      %scan3A_549 = arith.constant 0 : i32
      %scan3A_550 = arith.constant 40 : i32
      %scan3A_551 = arith.addi %scan3A_549, %scan3A_550 : i32
      %scan3A_552 = arith.constant 1 : i32
      scf.for %scan3A_561 = %scan3A_549 to %scan3A_551 step %scan3A_552  : i32 {
        %mul3A_562 = arith.constant 2 : i32
        %mul3A_563 = arith.muli %mul3A_562, %scan3A_561 : i32
        %mul3A_564 = arith.constant 16 : i32
        %mul3A_565 = arith.muli %mul3A_563, %mul3A_564 : i32
        %get3A = arith.index_cast %mul3A_565 : i32 to index
        %get3A_566 = tpu.vector_load %arg11[%get3A] {strides = array<i32>} : memref<1280xi32, #tpu.memory_space<vmem>>, vector<16xi32>,
        %mul3A_567 = arith.constant 16 : i32
        %mul3A_568 = arith.muli %mul3A_563, %mul3A_567 : i32
        %add3A_569 = arith.constant 0 : i32
        %add3A_570 = arith.addi %add3A_569, %mul3A_568 : i32
        %get3A_571 = arith.index_cast %add3A_570 : i32 to index
        %get3A_572 = tpu.vector_load %arg10[%get3A_571] {strides = array<i32>} : memref<10240xf32, #tpu.memory_space<vmem>>, vector<16xf32>,
        %mul3A_573 = arith.constant 16 : i32
        %mul3A_574 = arith.muli %mul3A_563, %mul3A_573 : i32
        %add3A_575 = arith.constant 1280 : i32
        %add3A_576 = arith.addi %add3A_575, %mul3A_574 : i32
        %get3A_577 = arith.index_cast %add3A_576 : i32 to index
        %get3A_578 = tpu.vector_load %arg10[%get3A_577] {strides = array<i32>} : memref<10240xf32, #tpu.memory_space<vmem>>, vector<16xf32>,
        %mul3A_579 = arith.constant 16 : i32
        %mul3A_580 = arith.muli %mul3A_563, %mul3A_579 : i32
        %add3A_581 = arith.constant 2560 : i32
        %add3A_582 = arith.addi %add3A_581, %mul3A_580 : i32
        %get3A_583 = arith.index_cast %add3A_582 : i32 to index
        %get3A_584 = tpu.vector_load %arg10[%get3A_583] {strides = array<i32>} : memref<10240xf32, #tpu.memory_space<vmem>>, vector<16xf32>,
        %mul3A_585 = arith.constant 16 : i32
        %mul3A_586 = arith.muli %mul3A_563, %mul3A_585 : i32
        %add3A_587 = arith.constant 3840 : i32
        %add3A_588 = arith.addi %add3A_587, %mul3A_586 : i32
        %get3A_589 = arith.index_cast %add3A_588 : i32 to index
        %get3A_590 = tpu.vector_load %arg10[%get3A_589] {strides = array<i32>} : memref<10240xf32, #tpu.memory_space<vmem>>, vector<16xf32>,
        %mul3A_591 = arith.constant 16 : i32
        %mul3A_592 = arith.muli %mul3A_563, %mul3A_591 : i32
        %add3A_593 = arith.constant 5120 : i32
        %add3A_594 = arith.addi %add3A_593, %mul3A_592 : i32
        %get3A_595 = arith.index_cast %add3A_594 : i32 to index
        %get3A_596 = tpu.vector_load %arg10[%get3A_595] {strides = array<i32>} : memref<10240xf32, #tpu.memory_space<vmem>>, vector<16xf32>,
        %mul3A_597 = arith.constant 16 : i32
        %mul3A_598 = arith.muli %mul3A_563, %mul3A_597 : i32
        %add3A_599 = arith.constant 6400 : i32
        %add3A_600 = arith.addi %add3A_599, %mul3A_598 : i32
        %get3A_601 = arith.index_cast %add3A_600 : i32 to index
        %get3A_602 = tpu.vector_load %arg10[%get3A_601] {strides = array<i32>} : memref<10240xf32, #tpu.memory_space<vmem>>, vector<16xf32>,
        %mul3A_603 = arith.constant 16 : i32
        %mul3A_604 = arith.muli %mul3A_563, %mul3A_603 : i32
        %add3A_605 = arith.constant 7680 : i32
        %add3A_606 = arith.addi %add3A_605, %mul3A_604 : i32
        %get3A_607 = arith.index_cast %add3A_606 : i32 to index
        %get3A_608 = tpu.vector_load %arg10[%get3A_607] {strides = array<i32>} : memref<10240xf32, #tpu.memory_space<vmem>>, vector<16xf32>,
        %mul3A_609 = arith.constant 16 : i32
        %mul3A_610 = arith.muli %mul3A_563, %mul3A_609 : i32
        %add3A_611 = arith.constant 8960 : i32
        %add3A_612 = arith.addi %add3A_611, %mul3A_610 : i32
        %get3A_613 = arith.index_cast %add3A_612 : i32 to index
        %get3A_614 = tpu.vector_load %arg10[%get3A_613] {strides = array<i32>} : memref<10240xf32, #tpu.memory_space<vmem>>, vector<16xf32>,
        %mul3A_615 = arith.constant 2 : i32
        %mul3A_616 = arith.muli %mul3A_615, %scan3A_561 : i32
        %add3A_617 = arith.constant 1 : i32
        %add3A_618 = arith.addi %mul3A_616, %add3A_617 : i32
        %mul3A_619 = arith.constant 16 : i32
        %mul3A_620 = arith.muli %add3A_618, %mul3A_619 : i32
        %get3A_621 = arith.index_cast %mul3A_620 : i32 to index
        %get3A_622 = tpu.vector_load %arg11[%get3A_621] {strides = array<i32>} : memref<1280xi32, #tpu.memory_space<vmem>>, vector<16xi32>,
        %mul3A_623 = arith.constant 16 : i32
        %mul3A_624 = arith.muli %add3A_618, %mul3A_623 : i32
        %add3A_625 = arith.constant 0 : i32
        %add3A_626 = arith.addi %add3A_625, %mul3A_624 : i32
        %get3A_627 = arith.index_cast %add3A_626 : i32 to index
        %get3A_628 = tpu.vector_load %arg10[%get3A_627] {strides = array<i32>} : memref<10240xf32, #tpu.memory_space<vmem>>, vector<16xf32>,
        %mul3A_629 = arith.constant 16 : i32
        %mul3A_630 = arith.muli %add3A_618, %mul3A_629 : i32
        %add3A_631 = arith.constant 1280 : i32
        %add3A_632 = arith.addi %add3A_631, %mul3A_630 : i32
        %get3A_633 = arith.index_cast %add3A_632 : i32 to index
        %get3A_634 = tpu.vector_load %arg10[%get3A_633] {strides = array<i32>} : memref<10240xf32, #tpu.memory_space<vmem>>, vector<16xf32>,
        %mul3A_635 = arith.constant 16 : i32
        %mul3A_636 = arith.muli %add3A_618, %mul3A_635 : i32
        %add3A_637 = arith.constant 2560 : i32
        %add3A_638 = arith.addi %add3A_637, %mul3A_636 : i32
        %get3A_639 = arith.index_cast %add3A_638 : i32 to index
        %get3A_640 = tpu.vector_load %arg10[%get3A_639] {strides = array<i32>} : memref<10240xf32, #tpu.memory_space<vmem>>, vector<16xf32>,
        %mul3A_641 = arith.constant 16 : i32
        %mul3A_642 = arith.muli %add3A_618, %mul3A_641 : i32
        %add3A_643 = arith.constant 3840 : i32
        %add3A_644 = arith.addi %add3A_643, %mul3A_642 : i32
        %get3A_645 = arith.index_cast %add3A_644 : i32 to index
        %get3A_646 = tpu.vector_load %arg10[%get3A_645] {strides = array<i32>} : memref<10240xf32, #tpu.memory_space<vmem>>, vector<16xf32>,
        %mul3A_647 = arith.constant 16 : i32
        %mul3A_648 = arith.muli %add3A_618, %mul3A_647 : i32
        %add3A_649 = arith.constant 5120 : i32
        %add3A_650 = arith.addi %add3A_649, %mul3A_648 : i32
        %get3A_651 = arith.index_cast %add3A_650 : i32 to index
        %get3A_652 = tpu.vector_load %arg10[%get3A_651] {strides = array<i32>} : memref<10240xf32, #tpu.memory_space<vmem>>, vector<16xf32>,
        %mul3A_653 = arith.constant 16 : i32
        %mul3A_654 = arith.muli %add3A_618, %mul3A_653 : i32
        %add3A_655 = arith.constant 6400 : i32
        %add3A_656 = arith.addi %add3A_655, %mul3A_654 : i32
        %get3A_657 = arith.index_cast %add3A_656 : i32 to index
        %get3A_658 = tpu.vector_load %arg10[%get3A_657] {strides = array<i32>} : memref<10240xf32, #tpu.memory_space<vmem>>, vector<16xf32>,
        %mul3A_659 = arith.constant 16 : i32
        %mul3A_660 = arith.muli %add3A_618, %mul3A_659 : i32
        %add3A_661 = arith.constant 7680 : i32
        %add3A_662 = arith.addi %add3A_661, %mul3A_660 : i32
        %get3A_663 = arith.index_cast %add3A_662 : i32 to index
        %get3A_664 = tpu.vector_load %arg10[%get3A_663] {strides = array<i32>} : memref<10240xf32, #tpu.memory_space<vmem>>, vector<16xf32>,
        %mul3A_665 = arith.constant 16 : i32
        %mul3A_666 = arith.muli %add3A_618, %mul3A_665 : i32
        %add3A_667 = arith.constant 8960 : i32
        %add3A_668 = arith.addi %add3A_667, %mul3A_666 : i32
        %get3A_669 = arith.index_cast %add3A_668 : i32 to index
        %get3A_670 = tpu.vector_load %arg10[%get3A_669] {strides = array<i32>} : memref<10240xf32, #tpu.memory_space<vmem>>, vector<16xf32>,
        %get3A_671 = arith.index_cast %scan3A_561 : i32 to index
        %get3A_672 = tpu.vector_load %arg12[%get3A_671] {strides = array<i32>} : memref<56xi32, #tpu.memory_space<vmem>>, vector<16xi32>,
        %slice3A = vector.extract_strided_slice %get3A_672 {offsets = [0], sizes = [1], strides = [1]} : vector<16xi32> to vector<1xi32>
        %squeeze3A = vector.extract %slice3A[0] : i32 from vector<1xi32>
        %ne3A_673 = arith.constant 0 : i32
        %ne3A_674 = arith.cmpi ne, %squeeze3A, %ne3A_673 : i32
        %convert_element_type3A_675 = arith.extui %ne3A_674 : i1 to i32
        %cond3A_676 = arith.constant 0 : i32
        %cond3A_677 = arith.constant 0 : i32
        %cond3A_678 = arith.cmpi ne, %convert_element_type3A_675, %cond3A_677 : i32
        %cond3A_679 = scf.if %cond3A_678 -> (i32) {
          %add3A_680 = arith.constant 0 : i32
          %add3A_681 = vector.broadcast %add3A_680 : i32 to vector<16xi32>
          %add3A_682 = arith.addi %get3A_566, %add3A_681 : vector<16xi32>
          %broadcast_in_dim3A_683 = arith.constant true
          %broadcast_in_dim3A_684 = vector.broadcast %broadcast_in_dim3A_683 : i1 to vector<16xi1>
          %while3A = scf.while (%while3A_776 = %broadcast_in_dim3A_684) : (vector<16xi1>) -> vector<16xi1> {
            %reduce_or3A = arith.constant 1.000000e+00 : f32
            %reduce_or3A_777 = arith.constant 0.000000e+00 : f32
            %reduce_or3A_778 = vector.broadcast %reduce_or3A : f32 to vector<16xf32>
            %reduce_or3A_779 = vector.broadcast %reduce_or3A_777 : f32 to vector<16xf32>
            %reduce_or3A_780 = arith.select %while3A_776, %reduce_or3A_778, %reduce_or3A_779 : vector<16xi1>, vector<16xf32>
            %reduce_or3A_781 = arith.constant true
            %reduce_or3A_782 = vector.broadcast %reduce_or3A_781 : i1 to vector<16xi1>
            %reduce_or3A_783 = tpu.scan <max>, %reduce_or3A_780 masked %reduce_or3A_782 : vector<16xf32>, vector<16xi1> -> vector<16xf32>
            %reduce_or3A_784 = vector.extract %reduce_or3A_783[15] : f32 from vector<16xf32>
            %reduce_or3A_785 = arith.constant 0.000000e+00 : f32
            %reduce_or3A_786 = arith.cmpf ogt, %reduce_or3A_784, %reduce_or3A_785 : f32
            scf.condition(%reduce_or3A_786) %while3A_776 : vector<16xi1>
          } do {
          ^bb0(%while3A_776: vector<16xi1>):
            %gather3A = tpu.vector_load_idx %arg6[%add3A_682] : memref<80000xf32, #tpu.memory_space<vmem>>[vector<16xi32>], vector<16xf32>,
            %max3A = arith.maximumf %gather3A, %get3A_572 : vector<16xf32>
            tpu.vector_store_idx %arg6[%add3A_682], %max3A masked %while3A_776 : memref<80000xf32, #tpu.memory_space<vmem>>[vector<16xi32>], vector<16xf32>, vector<16xi1>
            %gather3A_777 = tpu.vector_load_idx %arg6[%add3A_682] : memref<80000xf32, #tpu.memory_space<vmem>>[vector<16xi32>], vector<16xf32>,
            %lt3A_778 = arith.cmpf olt, %gather3A_777, %get3A_572 : vector<16xf32>
            %and3A_779 = arith.andi %while3A_776, %lt3A_778 : vector<16xi1>
            scf.yield %and3A_779 : vector<16xi1>
          }
          %add3A_685 = arith.constant 10000 : i32
          %add3A_686 = vector.broadcast %add3A_685 : i32 to vector<16xi32>
          %add3A_687 = arith.addi %get3A_566, %add3A_686 : vector<16xi32>
          %broadcast_in_dim3A_688 = arith.constant true
          %broadcast_in_dim3A_689 = vector.broadcast %broadcast_in_dim3A_688 : i1 to vector<16xi1>
          %while3A_690 = scf.while (%while3A_776 = %broadcast_in_dim3A_689) : (vector<16xi1>) -> vector<16xi1> {
            %reduce_or3A = arith.constant 1.000000e+00 : f32
            %reduce_or3A_777 = arith.constant 0.000000e+00 : f32
            %reduce_or3A_778 = vector.broadcast %reduce_or3A : f32 to vector<16xf32>
            %reduce_or3A_779 = vector.broadcast %reduce_or3A_777 : f32 to vector<16xf32>
            %reduce_or3A_780 = arith.select %while3A_776, %reduce_or3A_778, %reduce_or3A_779 : vector<16xi1>, vector<16xf32>
            %reduce_or3A_781 = arith.constant true
            %reduce_or3A_782 = vector.broadcast %reduce_or3A_781 : i1 to vector<16xi1>
            %reduce_or3A_783 = tpu.scan <max>, %reduce_or3A_780 masked %reduce_or3A_782 : vector<16xf32>, vector<16xi1> -> vector<16xf32>
            %reduce_or3A_784 = vector.extract %reduce_or3A_783[15] : f32 from vector<16xf32>
            %reduce_or3A_785 = arith.constant 0.000000e+00 : f32
            %reduce_or3A_786 = arith.cmpf ogt, %reduce_or3A_784, %reduce_or3A_785 : f32
            scf.condition(%reduce_or3A_786) %while3A_776 : vector<16xi1>
          } do {
          ^bb0(%while3A_776: vector<16xi1>):
            %gather3A = tpu.vector_load_idx %arg6[%add3A_687] : memref<80000xf32, #tpu.memory_space<vmem>>[vector<16xi32>], vector<16xf32>,
            %max3A = arith.maximumf %gather3A, %get3A_578 : vector<16xf32>
            tpu.vector_store_idx %arg6[%add3A_687], %max3A masked %while3A_776 : memref<80000xf32, #tpu.memory_space<vmem>>[vector<16xi32>], vector<16xf32>, vector<16xi1>
            %gather3A_777 = tpu.vector_load_idx %arg6[%add3A_687] : memref<80000xf32, #tpu.memory_space<vmem>>[vector<16xi32>], vector<16xf32>,
            %lt3A_778 = arith.cmpf olt, %gather3A_777, %get3A_578 : vector<16xf32>
            %and3A_779 = arith.andi %while3A_776, %lt3A_778 : vector<16xi1>
            scf.yield %and3A_779 : vector<16xi1>
          }
          %add3A_691 = arith.constant 20000 : i32
          %add3A_692 = vector.broadcast %add3A_691 : i32 to vector<16xi32>
          %add3A_693 = arith.addi %get3A_566, %add3A_692 : vector<16xi32>
          %broadcast_in_dim3A_694 = arith.constant true
          %broadcast_in_dim3A_695 = vector.broadcast %broadcast_in_dim3A_694 : i1 to vector<16xi1>
          %while3A_696 = scf.while (%while3A_776 = %broadcast_in_dim3A_695) : (vector<16xi1>) -> vector<16xi1> {
            %reduce_or3A = arith.constant 1.000000e+00 : f32
            %reduce_or3A_777 = arith.constant 0.000000e+00 : f32
            %reduce_or3A_778 = vector.broadcast %reduce_or3A : f32 to vector<16xf32>
            %reduce_or3A_779 = vector.broadcast %reduce_or3A_777 : f32 to vector<16xf32>
            %reduce_or3A_780 = arith.select %while3A_776, %reduce_or3A_778, %reduce_or3A_779 : vector<16xi1>, vector<16xf32>
            %reduce_or3A_781 = arith.constant true
            %reduce_or3A_782 = vector.broadcast %reduce_or3A_781 : i1 to vector<16xi1>
            %reduce_or3A_783 = tpu.scan <max>, %reduce_or3A_780 masked %reduce_or3A_782 : vector<16xf32>, vector<16xi1> -> vector<16xf32>
            %reduce_or3A_784 = vector.extract %reduce_or3A_783[15] : f32 from vector<16xf32>
            %reduce_or3A_785 = arith.constant 0.000000e+00 : f32
            %reduce_or3A_786 = arith.cmpf ogt, %reduce_or3A_784, %reduce_or3A_785 : f32
            scf.condition(%reduce_or3A_786) %while3A_776 : vector<16xi1>
          } do {
          ^bb0(%while3A_776: vector<16xi1>):
            %gather3A = tpu.vector_load_idx %arg6[%add3A_693] : memref<80000xf32, #tpu.memory_space<vmem>>[vector<16xi32>], vector<16xf32>,
            %max3A = arith.maximumf %gather3A, %get3A_584 : vector<16xf32>
            tpu.vector_store_idx %arg6[%add3A_693], %max3A masked %while3A_776 : memref<80000xf32, #tpu.memory_space<vmem>>[vector<16xi32>], vector<16xf32>, vector<16xi1>
            %gather3A_777 = tpu.vector_load_idx %arg6[%add3A_693] : memref<80000xf32, #tpu.memory_space<vmem>>[vector<16xi32>], vector<16xf32>,
            %lt3A_778 = arith.cmpf olt, %gather3A_777, %get3A_584 : vector<16xf32>
            %and3A_779 = arith.andi %while3A_776, %lt3A_778 : vector<16xi1>
            scf.yield %and3A_779 : vector<16xi1>
          }
          %add3A_697 = arith.constant 30000 : i32
          %add3A_698 = vector.broadcast %add3A_697 : i32 to vector<16xi32>
          %add3A_699 = arith.addi %get3A_566, %add3A_698 : vector<16xi32>
          %broadcast_in_dim3A_700 = arith.constant true
          %broadcast_in_dim3A_701 = vector.broadcast %broadcast_in_dim3A_700 : i1 to vector<16xi1>
          %while3A_702 = scf.while (%while3A_776 = %broadcast_in_dim3A_701) : (vector<16xi1>) -> vector<16xi1> {
            %reduce_or3A = arith.constant 1.000000e+00 : f32
            %reduce_or3A_777 = arith.constant 0.000000e+00 : f32
            %reduce_or3A_778 = vector.broadcast %reduce_or3A : f32 to vector<16xf32>
            %reduce_or3A_779 = vector.broadcast %reduce_or3A_777 : f32 to vector<16xf32>
            %reduce_or3A_780 = arith.select %while3A_776, %reduce_or3A_778, %reduce_or3A_779 : vector<16xi1>, vector<16xf32>
            %reduce_or3A_781 = arith.constant true
            %reduce_or3A_782 = vector.broadcast %reduce_or3A_781 : i1 to vector<16xi1>
            %reduce_or3A_783 = tpu.scan <max>, %reduce_or3A_780 masked %reduce_or3A_782 : vector<16xf32>, vector<16xi1> -> vector<16xf32>
            %reduce_or3A_784 = vector.extract %reduce_or3A_783[15] : f32 from vector<16xf32>
            %reduce_or3A_785 = arith.constant 0.000000e+00 : f32
            %reduce_or3A_786 = arith.cmpf ogt, %reduce_or3A_784, %reduce_or3A_785 : f32
            scf.condition(%reduce_or3A_786) %while3A_776 : vector<16xi1>
          } do {
          ^bb0(%while3A_776: vector<16xi1>):
            %gather3A = tpu.vector_load_idx %arg6[%add3A_699] : memref<80000xf32, #tpu.memory_space<vmem>>[vector<16xi32>], vector<16xf32>,
            %max3A = arith.maximumf %gather3A, %get3A_590 : vector<16xf32>
            tpu.vector_store_idx %arg6[%add3A_699], %max3A masked %while3A_776 : memref<80000xf32, #tpu.memory_space<vmem>>[vector<16xi32>], vector<16xf32>, vector<16xi1>
            %gather3A_777 = tpu.vector_load_idx %arg6[%add3A_699] : memref<80000xf32, #tpu.memory_space<vmem>>[vector<16xi32>], vector<16xf32>,
            %lt3A_778 = arith.cmpf olt, %gather3A_777, %get3A_590 : vector<16xf32>
            %and3A_779 = arith.andi %while3A_776, %lt3A_778 : vector<16xi1>
            scf.yield %and3A_779 : vector<16xi1>
          }
          %add3A_703 = arith.constant 40000 : i32
          %add3A_704 = vector.broadcast %add3A_703 : i32 to vector<16xi32>
          %add3A_705 = arith.addi %get3A_566, %add3A_704 : vector<16xi32>
          %broadcast_in_dim3A_706 = arith.constant true
          %broadcast_in_dim3A_707 = vector.broadcast %broadcast_in_dim3A_706 : i1 to vector<16xi1>
          %while3A_708 = scf.while (%while3A_776 = %broadcast_in_dim3A_707) : (vector<16xi1>) -> vector<16xi1> {
            %reduce_or3A = arith.constant 1.000000e+00 : f32
            %reduce_or3A_777 = arith.constant 0.000000e+00 : f32
            %reduce_or3A_778 = vector.broadcast %reduce_or3A : f32 to vector<16xf32>
            %reduce_or3A_779 = vector.broadcast %reduce_or3A_777 : f32 to vector<16xf32>
            %reduce_or3A_780 = arith.select %while3A_776, %reduce_or3A_778, %reduce_or3A_779 : vector<16xi1>, vector<16xf32>
            %reduce_or3A_781 = arith.constant true
            %reduce_or3A_782 = vector.broadcast %reduce_or3A_781 : i1 to vector<16xi1>
            %reduce_or3A_783 = tpu.scan <max>, %reduce_or3A_780 masked %reduce_or3A_782 : vector<16xf32>, vector<16xi1> -> vector<16xf32>
            %reduce_or3A_784 = vector.extract %reduce_or3A_783[15] : f32 from vector<16xf32>
            %reduce_or3A_785 = arith.constant 0.000000e+00 : f32
            %reduce_or3A_786 = arith.cmpf ogt, %reduce_or3A_784, %reduce_or3A_785 : f32
            scf.condition(%reduce_or3A_786) %while3A_776 : vector<16xi1>
          } do {
          ^bb0(%while3A_776: vector<16xi1>):
            %gather3A = tpu.vector_load_idx %arg6[%add3A_705] : memref<80000xf32, #tpu.memory_space<vmem>>[vector<16xi32>], vector<16xf32>,
            %max3A = arith.maximumf %gather3A, %get3A_596 : vector<16xf32>
            tpu.vector_store_idx %arg6[%add3A_705], %max3A masked %while3A_776 : memref<80000xf32, #tpu.memory_space<vmem>>[vector<16xi32>], vector<16xf32>, vector<16xi1>
            %gather3A_777 = tpu.vector_load_idx %arg6[%add3A_705] : memref<80000xf32, #tpu.memory_space<vmem>>[vector<16xi32>], vector<16xf32>,
            %lt3A_778 = arith.cmpf olt, %gather3A_777, %get3A_596 : vector<16xf32>
            %and3A_779 = arith.andi %while3A_776, %lt3A_778 : vector<16xi1>
            scf.yield %and3A_779 : vector<16xi1>
          }
          %add3A_709 = arith.constant 50000 : i32
          %add3A_710 = vector.broadcast %add3A_709 : i32 to vector<16xi32>
          %add3A_711 = arith.addi %get3A_566, %add3A_710 : vector<16xi32>
          %broadcast_in_dim3A_712 = arith.constant true
          %broadcast_in_dim3A_713 = vector.broadcast %broadcast_in_dim3A_712 : i1 to vector<16xi1>
          %while3A_714 = scf.while (%while3A_776 = %broadcast_in_dim3A_713) : (vector<16xi1>) -> vector<16xi1> {
            %reduce_or3A = arith.constant 1.000000e+00 : f32
            %reduce_or3A_777 = arith.constant 0.000000e+00 : f32
            %reduce_or3A_778 = vector.broadcast %reduce_or3A : f32 to vector<16xf32>
            %reduce_or3A_779 = vector.broadcast %reduce_or3A_777 : f32 to vector<16xf32>
            %reduce_or3A_780 = arith.select %while3A_776, %reduce_or3A_778, %reduce_or3A_779 : vector<16xi1>, vector<16xf32>
            %reduce_or3A_781 = arith.constant true
            %reduce_or3A_782 = vector.broadcast %reduce_or3A_781 : i1 to vector<16xi1>
            %reduce_or3A_783 = tpu.scan <max>, %reduce_or3A_780 masked %reduce_or3A_782 : vector<16xf32>, vector<16xi1> -> vector<16xf32>
            %reduce_or3A_784 = vector.extract %reduce_or3A_783[15] : f32 from vector<16xf32>
            %reduce_or3A_785 = arith.constant 0.000000e+00 : f32
            %reduce_or3A_786 = arith.cmpf ogt, %reduce_or3A_784, %reduce_or3A_785 : f32
            scf.condition(%reduce_or3A_786) %while3A_776 : vector<16xi1>
          } do {
          ^bb0(%while3A_776: vector<16xi1>):
            %gather3A = tpu.vector_load_idx %arg6[%add3A_711] : memref<80000xf32, #tpu.memory_space<vmem>>[vector<16xi32>], vector<16xf32>,
            %max3A = arith.maximumf %gather3A, %get3A_602 : vector<16xf32>
            tpu.vector_store_idx %arg6[%add3A_711], %max3A masked %while3A_776 : memref<80000xf32, #tpu.memory_space<vmem>>[vector<16xi32>], vector<16xf32>, vector<16xi1>
            %gather3A_777 = tpu.vector_load_idx %arg6[%add3A_711] : memref<80000xf32, #tpu.memory_space<vmem>>[vector<16xi32>], vector<16xf32>,
            %lt3A_778 = arith.cmpf olt, %gather3A_777, %get3A_602 : vector<16xf32>
            %and3A_779 = arith.andi %while3A_776, %lt3A_778 : vector<16xi1>
            scf.yield %and3A_779 : vector<16xi1>
          }
          %add3A_715 = arith.constant 60000 : i32
          %add3A_716 = vector.broadcast %add3A_715 : i32 to vector<16xi32>
          %add3A_717 = arith.addi %get3A_566, %add3A_716 : vector<16xi32>
          %broadcast_in_dim3A_718 = arith.constant true
          %broadcast_in_dim3A_719 = vector.broadcast %broadcast_in_dim3A_718 : i1 to vector<16xi1>
          %while3A_720 = scf.while (%while3A_776 = %broadcast_in_dim3A_719) : (vector<16xi1>) -> vector<16xi1> {
            %reduce_or3A = arith.constant 1.000000e+00 : f32
            %reduce_or3A_777 = arith.constant 0.000000e+00 : f32
            %reduce_or3A_778 = vector.broadcast %reduce_or3A : f32 to vector<16xf32>
            %reduce_or3A_779 = vector.broadcast %reduce_or3A_777 : f32 to vector<16xf32>
            %reduce_or3A_780 = arith.select %while3A_776, %reduce_or3A_778, %reduce_or3A_779 : vector<16xi1>, vector<16xf32>
            %reduce_or3A_781 = arith.constant true
            %reduce_or3A_782 = vector.broadcast %reduce_or3A_781 : i1 to vector<16xi1>
            %reduce_or3A_783 = tpu.scan <max>, %reduce_or3A_780 masked %reduce_or3A_782 : vector<16xf32>, vector<16xi1> -> vector<16xf32>
            %reduce_or3A_784 = vector.extract %reduce_or3A_783[15] : f32 from vector<16xf32>
            %reduce_or3A_785 = arith.constant 0.000000e+00 : f32
            %reduce_or3A_786 = arith.cmpf ogt, %reduce_or3A_784, %reduce_or3A_785 : f32
            scf.condition(%reduce_or3A_786) %while3A_776 : vector<16xi1>
          } do {
          ^bb0(%while3A_776: vector<16xi1>):
            %gather3A = tpu.vector_load_idx %arg6[%add3A_717] : memref<80000xf32, #tpu.memory_space<vmem>>[vector<16xi32>], vector<16xf32>,
            %max3A = arith.maximumf %gather3A, %get3A_608 : vector<16xf32>
            tpu.vector_store_idx %arg6[%add3A_717], %max3A masked %while3A_776 : memref<80000xf32, #tpu.memory_space<vmem>>[vector<16xi32>], vector<16xf32>, vector<16xi1>
            %gather3A_777 = tpu.vector_load_idx %arg6[%add3A_717] : memref<80000xf32, #tpu.memory_space<vmem>>[vector<16xi32>], vector<16xf32>,
            %lt3A_778 = arith.cmpf olt, %gather3A_777, %get3A_608 : vector<16xf32>
            %and3A_779 = arith.andi %while3A_776, %lt3A_778 : vector<16xi1>
            scf.yield %and3A_779 : vector<16xi1>
          }
          %add3A_721 = arith.constant 70000 : i32
          %add3A_722 = vector.broadcast %add3A_721 : i32 to vector<16xi32>
          %add3A_723 = arith.addi %get3A_566, %add3A_722 : vector<16xi32>
          %broadcast_in_dim3A_724 = arith.constant true
          %broadcast_in_dim3A_725 = vector.broadcast %broadcast_in_dim3A_724 : i1 to vector<16xi1>
          %while3A_726 = scf.while (%while3A_776 = %broadcast_in_dim3A_725) : (vector<16xi1>) -> vector<16xi1> {
            %reduce_or3A = arith.constant 1.000000e+00 : f32
            %reduce_or3A_777 = arith.constant 0.000000e+00 : f32
            %reduce_or3A_778 = vector.broadcast %reduce_or3A : f32 to vector<16xf32>
            %reduce_or3A_779 = vector.broadcast %reduce_or3A_777 : f32 to vector<16xf32>
            %reduce_or3A_780 = arith.select %while3A_776, %reduce_or3A_778, %reduce_or3A_779 : vector<16xi1>, vector<16xf32>
            %reduce_or3A_781 = arith.constant true
            %reduce_or3A_782 = vector.broadcast %reduce_or3A_781 : i1 to vector<16xi1>
            %reduce_or3A_783 = tpu.scan <max>, %reduce_or3A_780 masked %reduce_or3A_782 : vector<16xf32>, vector<16xi1> -> vector<16xf32>
            %reduce_or3A_784 = vector.extract %reduce_or3A_783[15] : f32 from vector<16xf32>
            %reduce_or3A_785 = arith.constant 0.000000e+00 : f32
            %reduce_or3A_786 = arith.cmpf ogt, %reduce_or3A_784, %reduce_or3A_785 : f32
            scf.condition(%reduce_or3A_786) %while3A_776 : vector<16xi1>
          } do {
          ^bb0(%while3A_776: vector<16xi1>):
            %gather3A = tpu.vector_load_idx %arg6[%add3A_723] : memref<80000xf32, #tpu.memory_space<vmem>>[vector<16xi32>], vector<16xf32>,
            %max3A = arith.maximumf %gather3A, %get3A_614 : vector<16xf32>
            tpu.vector_store_idx %arg6[%add3A_723], %max3A masked %while3A_776 : memref<80000xf32, #tpu.memory_space<vmem>>[vector<16xi32>], vector<16xf32>, vector<16xi1>
            %gather3A_777 = tpu.vector_load_idx %arg6[%add3A_723] : memref<80000xf32, #tpu.memory_space<vmem>>[vector<16xi32>], vector<16xf32>,
            %lt3A_778 = arith.cmpf olt, %gather3A_777, %get3A_614 : vector<16xf32>
            %and3A_779 = arith.andi %while3A_776, %lt3A_778 : vector<16xi1>
            scf.yield %and3A_779 : vector<16xi1>
          }
          %add3A_727 = arith.constant 0 : i32
          %add3A_728 = vector.broadcast %add3A_727 : i32 to vector<16xi32>
          %add3A_729 = arith.addi %get3A_622, %add3A_728 : vector<16xi32>
          %broadcast_in_dim3A_730 = arith.constant true
          %broadcast_in_dim3A_731 = vector.broadcast %broadcast_in_dim3A_730 : i1 to vector<16xi1>
          %while3A_732 = scf.while (%while3A_776 = %broadcast_in_dim3A_731) : (vector<16xi1>) -> vector<16xi1> {
            %reduce_or3A = arith.constant 1.000000e+00 : f32
            %reduce_or3A_777 = arith.constant 0.000000e+00 : f32
            %reduce_or3A_778 = vector.broadcast %reduce_or3A : f32 to vector<16xf32>
            %reduce_or3A_779 = vector.broadcast %reduce_or3A_777 : f32 to vector<16xf32>
            %reduce_or3A_780 = arith.select %while3A_776, %reduce_or3A_778, %reduce_or3A_779 : vector<16xi1>, vector<16xf32>
            %reduce_or3A_781 = arith.constant true
            %reduce_or3A_782 = vector.broadcast %reduce_or3A_781 : i1 to vector<16xi1>
            %reduce_or3A_783 = tpu.scan <max>, %reduce_or3A_780 masked %reduce_or3A_782 : vector<16xf32>, vector<16xi1> -> vector<16xf32>
            %reduce_or3A_784 = vector.extract %reduce_or3A_783[15] : f32 from vector<16xf32>
            %reduce_or3A_785 = arith.constant 0.000000e+00 : f32
            %reduce_or3A_786 = arith.cmpf ogt, %reduce_or3A_784, %reduce_or3A_785 : f32
            scf.condition(%reduce_or3A_786) %while3A_776 : vector<16xi1>
          } do {
          ^bb0(%while3A_776: vector<16xi1>):
            %gather3A = tpu.vector_load_idx %arg6[%add3A_729] : memref<80000xf32, #tpu.memory_space<vmem>>[vector<16xi32>], vector<16xf32>,
            %max3A = arith.maximumf %gather3A, %get3A_628 : vector<16xf32>
            tpu.vector_store_idx %arg6[%add3A_729], %max3A masked %while3A_776 : memref<80000xf32, #tpu.memory_space<vmem>>[vector<16xi32>], vector<16xf32>, vector<16xi1>
            %gather3A_777 = tpu.vector_load_idx %arg6[%add3A_729] : memref<80000xf32, #tpu.memory_space<vmem>>[vector<16xi32>], vector<16xf32>,
            %lt3A_778 = arith.cmpf olt, %gather3A_777, %get3A_628 : vector<16xf32>
            %and3A_779 = arith.andi %while3A_776, %lt3A_778 : vector<16xi1>
            scf.yield %and3A_779 : vector<16xi1>
          }
          %add3A_733 = arith.constant 10000 : i32
          %add3A_734 = vector.broadcast %add3A_733 : i32 to vector<16xi32>
          %add3A_735 = arith.addi %get3A_622, %add3A_734 : vector<16xi32>
          %broadcast_in_dim3A_736 = arith.constant true
          %broadcast_in_dim3A_737 = vector.broadcast %broadcast_in_dim3A_736 : i1 to vector<16xi1>
          %while3A_738 = scf.while (%while3A_776 = %broadcast_in_dim3A_737) : (vector<16xi1>) -> vector<16xi1> {
            %reduce_or3A = arith.constant 1.000000e+00 : f32
            %reduce_or3A_777 = arith.constant 0.000000e+00 : f32
            %reduce_or3A_778 = vector.broadcast %reduce_or3A : f32 to vector<16xf32>
            %reduce_or3A_779 = vector.broadcast %reduce_or3A_777 : f32 to vector<16xf32>
            %reduce_or3A_780 = arith.select %while3A_776, %reduce_or3A_778, %reduce_or3A_779 : vector<16xi1>, vector<16xf32>
            %reduce_or3A_781 = arith.constant true
            %reduce_or3A_782 = vector.broadcast %reduce_or3A_781 : i1 to vector<16xi1>
            %reduce_or3A_783 = tpu.scan <max>, %reduce_or3A_780 masked %reduce_or3A_782 : vector<16xf32>, vector<16xi1> -> vector<16xf32>
            %reduce_or3A_784 = vector.extract %reduce_or3A_783[15] : f32 from vector<16xf32>
            %reduce_or3A_785 = arith.constant 0.000000e+00 : f32
            %reduce_or3A_786 = arith.cmpf ogt, %reduce_or3A_784, %reduce_or3A_785 : f32
            scf.condition(%reduce_or3A_786) %while3A_776 : vector<16xi1>
          } do {
          ^bb0(%while3A_776: vector<16xi1>):
            %gather3A = tpu.vector_load_idx %arg6[%add3A_735] : memref<80000xf32, #tpu.memory_space<vmem>>[vector<16xi32>], vector<16xf32>,
            %max3A = arith.maximumf %gather3A, %get3A_634 : vector<16xf32>
            tpu.vector_store_idx %arg6[%add3A_735], %max3A masked %while3A_776 : memref<80000xf32, #tpu.memory_space<vmem>>[vector<16xi32>], vector<16xf32>, vector<16xi1>
            %gather3A_777 = tpu.vector_load_idx %arg6[%add3A_735] : memref<80000xf32, #tpu.memory_space<vmem>>[vector<16xi32>], vector<16xf32>,
            %lt3A_778 = arith.cmpf olt, %gather3A_777, %get3A_634 : vector<16xf32>
            %and3A_779 = arith.andi %while3A_776, %lt3A_778 : vector<16xi1>
            scf.yield %and3A_779 : vector<16xi1>
          }
          %add3A_739 = arith.constant 20000 : i32
          %add3A_740 = vector.broadcast %add3A_739 : i32 to vector<16xi32>
          %add3A_741 = arith.addi %get3A_622, %add3A_740 : vector<16xi32>
          %broadcast_in_dim3A_742 = arith.constant true
          %broadcast_in_dim3A_743 = vector.broadcast %broadcast_in_dim3A_742 : i1 to vector<16xi1>
          %while3A_744 = scf.while (%while3A_776 = %broadcast_in_dim3A_743) : (vector<16xi1>) -> vector<16xi1> {
            %reduce_or3A = arith.constant 1.000000e+00 : f32
            %reduce_or3A_777 = arith.constant 0.000000e+00 : f32
            %reduce_or3A_778 = vector.broadcast %reduce_or3A : f32 to vector<16xf32>
            %reduce_or3A_779 = vector.broadcast %reduce_or3A_777 : f32 to vector<16xf32>
            %reduce_or3A_780 = arith.select %while3A_776, %reduce_or3A_778, %reduce_or3A_779 : vector<16xi1>, vector<16xf32>
            %reduce_or3A_781 = arith.constant true
            %reduce_or3A_782 = vector.broadcast %reduce_or3A_781 : i1 to vector<16xi1>
            %reduce_or3A_783 = tpu.scan <max>, %reduce_or3A_780 masked %reduce_or3A_782 : vector<16xf32>, vector<16xi1> -> vector<16xf32>
            %reduce_or3A_784 = vector.extract %reduce_or3A_783[15] : f32 from vector<16xf32>
            %reduce_or3A_785 = arith.constant 0.000000e+00 : f32
            %reduce_or3A_786 = arith.cmpf ogt, %reduce_or3A_784, %reduce_or3A_785 : f32
            scf.condition(%reduce_or3A_786) %while3A_776 : vector<16xi1>
          } do {
          ^bb0(%while3A_776: vector<16xi1>):
            %gather3A = tpu.vector_load_idx %arg6[%add3A_741] : memref<80000xf32, #tpu.memory_space<vmem>>[vector<16xi32>], vector<16xf32>,
            %max3A = arith.maximumf %gather3A, %get3A_640 : vector<16xf32>
            tpu.vector_store_idx %arg6[%add3A_741], %max3A masked %while3A_776 : memref<80000xf32, #tpu.memory_space<vmem>>[vector<16xi32>], vector<16xf32>, vector<16xi1>
            %gather3A_777 = tpu.vector_load_idx %arg6[%add3A_741] : memref<80000xf32, #tpu.memory_space<vmem>>[vector<16xi32>], vector<16xf32>,
            %lt3A_778 = arith.cmpf olt, %gather3A_777, %get3A_640 : vector<16xf32>
            %and3A_779 = arith.andi %while3A_776, %lt3A_778 : vector<16xi1>
            scf.yield %and3A_779 : vector<16xi1>
          }
          %add3A_745 = arith.constant 30000 : i32
          %add3A_746 = vector.broadcast %add3A_745 : i32 to vector<16xi32>
          %add3A_747 = arith.addi %get3A_622, %add3A_746 : vector<16xi32>
          %broadcast_in_dim3A_748 = arith.constant true
          %broadcast_in_dim3A_749 = vector.broadcast %broadcast_in_dim3A_748 : i1 to vector<16xi1>
          %while3A_750 = scf.while (%while3A_776 = %broadcast_in_dim3A_749) : (vector<16xi1>) -> vector<16xi1> {
            %reduce_or3A = arith.constant 1.000000e+00 : f32
            %reduce_or3A_777 = arith.constant 0.000000e+00 : f32
            %reduce_or3A_778 = vector.broadcast %reduce_or3A : f32 to vector<16xf32>
            %reduce_or3A_779 = vector.broadcast %reduce_or3A_777 : f32 to vector<16xf32>
            %reduce_or3A_780 = arith.select %while3A_776, %reduce_or3A_778, %reduce_or3A_779 : vector<16xi1>, vector<16xf32>
            %reduce_or3A_781 = arith.constant true
            %reduce_or3A_782 = vector.broadcast %reduce_or3A_781 : i1 to vector<16xi1>
            %reduce_or3A_783 = tpu.scan <max>, %reduce_or3A_780 masked %reduce_or3A_782 : vector<16xf32>, vector<16xi1> -> vector<16xf32>
            %reduce_or3A_784 = vector.extract %reduce_or3A_783[15] : f32 from vector<16xf32>
            %reduce_or3A_785 = arith.constant 0.000000e+00 : f32
            %reduce_or3A_786 = arith.cmpf ogt, %reduce_or3A_784, %reduce_or3A_785 : f32
            scf.condition(%reduce_or3A_786) %while3A_776 : vector<16xi1>
          } do {
          ^bb0(%while3A_776: vector<16xi1>):
            %gather3A = tpu.vector_load_idx %arg6[%add3A_747] : memref<80000xf32, #tpu.memory_space<vmem>>[vector<16xi32>], vector<16xf32>,
            %max3A = arith.maximumf %gather3A, %get3A_646 : vector<16xf32>
            tpu.vector_store_idx %arg6[%add3A_747], %max3A masked %while3A_776 : memref<80000xf32, #tpu.memory_space<vmem>>[vector<16xi32>], vector<16xf32>, vector<16xi1>
            %gather3A_777 = tpu.vector_load_idx %arg6[%add3A_747] : memref<80000xf32, #tpu.memory_space<vmem>>[vector<16xi32>], vector<16xf32>,
            %lt3A_778 = arith.cmpf olt, %gather3A_777, %get3A_646 : vector<16xf32>
            %and3A_779 = arith.andi %while3A_776, %lt3A_778 : vector<16xi1>
            scf.yield %and3A_779 : vector<16xi1>
          }
          %add3A_751 = arith.constant 40000 : i32
          %add3A_752 = vector.broadcast %add3A_751 : i32 to vector<16xi32>
          %add3A_753 = arith.addi %get3A_622, %add3A_752 : vector<16xi32>
          %broadcast_in_dim3A_754 = arith.constant true
          %broadcast_in_dim3A_755 = vector.broadcast %broadcast_in_dim3A_754 : i1 to vector<16xi1>
          %while3A_756 = scf.while (%while3A_776 = %broadcast_in_dim3A_755) : (vector<16xi1>) -> vector<16xi1> {
            %reduce_or3A = arith.constant 1.000000e+00 : f32
            %reduce_or3A_777 = arith.constant 0.000000e+00 : f32
            %reduce_or3A_778 = vector.broadcast %reduce_or3A : f32 to vector<16xf32>
            %reduce_or3A_779 = vector.broadcast %reduce_or3A_777 : f32 to vector<16xf32>
            %reduce_or3A_780 = arith.select %while3A_776, %reduce_or3A_778, %reduce_or3A_779 : vector<16xi1>, vector<16xf32>
            %reduce_or3A_781 = arith.constant true
            %reduce_or3A_782 = vector.broadcast %reduce_or3A_781 : i1 to vector<16xi1>
            %reduce_or3A_783 = tpu.scan <max>, %reduce_or3A_780 masked %reduce_or3A_782 : vector<16xf32>, vector<16xi1> -> vector<16xf32>
            %reduce_or3A_784 = vector.extract %reduce_or3A_783[15] : f32 from vector<16xf32>
            %reduce_or3A_785 = arith.constant 0.000000e+00 : f32
            %reduce_or3A_786 = arith.cmpf ogt, %reduce_or3A_784, %reduce_or3A_785 : f32
            scf.condition(%reduce_or3A_786) %while3A_776 : vector<16xi1>
          } do {
          ^bb0(%while3A_776: vector<16xi1>):
            %gather3A = tpu.vector_load_idx %arg6[%add3A_753] : memref<80000xf32, #tpu.memory_space<vmem>>[vector<16xi32>], vector<16xf32>,
            %max3A = arith.maximumf %gather3A, %get3A_652 : vector<16xf32>
            tpu.vector_store_idx %arg6[%add3A_753], %max3A masked %while3A_776 : memref<80000xf32, #tpu.memory_space<vmem>>[vector<16xi32>], vector<16xf32>, vector<16xi1>
            %gather3A_777 = tpu.vector_load_idx %arg6[%add3A_753] : memref<80000xf32, #tpu.memory_space<vmem>>[vector<16xi32>], vector<16xf32>,
            %lt3A_778 = arith.cmpf olt, %gather3A_777, %get3A_652 : vector<16xf32>
            %and3A_779 = arith.andi %while3A_776, %lt3A_778 : vector<16xi1>
            scf.yield %and3A_779 : vector<16xi1>
          }
          %add3A_757 = arith.constant 50000 : i32
          %add3A_758 = vector.broadcast %add3A_757 : i32 to vector<16xi32>
          %add3A_759 = arith.addi %get3A_622, %add3A_758 : vector<16xi32>
          %broadcast_in_dim3A_760 = arith.constant true
          %broadcast_in_dim3A_761 = vector.broadcast %broadcast_in_dim3A_760 : i1 to vector<16xi1>
          %while3A_762 = scf.while (%while3A_776 = %broadcast_in_dim3A_761) : (vector<16xi1>) -> vector<16xi1> {
            %reduce_or3A = arith.constant 1.000000e+00 : f32
            %reduce_or3A_777 = arith.constant 0.000000e+00 : f32
            %reduce_or3A_778 = vector.broadcast %reduce_or3A : f32 to vector<16xf32>
            %reduce_or3A_779 = vector.broadcast %reduce_or3A_777 : f32 to vector<16xf32>
            %reduce_or3A_780 = arith.select %while3A_776, %reduce_or3A_778, %reduce_or3A_779 : vector<16xi1>, vector<16xf32>
            %reduce_or3A_781 = arith.constant true
            %reduce_or3A_782 = vector.broadcast %reduce_or3A_781 : i1 to vector<16xi1>
            %reduce_or3A_783 = tpu.scan <max>, %reduce_or3A_780 masked %reduce_or3A_782 : vector<16xf32>, vector<16xi1> -> vector<16xf32>
            %reduce_or3A_784 = vector.extract %reduce_or3A_783[15] : f32 from vector<16xf32>
            %reduce_or3A_785 = arith.constant 0.000000e+00 : f32
            %reduce_or3A_786 = arith.cmpf ogt, %reduce_or3A_784, %reduce_or3A_785 : f32
            scf.condition(%reduce_or3A_786) %while3A_776 : vector<16xi1>
          } do {
          ^bb0(%while3A_776: vector<16xi1>):
            %gather3A = tpu.vector_load_idx %arg6[%add3A_759] : memref<80000xf32, #tpu.memory_space<vmem>>[vector<16xi32>], vector<16xf32>,
            %max3A = arith.maximumf %gather3A, %get3A_658 : vector<16xf32>
            tpu.vector_store_idx %arg6[%add3A_759], %max3A masked %while3A_776 : memref<80000xf32, #tpu.memory_space<vmem>>[vector<16xi32>], vector<16xf32>, vector<16xi1>
            %gather3A_777 = tpu.vector_load_idx %arg6[%add3A_759] : memref<80000xf32, #tpu.memory_space<vmem>>[vector<16xi32>], vector<16xf32>,
            %lt3A_778 = arith.cmpf olt, %gather3A_777, %get3A_658 : vector<16xf32>
            %and3A_779 = arith.andi %while3A_776, %lt3A_778 : vector<16xi1>
            scf.yield %and3A_779 : vector<16xi1>
          }
          %add3A_763 = arith.constant 60000 : i32
          %add3A_764 = vector.broadcast %add3A_763 : i32 to vector<16xi32>
          %add3A_765 = arith.addi %get3A_622, %add3A_764 : vector<16xi32>
          %broadcast_in_dim3A_766 = arith.constant true
          %broadcast_in_dim3A_767 = vector.broadcast %broadcast_in_dim3A_766 : i1 to vector<16xi1>
          %while3A_768 = scf.while (%while3A_776 = %broadcast_in_dim3A_767) : (vector<16xi1>) -> vector<16xi1> {
            %reduce_or3A = arith.constant 1.000000e+00 : f32
            %reduce_or3A_777 = arith.constant 0.000000e+00 : f32
            %reduce_or3A_778 = vector.broadcast %reduce_or3A : f32 to vector<16xf32>
            %reduce_or3A_779 = vector.broadcast %reduce_or3A_777 : f32 to vector<16xf32>
            %reduce_or3A_780 = arith.select %while3A_776, %reduce_or3A_778, %reduce_or3A_779 : vector<16xi1>, vector<16xf32>
            %reduce_or3A_781 = arith.constant true
            %reduce_or3A_782 = vector.broadcast %reduce_or3A_781 : i1 to vector<16xi1>
            %reduce_or3A_783 = tpu.scan <max>, %reduce_or3A_780 masked %reduce_or3A_782 : vector<16xf32>, vector<16xi1> -> vector<16xf32>
            %reduce_or3A_784 = vector.extract %reduce_or3A_783[15] : f32 from vector<16xf32>
            %reduce_or3A_785 = arith.constant 0.000000e+00 : f32
            %reduce_or3A_786 = arith.cmpf ogt, %reduce_or3A_784, %reduce_or3A_785 : f32
            scf.condition(%reduce_or3A_786) %while3A_776 : vector<16xi1>
          } do {
          ^bb0(%while3A_776: vector<16xi1>):
            %gather3A = tpu.vector_load_idx %arg6[%add3A_765] : memref<80000xf32, #tpu.memory_space<vmem>>[vector<16xi32>], vector<16xf32>,
            %max3A = arith.maximumf %gather3A, %get3A_664 : vector<16xf32>
            tpu.vector_store_idx %arg6[%add3A_765], %max3A masked %while3A_776 : memref<80000xf32, #tpu.memory_space<vmem>>[vector<16xi32>], vector<16xf32>, vector<16xi1>
            %gather3A_777 = tpu.vector_load_idx %arg6[%add3A_765] : memref<80000xf32, #tpu.memory_space<vmem>>[vector<16xi32>], vector<16xf32>,
            %lt3A_778 = arith.cmpf olt, %gather3A_777, %get3A_664 : vector<16xf32>
            %and3A_779 = arith.andi %while3A_776, %lt3A_778 : vector<16xi1>
            scf.yield %and3A_779 : vector<16xi1>
          }
          %add3A_769 = arith.constant 70000 : i32
          %add3A_770 = vector.broadcast %add3A_769 : i32 to vector<16xi32>
          %add3A_771 = arith.addi %get3A_622, %add3A_770 : vector<16xi32>
          %broadcast_in_dim3A_772 = arith.constant true
          %broadcast_in_dim3A_773 = vector.broadcast %broadcast_in_dim3A_772 : i1 to vector<16xi1>
          %while3A_774 = scf.while (%while3A_776 = %broadcast_in_dim3A_773) : (vector<16xi1>) -> vector<16xi1> {
            %reduce_or3A = arith.constant 1.000000e+00 : f32
            %reduce_or3A_777 = arith.constant 0.000000e+00 : f32
            %reduce_or3A_778 = vector.broadcast %reduce_or3A : f32 to vector<16xf32>
            %reduce_or3A_779 = vector.broadcast %reduce_or3A_777 : f32 to vector<16xf32>
            %reduce_or3A_780 = arith.select %while3A_776, %reduce_or3A_778, %reduce_or3A_779 : vector<16xi1>, vector<16xf32>
            %reduce_or3A_781 = arith.constant true
            %reduce_or3A_782 = vector.broadcast %reduce_or3A_781 : i1 to vector<16xi1>
            %reduce_or3A_783 = tpu.scan <max>, %reduce_or3A_780 masked %reduce_or3A_782 : vector<16xf32>, vector<16xi1> -> vector<16xf32>
            %reduce_or3A_784 = vector.extract %reduce_or3A_783[15] : f32 from vector<16xf32>
            %reduce_or3A_785 = arith.constant 0.000000e+00 : f32
            %reduce_or3A_786 = arith.cmpf ogt, %reduce_or3A_784, %reduce_or3A_785 : f32
            scf.condition(%reduce_or3A_786) %while3A_776 : vector<16xi1>
          } do {
          ^bb0(%while3A_776: vector<16xi1>):
            %gather3A = tpu.vector_load_idx %arg6[%add3A_771] : memref<80000xf32, #tpu.memory_space<vmem>>[vector<16xi32>], vector<16xf32>,
            %max3A = arith.maximumf %gather3A, %get3A_670 : vector<16xf32>
            tpu.vector_store_idx %arg6[%add3A_771], %max3A masked %while3A_776 : memref<80000xf32, #tpu.memory_space<vmem>>[vector<16xi32>], vector<16xf32>, vector<16xi1>
            %gather3A_777 = tpu.vector_load_idx %arg6[%add3A_771] : memref<80000xf32, #tpu.memory_space<vmem>>[vector<16xi32>], vector<16xf32>,
            %lt3A_778 = arith.cmpf olt, %gather3A_777, %get3A_670 : vector<16xf32>
            %and3A_779 = arith.andi %while3A_776, %lt3A_778 : vector<16xi1>
            scf.yield %and3A_779 : vector<16xi1>
          }
          %cond3A_775 = arith.constant 0 : i32
          scf.yield %cond3A_775 : i32
        } else {
          %add3A_680 = arith.constant 0 : i32
          %add3A_681 = vector.broadcast %add3A_680 : i32 to vector<16xi32>
          %add3A_682 = arith.addi %get3A_566, %add3A_681 : vector<16xi32>
          %add3A_683 = arith.constant 10000 : i32
          %add3A_684 = vector.broadcast %add3A_683 : i32 to vector<16xi32>
          %add3A_685 = arith.addi %get3A_566, %add3A_684 : vector<16xi32>
          %add3A_686 = arith.constant 20000 : i32
          %add3A_687 = vector.broadcast %add3A_686 : i32 to vector<16xi32>
          %add3A_688 = arith.addi %get3A_566, %add3A_687 : vector<16xi32>
          %add3A_689 = arith.constant 30000 : i32
          %add3A_690 = vector.broadcast %add3A_689 : i32 to vector<16xi32>
          %add3A_691 = arith.addi %get3A_566, %add3A_690 : vector<16xi32>
          %add3A_692 = arith.constant 40000 : i32
          %add3A_693 = vector.broadcast %add3A_692 : i32 to vector<16xi32>
          %add3A_694 = arith.addi %get3A_566, %add3A_693 : vector<16xi32>
          %add3A_695 = arith.constant 50000 : i32
          %add3A_696 = vector.broadcast %add3A_695 : i32 to vector<16xi32>
          %add3A_697 = arith.addi %get3A_566, %add3A_696 : vector<16xi32>
          %add3A_698 = arith.constant 60000 : i32
          %add3A_699 = vector.broadcast %add3A_698 : i32 to vector<16xi32>
          %add3A_700 = arith.addi %get3A_566, %add3A_699 : vector<16xi32>
          %add3A_701 = arith.constant 70000 : i32
          %add3A_702 = vector.broadcast %add3A_701 : i32 to vector<16xi32>
          %add3A_703 = arith.addi %get3A_566, %add3A_702 : vector<16xi32>
          %gather3A = tpu.vector_load_idx %arg6[%add3A_682] : memref<80000xf32, #tpu.memory_space<vmem>>[vector<16xi32>], vector<16xf32>,
          %gather3A_704 = tpu.vector_load_idx %arg6[%add3A_685] : memref<80000xf32, #tpu.memory_space<vmem>>[vector<16xi32>], vector<16xf32>,
          %gather3A_705 = tpu.vector_load_idx %arg6[%add3A_688] : memref<80000xf32, #tpu.memory_space<vmem>>[vector<16xi32>], vector<16xf32>,
          %gather3A_706 = tpu.vector_load_idx %arg6[%add3A_691] : memref<80000xf32, #tpu.memory_space<vmem>>[vector<16xi32>], vector<16xf32>,
          %gather3A_707 = tpu.vector_load_idx %arg6[%add3A_694] : memref<80000xf32, #tpu.memory_space<vmem>>[vector<16xi32>], vector<16xf32>,
          %gather3A_708 = tpu.vector_load_idx %arg6[%add3A_697] : memref<80000xf32, #tpu.memory_space<vmem>>[vector<16xi32>], vector<16xf32>,
          %gather3A_709 = tpu.vector_load_idx %arg6[%add3A_700] : memref<80000xf32, #tpu.memory_space<vmem>>[vector<16xi32>], vector<16xf32>,
          %gather3A_710 = tpu.vector_load_idx %arg6[%add3A_703] : memref<80000xf32, #tpu.memory_space<vmem>>[vector<16xi32>], vector<16xf32>,
          %max3A = arith.maximumf %gather3A, %get3A_572 : vector<16xf32>
          tpu.vector_store_idx %arg6[%add3A_682], %max3A : memref<80000xf32, #tpu.memory_space<vmem>>[vector<16xi32>], vector<16xf32>,
          %max3A_711 = arith.maximumf %gather3A_704, %get3A_578 : vector<16xf32>
          tpu.vector_store_idx %arg6[%add3A_685], %max3A_711 : memref<80000xf32, #tpu.memory_space<vmem>>[vector<16xi32>], vector<16xf32>,
          %max3A_712 = arith.maximumf %gather3A_705, %get3A_584 : vector<16xf32>
          tpu.vector_store_idx %arg6[%add3A_688], %max3A_712 : memref<80000xf32, #tpu.memory_space<vmem>>[vector<16xi32>], vector<16xf32>,
          %max3A_713 = arith.maximumf %gather3A_706, %get3A_590 : vector<16xf32>
          tpu.vector_store_idx %arg6[%add3A_691], %max3A_713 : memref<80000xf32, #tpu.memory_space<vmem>>[vector<16xi32>], vector<16xf32>,
          %max3A_714 = arith.maximumf %gather3A_707, %get3A_596 : vector<16xf32>
          tpu.vector_store_idx %arg6[%add3A_694], %max3A_714 : memref<80000xf32, #tpu.memory_space<vmem>>[vector<16xi32>], vector<16xf32>,
          %max3A_715 = arith.maximumf %gather3A_708, %get3A_602 : vector<16xf32>
          tpu.vector_store_idx %arg6[%add3A_697], %max3A_715 : memref<80000xf32, #tpu.memory_space<vmem>>[vector<16xi32>], vector<16xf32>,
          %max3A_716 = arith.maximumf %gather3A_709, %get3A_608 : vector<16xf32>
          tpu.vector_store_idx %arg6[%add3A_700], %max3A_716 : memref<80000xf32, #tpu.memory_space<vmem>>[vector<16xi32>], vector<16xf32>,
          %max3A_717 = arith.maximumf %gather3A_710, %get3A_614 : vector<16xf32>
          tpu.vector_store_idx %arg6[%add3A_703], %max3A_717 : memref<80000xf32, #tpu.memory_space<vmem>>[vector<16xi32>], vector<16xf32>,
          %add3A_718 = arith.constant 0 : i32
          %add3A_719 = vector.broadcast %add3A_718 : i32 to vector<16xi32>
          %add3A_720 = arith.addi %get3A_622, %add3A_719 : vector<16xi32>
          %add3A_721 = arith.constant 10000 : i32
          %add3A_722 = vector.broadcast %add3A_721 : i32 to vector<16xi32>
          %add3A_723 = arith.addi %get3A_622, %add3A_722 : vector<16xi32>
          %add3A_724 = arith.constant 20000 : i32
          %add3A_725 = vector.broadcast %add3A_724 : i32 to vector<16xi32>
          %add3A_726 = arith.addi %get3A_622, %add3A_725 : vector<16xi32>
          %add3A_727 = arith.constant 30000 : i32
          %add3A_728 = vector.broadcast %add3A_727 : i32 to vector<16xi32>
          %add3A_729 = arith.addi %get3A_622, %add3A_728 : vector<16xi32>
          %add3A_730 = arith.constant 40000 : i32
          %add3A_731 = vector.broadcast %add3A_730 : i32 to vector<16xi32>
          %add3A_732 = arith.addi %get3A_622, %add3A_731 : vector<16xi32>
          %add3A_733 = arith.constant 50000 : i32
          %add3A_734 = vector.broadcast %add3A_733 : i32 to vector<16xi32>
          %add3A_735 = arith.addi %get3A_622, %add3A_734 : vector<16xi32>
          %add3A_736 = arith.constant 60000 : i32
          %add3A_737 = vector.broadcast %add3A_736 : i32 to vector<16xi32>
          %add3A_738 = arith.addi %get3A_622, %add3A_737 : vector<16xi32>
          %add3A_739 = arith.constant 70000 : i32
          %add3A_740 = vector.broadcast %add3A_739 : i32 to vector<16xi32>
          %add3A_741 = arith.addi %get3A_622, %add3A_740 : vector<16xi32>
          %gather3A_742 = tpu.vector_load_idx %arg6[%add3A_720] : memref<80000xf32, #tpu.memory_space<vmem>>[vector<16xi32>], vector<16xf32>,
          %gather3A_743 = tpu.vector_load_idx %arg6[%add3A_723] : memref<80000xf32, #tpu.memory_space<vmem>>[vector<16xi32>], vector<16xf32>,
          %gather3A_744 = tpu.vector_load_idx %arg6[%add3A_726] : memref<80000xf32, #tpu.memory_space<vmem>>[vector<16xi32>], vector<16xf32>,
          %gather3A_745 = tpu.vector_load_idx %arg6[%add3A_729] : memref<80000xf32, #tpu.memory_space<vmem>>[vector<16xi32>], vector<16xf32>,
          %gather3A_746 = tpu.vector_load_idx %arg6[%add3A_732] : memref<80000xf32, #tpu.memory_space<vmem>>[vector<16xi32>], vector<16xf32>,
          %gather3A_747 = tpu.vector_load_idx %arg6[%add3A_735] : memref<80000xf32, #tpu.memory_space<vmem>>[vector<16xi32>], vector<16xf32>,
          %gather3A_748 = tpu.vector_load_idx %arg6[%add3A_738] : memref<80000xf32, #tpu.memory_space<vmem>>[vector<16xi32>], vector<16xf32>,
          %gather3A_749 = tpu.vector_load_idx %arg6[%add3A_741] : memref<80000xf32, #tpu.memory_space<vmem>>[vector<16xi32>], vector<16xf32>,
          %max3A_750 = arith.maximumf %gather3A_742, %get3A_628 : vector<16xf32>
          tpu.vector_store_idx %arg6[%add3A_720], %max3A_750 : memref<80000xf32, #tpu.memory_space<vmem>>[vector<16xi32>], vector<16xf32>,
          %max3A_751 = arith.maximumf %gather3A_743, %get3A_634 : vector<16xf32>
          tpu.vector_store_idx %arg6[%add3A_723], %max3A_751 : memref<80000xf32, #tpu.memory_space<vmem>>[vector<16xi32>], vector<16xf32>,
          %max3A_752 = arith.maximumf %gather3A_744, %get3A_640 : vector<16xf32>
          tpu.vector_store_idx %arg6[%add3A_726], %max3A_752 : memref<80000xf32, #tpu.memory_space<vmem>>[vector<16xi32>], vector<16xf32>,
          %max3A_753 = arith.maximumf %gather3A_745, %get3A_646 : vector<16xf32>
          tpu.vector_store_idx %arg6[%add3A_729], %max3A_753 : memref<80000xf32, #tpu.memory_space<vmem>>[vector<16xi32>], vector<16xf32>,
          %max3A_754 = arith.maximumf %gather3A_746, %get3A_652 : vector<16xf32>
          tpu.vector_store_idx %arg6[%add3A_732], %max3A_754 : memref<80000xf32, #tpu.memory_space<vmem>>[vector<16xi32>], vector<16xf32>,
          %max3A_755 = arith.maximumf %gather3A_747, %get3A_658 : vector<16xf32>
          tpu.vector_store_idx %arg6[%add3A_735], %max3A_755 : memref<80000xf32, #tpu.memory_space<vmem>>[vector<16xi32>], vector<16xf32>,
          %max3A_756 = arith.maximumf %gather3A_748, %get3A_664 : vector<16xf32>
          tpu.vector_store_idx %arg6[%add3A_738], %max3A_756 : memref<80000xf32, #tpu.memory_space<vmem>>[vector<16xi32>], vector<16xf32>,
          %max3A_757 = arith.maximumf %gather3A_749, %get3A_670 : vector<16xf32>
          tpu.vector_store_idx %arg6[%add3A_741], %max3A_757 : memref<80000xf32, #tpu.memory_space<vmem>>[vector<16xi32>], vector<16xf32>,
          %cond3A_758 = arith.constant 0 : i32
          scf.yield %cond3A_758 : i32
        }
      }
      %scan3A_553 = arith.constant 40 : i32
      %add3A_554 = arith.constant 2 : i32
      %add3A_555 = arith.addi %add3A_453, %add3A_554 : i32
      %lt3A_556 = arith.constant 125 : i32
      %lt3A_557 = arith.cmpi slt, %add3A_555, %lt3A_556 : i32
      %convert_element_type3A_558 = arith.extui %lt3A_557 : i1 to i32
      %cond3A_559 = arith.constant 0 : i32
      %cond3A_560 = arith.cmpi ne, %convert_element_type3A_558, %cond3A_559 : i32
      scf.if %cond3A_560 {
        %add3A_561 = arith.constant 2 : i32
        %add3A_562 = arith.addi %add3A_453, %add3A_561 : i32
        %mul3A_563 = arith.constant 1280 : i32
        %mul3A_564 = arith.muli %add3A_562, %mul3A_563 : i32
        %add3A_565 = arith.addi %mul3A_34, %mul3A_564 : i32
        %dma_start3A_566 = tpu.memref_slice %arg3[%add3A_565] : memref<320000xi32, #tpu.memory_space<hbm>> -> memref<1280xi32, #tpu.memory_space<hbm>>
        %dma_start3A_567 = tpu.memref_slice %arg3[%add3A_565] : memref<320000xi32, #tpu.memory_space<hbm>> -> memref<1280xi32, #tpu.memory_space<hbm>>
        tpu.enqueue_dma source(%dma_start3A_567 : memref<1280xi32, #tpu.memory_space<hbm>>) target(%arg11 : memref<1280xi32, #tpu.memory_space<vmem>>) target_semaphore(%arg16 : memref<!tpu.dma_semaphore, #tpu.memory_space<semaphore_mem>>)
        %mul3A_568 = arith.constant 40 : i32
        %mul3A_569 = arith.muli %add3A_562, %mul3A_568 : i32
        %add3A_570 = arith.addi %mul3A_36, %mul3A_569 : i32
        %dma_start3A_571 = arith.constant 0 : i32
        %dma_start3A_572 = tpu.memref_slice %arg12[%dma_start3A_571] : memref<56xi32, #tpu.memory_space<vmem>> -> memref<40xi32, #tpu.memory_space<vmem>>
        %dma_start3A_573 = tpu.memref_slice %arg4[%add3A_570] : memref<10000xi32, #tpu.memory_space<hbm>> -> memref<40xi32, #tpu.memory_space<hbm>>
        %dma_start3A_574 = arith.constant 0 : i32
        %dma_start3A_575 = tpu.memref_slice %arg12[%dma_start3A_574] : memref<56xi32, #tpu.memory_space<vmem>> -> memref<40xi32, #tpu.memory_space<vmem>>
        %dma_start3A_576 = tpu.memref_slice %arg4[%add3A_570] : memref<10000xi32, #tpu.memory_space<hbm>> -> memref<40xi32, #tpu.memory_space<hbm>>
        tpu.enqueue_dma source(%dma_start3A_576 : memref<40xi32, #tpu.memory_space<hbm>>) target(%dma_start3A_575 : memref<40xi32, #tpu.memory_space<vmem>>) target_semaphore(%arg16 : memref<!tpu.dma_semaphore, #tpu.memory_space<semaphore_mem>>)
        %add3A_577 = arith.constant 0 : i32
        %add3A_578 = arith.addi %mul3A_32, %add3A_577 : i32
        %dma_start3A_579 = arith.constant 0 : i32
        %dma_start3A_580 = tpu.memref_slice %arg10[%dma_start3A_579] : memref<10240xf32, #tpu.memory_space<vmem>> -> memref<1280xf32, #tpu.memory_space<vmem>>
        %dma_start3A_581 = tpu.memref_slice %arg2[%add3A_578, %add3A_565] : memref<128x320000xf32, #tpu.memory_space<hbm>> -> memref<1x1280xf32, #tpu.memory_space<hbm>>
        %dma_start3A_582 = tpu.memref_squeeze %dma_start3A_581 : memref<1x1280xf32, #tpu.memory_space<hbm>> -> memref<1280xf32, #tpu.memory_space<hbm>>
        %dma_start3A_583 = arith.constant 0 : i32
        %dma_start3A_584 = tpu.memref_slice %arg10[%dma_start3A_583] : memref<10240xf32, #tpu.memory_space<vmem>> -> memref<1280xf32, #tpu.memory_space<vmem>>
        %dma_start3A_585 = tpu.memref_slice %arg2[%add3A_578, %add3A_565] : memref<128x320000xf32, #tpu.memory_space<hbm>> -> memref<1x1280xf32, #tpu.memory_space<hbm>>
        %dma_start3A_586 = tpu.memref_squeeze %dma_start3A_585 : memref<1x1280xf32, #tpu.memory_space<hbm>> -> memref<1280xf32, #tpu.memory_space<hbm>>
        tpu.enqueue_dma source(%dma_start3A_586 : memref<1280xf32, #tpu.memory_space<hbm>>) target(%dma_start3A_584 : memref<1280xf32, #tpu.memory_space<vmem>>) target_semaphore(%arg16 : memref<!tpu.dma_semaphore, #tpu.memory_space<semaphore_mem>>)
        %add3A_587 = arith.constant 1 : i32
        %add3A_588 = arith.addi %mul3A_32, %add3A_587 : i32
        %dma_start3A_589 = arith.constant 1280 : i32
        %dma_start3A_590 = tpu.memref_slice %arg10[%dma_start3A_589] : memref<10240xf32, #tpu.memory_space<vmem>> -> memref<1280xf32, #tpu.memory_space<vmem>>
        %dma_start3A_591 = tpu.memref_slice %arg2[%add3A_588, %add3A_565] : memref<128x320000xf32, #tpu.memory_space<hbm>> -> memref<1x1280xf32, #tpu.memory_space<hbm>>
        %dma_start3A_592 = tpu.memref_squeeze %dma_start3A_591 : memref<1x1280xf32, #tpu.memory_space<hbm>> -> memref<1280xf32, #tpu.memory_space<hbm>>
        %dma_start3A_593 = arith.constant 1280 : i32
        %dma_start3A_594 = tpu.memref_slice %arg10[%dma_start3A_593] : memref<10240xf32, #tpu.memory_space<vmem>> -> memref<1280xf32, #tpu.memory_space<vmem>>
        %dma_start3A_595 = tpu.memref_slice %arg2[%add3A_588, %add3A_565] : memref<128x320000xf32, #tpu.memory_space<hbm>> -> memref<1x1280xf32, #tpu.memory_space<hbm>>
        %dma_start3A_596 = tpu.memref_squeeze %dma_start3A_595 : memref<1x1280xf32, #tpu.memory_space<hbm>> -> memref<1280xf32, #tpu.memory_space<hbm>>
        tpu.enqueue_dma source(%dma_start3A_596 : memref<1280xf32, #tpu.memory_space<hbm>>) target(%dma_start3A_594 : memref<1280xf32, #tpu.memory_space<vmem>>) target_semaphore(%arg16 : memref<!tpu.dma_semaphore, #tpu.memory_space<semaphore_mem>>)
        %add3A_597 = arith.constant 2 : i32
        %add3A_598 = arith.addi %mul3A_32, %add3A_597 : i32
        %dma_start3A_599 = arith.constant 2560 : i32
        %dma_start3A_600 = tpu.memref_slice %arg10[%dma_start3A_599] : memref<10240xf32, #tpu.memory_space<vmem>> -> memref<1280xf32, #tpu.memory_space<vmem>>
        %dma_start3A_601 = tpu.memref_slice %arg2[%add3A_598, %add3A_565] : memref<128x320000xf32, #tpu.memory_space<hbm>> -> memref<1x1280xf32, #tpu.memory_space<hbm>>
        %dma_start3A_602 = tpu.memref_squeeze %dma_start3A_601 : memref<1x1280xf32, #tpu.memory_space<hbm>> -> memref<1280xf32, #tpu.memory_space<hbm>>
        %dma_start3A_603 = arith.constant 2560 : i32
        %dma_start3A_604 = tpu.memref_slice %arg10[%dma_start3A_603] : memref<10240xf32, #tpu.memory_space<vmem>> -> memref<1280xf32, #tpu.memory_space<vmem>>
        %dma_start3A_605 = tpu.memref_slice %arg2[%add3A_598, %add3A_565] : memref<128x320000xf32, #tpu.memory_space<hbm>> -> memref<1x1280xf32, #tpu.memory_space<hbm>>
        %dma_start3A_606 = tpu.memref_squeeze %dma_start3A_605 : memref<1x1280xf32, #tpu.memory_space<hbm>> -> memref<1280xf32, #tpu.memory_space<hbm>>
        tpu.enqueue_dma source(%dma_start3A_606 : memref<1280xf32, #tpu.memory_space<hbm>>) target(%dma_start3A_604 : memref<1280xf32, #tpu.memory_space<vmem>>) target_semaphore(%arg16 : memref<!tpu.dma_semaphore, #tpu.memory_space<semaphore_mem>>)
        %add3A_607 = arith.constant 3 : i32
        %add3A_608 = arith.addi %mul3A_32, %add3A_607 : i32
        %dma_start3A_609 = arith.constant 3840 : i32
        %dma_start3A_610 = tpu.memref_slice %arg10[%dma_start3A_609] : memref<10240xf32, #tpu.memory_space<vmem>> -> memref<1280xf32, #tpu.memory_space<vmem>>
        %dma_start3A_611 = tpu.memref_slice %arg2[%add3A_608, %add3A_565] : memref<128x320000xf32, #tpu.memory_space<hbm>> -> memref<1x1280xf32, #tpu.memory_space<hbm>>
        %dma_start3A_612 = tpu.memref_squeeze %dma_start3A_611 : memref<1x1280xf32, #tpu.memory_space<hbm>> -> memref<1280xf32, #tpu.memory_space<hbm>>
        %dma_start3A_613 = arith.constant 3840 : i32
        %dma_start3A_614 = tpu.memref_slice %arg10[%dma_start3A_613] : memref<10240xf32, #tpu.memory_space<vmem>> -> memref<1280xf32, #tpu.memory_space<vmem>>
        %dma_start3A_615 = tpu.memref_slice %arg2[%add3A_608, %add3A_565] : memref<128x320000xf32, #tpu.memory_space<hbm>> -> memref<1x1280xf32, #tpu.memory_space<hbm>>
        %dma_start3A_616 = tpu.memref_squeeze %dma_start3A_615 : memref<1x1280xf32, #tpu.memory_space<hbm>> -> memref<1280xf32, #tpu.memory_space<hbm>>
        tpu.enqueue_dma source(%dma_start3A_616 : memref<1280xf32, #tpu.memory_space<hbm>>) target(%dma_start3A_614 : memref<1280xf32, #tpu.memory_space<vmem>>) target_semaphore(%arg16 : memref<!tpu.dma_semaphore, #tpu.memory_space<semaphore_mem>>)
        %add3A_617 = arith.constant 4 : i32
        %add3A_618 = arith.addi %mul3A_32, %add3A_617 : i32
        %dma_start3A_619 = arith.constant 5120 : i32
        %dma_start3A_620 = tpu.memref_slice %arg10[%dma_start3A_619] : memref<10240xf32, #tpu.memory_space<vmem>> -> memref<1280xf32, #tpu.memory_space<vmem>>
        %dma_start3A_621 = tpu.memref_slice %arg2[%add3A_618, %add3A_565] : memref<128x320000xf32, #tpu.memory_space<hbm>> -> memref<1x1280xf32, #tpu.memory_space<hbm>>
        %dma_start3A_622 = tpu.memref_squeeze %dma_start3A_621 : memref<1x1280xf32, #tpu.memory_space<hbm>> -> memref<1280xf32, #tpu.memory_space<hbm>>
        %dma_start3A_623 = arith.constant 5120 : i32
        %dma_start3A_624 = tpu.memref_slice %arg10[%dma_start3A_623] : memref<10240xf32, #tpu.memory_space<vmem>> -> memref<1280xf32, #tpu.memory_space<vmem>>
        %dma_start3A_625 = tpu.memref_slice %arg2[%add3A_618, %add3A_565] : memref<128x320000xf32, #tpu.memory_space<hbm>> -> memref<1x1280xf32, #tpu.memory_space<hbm>>
        %dma_start3A_626 = tpu.memref_squeeze %dma_start3A_625 : memref<1x1280xf32, #tpu.memory_space<hbm>> -> memref<1280xf32, #tpu.memory_space<hbm>>
        tpu.enqueue_dma source(%dma_start3A_626 : memref<1280xf32, #tpu.memory_space<hbm>>) target(%dma_start3A_624 : memref<1280xf32, #tpu.memory_space<vmem>>) target_semaphore(%arg16 : memref<!tpu.dma_semaphore, #tpu.memory_space<semaphore_mem>>)
        %add3A_627 = arith.constant 5 : i32
        %add3A_628 = arith.addi %mul3A_32, %add3A_627 : i32
        %dma_start3A_629 = arith.constant 6400 : i32
        %dma_start3A_630 = tpu.memref_slice %arg10[%dma_start3A_629] : memref<10240xf32, #tpu.memory_space<vmem>> -> memref<1280xf32, #tpu.memory_space<vmem>>
        %dma_start3A_631 = tpu.memref_slice %arg2[%add3A_628, %add3A_565] : memref<128x320000xf32, #tpu.memory_space<hbm>> -> memref<1x1280xf32, #tpu.memory_space<hbm>>
        %dma_start3A_632 = tpu.memref_squeeze %dma_start3A_631 : memref<1x1280xf32, #tpu.memory_space<hbm>> -> memref<1280xf32, #tpu.memory_space<hbm>>
        %dma_start3A_633 = arith.constant 6400 : i32
        %dma_start3A_634 = tpu.memref_slice %arg10[%dma_start3A_633] : memref<10240xf32, #tpu.memory_space<vmem>> -> memref<1280xf32, #tpu.memory_space<vmem>>
        %dma_start3A_635 = tpu.memref_slice %arg2[%add3A_628, %add3A_565] : memref<128x320000xf32, #tpu.memory_space<hbm>> -> memref<1x1280xf32, #tpu.memory_space<hbm>>
        %dma_start3A_636 = tpu.memref_squeeze %dma_start3A_635 : memref<1x1280xf32, #tpu.memory_space<hbm>> -> memref<1280xf32, #tpu.memory_space<hbm>>
        tpu.enqueue_dma source(%dma_start3A_636 : memref<1280xf32, #tpu.memory_space<hbm>>) target(%dma_start3A_634 : memref<1280xf32, #tpu.memory_space<vmem>>) target_semaphore(%arg16 : memref<!tpu.dma_semaphore, #tpu.memory_space<semaphore_mem>>)
        %add3A_637 = arith.constant 6 : i32
        %add3A_638 = arith.addi %mul3A_32, %add3A_637 : i32
        %dma_start3A_639 = arith.constant 7680 : i32
        %dma_start3A_640 = tpu.memref_slice %arg10[%dma_start3A_639] : memref<10240xf32, #tpu.memory_space<vmem>> -> memref<1280xf32, #tpu.memory_space<vmem>>
        %dma_start3A_641 = tpu.memref_slice %arg2[%add3A_638, %add3A_565] : memref<128x320000xf32, #tpu.memory_space<hbm>> -> memref<1x1280xf32, #tpu.memory_space<hbm>>
        %dma_start3A_642 = tpu.memref_squeeze %dma_start3A_641 : memref<1x1280xf32, #tpu.memory_space<hbm>> -> memref<1280xf32, #tpu.memory_space<hbm>>
        %dma_start3A_643 = arith.constant 7680 : i32
        %dma_start3A_644 = tpu.memref_slice %arg10[%dma_start3A_643] : memref<10240xf32, #tpu.memory_space<vmem>> -> memref<1280xf32, #tpu.memory_space<vmem>>
        %dma_start3A_645 = tpu.memref_slice %arg2[%add3A_638, %add3A_565] : memref<128x320000xf32, #tpu.memory_space<hbm>> -> memref<1x1280xf32, #tpu.memory_space<hbm>>
        %dma_start3A_646 = tpu.memref_squeeze %dma_start3A_645 : memref<1x1280xf32, #tpu.memory_space<hbm>> -> memref<1280xf32, #tpu.memory_space<hbm>>
        tpu.enqueue_dma source(%dma_start3A_646 : memref<1280xf32, #tpu.memory_space<hbm>>) target(%dma_start3A_644 : memref<1280xf32, #tpu.memory_space<vmem>>) target_semaphore(%arg16 : memref<!tpu.dma_semaphore, #tpu.memory_space<semaphore_mem>>)
        %add3A_647 = arith.constant 7 : i32
        %add3A_648 = arith.addi %mul3A_32, %add3A_647 : i32
        %dma_start3A_649 = arith.constant 8960 : i32
        %dma_start3A_650 = tpu.memref_slice %arg10[%dma_start3A_649] : memref<10240xf32, #tpu.memory_space<vmem>> -> memref<1280xf32, #tpu.memory_space<vmem>>
        %dma_start3A_651 = tpu.memref_slice %arg2[%add3A_648, %add3A_565] : memref<128x320000xf32, #tpu.memory_space<hbm>> -> memref<1x1280xf32, #tpu.memory_space<hbm>>
        %dma_start3A_652 = tpu.memref_squeeze %dma_start3A_651 : memref<1x1280xf32, #tpu.memory_space<hbm>> -> memref<1280xf32, #tpu.memory_space<hbm>>
        %dma_start3A_653 = arith.constant 8960 : i32
        %dma_start3A_654 = tpu.memref_slice %arg10[%dma_start3A_653] : memref<10240xf32, #tpu.memory_space<vmem>> -> memref<1280xf32, #tpu.memory_space<vmem>>
        %dma_start3A_655 = tpu.memref_slice %arg2[%add3A_648, %add3A_565] : memref<128x320000xf32, #tpu.memory_space<hbm>> -> memref<1x1280xf32, #tpu.memory_space<hbm>>
        %dma_start3A_656 = tpu.memref_squeeze %dma_start3A_655 : memref<1x1280xf32, #tpu.memory_space<hbm>> -> memref<1280xf32, #tpu.memory_space<hbm>>
        tpu.enqueue_dma source(%dma_start3A_656 : memref<1280xf32, #tpu.memory_space<hbm>>) target(%dma_start3A_654 : memref<1280xf32, #tpu.memory_space<vmem>>) target_semaphore(%arg16 : memref<!tpu.dma_semaphore, #tpu.memory_space<semaphore_mem>>)
      } else {
      }
    }
    %scan3A_231 = arith.constant 62 : i32
    %add3A_232 = arith.constant 158720 : i32
    %add3A_233 = arith.addi %mul3A_34, %add3A_232 : i32
    %dma_wait3A = tpu.memref_slice %arg3[%add3A_233] : memref<320000xi32, #tpu.memory_space<hbm>> -> memref<1280xi32, #tpu.memory_space<hbm>>
    %dma_wait3A_234 = tpu.memref_slice %arg3[%add3A_233] : memref<320000xi32, #tpu.memory_space<hbm>> -> memref<1280xi32, #tpu.memory_space<hbm>>
    tpu.wait_dma2 semaphore(%arg15 : memref<!tpu.dma_semaphore, #tpu.memory_space<semaphore_mem>>) src(%dma_wait3A_234 : memref<1280xi32, #tpu.memory_space<hbm>>) dst(%arg8 : memref<1280xi32, #tpu.memory_space<vmem>>)
    %add3A_235 = arith.constant 4960 : i32
    %add3A_236 = arith.addi %mul3A_36, %add3A_235 : i32
    %dma_wait3A_237 = arith.constant 0 : i32
    %dma_wait3A_238 = tpu.memref_slice %arg9[%dma_wait3A_237] : memref<56xi32, #tpu.memory_space<vmem>> -> memref<40xi32, #tpu.memory_space<vmem>>
    %dma_wait3A_239 = tpu.memref_slice %arg4[%add3A_236] : memref<10000xi32, #tpu.memory_space<hbm>> -> memref<40xi32, #tpu.memory_space<hbm>>
    %dma_wait3A_240 = arith.constant 0 : i32
    %dma_wait3A_241 = tpu.memref_slice %arg9[%dma_wait3A_240] : memref<56xi32, #tpu.memory_space<vmem>> -> memref<40xi32, #tpu.memory_space<vmem>>
    %dma_wait3A_242 = tpu.memref_slice %arg4[%add3A_236] : memref<10000xi32, #tpu.memory_space<hbm>> -> memref<40xi32, #tpu.memory_space<hbm>>
    tpu.wait_dma2 semaphore(%arg15 : memref<!tpu.dma_semaphore, #tpu.memory_space<semaphore_mem>>) src(%dma_wait3A_242 : memref<40xi32, #tpu.memory_space<hbm>>) dst(%dma_wait3A_241 : memref<40xi32, #tpu.memory_space<vmem>>)
    %add3A_243 = arith.constant 0 : i32
    %add3A_244 = arith.addi %mul3A_32, %add3A_243 : i32
    %dma_wait3A_245 = arith.constant 0 : i32
    %dma_wait3A_246 = tpu.memref_slice %arg7[%dma_wait3A_245] : memref<10240xf32, #tpu.memory_space<vmem>> -> memref<1280xf32, #tpu.memory_space<vmem>>
    %dma_wait3A_247 = tpu.memref_slice %arg2[%add3A_244, %add3A_233] : memref<128x320000xf32, #tpu.memory_space<hbm>> -> memref<1x1280xf32, #tpu.memory_space<hbm>>
    %dma_wait3A_248 = tpu.memref_squeeze %dma_wait3A_247 : memref<1x1280xf32, #tpu.memory_space<hbm>> -> memref<1280xf32, #tpu.memory_space<hbm>>
    %dma_wait3A_249 = arith.constant 0 : i32
    %dma_wait3A_250 = tpu.memref_slice %arg7[%dma_wait3A_249] : memref<10240xf32, #tpu.memory_space<vmem>> -> memref<1280xf32, #tpu.memory_space<vmem>>
    %dma_wait3A_251 = tpu.memref_slice %arg2[%add3A_244, %add3A_233] : memref<128x320000xf32, #tpu.memory_space<hbm>> -> memref<1x1280xf32, #tpu.memory_space<hbm>>
    %dma_wait3A_252 = tpu.memref_squeeze %dma_wait3A_251 : memref<1x1280xf32, #tpu.memory_space<hbm>> -> memref<1280xf32, #tpu.memory_space<hbm>>
    tpu.wait_dma2 semaphore(%arg15 : memref<!tpu.dma_semaphore, #tpu.memory_space<semaphore_mem>>) src(%dma_wait3A_252 : memref<1280xf32, #tpu.memory_space<hbm>>) dst(%dma_wait3A_250 : memref<1280xf32, #tpu.memory_space<vmem>>)
    %add3A_253 = arith.constant 1 : i32
    %add3A_254 = arith.addi %mul3A_32, %add3A_253 : i32
    %dma_wait3A_255 = arith.constant 1280 : i32
    %dma_wait3A_256 = tpu.memref_slice %arg7[%dma_wait3A_255] : memref<10240xf32, #tpu.memory_space<vmem>> -> memref<1280xf32, #tpu.memory_space<vmem>>
    %dma_wait3A_257 = tpu.memref_slice %arg2[%add3A_254, %add3A_233] : memref<128x320000xf32, #tpu.memory_space<hbm>> -> memref<1x1280xf32, #tpu.memory_space<hbm>>
    %dma_wait3A_258 = tpu.memref_squeeze %dma_wait3A_257 : memref<1x1280xf32, #tpu.memory_space<hbm>> -> memref<1280xf32, #tpu.memory_space<hbm>>
    %dma_wait3A_259 = arith.constant 1280 : i32
    %dma_wait3A_260 = tpu.memref_slice %arg7[%dma_wait3A_259] : memref<10240xf32, #tpu.memory_space<vmem>> -> memref<1280xf32, #tpu.memory_space<vmem>>
    %dma_wait3A_261 = tpu.memref_slice %arg2[%add3A_254, %add3A_233] : memref<128x320000xf32, #tpu.memory_space<hbm>> -> memref<1x1280xf32, #tpu.memory_space<hbm>>
    %dma_wait3A_262 = tpu.memref_squeeze %dma_wait3A_261 : memref<1x1280xf32, #tpu.memory_space<hbm>> -> memref<1280xf32, #tpu.memory_space<hbm>>
    tpu.wait_dma2 semaphore(%arg15 : memref<!tpu.dma_semaphore, #tpu.memory_space<semaphore_mem>>) src(%dma_wait3A_262 : memref<1280xf32, #tpu.memory_space<hbm>>) dst(%dma_wait3A_260 : memref<1280xf32, #tpu.memory_space<vmem>>)
    %add3A_263 = arith.constant 2 : i32
    %add3A_264 = arith.addi %mul3A_32, %add3A_263 : i32
    %dma_wait3A_265 = arith.constant 2560 : i32
    %dma_wait3A_266 = tpu.memref_slice %arg7[%dma_wait3A_265] : memref<10240xf32, #tpu.memory_space<vmem>> -> memref<1280xf32, #tpu.memory_space<vmem>>
    %dma_wait3A_267 = tpu.memref_slice %arg2[%add3A_264, %add3A_233] : memref<128x320000xf32, #tpu.memory_space<hbm>> -> memref<1x1280xf32, #tpu.memory_space<hbm>>
    %dma_wait3A_268 = tpu.memref_squeeze %dma_wait3A_267 : memref<1x1280xf32, #tpu.memory_space<hbm>> -> memref<1280xf32, #tpu.memory_space<hbm>>
    %dma_wait3A_269 = arith.constant 2560 : i32
    %dma_wait3A_270 = tpu.memref_slice %arg7[%dma_wait3A_269] : memref<10240xf32, #tpu.memory_space<vmem>> -> memref<1280xf32, #tpu.memory_space<vmem>>
    %dma_wait3A_271 = tpu.memref_slice %arg2[%add3A_264, %add3A_233] : memref<128x320000xf32, #tpu.memory_space<hbm>> -> memref<1x1280xf32, #tpu.memory_space<hbm>>
    %dma_wait3A_272 = tpu.memref_squeeze %dma_wait3A_271 : memref<1x1280xf32, #tpu.memory_space<hbm>> -> memref<1280xf32, #tpu.memory_space<hbm>>
    tpu.wait_dma2 semaphore(%arg15 : memref<!tpu.dma_semaphore, #tpu.memory_space<semaphore_mem>>) src(%dma_wait3A_272 : memref<1280xf32, #tpu.memory_space<hbm>>) dst(%dma_wait3A_270 : memref<1280xf32, #tpu.memory_space<vmem>>)
    %add3A_273 = arith.constant 3 : i32
    %add3A_274 = arith.addi %mul3A_32, %add3A_273 : i32
    %dma_wait3A_275 = arith.constant 3840 : i32
    %dma_wait3A_276 = tpu.memref_slice %arg7[%dma_wait3A_275] : memref<10240xf32, #tpu.memory_space<vmem>> -> memref<1280xf32, #tpu.memory_space<vmem>>
    %dma_wait3A_277 = tpu.memref_slice %arg2[%add3A_274, %add3A_233] : memref<128x320000xf32, #tpu.memory_space<hbm>> -> memref<1x1280xf32, #tpu.memory_space<hbm>>
    %dma_wait3A_278 = tpu.memref_squeeze %dma_wait3A_277 : memref<1x1280xf32, #tpu.memory_space<hbm>> -> memref<1280xf32, #tpu.memory_space<hbm>>
    %dma_wait3A_279 = arith.constant 3840 : i32
    %dma_wait3A_280 = tpu.memref_slice %arg7[%dma_wait3A_279] : memref<10240xf32, #tpu.memory_space<vmem>> -> memref<1280xf32, #tpu.memory_space<vmem>>
    %dma_wait3A_281 = tpu.memref_slice %arg2[%add3A_274, %add3A_233] : memref<128x320000xf32, #tpu.memory_space<hbm>> -> memref<1x1280xf32, #tpu.memory_space<hbm>>
    %dma_wait3A_282 = tpu.memref_squeeze %dma_wait3A_281 : memref<1x1280xf32, #tpu.memory_space<hbm>> -> memref<1280xf32, #tpu.memory_space<hbm>>
    tpu.wait_dma2 semaphore(%arg15 : memref<!tpu.dma_semaphore, #tpu.memory_space<semaphore_mem>>) src(%dma_wait3A_282 : memref<1280xf32, #tpu.memory_space<hbm>>) dst(%dma_wait3A_280 : memref<1280xf32, #tpu.memory_space<vmem>>)
    %add3A_283 = arith.constant 4 : i32
    %add3A_284 = arith.addi %mul3A_32, %add3A_283 : i32
    %dma_wait3A_285 = arith.constant 5120 : i32
    %dma_wait3A_286 = tpu.memref_slice %arg7[%dma_wait3A_285] : memref<10240xf32, #tpu.memory_space<vmem>> -> memref<1280xf32, #tpu.memory_space<vmem>>
    %dma_wait3A_287 = tpu.memref_slice %arg2[%add3A_284, %add3A_233] : memref<128x320000xf32, #tpu.memory_space<hbm>> -> memref<1x1280xf32, #tpu.memory_space<hbm>>
    %dma_wait3A_288 = tpu.memref_squeeze %dma_wait3A_287 : memref<1x1280xf32, #tpu.memory_space<hbm>> -> memref<1280xf32, #tpu.memory_space<hbm>>
    %dma_wait3A_289 = arith.constant 5120 : i32
    %dma_wait3A_290 = tpu.memref_slice %arg7[%dma_wait3A_289] : memref<10240xf32, #tpu.memory_space<vmem>> -> memref<1280xf32, #tpu.memory_space<vmem>>
    %dma_wait3A_291 = tpu.memref_slice %arg2[%add3A_284, %add3A_233] : memref<128x320000xf32, #tpu.memory_space<hbm>> -> memref<1x1280xf32, #tpu.memory_space<hbm>>
    %dma_wait3A_292 = tpu.memref_squeeze %dma_wait3A_291 : memref<1x1280xf32, #tpu.memory_space<hbm>> -> memref<1280xf32, #tpu.memory_space<hbm>>
    tpu.wait_dma2 semaphore(%arg15 : memref<!tpu.dma_semaphore, #tpu.memory_space<semaphore_mem>>) src(%dma_wait3A_292 : memref<1280xf32, #tpu.memory_space<hbm>>) dst(%dma_wait3A_290 : memref<1280xf32, #tpu.memory_space<vmem>>)
    %add3A_293 = arith.constant 5 : i32
    %add3A_294 = arith.addi %mul3A_32, %add3A_293 : i32
    %dma_wait3A_295 = arith.constant 6400 : i32
    %dma_wait3A_296 = tpu.memref_slice %arg7[%dma_wait3A_295] : memref<10240xf32, #tpu.memory_space<vmem>> -> memref<1280xf32, #tpu.memory_space<vmem>>
    %dma_wait3A_297 = tpu.memref_slice %arg2[%add3A_294, %add3A_233] : memref<128x320000xf32, #tpu.memory_space<hbm>> -> memref<1x1280xf32, #tpu.memory_space<hbm>>
    %dma_wait3A_298 = tpu.memref_squeeze %dma_wait3A_297 : memref<1x1280xf32, #tpu.memory_space<hbm>> -> memref<1280xf32, #tpu.memory_space<hbm>>
    %dma_wait3A_299 = arith.constant 6400 : i32
    %dma_wait3A_300 = tpu.memref_slice %arg7[%dma_wait3A_299] : memref<10240xf32, #tpu.memory_space<vmem>> -> memref<1280xf32, #tpu.memory_space<vmem>>
    %dma_wait3A_301 = tpu.memref_slice %arg2[%add3A_294, %add3A_233] : memref<128x320000xf32, #tpu.memory_space<hbm>> -> memref<1x1280xf32, #tpu.memory_space<hbm>>
    %dma_wait3A_302 = tpu.memref_squeeze %dma_wait3A_301 : memref<1x1280xf32, #tpu.memory_space<hbm>> -> memref<1280xf32, #tpu.memory_space<hbm>>
    tpu.wait_dma2 semaphore(%arg15 : memref<!tpu.dma_semaphore, #tpu.memory_space<semaphore_mem>>) src(%dma_wait3A_302 : memref<1280xf32, #tpu.memory_space<hbm>>) dst(%dma_wait3A_300 : memref<1280xf32, #tpu.memory_space<vmem>>)
    %add3A_303 = arith.constant 6 : i32
    %add3A_304 = arith.addi %mul3A_32, %add3A_303 : i32
    %dma_wait3A_305 = arith.constant 7680 : i32
    %dma_wait3A_306 = tpu.memref_slice %arg7[%dma_wait3A_305] : memref<10240xf32, #tpu.memory_space<vmem>> -> memref<1280xf32, #tpu.memory_space<vmem>>
    %dma_wait3A_307 = tpu.memref_slice %arg2[%add3A_304, %add3A_233] : memref<128x320000xf32, #tpu.memory_space<hbm>> -> memref<1x1280xf32, #tpu.memory_space<hbm>>
    %dma_wait3A_308 = tpu.memref_squeeze %dma_wait3A_307 : memref<1x1280xf32, #tpu.memory_space<hbm>> -> memref<1280xf32, #tpu.memory_space<hbm>>
    %dma_wait3A_309 = arith.constant 7680 : i32
    %dma_wait3A_310 = tpu.memref_slice %arg7[%dma_wait3A_309] : memref<10240xf32, #tpu.memory_space<vmem>> -> memref<1280xf32, #tpu.memory_space<vmem>>
    %dma_wait3A_311 = tpu.memref_slice %arg2[%add3A_304, %add3A_233] : memref<128x320000xf32, #tpu.memory_space<hbm>> -> memref<1x1280xf32, #tpu.memory_space<hbm>>
    %dma_wait3A_312 = tpu.memref_squeeze %dma_wait3A_311 : memref<1x1280xf32, #tpu.memory_space<hbm>> -> memref<1280xf32, #tpu.memory_space<hbm>>
    tpu.wait_dma2 semaphore(%arg15 : memref<!tpu.dma_semaphore, #tpu.memory_space<semaphore_mem>>) src(%dma_wait3A_312 : memref<1280xf32, #tpu.memory_space<hbm>>) dst(%dma_wait3A_310 : memref<1280xf32, #tpu.memory_space<vmem>>)
    %add3A_313 = arith.constant 7 : i32
    %add3A_314 = arith.addi %mul3A_32, %add3A_313 : i32
    %dma_wait3A_315 = arith.constant 8960 : i32
    %dma_wait3A_316 = tpu.memref_slice %arg7[%dma_wait3A_315] : memref<10240xf32, #tpu.memory_space<vmem>> -> memref<1280xf32, #tpu.memory_space<vmem>>
    %dma_wait3A_317 = tpu.memref_slice %arg2[%add3A_314, %add3A_233] : memref<128x320000xf32, #tpu.memory_space<hbm>> -> memref<1x1280xf32, #tpu.memory_space<hbm>>
    %dma_wait3A_318 = tpu.memref_squeeze %dma_wait3A_317 : memref<1x1280xf32, #tpu.memory_space<hbm>> -> memref<1280xf32, #tpu.memory_space<hbm>>
    %dma_wait3A_319 = arith.constant 8960 : i32
    %dma_wait3A_320 = tpu.memref_slice %arg7[%dma_wait3A_319] : memref<10240xf32, #tpu.memory_space<vmem>> -> memref<1280xf32, #tpu.memory_space<vmem>>
    %dma_wait3A_321 = tpu.memref_slice %arg2[%add3A_314, %add3A_233] : memref<128x320000xf32, #tpu.memory_space<hbm>> -> memref<1x1280xf32, #tpu.memory_space<hbm>>
    %dma_wait3A_322 = tpu.memref_squeeze %dma_wait3A_321 : memref<1x1280xf32, #tpu.memory_space<hbm>> -> memref<1280xf32, #tpu.memory_space<hbm>>
    tpu.wait_dma2 semaphore(%arg15 : memref<!tpu.dma_semaphore, #tpu.memory_space<semaphore_mem>>) src(%dma_wait3A_322 : memref<1280xf32, #tpu.memory_space<hbm>>) dst(%dma_wait3A_320 : memref<1280xf32, #tpu.memory_space<vmem>>)
    %scan3A_323 = arith.constant 0 : i32
    %scan3A_324 = arith.constant 0 : i32
    %scan3A_325 = arith.constant 40 : i32
    %scan3A_326 = arith.addi %scan3A_324, %scan3A_325 : i32
    %scan3A_327 = arith.constant 1 : i32
    scf.for %scan3A_338 = %scan3A_324 to %scan3A_326 step %scan3A_327  : i32 {
      %mul3A_339 = arith.constant 2 : i32
      %mul3A_340 = arith.muli %mul3A_339, %scan3A_338 : i32
      %mul3A_341 = arith.constant 16 : i32
      %mul3A_342 = arith.muli %mul3A_340, %mul3A_341 : i32
      %get3A = arith.index_cast %mul3A_342 : i32 to index
      %get3A_343 = tpu.vector_load %arg8[%get3A] {strides = array<i32>} : memref<1280xi32, #tpu.memory_space<vmem>>, vector<16xi32>,
      %mul3A_344 = arith.constant 16 : i32
      %mul3A_345 = arith.muli %mul3A_340, %mul3A_344 : i32
      %add3A_346 = arith.constant 0 : i32
      %add3A_347 = arith.addi %add3A_346, %mul3A_345 : i32
      %get3A_348 = arith.index_cast %add3A_347 : i32 to index
      %get3A_349 = tpu.vector_load %arg7[%get3A_348] {strides = array<i32>} : memref<10240xf32, #tpu.memory_space<vmem>>, vector<16xf32>,
      %mul3A_350 = arith.constant 16 : i32
      %mul3A_351 = arith.muli %mul3A_340, %mul3A_350 : i32
      %add3A_352 = arith.constant 1280 : i32
      %add3A_353 = arith.addi %add3A_352, %mul3A_351 : i32
      %get3A_354 = arith.index_cast %add3A_353 : i32 to index
      %get3A_355 = tpu.vector_load %arg7[%get3A_354] {strides = array<i32>} : memref<10240xf32, #tpu.memory_space<vmem>>, vector<16xf32>,
      %mul3A_356 = arith.constant 16 : i32
      %mul3A_357 = arith.muli %mul3A_340, %mul3A_356 : i32
      %add3A_358 = arith.constant 2560 : i32
      %add3A_359 = arith.addi %add3A_358, %mul3A_357 : i32
      %get3A_360 = arith.index_cast %add3A_359 : i32 to index
      %get3A_361 = tpu.vector_load %arg7[%get3A_360] {strides = array<i32>} : memref<10240xf32, #tpu.memory_space<vmem>>, vector<16xf32>,
      %mul3A_362 = arith.constant 16 : i32
      %mul3A_363 = arith.muli %mul3A_340, %mul3A_362 : i32
      %add3A_364 = arith.constant 3840 : i32
      %add3A_365 = arith.addi %add3A_364, %mul3A_363 : i32
      %get3A_366 = arith.index_cast %add3A_365 : i32 to index
      %get3A_367 = tpu.vector_load %arg7[%get3A_366] {strides = array<i32>} : memref<10240xf32, #tpu.memory_space<vmem>>, vector<16xf32>,
      %mul3A_368 = arith.constant 16 : i32
      %mul3A_369 = arith.muli %mul3A_340, %mul3A_368 : i32
      %add3A_370 = arith.constant 5120 : i32
      %add3A_371 = arith.addi %add3A_370, %mul3A_369 : i32
      %get3A_372 = arith.index_cast %add3A_371 : i32 to index
      %get3A_373 = tpu.vector_load %arg7[%get3A_372] {strides = array<i32>} : memref<10240xf32, #tpu.memory_space<vmem>>, vector<16xf32>,
      %mul3A_374 = arith.constant 16 : i32
      %mul3A_375 = arith.muli %mul3A_340, %mul3A_374 : i32
      %add3A_376 = arith.constant 6400 : i32
      %add3A_377 = arith.addi %add3A_376, %mul3A_375 : i32
      %get3A_378 = arith.index_cast %add3A_377 : i32 to index
      %get3A_379 = tpu.vector_load %arg7[%get3A_378] {strides = array<i32>} : memref<10240xf32, #tpu.memory_space<vmem>>, vector<16xf32>,
      %mul3A_380 = arith.constant 16 : i32
      %mul3A_381 = arith.muli %mul3A_340, %mul3A_380 : i32
      %add3A_382 = arith.constant 7680 : i32
      %add3A_383 = arith.addi %add3A_382, %mul3A_381 : i32
      %get3A_384 = arith.index_cast %add3A_383 : i32 to index
      %get3A_385 = tpu.vector_load %arg7[%get3A_384] {strides = array<i32>} : memref<10240xf32, #tpu.memory_space<vmem>>, vector<16xf32>,
      %mul3A_386 = arith.constant 16 : i32
      %mul3A_387 = arith.muli %mul3A_340, %mul3A_386 : i32
      %add3A_388 = arith.constant 8960 : i32
      %add3A_389 = arith.addi %add3A_388, %mul3A_387 : i32
      %get3A_390 = arith.index_cast %add3A_389 : i32 to index
      %get3A_391 = tpu.vector_load %arg7[%get3A_390] {strides = array<i32>} : memref<10240xf32, #tpu.memory_space<vmem>>, vector<16xf32>,
      %mul3A_392 = arith.constant 2 : i32
      %mul3A_393 = arith.muli %mul3A_392, %scan3A_338 : i32
      %add3A_394 = arith.constant 1 : i32
      %add3A_395 = arith.addi %mul3A_393, %add3A_394 : i32
      %mul3A_396 = arith.constant 16 : i32
      %mul3A_397 = arith.muli %add3A_395, %mul3A_396 : i32
      %get3A_398 = arith.index_cast %mul3A_397 : i32 to index
      %get3A_399 = tpu.vector_load %arg8[%get3A_398] {strides = array<i32>} : memref<1280xi32, #tpu.memory_space<vmem>>, vector<16xi32>,
      %mul3A_400 = arith.constant 16 : i32
      %mul3A_401 = arith.muli %add3A_395, %mul3A_400 : i32
      %add3A_402 = arith.constant 0 : i32
      %add3A_403 = arith.addi %add3A_402, %mul3A_401 : i32
      %get3A_404 = arith.index_cast %add3A_403 : i32 to index
      %get3A_405 = tpu.vector_load %arg7[%get3A_404] {strides = array<i32>} : memref<10240xf32, #tpu.memory_space<vmem>>, vector<16xf32>,
      %mul3A_406 = arith.constant 16 : i32
      %mul3A_407 = arith.muli %add3A_395, %mul3A_406 : i32
      %add3A_408 = arith.constant 1280 : i32
      %add3A_409 = arith.addi %add3A_408, %mul3A_407 : i32
      %get3A_410 = arith.index_cast %add3A_409 : i32 to index
      %get3A_411 = tpu.vector_load %arg7[%get3A_410] {strides = array<i32>} : memref<10240xf32, #tpu.memory_space<vmem>>, vector<16xf32>,
      %mul3A_412 = arith.constant 16 : i32
      %mul3A_413 = arith.muli %add3A_395, %mul3A_412 : i32
      %add3A_414 = arith.constant 2560 : i32
      %add3A_415 = arith.addi %add3A_414, %mul3A_413 : i32
      %get3A_416 = arith.index_cast %add3A_415 : i32 to index
      %get3A_417 = tpu.vector_load %arg7[%get3A_416] {strides = array<i32>} : memref<10240xf32, #tpu.memory_space<vmem>>, vector<16xf32>,
      %mul3A_418 = arith.constant 16 : i32
      %mul3A_419 = arith.muli %add3A_395, %mul3A_418 : i32
      %add3A_420 = arith.constant 3840 : i32
      %add3A_421 = arith.addi %add3A_420, %mul3A_419 : i32
      %get3A_422 = arith.index_cast %add3A_421 : i32 to index
      %get3A_423 = tpu.vector_load %arg7[%get3A_422] {strides = array<i32>} : memref<10240xf32, #tpu.memory_space<vmem>>, vector<16xf32>,
      %mul3A_424 = arith.constant 16 : i32
      %mul3A_425 = arith.muli %add3A_395, %mul3A_424 : i32
      %add3A_426 = arith.constant 5120 : i32
      %add3A_427 = arith.addi %add3A_426, %mul3A_425 : i32
      %get3A_428 = arith.index_cast %add3A_427 : i32 to index
      %get3A_429 = tpu.vector_load %arg7[%get3A_428] {strides = array<i32>} : memref<10240xf32, #tpu.memory_space<vmem>>, vector<16xf32>,
      %mul3A_430 = arith.constant 16 : i32
      %mul3A_431 = arith.muli %add3A_395, %mul3A_430 : i32
      %add3A_432 = arith.constant 6400 : i32
      %add3A_433 = arith.addi %add3A_432, %mul3A_431 : i32
      %get3A_434 = arith.index_cast %add3A_433 : i32 to index
      %get3A_435 = tpu.vector_load %arg7[%get3A_434] {strides = array<i32>} : memref<10240xf32, #tpu.memory_space<vmem>>, vector<16xf32>,
      %mul3A_436 = arith.constant 16 : i32
      %mul3A_437 = arith.muli %add3A_395, %mul3A_436 : i32
      %add3A_438 = arith.constant 7680 : i32
      %add3A_439 = arith.addi %add3A_438, %mul3A_437 : i32
      %get3A_440 = arith.index_cast %add3A_439 : i32 to index
      %get3A_441 = tpu.vector_load %arg7[%get3A_440] {strides = array<i32>} : memref<10240xf32, #tpu.memory_space<vmem>>, vector<16xf32>,
      %mul3A_442 = arith.constant 16 : i32
      %mul3A_443 = arith.muli %add3A_395, %mul3A_442 : i32
      %add3A_444 = arith.constant 8960 : i32
      %add3A_445 = arith.addi %add3A_444, %mul3A_443 : i32
      %get3A_446 = arith.index_cast %add3A_445 : i32 to index
      %get3A_447 = tpu.vector_load %arg7[%get3A_446] {strides = array<i32>} : memref<10240xf32, #tpu.memory_space<vmem>>, vector<16xf32>,
      %get3A_448 = arith.index_cast %scan3A_338 : i32 to index
      %get3A_449 = tpu.vector_load %arg9[%get3A_448] {strides = array<i32>} : memref<56xi32, #tpu.memory_space<vmem>>, vector<16xi32>,
      %slice3A = vector.extract_strided_slice %get3A_449 {offsets = [0], sizes = [1], strides = [1]} : vector<16xi32> to vector<1xi32>
      %squeeze3A = vector.extract %slice3A[0] : i32 from vector<1xi32>
      %ne3A_450 = arith.constant 0 : i32
      %ne3A_451 = arith.cmpi ne, %squeeze3A, %ne3A_450 : i32
      %convert_element_type3A_452 = arith.extui %ne3A_451 : i1 to i32
      %cond3A_453 = arith.constant 0 : i32
      %cond3A_454 = arith.constant 0 : i32
      %cond3A_455 = arith.cmpi ne, %convert_element_type3A_452, %cond3A_454 : i32
      %cond3A_456 = scf.if %cond3A_455 -> (i32) {
        %add3A_457 = arith.constant 0 : i32
        %add3A_458 = vector.broadcast %add3A_457 : i32 to vector<16xi32>
        %add3A_459 = arith.addi %get3A_343, %add3A_458 : vector<16xi32>
        %broadcast_in_dim3A_460 = arith.constant true
        %broadcast_in_dim3A_461 = vector.broadcast %broadcast_in_dim3A_460 : i1 to vector<16xi1>
        %while3A = scf.while (%while3A_553 = %broadcast_in_dim3A_461) : (vector<16xi1>) -> vector<16xi1> {
          %reduce_or3A = arith.constant 1.000000e+00 : f32
          %reduce_or3A_554 = arith.constant 0.000000e+00 : f32
          %reduce_or3A_555 = vector.broadcast %reduce_or3A : f32 to vector<16xf32>
          %reduce_or3A_556 = vector.broadcast %reduce_or3A_554 : f32 to vector<16xf32>
          %reduce_or3A_557 = arith.select %while3A_553, %reduce_or3A_555, %reduce_or3A_556 : vector<16xi1>, vector<16xf32>
          %reduce_or3A_558 = arith.constant true
          %reduce_or3A_559 = vector.broadcast %reduce_or3A_558 : i1 to vector<16xi1>
          %reduce_or3A_560 = tpu.scan <max>, %reduce_or3A_557 masked %reduce_or3A_559 : vector<16xf32>, vector<16xi1> -> vector<16xf32>
          %reduce_or3A_561 = vector.extract %reduce_or3A_560[15] : f32 from vector<16xf32>
          %reduce_or3A_562 = arith.constant 0.000000e+00 : f32
          %reduce_or3A_563 = arith.cmpf ogt, %reduce_or3A_561, %reduce_or3A_562 : f32
          scf.condition(%reduce_or3A_563) %while3A_553 : vector<16xi1>
        } do {
        ^bb0(%while3A_553: vector<16xi1>):
          %gather3A = tpu.vector_load_idx %arg6[%add3A_459] : memref<80000xf32, #tpu.memory_space<vmem>>[vector<16xi32>], vector<16xf32>,
          %max3A = arith.maximumf %gather3A, %get3A_349 : vector<16xf32>
          tpu.vector_store_idx %arg6[%add3A_459], %max3A masked %while3A_553 : memref<80000xf32, #tpu.memory_space<vmem>>[vector<16xi32>], vector<16xf32>, vector<16xi1>
          %gather3A_554 = tpu.vector_load_idx %arg6[%add3A_459] : memref<80000xf32, #tpu.memory_space<vmem>>[vector<16xi32>], vector<16xf32>,
          %lt3A_555 = arith.cmpf olt, %gather3A_554, %get3A_349 : vector<16xf32>
          %and3A_556 = arith.andi %while3A_553, %lt3A_555 : vector<16xi1>
          scf.yield %and3A_556 : vector<16xi1>
        }
        %add3A_462 = arith.constant 10000 : i32
        %add3A_463 = vector.broadcast %add3A_462 : i32 to vector<16xi32>
        %add3A_464 = arith.addi %get3A_343, %add3A_463 : vector<16xi32>
        %broadcast_in_dim3A_465 = arith.constant true
        %broadcast_in_dim3A_466 = vector.broadcast %broadcast_in_dim3A_465 : i1 to vector<16xi1>
        %while3A_467 = scf.while (%while3A_553 = %broadcast_in_dim3A_466) : (vector<16xi1>) -> vector<16xi1> {
          %reduce_or3A = arith.constant 1.000000e+00 : f32
          %reduce_or3A_554 = arith.constant 0.000000e+00 : f32
          %reduce_or3A_555 = vector.broadcast %reduce_or3A : f32 to vector<16xf32>
          %reduce_or3A_556 = vector.broadcast %reduce_or3A_554 : f32 to vector<16xf32>
          %reduce_or3A_557 = arith.select %while3A_553, %reduce_or3A_555, %reduce_or3A_556 : vector<16xi1>, vector<16xf32>
          %reduce_or3A_558 = arith.constant true
          %reduce_or3A_559 = vector.broadcast %reduce_or3A_558 : i1 to vector<16xi1>
          %reduce_or3A_560 = tpu.scan <max>, %reduce_or3A_557 masked %reduce_or3A_559 : vector<16xf32>, vector<16xi1> -> vector<16xf32>
          %reduce_or3A_561 = vector.extract %reduce_or3A_560[15] : f32 from vector<16xf32>
          %reduce_or3A_562 = arith.constant 0.000000e+00 : f32
          %reduce_or3A_563 = arith.cmpf ogt, %reduce_or3A_561, %reduce_or3A_562 : f32
          scf.condition(%reduce_or3A_563) %while3A_553 : vector<16xi1>
        } do {
        ^bb0(%while3A_553: vector<16xi1>):
          %gather3A = tpu.vector_load_idx %arg6[%add3A_464] : memref<80000xf32, #tpu.memory_space<vmem>>[vector<16xi32>], vector<16xf32>,
          %max3A = arith.maximumf %gather3A, %get3A_355 : vector<16xf32>
          tpu.vector_store_idx %arg6[%add3A_464], %max3A masked %while3A_553 : memref<80000xf32, #tpu.memory_space<vmem>>[vector<16xi32>], vector<16xf32>, vector<16xi1>
          %gather3A_554 = tpu.vector_load_idx %arg6[%add3A_464] : memref<80000xf32, #tpu.memory_space<vmem>>[vector<16xi32>], vector<16xf32>,
          %lt3A_555 = arith.cmpf olt, %gather3A_554, %get3A_355 : vector<16xf32>
          %and3A_556 = arith.andi %while3A_553, %lt3A_555 : vector<16xi1>
          scf.yield %and3A_556 : vector<16xi1>
        }
        %add3A_468 = arith.constant 20000 : i32
        %add3A_469 = vector.broadcast %add3A_468 : i32 to vector<16xi32>
        %add3A_470 = arith.addi %get3A_343, %add3A_469 : vector<16xi32>
        %broadcast_in_dim3A_471 = arith.constant true
        %broadcast_in_dim3A_472 = vector.broadcast %broadcast_in_dim3A_471 : i1 to vector<16xi1>
        %while3A_473 = scf.while (%while3A_553 = %broadcast_in_dim3A_472) : (vector<16xi1>) -> vector<16xi1> {
          %reduce_or3A = arith.constant 1.000000e+00 : f32
          %reduce_or3A_554 = arith.constant 0.000000e+00 : f32
          %reduce_or3A_555 = vector.broadcast %reduce_or3A : f32 to vector<16xf32>
          %reduce_or3A_556 = vector.broadcast %reduce_or3A_554 : f32 to vector<16xf32>
          %reduce_or3A_557 = arith.select %while3A_553, %reduce_or3A_555, %reduce_or3A_556 : vector<16xi1>, vector<16xf32>
          %reduce_or3A_558 = arith.constant true
          %reduce_or3A_559 = vector.broadcast %reduce_or3A_558 : i1 to vector<16xi1>
          %reduce_or3A_560 = tpu.scan <max>, %reduce_or3A_557 masked %reduce_or3A_559 : vector<16xf32>, vector<16xi1> -> vector<16xf32>
          %reduce_or3A_561 = vector.extract %reduce_or3A_560[15] : f32 from vector<16xf32>
          %reduce_or3A_562 = arith.constant 0.000000e+00 : f32
          %reduce_or3A_563 = arith.cmpf ogt, %reduce_or3A_561, %reduce_or3A_562 : f32
          scf.condition(%reduce_or3A_563) %while3A_553 : vector<16xi1>
        } do {
        ^bb0(%while3A_553: vector<16xi1>):
          %gather3A = tpu.vector_load_idx %arg6[%add3A_470] : memref<80000xf32, #tpu.memory_space<vmem>>[vector<16xi32>], vector<16xf32>,
          %max3A = arith.maximumf %gather3A, %get3A_361 : vector<16xf32>
          tpu.vector_store_idx %arg6[%add3A_470], %max3A masked %while3A_553 : memref<80000xf32, #tpu.memory_space<vmem>>[vector<16xi32>], vector<16xf32>, vector<16xi1>
          %gather3A_554 = tpu.vector_load_idx %arg6[%add3A_470] : memref<80000xf32, #tpu.memory_space<vmem>>[vector<16xi32>], vector<16xf32>,
          %lt3A_555 = arith.cmpf olt, %gather3A_554, %get3A_361 : vector<16xf32>
          %and3A_556 = arith.andi %while3A_553, %lt3A_555 : vector<16xi1>
          scf.yield %and3A_556 : vector<16xi1>
        }
        %add3A_474 = arith.constant 30000 : i32
        %add3A_475 = vector.broadcast %add3A_474 : i32 to vector<16xi32>
        %add3A_476 = arith.addi %get3A_343, %add3A_475 : vector<16xi32>
        %broadcast_in_dim3A_477 = arith.constant true
        %broadcast_in_dim3A_478 = vector.broadcast %broadcast_in_dim3A_477 : i1 to vector<16xi1>
        %while3A_479 = scf.while (%while3A_553 = %broadcast_in_dim3A_478) : (vector<16xi1>) -> vector<16xi1> {
          %reduce_or3A = arith.constant 1.000000e+00 : f32
          %reduce_or3A_554 = arith.constant 0.000000e+00 : f32
          %reduce_or3A_555 = vector.broadcast %reduce_or3A : f32 to vector<16xf32>
          %reduce_or3A_556 = vector.broadcast %reduce_or3A_554 : f32 to vector<16xf32>
          %reduce_or3A_557 = arith.select %while3A_553, %reduce_or3A_555, %reduce_or3A_556 : vector<16xi1>, vector<16xf32>
          %reduce_or3A_558 = arith.constant true
          %reduce_or3A_559 = vector.broadcast %reduce_or3A_558 : i1 to vector<16xi1>
          %reduce_or3A_560 = tpu.scan <max>, %reduce_or3A_557 masked %reduce_or3A_559 : vector<16xf32>, vector<16xi1> -> vector<16xf32>
          %reduce_or3A_561 = vector.extract %reduce_or3A_560[15] : f32 from vector<16xf32>
          %reduce_or3A_562 = arith.constant 0.000000e+00 : f32
          %reduce_or3A_563 = arith.cmpf ogt, %reduce_or3A_561, %reduce_or3A_562 : f32
          scf.condition(%reduce_or3A_563) %while3A_553 : vector<16xi1>
        } do {
        ^bb0(%while3A_553: vector<16xi1>):
          %gather3A = tpu.vector_load_idx %arg6[%add3A_476] : memref<80000xf32, #tpu.memory_space<vmem>>[vector<16xi32>], vector<16xf32>,
          %max3A = arith.maximumf %gather3A, %get3A_367 : vector<16xf32>
          tpu.vector_store_idx %arg6[%add3A_476], %max3A masked %while3A_553 : memref<80000xf32, #tpu.memory_space<vmem>>[vector<16xi32>], vector<16xf32>, vector<16xi1>
          %gather3A_554 = tpu.vector_load_idx %arg6[%add3A_476] : memref<80000xf32, #tpu.memory_space<vmem>>[vector<16xi32>], vector<16xf32>,
          %lt3A_555 = arith.cmpf olt, %gather3A_554, %get3A_367 : vector<16xf32>
          %and3A_556 = arith.andi %while3A_553, %lt3A_555 : vector<16xi1>
          scf.yield %and3A_556 : vector<16xi1>
        }
        %add3A_480 = arith.constant 40000 : i32
        %add3A_481 = vector.broadcast %add3A_480 : i32 to vector<16xi32>
        %add3A_482 = arith.addi %get3A_343, %add3A_481 : vector<16xi32>
        %broadcast_in_dim3A_483 = arith.constant true
        %broadcast_in_dim3A_484 = vector.broadcast %broadcast_in_dim3A_483 : i1 to vector<16xi1>
        %while3A_485 = scf.while (%while3A_553 = %broadcast_in_dim3A_484) : (vector<16xi1>) -> vector<16xi1> {
          %reduce_or3A = arith.constant 1.000000e+00 : f32
          %reduce_or3A_554 = arith.constant 0.000000e+00 : f32
          %reduce_or3A_555 = vector.broadcast %reduce_or3A : f32 to vector<16xf32>
          %reduce_or3A_556 = vector.broadcast %reduce_or3A_554 : f32 to vector<16xf32>
          %reduce_or3A_557 = arith.select %while3A_553, %reduce_or3A_555, %reduce_or3A_556 : vector<16xi1>, vector<16xf32>
          %reduce_or3A_558 = arith.constant true
          %reduce_or3A_559 = vector.broadcast %reduce_or3A_558 : i1 to vector<16xi1>
          %reduce_or3A_560 = tpu.scan <max>, %reduce_or3A_557 masked %reduce_or3A_559 : vector<16xf32>, vector<16xi1> -> vector<16xf32>
          %reduce_or3A_561 = vector.extract %reduce_or3A_560[15] : f32 from vector<16xf32>
          %reduce_or3A_562 = arith.constant 0.000000e+00 : f32
          %reduce_or3A_563 = arith.cmpf ogt, %reduce_or3A_561, %reduce_or3A_562 : f32
          scf.condition(%reduce_or3A_563) %while3A_553 : vector<16xi1>
        } do {
        ^bb0(%while3A_553: vector<16xi1>):
          %gather3A = tpu.vector_load_idx %arg6[%add3A_482] : memref<80000xf32, #tpu.memory_space<vmem>>[vector<16xi32>], vector<16xf32>,
          %max3A = arith.maximumf %gather3A, %get3A_373 : vector<16xf32>
          tpu.vector_store_idx %arg6[%add3A_482], %max3A masked %while3A_553 : memref<80000xf32, #tpu.memory_space<vmem>>[vector<16xi32>], vector<16xf32>, vector<16xi1>
          %gather3A_554 = tpu.vector_load_idx %arg6[%add3A_482] : memref<80000xf32, #tpu.memory_space<vmem>>[vector<16xi32>], vector<16xf32>,
          %lt3A_555 = arith.cmpf olt, %gather3A_554, %get3A_373 : vector<16xf32>
          %and3A_556 = arith.andi %while3A_553, %lt3A_555 : vector<16xi1>
          scf.yield %and3A_556 : vector<16xi1>
        }
        %add3A_486 = arith.constant 50000 : i32
        %add3A_487 = vector.broadcast %add3A_486 : i32 to vector<16xi32>
        %add3A_488 = arith.addi %get3A_343, %add3A_487 : vector<16xi32>
        %broadcast_in_dim3A_489 = arith.constant true
        %broadcast_in_dim3A_490 = vector.broadcast %broadcast_in_dim3A_489 : i1 to vector<16xi1>
        %while3A_491 = scf.while (%while3A_553 = %broadcast_in_dim3A_490) : (vector<16xi1>) -> vector<16xi1> {
          %reduce_or3A = arith.constant 1.000000e+00 : f32
          %reduce_or3A_554 = arith.constant 0.000000e+00 : f32
          %reduce_or3A_555 = vector.broadcast %reduce_or3A : f32 to vector<16xf32>
          %reduce_or3A_556 = vector.broadcast %reduce_or3A_554 : f32 to vector<16xf32>
          %reduce_or3A_557 = arith.select %while3A_553, %reduce_or3A_555, %reduce_or3A_556 : vector<16xi1>, vector<16xf32>
          %reduce_or3A_558 = arith.constant true
          %reduce_or3A_559 = vector.broadcast %reduce_or3A_558 : i1 to vector<16xi1>
          %reduce_or3A_560 = tpu.scan <max>, %reduce_or3A_557 masked %reduce_or3A_559 : vector<16xf32>, vector<16xi1> -> vector<16xf32>
          %reduce_or3A_561 = vector.extract %reduce_or3A_560[15] : f32 from vector<16xf32>
          %reduce_or3A_562 = arith.constant 0.000000e+00 : f32
          %reduce_or3A_563 = arith.cmpf ogt, %reduce_or3A_561, %reduce_or3A_562 : f32
          scf.condition(%reduce_or3A_563) %while3A_553 : vector<16xi1>
        } do {
        ^bb0(%while3A_553: vector<16xi1>):
          %gather3A = tpu.vector_load_idx %arg6[%add3A_488] : memref<80000xf32, #tpu.memory_space<vmem>>[vector<16xi32>], vector<16xf32>,
          %max3A = arith.maximumf %gather3A, %get3A_379 : vector<16xf32>
          tpu.vector_store_idx %arg6[%add3A_488], %max3A masked %while3A_553 : memref<80000xf32, #tpu.memory_space<vmem>>[vector<16xi32>], vector<16xf32>, vector<16xi1>
          %gather3A_554 = tpu.vector_load_idx %arg6[%add3A_488] : memref<80000xf32, #tpu.memory_space<vmem>>[vector<16xi32>], vector<16xf32>,
          %lt3A_555 = arith.cmpf olt, %gather3A_554, %get3A_379 : vector<16xf32>
          %and3A_556 = arith.andi %while3A_553, %lt3A_555 : vector<16xi1>
          scf.yield %and3A_556 : vector<16xi1>
        }
        %add3A_492 = arith.constant 60000 : i32
        %add3A_493 = vector.broadcast %add3A_492 : i32 to vector<16xi32>
        %add3A_494 = arith.addi %get3A_343, %add3A_493 : vector<16xi32>
        %broadcast_in_dim3A_495 = arith.constant true
        %broadcast_in_dim3A_496 = vector.broadcast %broadcast_in_dim3A_495 : i1 to vector<16xi1>
        %while3A_497 = scf.while (%while3A_553 = %broadcast_in_dim3A_496) : (vector<16xi1>) -> vector<16xi1> {
          %reduce_or3A = arith.constant 1.000000e+00 : f32
          %reduce_or3A_554 = arith.constant 0.000000e+00 : f32
          %reduce_or3A_555 = vector.broadcast %reduce_or3A : f32 to vector<16xf32>
          %reduce_or3A_556 = vector.broadcast %reduce_or3A_554 : f32 to vector<16xf32>
          %reduce_or3A_557 = arith.select %while3A_553, %reduce_or3A_555, %reduce_or3A_556 : vector<16xi1>, vector<16xf32>
          %reduce_or3A_558 = arith.constant true
          %reduce_or3A_559 = vector.broadcast %reduce_or3A_558 : i1 to vector<16xi1>
          %reduce_or3A_560 = tpu.scan <max>, %reduce_or3A_557 masked %reduce_or3A_559 : vector<16xf32>, vector<16xi1> -> vector<16xf32>
          %reduce_or3A_561 = vector.extract %reduce_or3A_560[15] : f32 from vector<16xf32>
          %reduce_or3A_562 = arith.constant 0.000000e+00 : f32
          %reduce_or3A_563 = arith.cmpf ogt, %reduce_or3A_561, %reduce_or3A_562 : f32
          scf.condition(%reduce_or3A_563) %while3A_553 : vector<16xi1>
        } do {
        ^bb0(%while3A_553: vector<16xi1>):
          %gather3A = tpu.vector_load_idx %arg6[%add3A_494] : memref<80000xf32, #tpu.memory_space<vmem>>[vector<16xi32>], vector<16xf32>,
          %max3A = arith.maximumf %gather3A, %get3A_385 : vector<16xf32>
          tpu.vector_store_idx %arg6[%add3A_494], %max3A masked %while3A_553 : memref<80000xf32, #tpu.memory_space<vmem>>[vector<16xi32>], vector<16xf32>, vector<16xi1>
          %gather3A_554 = tpu.vector_load_idx %arg6[%add3A_494] : memref<80000xf32, #tpu.memory_space<vmem>>[vector<16xi32>], vector<16xf32>,
          %lt3A_555 = arith.cmpf olt, %gather3A_554, %get3A_385 : vector<16xf32>
          %and3A_556 = arith.andi %while3A_553, %lt3A_555 : vector<16xi1>
          scf.yield %and3A_556 : vector<16xi1>
        }
        %add3A_498 = arith.constant 70000 : i32
        %add3A_499 = vector.broadcast %add3A_498 : i32 to vector<16xi32>
        %add3A_500 = arith.addi %get3A_343, %add3A_499 : vector<16xi32>
        %broadcast_in_dim3A_501 = arith.constant true
        %broadcast_in_dim3A_502 = vector.broadcast %broadcast_in_dim3A_501 : i1 to vector<16xi1>
        %while3A_503 = scf.while (%while3A_553 = %broadcast_in_dim3A_502) : (vector<16xi1>) -> vector<16xi1> {
          %reduce_or3A = arith.constant 1.000000e+00 : f32
          %reduce_or3A_554 = arith.constant 0.000000e+00 : f32
          %reduce_or3A_555 = vector.broadcast %reduce_or3A : f32 to vector<16xf32>
          %reduce_or3A_556 = vector.broadcast %reduce_or3A_554 : f32 to vector<16xf32>
          %reduce_or3A_557 = arith.select %while3A_553, %reduce_or3A_555, %reduce_or3A_556 : vector<16xi1>, vector<16xf32>
          %reduce_or3A_558 = arith.constant true
          %reduce_or3A_559 = vector.broadcast %reduce_or3A_558 : i1 to vector<16xi1>
          %reduce_or3A_560 = tpu.scan <max>, %reduce_or3A_557 masked %reduce_or3A_559 : vector<16xf32>, vector<16xi1> -> vector<16xf32>
          %reduce_or3A_561 = vector.extract %reduce_or3A_560[15] : f32 from vector<16xf32>
          %reduce_or3A_562 = arith.constant 0.000000e+00 : f32
          %reduce_or3A_563 = arith.cmpf ogt, %reduce_or3A_561, %reduce_or3A_562 : f32
          scf.condition(%reduce_or3A_563) %while3A_553 : vector<16xi1>
        } do {
        ^bb0(%while3A_553: vector<16xi1>):
          %gather3A = tpu.vector_load_idx %arg6[%add3A_500] : memref<80000xf32, #tpu.memory_space<vmem>>[vector<16xi32>], vector<16xf32>,
          %max3A = arith.maximumf %gather3A, %get3A_391 : vector<16xf32>
          tpu.vector_store_idx %arg6[%add3A_500], %max3A masked %while3A_553 : memref<80000xf32, #tpu.memory_space<vmem>>[vector<16xi32>], vector<16xf32>, vector<16xi1>
          %gather3A_554 = tpu.vector_load_idx %arg6[%add3A_500] : memref<80000xf32, #tpu.memory_space<vmem>>[vector<16xi32>], vector<16xf32>,
          %lt3A_555 = arith.cmpf olt, %gather3A_554, %get3A_391 : vector<16xf32>
          %and3A_556 = arith.andi %while3A_553, %lt3A_555 : vector<16xi1>
          scf.yield %and3A_556 : vector<16xi1>
        }
        %add3A_504 = arith.constant 0 : i32
        %add3A_505 = vector.broadcast %add3A_504 : i32 to vector<16xi32>
        %add3A_506 = arith.addi %get3A_399, %add3A_505 : vector<16xi32>
        %broadcast_in_dim3A_507 = arith.constant true
        %broadcast_in_dim3A_508 = vector.broadcast %broadcast_in_dim3A_507 : i1 to vector<16xi1>
        %while3A_509 = scf.while (%while3A_553 = %broadcast_in_dim3A_508) : (vector<16xi1>) -> vector<16xi1> {
          %reduce_or3A = arith.constant 1.000000e+00 : f32
          %reduce_or3A_554 = arith.constant 0.000000e+00 : f32
          %reduce_or3A_555 = vector.broadcast %reduce_or3A : f32 to vector<16xf32>
          %reduce_or3A_556 = vector.broadcast %reduce_or3A_554 : f32 to vector<16xf32>
          %reduce_or3A_557 = arith.select %while3A_553, %reduce_or3A_555, %reduce_or3A_556 : vector<16xi1>, vector<16xf32>
          %reduce_or3A_558 = arith.constant true
          %reduce_or3A_559 = vector.broadcast %reduce_or3A_558 : i1 to vector<16xi1>
          %reduce_or3A_560 = tpu.scan <max>, %reduce_or3A_557 masked %reduce_or3A_559 : vector<16xf32>, vector<16xi1> -> vector<16xf32>
          %reduce_or3A_561 = vector.extract %reduce_or3A_560[15] : f32 from vector<16xf32>
          %reduce_or3A_562 = arith.constant 0.000000e+00 : f32
          %reduce_or3A_563 = arith.cmpf ogt, %reduce_or3A_561, %reduce_or3A_562 : f32
          scf.condition(%reduce_or3A_563) %while3A_553 : vector<16xi1>
        } do {
        ^bb0(%while3A_553: vector<16xi1>):
          %gather3A = tpu.vector_load_idx %arg6[%add3A_506] : memref<80000xf32, #tpu.memory_space<vmem>>[vector<16xi32>], vector<16xf32>,
          %max3A = arith.maximumf %gather3A, %get3A_405 : vector<16xf32>
          tpu.vector_store_idx %arg6[%add3A_506], %max3A masked %while3A_553 : memref<80000xf32, #tpu.memory_space<vmem>>[vector<16xi32>], vector<16xf32>, vector<16xi1>
          %gather3A_554 = tpu.vector_load_idx %arg6[%add3A_506] : memref<80000xf32, #tpu.memory_space<vmem>>[vector<16xi32>], vector<16xf32>,
          %lt3A_555 = arith.cmpf olt, %gather3A_554, %get3A_405 : vector<16xf32>
          %and3A_556 = arith.andi %while3A_553, %lt3A_555 : vector<16xi1>
          scf.yield %and3A_556 : vector<16xi1>
        }
        %add3A_510 = arith.constant 10000 : i32
        %add3A_511 = vector.broadcast %add3A_510 : i32 to vector<16xi32>
        %add3A_512 = arith.addi %get3A_399, %add3A_511 : vector<16xi32>
        %broadcast_in_dim3A_513 = arith.constant true
        %broadcast_in_dim3A_514 = vector.broadcast %broadcast_in_dim3A_513 : i1 to vector<16xi1>
        %while3A_515 = scf.while (%while3A_553 = %broadcast_in_dim3A_514) : (vector<16xi1>) -> vector<16xi1> {
          %reduce_or3A = arith.constant 1.000000e+00 : f32
          %reduce_or3A_554 = arith.constant 0.000000e+00 : f32
          %reduce_or3A_555 = vector.broadcast %reduce_or3A : f32 to vector<16xf32>
          %reduce_or3A_556 = vector.broadcast %reduce_or3A_554 : f32 to vector<16xf32>
          %reduce_or3A_557 = arith.select %while3A_553, %reduce_or3A_555, %reduce_or3A_556 : vector<16xi1>, vector<16xf32>
          %reduce_or3A_558 = arith.constant true
          %reduce_or3A_559 = vector.broadcast %reduce_or3A_558 : i1 to vector<16xi1>
          %reduce_or3A_560 = tpu.scan <max>, %reduce_or3A_557 masked %reduce_or3A_559 : vector<16xf32>, vector<16xi1> -> vector<16xf32>
          %reduce_or3A_561 = vector.extract %reduce_or3A_560[15] : f32 from vector<16xf32>
          %reduce_or3A_562 = arith.constant 0.000000e+00 : f32
          %reduce_or3A_563 = arith.cmpf ogt, %reduce_or3A_561, %reduce_or3A_562 : f32
          scf.condition(%reduce_or3A_563) %while3A_553 : vector<16xi1>
        } do {
        ^bb0(%while3A_553: vector<16xi1>):
          %gather3A = tpu.vector_load_idx %arg6[%add3A_512] : memref<80000xf32, #tpu.memory_space<vmem>>[vector<16xi32>], vector<16xf32>,
          %max3A = arith.maximumf %gather3A, %get3A_411 : vector<16xf32>
          tpu.vector_store_idx %arg6[%add3A_512], %max3A masked %while3A_553 : memref<80000xf32, #tpu.memory_space<vmem>>[vector<16xi32>], vector<16xf32>, vector<16xi1>
          %gather3A_554 = tpu.vector_load_idx %arg6[%add3A_512] : memref<80000xf32, #tpu.memory_space<vmem>>[vector<16xi32>], vector<16xf32>,
          %lt3A_555 = arith.cmpf olt, %gather3A_554, %get3A_411 : vector<16xf32>
          %and3A_556 = arith.andi %while3A_553, %lt3A_555 : vector<16xi1>
          scf.yield %and3A_556 : vector<16xi1>
        }
        %add3A_516 = arith.constant 20000 : i32
        %add3A_517 = vector.broadcast %add3A_516 : i32 to vector<16xi32>
        %add3A_518 = arith.addi %get3A_399, %add3A_517 : vector<16xi32>
        %broadcast_in_dim3A_519 = arith.constant true
        %broadcast_in_dim3A_520 = vector.broadcast %broadcast_in_dim3A_519 : i1 to vector<16xi1>
        %while3A_521 = scf.while (%while3A_553 = %broadcast_in_dim3A_520) : (vector<16xi1>) -> vector<16xi1> {
          %reduce_or3A = arith.constant 1.000000e+00 : f32
          %reduce_or3A_554 = arith.constant 0.000000e+00 : f32
          %reduce_or3A_555 = vector.broadcast %reduce_or3A : f32 to vector<16xf32>
          %reduce_or3A_556 = vector.broadcast %reduce_or3A_554 : f32 to vector<16xf32>
          %reduce_or3A_557 = arith.select %while3A_553, %reduce_or3A_555, %reduce_or3A_556 : vector<16xi1>, vector<16xf32>
          %reduce_or3A_558 = arith.constant true
          %reduce_or3A_559 = vector.broadcast %reduce_or3A_558 : i1 to vector<16xi1>
          %reduce_or3A_560 = tpu.scan <max>, %reduce_or3A_557 masked %reduce_or3A_559 : vector<16xf32>, vector<16xi1> -> vector<16xf32>
          %reduce_or3A_561 = vector.extract %reduce_or3A_560[15] : f32 from vector<16xf32>
          %reduce_or3A_562 = arith.constant 0.000000e+00 : f32
          %reduce_or3A_563 = arith.cmpf ogt, %reduce_or3A_561, %reduce_or3A_562 : f32
          scf.condition(%reduce_or3A_563) %while3A_553 : vector<16xi1>
        } do {
        ^bb0(%while3A_553: vector<16xi1>):
          %gather3A = tpu.vector_load_idx %arg6[%add3A_518] : memref<80000xf32, #tpu.memory_space<vmem>>[vector<16xi32>], vector<16xf32>,
          %max3A = arith.maximumf %gather3A, %get3A_417 : vector<16xf32>
          tpu.vector_store_idx %arg6[%add3A_518], %max3A masked %while3A_553 : memref<80000xf32, #tpu.memory_space<vmem>>[vector<16xi32>], vector<16xf32>, vector<16xi1>
          %gather3A_554 = tpu.vector_load_idx %arg6[%add3A_518] : memref<80000xf32, #tpu.memory_space<vmem>>[vector<16xi32>], vector<16xf32>,
          %lt3A_555 = arith.cmpf olt, %gather3A_554, %get3A_417 : vector<16xf32>
          %and3A_556 = arith.andi %while3A_553, %lt3A_555 : vector<16xi1>
          scf.yield %and3A_556 : vector<16xi1>
        }
        %add3A_522 = arith.constant 30000 : i32
        %add3A_523 = vector.broadcast %add3A_522 : i32 to vector<16xi32>
        %add3A_524 = arith.addi %get3A_399, %add3A_523 : vector<16xi32>
        %broadcast_in_dim3A_525 = arith.constant true
        %broadcast_in_dim3A_526 = vector.broadcast %broadcast_in_dim3A_525 : i1 to vector<16xi1>
        %while3A_527 = scf.while (%while3A_553 = %broadcast_in_dim3A_526) : (vector<16xi1>) -> vector<16xi1> {
          %reduce_or3A = arith.constant 1.000000e+00 : f32
          %reduce_or3A_554 = arith.constant 0.000000e+00 : f32
          %reduce_or3A_555 = vector.broadcast %reduce_or3A : f32 to vector<16xf32>
          %reduce_or3A_556 = vector.broadcast %reduce_or3A_554 : f32 to vector<16xf32>
          %reduce_or3A_557 = arith.select %while3A_553, %reduce_or3A_555, %reduce_or3A_556 : vector<16xi1>, vector<16xf32>
          %reduce_or3A_558 = arith.constant true
          %reduce_or3A_559 = vector.broadcast %reduce_or3A_558 : i1 to vector<16xi1>
          %reduce_or3A_560 = tpu.scan <max>, %reduce_or3A_557 masked %reduce_or3A_559 : vector<16xf32>, vector<16xi1> -> vector<16xf32>
          %reduce_or3A_561 = vector.extract %reduce_or3A_560[15] : f32 from vector<16xf32>
          %reduce_or3A_562 = arith.constant 0.000000e+00 : f32
          %reduce_or3A_563 = arith.cmpf ogt, %reduce_or3A_561, %reduce_or3A_562 : f32
          scf.condition(%reduce_or3A_563) %while3A_553 : vector<16xi1>
        } do {
        ^bb0(%while3A_553: vector<16xi1>):
          %gather3A = tpu.vector_load_idx %arg6[%add3A_524] : memref<80000xf32, #tpu.memory_space<vmem>>[vector<16xi32>], vector<16xf32>,
          %max3A = arith.maximumf %gather3A, %get3A_423 : vector<16xf32>
          tpu.vector_store_idx %arg6[%add3A_524], %max3A masked %while3A_553 : memref<80000xf32, #tpu.memory_space<vmem>>[vector<16xi32>], vector<16xf32>, vector<16xi1>
          %gather3A_554 = tpu.vector_load_idx %arg6[%add3A_524] : memref<80000xf32, #tpu.memory_space<vmem>>[vector<16xi32>], vector<16xf32>,
          %lt3A_555 = arith.cmpf olt, %gather3A_554, %get3A_423 : vector<16xf32>
          %and3A_556 = arith.andi %while3A_553, %lt3A_555 : vector<16xi1>
          scf.yield %and3A_556 : vector<16xi1>
        }
        %add3A_528 = arith.constant 40000 : i32
        %add3A_529 = vector.broadcast %add3A_528 : i32 to vector<16xi32>
        %add3A_530 = arith.addi %get3A_399, %add3A_529 : vector<16xi32>
        %broadcast_in_dim3A_531 = arith.constant true
        %broadcast_in_dim3A_532 = vector.broadcast %broadcast_in_dim3A_531 : i1 to vector<16xi1>
        %while3A_533 = scf.while (%while3A_553 = %broadcast_in_dim3A_532) : (vector<16xi1>) -> vector<16xi1> {
          %reduce_or3A = arith.constant 1.000000e+00 : f32
          %reduce_or3A_554 = arith.constant 0.000000e+00 : f32
          %reduce_or3A_555 = vector.broadcast %reduce_or3A : f32 to vector<16xf32>
          %reduce_or3A_556 = vector.broadcast %reduce_or3A_554 : f32 to vector<16xf32>
          %reduce_or3A_557 = arith.select %while3A_553, %reduce_or3A_555, %reduce_or3A_556 : vector<16xi1>, vector<16xf32>
          %reduce_or3A_558 = arith.constant true
          %reduce_or3A_559 = vector.broadcast %reduce_or3A_558 : i1 to vector<16xi1>
          %reduce_or3A_560 = tpu.scan <max>, %reduce_or3A_557 masked %reduce_or3A_559 : vector<16xf32>, vector<16xi1> -> vector<16xf32>
          %reduce_or3A_561 = vector.extract %reduce_or3A_560[15] : f32 from vector<16xf32>
          %reduce_or3A_562 = arith.constant 0.000000e+00 : f32
          %reduce_or3A_563 = arith.cmpf ogt, %reduce_or3A_561, %reduce_or3A_562 : f32
          scf.condition(%reduce_or3A_563) %while3A_553 : vector<16xi1>
        } do {
        ^bb0(%while3A_553: vector<16xi1>):
          %gather3A = tpu.vector_load_idx %arg6[%add3A_530] : memref<80000xf32, #tpu.memory_space<vmem>>[vector<16xi32>], vector<16xf32>,
          %max3A = arith.maximumf %gather3A, %get3A_429 : vector<16xf32>
          tpu.vector_store_idx %arg6[%add3A_530], %max3A masked %while3A_553 : memref<80000xf32, #tpu.memory_space<vmem>>[vector<16xi32>], vector<16xf32>, vector<16xi1>
          %gather3A_554 = tpu.vector_load_idx %arg6[%add3A_530] : memref<80000xf32, #tpu.memory_space<vmem>>[vector<16xi32>], vector<16xf32>,
          %lt3A_555 = arith.cmpf olt, %gather3A_554, %get3A_429 : vector<16xf32>
          %and3A_556 = arith.andi %while3A_553, %lt3A_555 : vector<16xi1>
          scf.yield %and3A_556 : vector<16xi1>
        }
        %add3A_534 = arith.constant 50000 : i32
        %add3A_535 = vector.broadcast %add3A_534 : i32 to vector<16xi32>
        %add3A_536 = arith.addi %get3A_399, %add3A_535 : vector<16xi32>
        %broadcast_in_dim3A_537 = arith.constant true
        %broadcast_in_dim3A_538 = vector.broadcast %broadcast_in_dim3A_537 : i1 to vector<16xi1>
        %while3A_539 = scf.while (%while3A_553 = %broadcast_in_dim3A_538) : (vector<16xi1>) -> vector<16xi1> {
          %reduce_or3A = arith.constant 1.000000e+00 : f32
          %reduce_or3A_554 = arith.constant 0.000000e+00 : f32
          %reduce_or3A_555 = vector.broadcast %reduce_or3A : f32 to vector<16xf32>
          %reduce_or3A_556 = vector.broadcast %reduce_or3A_554 : f32 to vector<16xf32>
          %reduce_or3A_557 = arith.select %while3A_553, %reduce_or3A_555, %reduce_or3A_556 : vector<16xi1>, vector<16xf32>
          %reduce_or3A_558 = arith.constant true
          %reduce_or3A_559 = vector.broadcast %reduce_or3A_558 : i1 to vector<16xi1>
          %reduce_or3A_560 = tpu.scan <max>, %reduce_or3A_557 masked %reduce_or3A_559 : vector<16xf32>, vector<16xi1> -> vector<16xf32>
          %reduce_or3A_561 = vector.extract %reduce_or3A_560[15] : f32 from vector<16xf32>
          %reduce_or3A_562 = arith.constant 0.000000e+00 : f32
          %reduce_or3A_563 = arith.cmpf ogt, %reduce_or3A_561, %reduce_or3A_562 : f32
          scf.condition(%reduce_or3A_563) %while3A_553 : vector<16xi1>
        } do {
        ^bb0(%while3A_553: vector<16xi1>):
          %gather3A = tpu.vector_load_idx %arg6[%add3A_536] : memref<80000xf32, #tpu.memory_space<vmem>>[vector<16xi32>], vector<16xf32>,
          %max3A = arith.maximumf %gather3A, %get3A_435 : vector<16xf32>
          tpu.vector_store_idx %arg6[%add3A_536], %max3A masked %while3A_553 : memref<80000xf32, #tpu.memory_space<vmem>>[vector<16xi32>], vector<16xf32>, vector<16xi1>
          %gather3A_554 = tpu.vector_load_idx %arg6[%add3A_536] : memref<80000xf32, #tpu.memory_space<vmem>>[vector<16xi32>], vector<16xf32>,
          %lt3A_555 = arith.cmpf olt, %gather3A_554, %get3A_435 : vector<16xf32>
          %and3A_556 = arith.andi %while3A_553, %lt3A_555 : vector<16xi1>
          scf.yield %and3A_556 : vector<16xi1>
        }
        %add3A_540 = arith.constant 60000 : i32
        %add3A_541 = vector.broadcast %add3A_540 : i32 to vector<16xi32>
        %add3A_542 = arith.addi %get3A_399, %add3A_541 : vector<16xi32>
        %broadcast_in_dim3A_543 = arith.constant true
        %broadcast_in_dim3A_544 = vector.broadcast %broadcast_in_dim3A_543 : i1 to vector<16xi1>
        %while3A_545 = scf.while (%while3A_553 = %broadcast_in_dim3A_544) : (vector<16xi1>) -> vector<16xi1> {
          %reduce_or3A = arith.constant 1.000000e+00 : f32
          %reduce_or3A_554 = arith.constant 0.000000e+00 : f32
          %reduce_or3A_555 = vector.broadcast %reduce_or3A : f32 to vector<16xf32>
          %reduce_or3A_556 = vector.broadcast %reduce_or3A_554 : f32 to vector<16xf32>
          %reduce_or3A_557 = arith.select %while3A_553, %reduce_or3A_555, %reduce_or3A_556 : vector<16xi1>, vector<16xf32>
          %reduce_or3A_558 = arith.constant true
          %reduce_or3A_559 = vector.broadcast %reduce_or3A_558 : i1 to vector<16xi1>
          %reduce_or3A_560 = tpu.scan <max>, %reduce_or3A_557 masked %reduce_or3A_559 : vector<16xf32>, vector<16xi1> -> vector<16xf32>
          %reduce_or3A_561 = vector.extract %reduce_or3A_560[15] : f32 from vector<16xf32>
          %reduce_or3A_562 = arith.constant 0.000000e+00 : f32
          %reduce_or3A_563 = arith.cmpf ogt, %reduce_or3A_561, %reduce_or3A_562 : f32
          scf.condition(%reduce_or3A_563) %while3A_553 : vector<16xi1>
        } do {
        ^bb0(%while3A_553: vector<16xi1>):
          %gather3A = tpu.vector_load_idx %arg6[%add3A_542] : memref<80000xf32, #tpu.memory_space<vmem>>[vector<16xi32>], vector<16xf32>,
          %max3A = arith.maximumf %gather3A, %get3A_441 : vector<16xf32>
          tpu.vector_store_idx %arg6[%add3A_542], %max3A masked %while3A_553 : memref<80000xf32, #tpu.memory_space<vmem>>[vector<16xi32>], vector<16xf32>, vector<16xi1>
          %gather3A_554 = tpu.vector_load_idx %arg6[%add3A_542] : memref<80000xf32, #tpu.memory_space<vmem>>[vector<16xi32>], vector<16xf32>,
          %lt3A_555 = arith.cmpf olt, %gather3A_554, %get3A_441 : vector<16xf32>
          %and3A_556 = arith.andi %while3A_553, %lt3A_555 : vector<16xi1>
          scf.yield %and3A_556 : vector<16xi1>
        }
        %add3A_546 = arith.constant 70000 : i32
        %add3A_547 = vector.broadcast %add3A_546 : i32 to vector<16xi32>
        %add3A_548 = arith.addi %get3A_399, %add3A_547 : vector<16xi32>
        %broadcast_in_dim3A_549 = arith.constant true
        %broadcast_in_dim3A_550 = vector.broadcast %broadcast_in_dim3A_549 : i1 to vector<16xi1>
        %while3A_551 = scf.while (%while3A_553 = %broadcast_in_dim3A_550) : (vector<16xi1>) -> vector<16xi1> {
          %reduce_or3A = arith.constant 1.000000e+00 : f32
          %reduce_or3A_554 = arith.constant 0.000000e+00 : f32
          %reduce_or3A_555 = vector.broadcast %reduce_or3A : f32 to vector<16xf32>
          %reduce_or3A_556 = vector.broadcast %reduce_or3A_554 : f32 to vector<16xf32>
          %reduce_or3A_557 = arith.select %while3A_553, %reduce_or3A_555, %reduce_or3A_556 : vector<16xi1>, vector<16xf32>
          %reduce_or3A_558 = arith.constant true
          %reduce_or3A_559 = vector.broadcast %reduce_or3A_558 : i1 to vector<16xi1>
          %reduce_or3A_560 = tpu.scan <max>, %reduce_or3A_557 masked %reduce_or3A_559 : vector<16xf32>, vector<16xi1> -> vector<16xf32>
          %reduce_or3A_561 = vector.extract %reduce_or3A_560[15] : f32 from vector<16xf32>
          %reduce_or3A_562 = arith.constant 0.000000e+00 : f32
          %reduce_or3A_563 = arith.cmpf ogt, %reduce_or3A_561, %reduce_or3A_562 : f32
          scf.condition(%reduce_or3A_563) %while3A_553 : vector<16xi1>
        } do {
        ^bb0(%while3A_553: vector<16xi1>):
          %gather3A = tpu.vector_load_idx %arg6[%add3A_548] : memref<80000xf32, #tpu.memory_space<vmem>>[vector<16xi32>], vector<16xf32>,
          %max3A = arith.maximumf %gather3A, %get3A_447 : vector<16xf32>
          tpu.vector_store_idx %arg6[%add3A_548], %max3A masked %while3A_553 : memref<80000xf32, #tpu.memory_space<vmem>>[vector<16xi32>], vector<16xf32>, vector<16xi1>
          %gather3A_554 = tpu.vector_load_idx %arg6[%add3A_548] : memref<80000xf32, #tpu.memory_space<vmem>>[vector<16xi32>], vector<16xf32>,
          %lt3A_555 = arith.cmpf olt, %gather3A_554, %get3A_447 : vector<16xf32>
          %and3A_556 = arith.andi %while3A_553, %lt3A_555 : vector<16xi1>
          scf.yield %and3A_556 : vector<16xi1>
        }
        %cond3A_552 = arith.constant 0 : i32
        scf.yield %cond3A_552 : i32
      } else {
        %add3A_457 = arith.constant 0 : i32
        %add3A_458 = vector.broadcast %add3A_457 : i32 to vector<16xi32>
        %add3A_459 = arith.addi %get3A_343, %add3A_458 : vector<16xi32>
        %add3A_460 = arith.constant 10000 : i32
        %add3A_461 = vector.broadcast %add3A_460 : i32 to vector<16xi32>
        %add3A_462 = arith.addi %get3A_343, %add3A_461 : vector<16xi32>
        %add3A_463 = arith.constant 20000 : i32
        %add3A_464 = vector.broadcast %add3A_463 : i32 to vector<16xi32>
        %add3A_465 = arith.addi %get3A_343, %add3A_464 : vector<16xi32>
        %add3A_466 = arith.constant 30000 : i32
        %add3A_467 = vector.broadcast %add3A_466 : i32 to vector<16xi32>
        %add3A_468 = arith.addi %get3A_343, %add3A_467 : vector<16xi32>
        %add3A_469 = arith.constant 40000 : i32
        %add3A_470 = vector.broadcast %add3A_469 : i32 to vector<16xi32>
        %add3A_471 = arith.addi %get3A_343, %add3A_470 : vector<16xi32>
        %add3A_472 = arith.constant 50000 : i32
        %add3A_473 = vector.broadcast %add3A_472 : i32 to vector<16xi32>
        %add3A_474 = arith.addi %get3A_343, %add3A_473 : vector<16xi32>
        %add3A_475 = arith.constant 60000 : i32
        %add3A_476 = vector.broadcast %add3A_475 : i32 to vector<16xi32>
        %add3A_477 = arith.addi %get3A_343, %add3A_476 : vector<16xi32>
        %add3A_478 = arith.constant 70000 : i32
        %add3A_479 = vector.broadcast %add3A_478 : i32 to vector<16xi32>
        %add3A_480 = arith.addi %get3A_343, %add3A_479 : vector<16xi32>
        %gather3A = tpu.vector_load_idx %arg6[%add3A_459] : memref<80000xf32, #tpu.memory_space<vmem>>[vector<16xi32>], vector<16xf32>,
        %gather3A_481 = tpu.vector_load_idx %arg6[%add3A_462] : memref<80000xf32, #tpu.memory_space<vmem>>[vector<16xi32>], vector<16xf32>,
        %gather3A_482 = tpu.vector_load_idx %arg6[%add3A_465] : memref<80000xf32, #tpu.memory_space<vmem>>[vector<16xi32>], vector<16xf32>,
        %gather3A_483 = tpu.vector_load_idx %arg6[%add3A_468] : memref<80000xf32, #tpu.memory_space<vmem>>[vector<16xi32>], vector<16xf32>,
        %gather3A_484 = tpu.vector_load_idx %arg6[%add3A_471] : memref<80000xf32, #tpu.memory_space<vmem>>[vector<16xi32>], vector<16xf32>,
        %gather3A_485 = tpu.vector_load_idx %arg6[%add3A_474] : memref<80000xf32, #tpu.memory_space<vmem>>[vector<16xi32>], vector<16xf32>,
        %gather3A_486 = tpu.vector_load_idx %arg6[%add3A_477] : memref<80000xf32, #tpu.memory_space<vmem>>[vector<16xi32>], vector<16xf32>,
        %gather3A_487 = tpu.vector_load_idx %arg6[%add3A_480] : memref<80000xf32, #tpu.memory_space<vmem>>[vector<16xi32>], vector<16xf32>,
        %max3A = arith.maximumf %gather3A, %get3A_349 : vector<16xf32>
        tpu.vector_store_idx %arg6[%add3A_459], %max3A : memref<80000xf32, #tpu.memory_space<vmem>>[vector<16xi32>], vector<16xf32>,
        %max3A_488 = arith.maximumf %gather3A_481, %get3A_355 : vector<16xf32>
        tpu.vector_store_idx %arg6[%add3A_462], %max3A_488 : memref<80000xf32, #tpu.memory_space<vmem>>[vector<16xi32>], vector<16xf32>,
        %max3A_489 = arith.maximumf %gather3A_482, %get3A_361 : vector<16xf32>
        tpu.vector_store_idx %arg6[%add3A_465], %max3A_489 : memref<80000xf32, #tpu.memory_space<vmem>>[vector<16xi32>], vector<16xf32>,
        %max3A_490 = arith.maximumf %gather3A_483, %get3A_367 : vector<16xf32>
        tpu.vector_store_idx %arg6[%add3A_468], %max3A_490 : memref<80000xf32, #tpu.memory_space<vmem>>[vector<16xi32>], vector<16xf32>,
        %max3A_491 = arith.maximumf %gather3A_484, %get3A_373 : vector<16xf32>
        tpu.vector_store_idx %arg6[%add3A_471], %max3A_491 : memref<80000xf32, #tpu.memory_space<vmem>>[vector<16xi32>], vector<16xf32>,
        %max3A_492 = arith.maximumf %gather3A_485, %get3A_379 : vector<16xf32>
        tpu.vector_store_idx %arg6[%add3A_474], %max3A_492 : memref<80000xf32, #tpu.memory_space<vmem>>[vector<16xi32>], vector<16xf32>,
        %max3A_493 = arith.maximumf %gather3A_486, %get3A_385 : vector<16xf32>
        tpu.vector_store_idx %arg6[%add3A_477], %max3A_493 : memref<80000xf32, #tpu.memory_space<vmem>>[vector<16xi32>], vector<16xf32>,
        %max3A_494 = arith.maximumf %gather3A_487, %get3A_391 : vector<16xf32>
        tpu.vector_store_idx %arg6[%add3A_480], %max3A_494 : memref<80000xf32, #tpu.memory_space<vmem>>[vector<16xi32>], vector<16xf32>,
        %add3A_495 = arith.constant 0 : i32
        %add3A_496 = vector.broadcast %add3A_495 : i32 to vector<16xi32>
        %add3A_497 = arith.addi %get3A_399, %add3A_496 : vector<16xi32>
        %add3A_498 = arith.constant 10000 : i32
        %add3A_499 = vector.broadcast %add3A_498 : i32 to vector<16xi32>
        %add3A_500 = arith.addi %get3A_399, %add3A_499 : vector<16xi32>
        %add3A_501 = arith.constant 20000 : i32
        %add3A_502 = vector.broadcast %add3A_501 : i32 to vector<16xi32>
        %add3A_503 = arith.addi %get3A_399, %add3A_502 : vector<16xi32>
        %add3A_504 = arith.constant 30000 : i32
        %add3A_505 = vector.broadcast %add3A_504 : i32 to vector<16xi32>
        %add3A_506 = arith.addi %get3A_399, %add3A_505 : vector<16xi32>
        %add3A_507 = arith.constant 40000 : i32
        %add3A_508 = vector.broadcast %add3A_507 : i32 to vector<16xi32>
        %add3A_509 = arith.addi %get3A_399, %add3A_508 : vector<16xi32>
        %add3A_510 = arith.constant 50000 : i32
        %add3A_511 = vector.broadcast %add3A_510 : i32 to vector<16xi32>
        %add3A_512 = arith.addi %get3A_399, %add3A_511 : vector<16xi32>
        %add3A_513 = arith.constant 60000 : i32
        %add3A_514 = vector.broadcast %add3A_513 : i32 to vector<16xi32>
        %add3A_515 = arith.addi %get3A_399, %add3A_514 : vector<16xi32>
        %add3A_516 = arith.constant 70000 : i32
        %add3A_517 = vector.broadcast %add3A_516 : i32 to vector<16xi32>
        %add3A_518 = arith.addi %get3A_399, %add3A_517 : vector<16xi32>
        %gather3A_519 = tpu.vector_load_idx %arg6[%add3A_497] : memref<80000xf32, #tpu.memory_space<vmem>>[vector<16xi32>], vector<16xf32>,
        %gather3A_520 = tpu.vector_load_idx %arg6[%add3A_500] : memref<80000xf32, #tpu.memory_space<vmem>>[vector<16xi32>], vector<16xf32>,
        %gather3A_521 = tpu.vector_load_idx %arg6[%add3A_503] : memref<80000xf32, #tpu.memory_space<vmem>>[vector<16xi32>], vector<16xf32>,
        %gather3A_522 = tpu.vector_load_idx %arg6[%add3A_506] : memref<80000xf32, #tpu.memory_space<vmem>>[vector<16xi32>], vector<16xf32>,
        %gather3A_523 = tpu.vector_load_idx %arg6[%add3A_509] : memref<80000xf32, #tpu.memory_space<vmem>>[vector<16xi32>], vector<16xf32>,
        %gather3A_524 = tpu.vector_load_idx %arg6[%add3A_512] : memref<80000xf32, #tpu.memory_space<vmem>>[vector<16xi32>], vector<16xf32>,
        %gather3A_525 = tpu.vector_load_idx %arg6[%add3A_515] : memref<80000xf32, #tpu.memory_space<vmem>>[vector<16xi32>], vector<16xf32>,
        %gather3A_526 = tpu.vector_load_idx %arg6[%add3A_518] : memref<80000xf32, #tpu.memory_space<vmem>>[vector<16xi32>], vector<16xf32>,
        %max3A_527 = arith.maximumf %gather3A_519, %get3A_405 : vector<16xf32>
        tpu.vector_store_idx %arg6[%add3A_497], %max3A_527 : memref<80000xf32, #tpu.memory_space<vmem>>[vector<16xi32>], vector<16xf32>,
        %max3A_528 = arith.maximumf %gather3A_520, %get3A_411 : vector<16xf32>
        tpu.vector_store_idx %arg6[%add3A_500], %max3A_528 : memref<80000xf32, #tpu.memory_space<vmem>>[vector<16xi32>], vector<16xf32>,
        %max3A_529 = arith.maximumf %gather3A_521, %get3A_417 : vector<16xf32>
        tpu.vector_store_idx %arg6[%add3A_503], %max3A_529 : memref<80000xf32, #tpu.memory_space<vmem>>[vector<16xi32>], vector<16xf32>,
        %max3A_530 = arith.maximumf %gather3A_522, %get3A_423 : vector<16xf32>
        tpu.vector_store_idx %arg6[%add3A_506], %max3A_530 : memref<80000xf32, #tpu.memory_space<vmem>>[vector<16xi32>], vector<16xf32>,
        %max3A_531 = arith.maximumf %gather3A_523, %get3A_429 : vector<16xf32>
        tpu.vector_store_idx %arg6[%add3A_509], %max3A_531 : memref<80000xf32, #tpu.memory_space<vmem>>[vector<16xi32>], vector<16xf32>,
        %max3A_532 = arith.maximumf %gather3A_524, %get3A_435 : vector<16xf32>
        tpu.vector_store_idx %arg6[%add3A_512], %max3A_532 : memref<80000xf32, #tpu.memory_space<vmem>>[vector<16xi32>], vector<16xf32>,
        %max3A_533 = arith.maximumf %gather3A_525, %get3A_441 : vector<16xf32>
        tpu.vector_store_idx %arg6[%add3A_515], %max3A_533 : memref<80000xf32, #tpu.memory_space<vmem>>[vector<16xi32>], vector<16xf32>,
        %max3A_534 = arith.maximumf %gather3A_526, %get3A_447 : vector<16xf32>
        tpu.vector_store_idx %arg6[%add3A_518], %max3A_534 : memref<80000xf32, #tpu.memory_space<vmem>>[vector<16xi32>], vector<16xf32>,
        %cond3A_535 = arith.constant 0 : i32
        scf.yield %cond3A_535 : i32
      }
    }
    %scan3A_328 = arith.constant 40 : i32
    %scan3A_329 = arith.constant 0 : i32
    %scan3A_330 = arith.constant 0 : i32
    %scan3A_331 = arith.constant 8 : i32
    %scan3A_332 = arith.addi %scan3A_330, %scan3A_331 : i32
    %scan3A_333 = arith.constant 1 : i32
    scf.for %scan3A_338 = %scan3A_330 to %scan3A_332 step %scan3A_333  : i32 {
      %eq3A_339 = arith.constant 1 : i32
      %eq3A_340 = arith.cmpi eq, %select_n3A_28, %eq3A_339 : i32
      %convert_element_type3A_341 = arith.extui %eq3A_340 : i1 to i32
      %cond3A_342 = arith.constant 0 : i32
      %cond3A_343 = arith.cmpi ne, %convert_element_type3A_341, %cond3A_342 : i32
      scf.if %cond3A_343 {
        %mul3A_350 = arith.constant 10000 : i32
        %mul3A_351 = arith.muli %scan3A_338, %mul3A_350 : i32
        "tpu.region"() ({
          %run_scoped3A = tpu.sem_alloc : memref<!tpu.dma_semaphore, #tpu.memory_space<semaphore_mem>>
          %dma_start3A_352 = tpu.memref_slice %arg6[%mul3A_351] : memref<80000xf32, #tpu.memory_space<vmem>> -> memref<10000xf32, #tpu.memory_space<vmem>>
          %dma_start3A_353 = arith.constant 0 : i32
          %dma_start3A_354 = tpu.memref_slice %arg14[%select_n3A, %dma_start3A_353] : memref<8x10000xf32, #tpu.memory_space<vmem_shared>> -> memref<1x10000xf32, #tpu.memory_space<vmem_shared>>
          %dma_start3A_355 = tpu.memref_squeeze %dma_start3A_354 : memref<1x10000xf32, #tpu.memory_space<vmem_shared>> -> memref<10000xf32, #tpu.memory_space<vmem_shared>>
          %dma_start3A_356 = arith.constant 0 : i32
          %dma_start3A_357 = tpu.memref_slice %arg14[%select_n3A, %dma_start3A_356] : memref<8x10000xf32, #tpu.memory_space<vmem_shared>> -> memref<1x10000xf32, #tpu.memory_space<vmem_shared>>
          %dma_start3A_358 = tpu.memref_squeeze %dma_start3A_357 : memref<1x10000xf32, #tpu.memory_space<vmem_shared>> -> memref<10000xf32, #tpu.memory_space<vmem_shared>>
          %dma_start3A_359 = tpu.memref_slice %arg6[%mul3A_351] : memref<80000xf32, #tpu.memory_space<vmem>> -> memref<10000xf32, #tpu.memory_space<vmem>>
          tpu.enqueue_dma source(%dma_start3A_359 : memref<10000xf32, #tpu.memory_space<vmem>>) target(%dma_start3A_358 : memref<10000xf32, #tpu.memory_space<vmem_shared>>) target_semaphore(%run_scoped3A : memref<!tpu.dma_semaphore, #tpu.memory_space<semaphore_mem>>)
          %dma_wait3A_360 = tpu.memref_slice %arg6[%mul3A_351] : memref<80000xf32, #tpu.memory_space<vmem>> -> memref<10000xf32, #tpu.memory_space<vmem>>
          %dma_wait3A_361 = arith.constant 0 : i32
          %dma_wait3A_362 = tpu.memref_slice %arg14[%select_n3A, %dma_wait3A_361] : memref<8x10000xf32, #tpu.memory_space<vmem_shared>> -> memref<1x10000xf32, #tpu.memory_space<vmem_shared>>
          %dma_wait3A_363 = tpu.memref_squeeze %dma_wait3A_362 : memref<1x10000xf32, #tpu.memory_space<vmem_shared>> -> memref<10000xf32, #tpu.memory_space<vmem_shared>>
          %dma_wait3A_364 = arith.constant 0 : i32
          %dma_wait3A_365 = tpu.memref_slice %arg14[%select_n3A, %dma_wait3A_364] : memref<8x10000xf32, #tpu.memory_space<vmem_shared>> -> memref<1x10000xf32, #tpu.memory_space<vmem_shared>>
          %dma_wait3A_366 = tpu.memref_squeeze %dma_wait3A_365 : memref<1x10000xf32, #tpu.memory_space<vmem_shared>> -> memref<10000xf32, #tpu.memory_space<vmem_shared>>
          %dma_wait3A_367 = tpu.memref_slice %arg6[%mul3A_351] : memref<80000xf32, #tpu.memory_space<vmem>> -> memref<10000xf32, #tpu.memory_space<vmem>>
          tpu.wait_dma2 semaphore(%run_scoped3A : memref<!tpu.dma_semaphore, #tpu.memory_space<semaphore_mem>>) src(%dma_wait3A_367 : memref<10000xf32, #tpu.memory_space<vmem>>) dst(%dma_wait3A_366 : memref<10000xf32, #tpu.memory_space<vmem_shared>>)
          tpu.yield
        }) : () -> ()
      } else {
      }
      %barrier3A = arith.constant 0 : index
      tpu.barrier barrier_id(%barrier3A)
      %eq3A_344 = arith.constant 0 : i32
      %eq3A_345 = arith.cmpi eq, %select_n3A_28, %eq3A_344 : i32
      %convert_element_type3A_346 = arith.extui %eq3A_345 : i1 to i32
      %cond3A_347 = arith.constant 0 : i32
      %cond3A_348 = arith.cmpi ne, %convert_element_type3A_346, %cond3A_347 : i32
      scf.if %cond3A_348 {
        "tpu.region"() ({
          %run_scoped3A = tpu.sem_alloc : memref<!tpu.dma_semaphore, #tpu.memory_space<semaphore_mem>>
          %dma_start3A_356 = arith.constant 0 : i32
          %dma_start3A_357 = tpu.memref_slice %arg14[%select_n3A, %dma_start3A_356] : memref<8x10000xf32, #tpu.memory_space<vmem_shared>> -> memref<1x10000xf32, #tpu.memory_space<vmem_shared>>
          %dma_start3A_358 = tpu.memref_squeeze %dma_start3A_357 : memref<1x10000xf32, #tpu.memory_space<vmem_shared>> -> memref<10000xf32, #tpu.memory_space<vmem_shared>>
          %dma_start3A_359 = arith.constant 0 : i32
          %dma_start3A_360 = tpu.memref_slice %arg14[%select_n3A, %dma_start3A_359] : memref<8x10000xf32, #tpu.memory_space<vmem_shared>> -> memref<1x10000xf32, #tpu.memory_space<vmem_shared>>
          %dma_start3A_361 = tpu.memref_squeeze %dma_start3A_360 : memref<1x10000xf32, #tpu.memory_space<vmem_shared>> -> memref<10000xf32, #tpu.memory_space<vmem_shared>>
          tpu.enqueue_dma source(%dma_start3A_361 : memref<10000xf32, #tpu.memory_space<vmem_shared>>) target(%arg13 : memref<10000xf32, #tpu.memory_space<vmem>>) target_semaphore(%run_scoped3A : memref<!tpu.dma_semaphore, #tpu.memory_space<semaphore_mem>>)
          %dma_wait3A_362 = arith.constant 0 : i32
          %dma_wait3A_363 = tpu.memref_slice %arg14[%select_n3A, %dma_wait3A_362] : memref<8x10000xf32, #tpu.memory_space<vmem_shared>> -> memref<1x10000xf32, #tpu.memory_space<vmem_shared>>
          %dma_wait3A_364 = tpu.memref_squeeze %dma_wait3A_363 : memref<1x10000xf32, #tpu.memory_space<vmem_shared>> -> memref<10000xf32, #tpu.memory_space<vmem_shared>>
          %dma_wait3A_365 = arith.constant 0 : i32
          %dma_wait3A_366 = tpu.memref_slice %arg14[%select_n3A, %dma_wait3A_365] : memref<8x10000xf32, #tpu.memory_space<vmem_shared>> -> memref<1x10000xf32, #tpu.memory_space<vmem_shared>>
          %dma_wait3A_367 = tpu.memref_squeeze %dma_wait3A_366 : memref<1x10000xf32, #tpu.memory_space<vmem_shared>> -> memref<10000xf32, #tpu.memory_space<vmem_shared>>
          tpu.wait_dma2 semaphore(%run_scoped3A : memref<!tpu.dma_semaphore, #tpu.memory_space<semaphore_mem>>) src(%dma_wait3A_367 : memref<10000xf32, #tpu.memory_space<vmem_shared>>) dst(%arg13 : memref<10000xf32, #tpu.memory_space<vmem>>)
          tpu.yield
        }) : () -> ()
        %scan3A_350 = arith.constant 0 : i32
        %scan3A_351 = arith.constant 0 : i32
        %scan3A_352 = arith.constant 625 : i32
        %scan3A_353 = arith.addi %scan3A_351, %scan3A_352 : i32
        %scan3A_354 = arith.constant 1 : i32
        scf.for %scan3A_356 = %scan3A_351 to %scan3A_353 step %scan3A_354  : i32 {
          %mul3A_357 = arith.constant 10000 : i32
          %mul3A_358 = arith.muli %scan3A_338, %mul3A_357 : i32
          %mul3A_359 = arith.constant 16 : i32
          %mul3A_360 = arith.muli %scan3A_356, %mul3A_359 : i32
          %add3A_361 = arith.addi %mul3A_358, %mul3A_360 : i32
          %get3A = arith.index_cast %add3A_361 : i32 to index
          %get3A_362 = tpu.vector_load %arg6[%get3A] {strides = array<i32>} : memref<80000xf32, #tpu.memory_space<vmem>>, vector<16xf32>,
          %mul3A_363 = arith.constant 16 : i32
          %mul3A_364 = arith.muli %scan3A_356, %mul3A_363 : i32
          %get3A_365 = arith.index_cast %mul3A_364 : i32 to index
          %get3A_366 = tpu.vector_load %arg13[%get3A_365] {strides = array<i32>} : memref<10000xf32, #tpu.memory_space<vmem>>, vector<16xf32>,
          %max3A = arith.maximumf %get3A_362, %get3A_366 : vector<16xf32>
          %swap3A = arith.index_cast %add3A_361 : i32 to index
          %swap3A_367 = tpu.vector_load %arg6[%swap3A] {strides = array<i32>} : memref<80000xf32, #tpu.memory_space<vmem>>, vector<16xf32>,
          tpu.vector_store %arg6[%swap3A], %max3A {strides = array<i32>} : memref<80000xf32, #tpu.memory_space<vmem>>, vector<16xf32>,
        }
        %scan3A_355 = arith.constant 625 : i32
      } else {
      }
      %barrier3A_349 = arith.constant 0 : index
      tpu.barrier barrier_id(%barrier3A_349)
    }
    %scan3A_334 = arith.constant 8 : i32
    %eq3A_335 = arith.constant 0 : i32
    %eq3A_336 = arith.cmpi eq, %select_n3A_28, %eq3A_335 : i32
    %convert_element_type3A = arith.extui %eq3A_336 : i1 to i32
    %cond3A = arith.constant 0 : i32
    %cond3A_337 = arith.cmpi ne, %convert_element_type3A, %cond3A : i32
    scf.if %cond3A_337 {
      %scan3A_338 = arith.constant 0 : i32
      %scan3A_339 = arith.constant 0 : i32
      %scan3A_340 = arith.constant 5000 : i32
      %scan3A_341 = arith.addi %scan3A_339, %scan3A_340 : i32
      %scan3A_342 = arith.constant 1 : i32
      scf.for %scan3A_360 = %scan3A_339 to %scan3A_341 step %scan3A_342  : i32 {
        %mul3A_361 = arith.constant 16 : i32
        %mul3A_362 = arith.muli %scan3A_360, %mul3A_361 : i32
        %get3A = arith.index_cast %mul3A_362 : i32 to index
        %get3A_363 = tpu.vector_load %arg6[%get3A] {strides = array<i32>} : memref<80000xf32, #tpu.memory_space<vmem>>, vector<16xf32>,
        %sub3A_364 = arith.subf %get3A_363, %get3A_363 : vector<16xf32>
        %eq3A_365 = arith.constant 0.000000e+00 : f32
        %eq3A_366 = vector.broadcast %eq3A_365 : f32 to vector<16xf32>
        %eq3A_367 = arith.cmpf oeq, %sub3A_364, %eq3A_366 : vector<16xf32>
        %jit3A_368 = arith.constant 0.000000e+00 : f32
        %broadcast_in_dim3A_369 = vector.broadcast %jit3A_368 : f32 to vector<16xf32>
        %select_n3A_370 = arith.select %eq3A_367, %get3A_363, %broadcast_in_dim3A_369 : vector<16xi1>, vector<16xf32>
        %swap3A = arith.index_cast %mul3A_362 : i32 to index
        %swap3A_371 = tpu.vector_load %arg6[%swap3A] {strides = array<i32>} : memref<80000xf32, #tpu.memory_space<vmem>>, vector<16xf32>,
        tpu.vector_store %arg6[%swap3A], %select_n3A_370 {strides = array<i32>} : memref<80000xf32, #tpu.memory_space<vmem>>, vector<16xf32>,
      }
      %scan3A_343 = arith.constant 5000 : i32
      %add3A_344 = arith.constant 0 : i32
      %add3A_345 = arith.addi %mul3A_32, %add3A_344 : i32
      "tpu.region"() ({
        %run_scoped3A = tpu.sem_alloc : memref<!tpu.dma_semaphore, #tpu.memory_space<semaphore_mem>>
        %dma_start3A_360 = arith.constant 0 : i32
        %dma_start3A_361 = tpu.memref_slice %arg6[%dma_start3A_360] : memref<80000xf32, #tpu.memory_space<vmem>> -> memref<10000xf32, #tpu.memory_space<vmem>>
        %dma_start3A_362 = arith.constant 0 : i32
        %dma_start3A_363 = tpu.memref_slice %arg5[%add3A_345, %dma_start3A_362] : memref<128x10000xf32, #tpu.memory_space<hbm>> -> memref<1x10000xf32, #tpu.memory_space<hbm>>
        %dma_start3A_364 = tpu.memref_squeeze %dma_start3A_363 : memref<1x10000xf32, #tpu.memory_space<hbm>> -> memref<10000xf32, #tpu.memory_space<hbm>>
        %dma_start3A_365 = arith.constant 0 : i32
        %dma_start3A_366 = tpu.memref_slice %arg5[%add3A_345, %dma_start3A_365] : memref<128x10000xf32, #tpu.memory_space<hbm>> -> memref<1x10000xf32, #tpu.memory_space<hbm>>
        %dma_start3A_367 = tpu.memref_squeeze %dma_start3A_366 : memref<1x10000xf32, #tpu.memory_space<hbm>> -> memref<10000xf32, #tpu.memory_space<hbm>>
        %dma_start3A_368 = arith.constant 0 : i32
        %dma_start3A_369 = tpu.memref_slice %arg6[%dma_start3A_368] : memref<80000xf32, #tpu.memory_space<vmem>> -> memref<10000xf32, #tpu.memory_space<vmem>>
        tpu.enqueue_dma source(%dma_start3A_369 : memref<10000xf32, #tpu.memory_space<vmem>>) target(%dma_start3A_367 : memref<10000xf32, #tpu.memory_space<hbm>>) target_semaphore(%run_scoped3A : memref<!tpu.dma_semaphore, #tpu.memory_space<semaphore_mem>>)
        %dma_wait3A_370 = arith.constant 0 : i32
        %dma_wait3A_371 = tpu.memref_slice %arg6[%dma_wait3A_370] : memref<80000xf32, #tpu.memory_space<vmem>> -> memref<10000xf32, #tpu.memory_space<vmem>>
        %dma_wait3A_372 = arith.constant 0 : i32
        %dma_wait3A_373 = tpu.memref_slice %arg5[%add3A_345, %dma_wait3A_372] : memref<128x10000xf32, #tpu.memory_space<hbm>> -> memref<1x10000xf32, #tpu.memory_space<hbm>>
        %dma_wait3A_374 = tpu.memref_squeeze %dma_wait3A_373 : memref<1x10000xf32, #tpu.memory_space<hbm>> -> memref<10000xf32, #tpu.memory_space<hbm>>
        %dma_wait3A_375 = arith.constant 0 : i32
        %dma_wait3A_376 = tpu.memref_slice %arg5[%add3A_345, %dma_wait3A_375] : memref<128x10000xf32, #tpu.memory_space<hbm>> -> memref<1x10000xf32, #tpu.memory_space<hbm>>
        %dma_wait3A_377 = tpu.memref_squeeze %dma_wait3A_376 : memref<1x10000xf32, #tpu.memory_space<hbm>> -> memref<10000xf32, #tpu.memory_space<hbm>>
        %dma_wait3A_378 = arith.constant 0 : i32
        %dma_wait3A_379 = tpu.memref_slice %arg6[%dma_wait3A_378] : memref<80000xf32, #tpu.memory_space<vmem>> -> memref<10000xf32, #tpu.memory_space<vmem>>
        tpu.wait_dma2 semaphore(%run_scoped3A : memref<!tpu.dma_semaphore, #tpu.memory_space<semaphore_mem>>) src(%dma_wait3A_379 : memref<10000xf32, #tpu.memory_space<vmem>>) dst(%dma_wait3A_377 : memref<10000xf32, #tpu.memory_space<hbm>>)
        tpu.yield
      }) : () -> ()
      %add3A_346 = arith.constant 1 : i32
      %add3A_347 = arith.addi %mul3A_32, %add3A_346 : i32
      "tpu.region"() ({
        %run_scoped3A = tpu.sem_alloc : memref<!tpu.dma_semaphore, #tpu.memory_space<semaphore_mem>>
        %dma_start3A_360 = arith.constant 10000 : i32
        %dma_start3A_361 = tpu.memref_slice %arg6[%dma_start3A_360] : memref<80000xf32, #tpu.memory_space<vmem>> -> memref<10000xf32, #tpu.memory_space<vmem>>
        %dma_start3A_362 = arith.constant 0 : i32
        %dma_start3A_363 = tpu.memref_slice %arg5[%add3A_347, %dma_start3A_362] : memref<128x10000xf32, #tpu.memory_space<hbm>> -> memref<1x10000xf32, #tpu.memory_space<hbm>>
        %dma_start3A_364 = tpu.memref_squeeze %dma_start3A_363 : memref<1x10000xf32, #tpu.memory_space<hbm>> -> memref<10000xf32, #tpu.memory_space<hbm>>
        %dma_start3A_365 = arith.constant 0 : i32
        %dma_start3A_366 = tpu.memref_slice %arg5[%add3A_347, %dma_start3A_365] : memref<128x10000xf32, #tpu.memory_space<hbm>> -> memref<1x10000xf32, #tpu.memory_space<hbm>>
        %dma_start3A_367 = tpu.memref_squeeze %dma_start3A_366 : memref<1x10000xf32, #tpu.memory_space<hbm>> -> memref<10000xf32, #tpu.memory_space<hbm>>
        %dma_start3A_368 = arith.constant 10000 : i32
        %dma_start3A_369 = tpu.memref_slice %arg6[%dma_start3A_368] : memref<80000xf32, #tpu.memory_space<vmem>> -> memref<10000xf32, #tpu.memory_space<vmem>>
        tpu.enqueue_dma source(%dma_start3A_369 : memref<10000xf32, #tpu.memory_space<vmem>>) target(%dma_start3A_367 : memref<10000xf32, #tpu.memory_space<hbm>>) target_semaphore(%run_scoped3A : memref<!tpu.dma_semaphore, #tpu.memory_space<semaphore_mem>>)
        %dma_wait3A_370 = arith.constant 10000 : i32
        %dma_wait3A_371 = tpu.memref_slice %arg6[%dma_wait3A_370] : memref<80000xf32, #tpu.memory_space<vmem>> -> memref<10000xf32, #tpu.memory_space<vmem>>
        %dma_wait3A_372 = arith.constant 0 : i32
        %dma_wait3A_373 = tpu.memref_slice %arg5[%add3A_347, %dma_wait3A_372] : memref<128x10000xf32, #tpu.memory_space<hbm>> -> memref<1x10000xf32, #tpu.memory_space<hbm>>
        %dma_wait3A_374 = tpu.memref_squeeze %dma_wait3A_373 : memref<1x10000xf32, #tpu.memory_space<hbm>> -> memref<10000xf32, #tpu.memory_space<hbm>>
        %dma_wait3A_375 = arith.constant 0 : i32
        %dma_wait3A_376 = tpu.memref_slice %arg5[%add3A_347, %dma_wait3A_375] : memref<128x10000xf32, #tpu.memory_space<hbm>> -> memref<1x10000xf32, #tpu.memory_space<hbm>>
        %dma_wait3A_377 = tpu.memref_squeeze %dma_wait3A_376 : memref<1x10000xf32, #tpu.memory_space<hbm>> -> memref<10000xf32, #tpu.memory_space<hbm>>
        %dma_wait3A_378 = arith.constant 10000 : i32
        %dma_wait3A_379 = tpu.memref_slice %arg6[%dma_wait3A_378] : memref<80000xf32, #tpu.memory_space<vmem>> -> memref<10000xf32, #tpu.memory_space<vmem>>
        tpu.wait_dma2 semaphore(%run_scoped3A : memref<!tpu.dma_semaphore, #tpu.memory_space<semaphore_mem>>) src(%dma_wait3A_379 : memref<10000xf32, #tpu.memory_space<vmem>>) dst(%dma_wait3A_377 : memref<10000xf32, #tpu.memory_space<hbm>>)
        tpu.yield
      }) : () -> ()
      %add3A_348 = arith.constant 2 : i32
      %add3A_349 = arith.addi %mul3A_32, %add3A_348 : i32
      "tpu.region"() ({
        %run_scoped3A = tpu.sem_alloc : memref<!tpu.dma_semaphore, #tpu.memory_space<semaphore_mem>>
        %dma_start3A_360 = arith.constant 20000 : i32
        %dma_start3A_361 = tpu.memref_slice %arg6[%dma_start3A_360] : memref<80000xf32, #tpu.memory_space<vmem>> -> memref<10000xf32, #tpu.memory_space<vmem>>
        %dma_start3A_362 = arith.constant 0 : i32
        %dma_start3A_363 = tpu.memref_slice %arg5[%add3A_349, %dma_start3A_362] : memref<128x10000xf32, #tpu.memory_space<hbm>> -> memref<1x10000xf32, #tpu.memory_space<hbm>>
        %dma_start3A_364 = tpu.memref_squeeze %dma_start3A_363 : memref<1x10000xf32, #tpu.memory_space<hbm>> -> memref<10000xf32, #tpu.memory_space<hbm>>
        %dma_start3A_365 = arith.constant 0 : i32
        %dma_start3A_366 = tpu.memref_slice %arg5[%add3A_349, %dma_start3A_365] : memref<128x10000xf32, #tpu.memory_space<hbm>> -> memref<1x10000xf32, #tpu.memory_space<hbm>>
        %dma_start3A_367 = tpu.memref_squeeze %dma_start3A_366 : memref<1x10000xf32, #tpu.memory_space<hbm>> -> memref<10000xf32, #tpu.memory_space<hbm>>
        %dma_start3A_368 = arith.constant 20000 : i32
        %dma_start3A_369 = tpu.memref_slice %arg6[%dma_start3A_368] : memref<80000xf32, #tpu.memory_space<vmem>> -> memref<10000xf32, #tpu.memory_space<vmem>>
        tpu.enqueue_dma source(%dma_start3A_369 : memref<10000xf32, #tpu.memory_space<vmem>>) target(%dma_start3A_367 : memref<10000xf32, #tpu.memory_space<hbm>>) target_semaphore(%run_scoped3A : memref<!tpu.dma_semaphore, #tpu.memory_space<semaphore_mem>>)
        %dma_wait3A_370 = arith.constant 20000 : i32
        %dma_wait3A_371 = tpu.memref_slice %arg6[%dma_wait3A_370] : memref<80000xf32, #tpu.memory_space<vmem>> -> memref<10000xf32, #tpu.memory_space<vmem>>
        %dma_wait3A_372 = arith.constant 0 : i32
        %dma_wait3A_373 = tpu.memref_slice %arg5[%add3A_349, %dma_wait3A_372] : memref<128x10000xf32, #tpu.memory_space<hbm>> -> memref<1x10000xf32, #tpu.memory_space<hbm>>
        %dma_wait3A_374 = tpu.memref_squeeze %dma_wait3A_373 : memref<1x10000xf32, #tpu.memory_space<hbm>> -> memref<10000xf32, #tpu.memory_space<hbm>>
        %dma_wait3A_375 = arith.constant 0 : i32
        %dma_wait3A_376 = tpu.memref_slice %arg5[%add3A_349, %dma_wait3A_375] : memref<128x10000xf32, #tpu.memory_space<hbm>> -> memref<1x10000xf32, #tpu.memory_space<hbm>>
        %dma_wait3A_377 = tpu.memref_squeeze %dma_wait3A_376 : memref<1x10000xf32, #tpu.memory_space<hbm>> -> memref<10000xf32, #tpu.memory_space<hbm>>
        %dma_wait3A_378 = arith.constant 20000 : i32
        %dma_wait3A_379 = tpu.memref_slice %arg6[%dma_wait3A_378] : memref<80000xf32, #tpu.memory_space<vmem>> -> memref<10000xf32, #tpu.memory_space<vmem>>
        tpu.wait_dma2 semaphore(%run_scoped3A : memref<!tpu.dma_semaphore, #tpu.memory_space<semaphore_mem>>) src(%dma_wait3A_379 : memref<10000xf32, #tpu.memory_space<vmem>>) dst(%dma_wait3A_377 : memref<10000xf32, #tpu.memory_space<hbm>>)
        tpu.yield
      }) : () -> ()
      %add3A_350 = arith.constant 3 : i32
      %add3A_351 = arith.addi %mul3A_32, %add3A_350 : i32
      "tpu.region"() ({
        %run_scoped3A = tpu.sem_alloc : memref<!tpu.dma_semaphore, #tpu.memory_space<semaphore_mem>>
        %dma_start3A_360 = arith.constant 30000 : i32
        %dma_start3A_361 = tpu.memref_slice %arg6[%dma_start3A_360] : memref<80000xf32, #tpu.memory_space<vmem>> -> memref<10000xf32, #tpu.memory_space<vmem>>
        %dma_start3A_362 = arith.constant 0 : i32
        %dma_start3A_363 = tpu.memref_slice %arg5[%add3A_351, %dma_start3A_362] : memref<128x10000xf32, #tpu.memory_space<hbm>> -> memref<1x10000xf32, #tpu.memory_space<hbm>>
        %dma_start3A_364 = tpu.memref_squeeze %dma_start3A_363 : memref<1x10000xf32, #tpu.memory_space<hbm>> -> memref<10000xf32, #tpu.memory_space<hbm>>
        %dma_start3A_365 = arith.constant 0 : i32
        %dma_start3A_366 = tpu.memref_slice %arg5[%add3A_351, %dma_start3A_365] : memref<128x10000xf32, #tpu.memory_space<hbm>> -> memref<1x10000xf32, #tpu.memory_space<hbm>>
        %dma_start3A_367 = tpu.memref_squeeze %dma_start3A_366 : memref<1x10000xf32, #tpu.memory_space<hbm>> -> memref<10000xf32, #tpu.memory_space<hbm>>
        %dma_start3A_368 = arith.constant 30000 : i32
        %dma_start3A_369 = tpu.memref_slice %arg6[%dma_start3A_368] : memref<80000xf32, #tpu.memory_space<vmem>> -> memref<10000xf32, #tpu.memory_space<vmem>>
        tpu.enqueue_dma source(%dma_start3A_369 : memref<10000xf32, #tpu.memory_space<vmem>>) target(%dma_start3A_367 : memref<10000xf32, #tpu.memory_space<hbm>>) target_semaphore(%run_scoped3A : memref<!tpu.dma_semaphore, #tpu.memory_space<semaphore_mem>>)
        %dma_wait3A_370 = arith.constant 30000 : i32
        %dma_wait3A_371 = tpu.memref_slice %arg6[%dma_wait3A_370] : memref<80000xf32, #tpu.memory_space<vmem>> -> memref<10000xf32, #tpu.memory_space<vmem>>
        %dma_wait3A_372 = arith.constant 0 : i32
        %dma_wait3A_373 = tpu.memref_slice %arg5[%add3A_351, %dma_wait3A_372] : memref<128x10000xf32, #tpu.memory_space<hbm>> -> memref<1x10000xf32, #tpu.memory_space<hbm>>
        %dma_wait3A_374 = tpu.memref_squeeze %dma_wait3A_373 : memref<1x10000xf32, #tpu.memory_space<hbm>> -> memref<10000xf32, #tpu.memory_space<hbm>>
        %dma_wait3A_375 = arith.constant 0 : i32
        %dma_wait3A_376 = tpu.memref_slice %arg5[%add3A_351, %dma_wait3A_375] : memref<128x10000xf32, #tpu.memory_space<hbm>> -> memref<1x10000xf32, #tpu.memory_space<hbm>>
        %dma_wait3A_377 = tpu.memref_squeeze %dma_wait3A_376 : memref<1x10000xf32, #tpu.memory_space<hbm>> -> memref<10000xf32, #tpu.memory_space<hbm>>
        %dma_wait3A_378 = arith.constant 30000 : i32
        %dma_wait3A_379 = tpu.memref_slice %arg6[%dma_wait3A_378] : memref<80000xf32, #tpu.memory_space<vmem>> -> memref<10000xf32, #tpu.memory_space<vmem>>
        tpu.wait_dma2 semaphore(%run_scoped3A : memref<!tpu.dma_semaphore, #tpu.memory_space<semaphore_mem>>) src(%dma_wait3A_379 : memref<10000xf32, #tpu.memory_space<vmem>>) dst(%dma_wait3A_377 : memref<10000xf32, #tpu.memory_space<hbm>>)
        tpu.yield
      }) : () -> ()
      %add3A_352 = arith.constant 4 : i32
      %add3A_353 = arith.addi %mul3A_32, %add3A_352 : i32
      "tpu.region"() ({
        %run_scoped3A = tpu.sem_alloc : memref<!tpu.dma_semaphore, #tpu.memory_space<semaphore_mem>>
        %dma_start3A_360 = arith.constant 40000 : i32
        %dma_start3A_361 = tpu.memref_slice %arg6[%dma_start3A_360] : memref<80000xf32, #tpu.memory_space<vmem>> -> memref<10000xf32, #tpu.memory_space<vmem>>
        %dma_start3A_362 = arith.constant 0 : i32
        %dma_start3A_363 = tpu.memref_slice %arg5[%add3A_353, %dma_start3A_362] : memref<128x10000xf32, #tpu.memory_space<hbm>> -> memref<1x10000xf32, #tpu.memory_space<hbm>>
        %dma_start3A_364 = tpu.memref_squeeze %dma_start3A_363 : memref<1x10000xf32, #tpu.memory_space<hbm>> -> memref<10000xf32, #tpu.memory_space<hbm>>
        %dma_start3A_365 = arith.constant 0 : i32
        %dma_start3A_366 = tpu.memref_slice %arg5[%add3A_353, %dma_start3A_365] : memref<128x10000xf32, #tpu.memory_space<hbm>> -> memref<1x10000xf32, #tpu.memory_space<hbm>>
        %dma_start3A_367 = tpu.memref_squeeze %dma_start3A_366 : memref<1x10000xf32, #tpu.memory_space<hbm>> -> memref<10000xf32, #tpu.memory_space<hbm>>
        %dma_start3A_368 = arith.constant 40000 : i32
        %dma_start3A_369 = tpu.memref_slice %arg6[%dma_start3A_368] : memref<80000xf32, #tpu.memory_space<vmem>> -> memref<10000xf32, #tpu.memory_space<vmem>>
        tpu.enqueue_dma source(%dma_start3A_369 : memref<10000xf32, #tpu.memory_space<vmem>>) target(%dma_start3A_367 : memref<10000xf32, #tpu.memory_space<hbm>>) target_semaphore(%run_scoped3A : memref<!tpu.dma_semaphore, #tpu.memory_space<semaphore_mem>>)
        %dma_wait3A_370 = arith.constant 40000 : i32
        %dma_wait3A_371 = tpu.memref_slice %arg6[%dma_wait3A_370] : memref<80000xf32, #tpu.memory_space<vmem>> -> memref<10000xf32, #tpu.memory_space<vmem>>
        %dma_wait3A_372 = arith.constant 0 : i32
        %dma_wait3A_373 = tpu.memref_slice %arg5[%add3A_353, %dma_wait3A_372] : memref<128x10000xf32, #tpu.memory_space<hbm>> -> memref<1x10000xf32, #tpu.memory_space<hbm>>
        %dma_wait3A_374 = tpu.memref_squeeze %dma_wait3A_373 : memref<1x10000xf32, #tpu.memory_space<hbm>> -> memref<10000xf32, #tpu.memory_space<hbm>>
        %dma_wait3A_375 = arith.constant 0 : i32
        %dma_wait3A_376 = tpu.memref_slice %arg5[%add3A_353, %dma_wait3A_375] : memref<128x10000xf32, #tpu.memory_space<hbm>> -> memref<1x10000xf32, #tpu.memory_space<hbm>>
        %dma_wait3A_377 = tpu.memref_squeeze %dma_wait3A_376 : memref<1x10000xf32, #tpu.memory_space<hbm>> -> memref<10000xf32, #tpu.memory_space<hbm>>
        %dma_wait3A_378 = arith.constant 40000 : i32
        %dma_wait3A_379 = tpu.memref_slice %arg6[%dma_wait3A_378] : memref<80000xf32, #tpu.memory_space<vmem>> -> memref<10000xf32, #tpu.memory_space<vmem>>
        tpu.wait_dma2 semaphore(%run_scoped3A : memref<!tpu.dma_semaphore, #tpu.memory_space<semaphore_mem>>) src(%dma_wait3A_379 : memref<10000xf32, #tpu.memory_space<vmem>>) dst(%dma_wait3A_377 : memref<10000xf32, #tpu.memory_space<hbm>>)
        tpu.yield
      }) : () -> ()
      %add3A_354 = arith.constant 5 : i32
      %add3A_355 = arith.addi %mul3A_32, %add3A_354 : i32
      "tpu.region"() ({
        %run_scoped3A = tpu.sem_alloc : memref<!tpu.dma_semaphore, #tpu.memory_space<semaphore_mem>>
        %dma_start3A_360 = arith.constant 50000 : i32
        %dma_start3A_361 = tpu.memref_slice %arg6[%dma_start3A_360] : memref<80000xf32, #tpu.memory_space<vmem>> -> memref<10000xf32, #tpu.memory_space<vmem>>
        %dma_start3A_362 = arith.constant 0 : i32
        %dma_start3A_363 = tpu.memref_slice %arg5[%add3A_355, %dma_start3A_362] : memref<128x10000xf32, #tpu.memory_space<hbm>> -> memref<1x10000xf32, #tpu.memory_space<hbm>>
        %dma_start3A_364 = tpu.memref_squeeze %dma_start3A_363 : memref<1x10000xf32, #tpu.memory_space<hbm>> -> memref<10000xf32, #tpu.memory_space<hbm>>
        %dma_start3A_365 = arith.constant 0 : i32
        %dma_start3A_366 = tpu.memref_slice %arg5[%add3A_355, %dma_start3A_365] : memref<128x10000xf32, #tpu.memory_space<hbm>> -> memref<1x10000xf32, #tpu.memory_space<hbm>>
        %dma_start3A_367 = tpu.memref_squeeze %dma_start3A_366 : memref<1x10000xf32, #tpu.memory_space<hbm>> -> memref<10000xf32, #tpu.memory_space<hbm>>
        %dma_start3A_368 = arith.constant 50000 : i32
        %dma_start3A_369 = tpu.memref_slice %arg6[%dma_start3A_368] : memref<80000xf32, #tpu.memory_space<vmem>> -> memref<10000xf32, #tpu.memory_space<vmem>>
        tpu.enqueue_dma source(%dma_start3A_369 : memref<10000xf32, #tpu.memory_space<vmem>>) target(%dma_start3A_367 : memref<10000xf32, #tpu.memory_space<hbm>>) target_semaphore(%run_scoped3A : memref<!tpu.dma_semaphore, #tpu.memory_space<semaphore_mem>>)
        %dma_wait3A_370 = arith.constant 50000 : i32
        %dma_wait3A_371 = tpu.memref_slice %arg6[%dma_wait3A_370] : memref<80000xf32, #tpu.memory_space<vmem>> -> memref<10000xf32, #tpu.memory_space<vmem>>
        %dma_wait3A_372 = arith.constant 0 : i32
        %dma_wait3A_373 = tpu.memref_slice %arg5[%add3A_355, %dma_wait3A_372] : memref<128x10000xf32, #tpu.memory_space<hbm>> -> memref<1x10000xf32, #tpu.memory_space<hbm>>
        %dma_wait3A_374 = tpu.memref_squeeze %dma_wait3A_373 : memref<1x10000xf32, #tpu.memory_space<hbm>> -> memref<10000xf32, #tpu.memory_space<hbm>>
        %dma_wait3A_375 = arith.constant 0 : i32
        %dma_wait3A_376 = tpu.memref_slice %arg5[%add3A_355, %dma_wait3A_375] : memref<128x10000xf32, #tpu.memory_space<hbm>> -> memref<1x10000xf32, #tpu.memory_space<hbm>>
        %dma_wait3A_377 = tpu.memref_squeeze %dma_wait3A_376 : memref<1x10000xf32, #tpu.memory_space<hbm>> -> memref<10000xf32, #tpu.memory_space<hbm>>
        %dma_wait3A_378 = arith.constant 50000 : i32
        %dma_wait3A_379 = tpu.memref_slice %arg6[%dma_wait3A_378] : memref<80000xf32, #tpu.memory_space<vmem>> -> memref<10000xf32, #tpu.memory_space<vmem>>
        tpu.wait_dma2 semaphore(%run_scoped3A : memref<!tpu.dma_semaphore, #tpu.memory_space<semaphore_mem>>) src(%dma_wait3A_379 : memref<10000xf32, #tpu.memory_space<vmem>>) dst(%dma_wait3A_377 : memref<10000xf32, #tpu.memory_space<hbm>>)
        tpu.yield
      }) : () -> ()
      %add3A_356 = arith.constant 6 : i32
      %add3A_357 = arith.addi %mul3A_32, %add3A_356 : i32
      "tpu.region"() ({
        %run_scoped3A = tpu.sem_alloc : memref<!tpu.dma_semaphore, #tpu.memory_space<semaphore_mem>>
        %dma_start3A_360 = arith.constant 60000 : i32
        %dma_start3A_361 = tpu.memref_slice %arg6[%dma_start3A_360] : memref<80000xf32, #tpu.memory_space<vmem>> -> memref<10000xf32, #tpu.memory_space<vmem>>
        %dma_start3A_362 = arith.constant 0 : i32
        %dma_start3A_363 = tpu.memref_slice %arg5[%add3A_357, %dma_start3A_362] : memref<128x10000xf32, #tpu.memory_space<hbm>> -> memref<1x10000xf32, #tpu.memory_space<hbm>>
        %dma_start3A_364 = tpu.memref_squeeze %dma_start3A_363 : memref<1x10000xf32, #tpu.memory_space<hbm>> -> memref<10000xf32, #tpu.memory_space<hbm>>
        %dma_start3A_365 = arith.constant 0 : i32
        %dma_start3A_366 = tpu.memref_slice %arg5[%add3A_357, %dma_start3A_365] : memref<128x10000xf32, #tpu.memory_space<hbm>> -> memref<1x10000xf32, #tpu.memory_space<hbm>>
        %dma_start3A_367 = tpu.memref_squeeze %dma_start3A_366 : memref<1x10000xf32, #tpu.memory_space<hbm>> -> memref<10000xf32, #tpu.memory_space<hbm>>
        %dma_start3A_368 = arith.constant 60000 : i32
        %dma_start3A_369 = tpu.memref_slice %arg6[%dma_start3A_368] : memref<80000xf32, #tpu.memory_space<vmem>> -> memref<10000xf32, #tpu.memory_space<vmem>>
        tpu.enqueue_dma source(%dma_start3A_369 : memref<10000xf32, #tpu.memory_space<vmem>>) target(%dma_start3A_367 : memref<10000xf32, #tpu.memory_space<hbm>>) target_semaphore(%run_scoped3A : memref<!tpu.dma_semaphore, #tpu.memory_space<semaphore_mem>>)
        %dma_wait3A_370 = arith.constant 60000 : i32
        %dma_wait3A_371 = tpu.memref_slice %arg6[%dma_wait3A_370] : memref<80000xf32, #tpu.memory_space<vmem>> -> memref<10000xf32, #tpu.memory_space<vmem>>
        %dma_wait3A_372 = arith.constant 0 : i32
        %dma_wait3A_373 = tpu.memref_slice %arg5[%add3A_357, %dma_wait3A_372] : memref<128x10000xf32, #tpu.memory_space<hbm>> -> memref<1x10000xf32, #tpu.memory_space<hbm>>
        %dma_wait3A_374 = tpu.memref_squeeze %dma_wait3A_373 : memref<1x10000xf32, #tpu.memory_space<hbm>> -> memref<10000xf32, #tpu.memory_space<hbm>>
        %dma_wait3A_375 = arith.constant 0 : i32
        %dma_wait3A_376 = tpu.memref_slice %arg5[%add3A_357, %dma_wait3A_375] : memref<128x10000xf32, #tpu.memory_space<hbm>> -> memref<1x10000xf32, #tpu.memory_space<hbm>>
        %dma_wait3A_377 = tpu.memref_squeeze %dma_wait3A_376 : memref<1x10000xf32, #tpu.memory_space<hbm>> -> memref<10000xf32, #tpu.memory_space<hbm>>
        %dma_wait3A_378 = arith.constant 60000 : i32
        %dma_wait3A_379 = tpu.memref_slice %arg6[%dma_wait3A_378] : memref<80000xf32, #tpu.memory_space<vmem>> -> memref<10000xf32, #tpu.memory_space<vmem>>
        tpu.wait_dma2 semaphore(%run_scoped3A : memref<!tpu.dma_semaphore, #tpu.memory_space<semaphore_mem>>) src(%dma_wait3A_379 : memref<10000xf32, #tpu.memory_space<vmem>>) dst(%dma_wait3A_377 : memref<10000xf32, #tpu.memory_space<hbm>>)
        tpu.yield
      }) : () -> ()
      %add3A_358 = arith.constant 7 : i32
      %add3A_359 = arith.addi %mul3A_32, %add3A_358 : i32
      "tpu.region"() ({
        %run_scoped3A = tpu.sem_alloc : memref<!tpu.dma_semaphore, #tpu.memory_space<semaphore_mem>>
        %dma_start3A_360 = arith.constant 70000 : i32
        %dma_start3A_361 = tpu.memref_slice %arg6[%dma_start3A_360] : memref<80000xf32, #tpu.memory_space<vmem>> -> memref<10000xf32, #tpu.memory_space<vmem>>
        %dma_start3A_362 = arith.constant 0 : i32
        %dma_start3A_363 = tpu.memref_slice %arg5[%add3A_359, %dma_start3A_362] : memref<128x10000xf32, #tpu.memory_space<hbm>> -> memref<1x10000xf32, #tpu.memory_space<hbm>>
        %dma_start3A_364 = tpu.memref_squeeze %dma_start3A_363 : memref<1x10000xf32, #tpu.memory_space<hbm>> -> memref<10000xf32, #tpu.memory_space<hbm>>
        %dma_start3A_365 = arith.constant 0 : i32
        %dma_start3A_366 = tpu.memref_slice %arg5[%add3A_359, %dma_start3A_365] : memref<128x10000xf32, #tpu.memory_space<hbm>> -> memref<1x10000xf32, #tpu.memory_space<hbm>>
        %dma_start3A_367 = tpu.memref_squeeze %dma_start3A_366 : memref<1x10000xf32, #tpu.memory_space<hbm>> -> memref<10000xf32, #tpu.memory_space<hbm>>
        %dma_start3A_368 = arith.constant 70000 : i32
        %dma_start3A_369 = tpu.memref_slice %arg6[%dma_start3A_368] : memref<80000xf32, #tpu.memory_space<vmem>> -> memref<10000xf32, #tpu.memory_space<vmem>>
        tpu.enqueue_dma source(%dma_start3A_369 : memref<10000xf32, #tpu.memory_space<vmem>>) target(%dma_start3A_367 : memref<10000xf32, #tpu.memory_space<hbm>>) target_semaphore(%run_scoped3A : memref<!tpu.dma_semaphore, #tpu.memory_space<semaphore_mem>>)
        %dma_wait3A_370 = arith.constant 70000 : i32
        %dma_wait3A_371 = tpu.memref_slice %arg6[%dma_wait3A_370] : memref<80000xf32, #tpu.memory_space<vmem>> -> memref<10000xf32, #tpu.memory_space<vmem>>
        %dma_wait3A_372 = arith.constant 0 : i32
        %dma_wait3A_373 = tpu.memref_slice %arg5[%add3A_359, %dma_wait3A_372] : memref<128x10000xf32, #tpu.memory_space<hbm>> -> memref<1x10000xf32, #tpu.memory_space<hbm>>
        %dma_wait3A_374 = tpu.memref_squeeze %dma_wait3A_373 : memref<1x10000xf32, #tpu.memory_space<hbm>> -> memref<10000xf32, #tpu.memory_space<hbm>>
        %dma_wait3A_375 = arith.constant 0 : i32
        %dma_wait3A_376 = tpu.memref_slice %arg5[%add3A_359, %dma_wait3A_375] : memref<128x10000xf32, #tpu.memory_space<hbm>> -> memref<1x10000xf32, #tpu.memory_space<hbm>>
        %dma_wait3A_377 = tpu.memref_squeeze %dma_wait3A_376 : memref<1x10000xf32, #tpu.memory_space<hbm>> -> memref<10000xf32, #tpu.memory_space<hbm>>
        %dma_wait3A_378 = arith.constant 70000 : i32
        %dma_wait3A_379 = tpu.memref_slice %arg6[%dma_wait3A_378] : memref<80000xf32, #tpu.memory_space<vmem>> -> memref<10000xf32, #tpu.memory_space<vmem>>
        tpu.wait_dma2 semaphore(%run_scoped3A : memref<!tpu.dma_semaphore, #tpu.memory_space<semaphore_mem>>) src(%dma_wait3A_379 : memref<10000xf32, #tpu.memory_space<vmem>>) dst(%dma_wait3A_377 : memref<10000xf32, #tpu.memory_space<hbm>>)
        tpu.yield
      }) : () -> ()
    } else {
    }
    return
  }
}

#map = affine_map<(d0, d1) -> (0, 0)>
#map1 = affine_map<(d0, d1) -> (0)>
module attributes {stable_mosaic.version = 14 : i64} {
  func.func @_edge_sc_body(%arg0: i32, %arg1: i32, %arg2: memref<10000x128xf32, #tpu.memory_space<hbm>>, %arg3: memref<10000x128xf32, #tpu.memory_space<hbm>>, %arg4: memref<320000xi32, #tpu.memory_space<hbm>>, %arg5: memref<320000xi32, #tpu.memory_space<hbm>>, %arg6: memref<320000x128xf32, #tpu.memory_space<hbm>>, %arg7: memref<320000x128xf32, #tpu.memory_space<hbm>>, %arg8: memref<320000x128xf32, #tpu.memory_space<hbm>>, %arg9: memref<80xi32, #tpu.memory_space<vmem>>, %arg10: memref<80xi32, #tpu.memory_space<vmem>>, %arg11: memref<80x128xf32, #tpu.memory_space<vmem>>, %arg12: memref<80x128xf32, #tpu.memory_space<vmem>>, %arg13: memref<80x128xf32, #tpu.memory_space<vmem>>, %arg14: memref<80xi32, #tpu.memory_space<vmem>>, %arg15: memref<80xi32, #tpu.memory_space<vmem>>, %arg16: memref<80x128xf32, #tpu.memory_space<vmem>>, %arg17: memref<80x128xf32, #tpu.memory_space<vmem>>, %arg18: memref<80x128xf32, #tpu.memory_space<vmem>>, %arg19: memref<!tpu.dma_semaphore, #tpu.memory_space<semaphore_mem>>, %arg20: memref<!tpu.dma_semaphore, #tpu.memory_space<semaphore_mem>>, %arg21: memref<!tpu.dma_semaphore, #tpu.memory_space<semaphore_mem>>, %arg22: memref<!tpu.dma_semaphore, #tpu.memory_space<semaphore_mem>>, %arg23: memref<!tpu.dma_semaphore, #tpu.memory_space<semaphore_mem>>, %arg24: memref<!tpu.dma_semaphore, #tpu.memory_space<semaphore_mem>>) attributes {dimension_semantics = [#tpu.dimension_semantics<core_parallel>, #tpu.dimension_semantics<subcore_parallel>], iteration_bounds = array<i64: 2, 16>, scalar_prefetch = 0 : i64, scratch_operands = 16 : i64, tpu.core_type = #tpu.core_type<sc_vector_subcore>, window_params = [{transform_indices = #map}, {transform_indices = #map}, {transform_indices = #map1}, {transform_indices = #map1}, {transform_indices = #map}, {transform_indices = #map}, {transform_indices = #map}]} {
    %mul3A = arith.constant 2 : i32
    %mul3A_0 = arith.muli %arg1, %mul3A : i32
    %add3A = arith.addi %mul3A_0, %arg0 : i32
    %mul3A_1 = arith.constant 10000 : i32
    %mul3A_2 = arith.muli %add3A, %mul3A_1 : i32
    %add3A_3 = arith.constant 0 : i32
    %add3A_4 = arith.addi %mul3A_2, %add3A_3 : i32
    %dma_start3A = tpu.memref_slice %arg4[%add3A_4] : memref<320000xi32, #tpu.memory_space<hbm>> -> memref<80xi32, #tpu.memory_space<hbm>>
    %dma_start3A_5 = tpu.memref_slice %arg4[%add3A_4] : memref<320000xi32, #tpu.memory_space<hbm>> -> memref<80xi32, #tpu.memory_space<hbm>>
    tpu.enqueue_dma source(%dma_start3A_5 : memref<80xi32, #tpu.memory_space<hbm>>) target(%arg9 : memref<80xi32, #tpu.memory_space<vmem>>) target_semaphore(%arg19 : memref<!tpu.dma_semaphore, #tpu.memory_space<semaphore_mem>>)
    %dma_start3A_6 = tpu.memref_slice %arg5[%add3A_4] : memref<320000xi32, #tpu.memory_space<hbm>> -> memref<80xi32, #tpu.memory_space<hbm>>
    %dma_start3A_7 = tpu.memref_slice %arg5[%add3A_4] : memref<320000xi32, #tpu.memory_space<hbm>> -> memref<80xi32, #tpu.memory_space<hbm>>
    tpu.enqueue_dma source(%dma_start3A_7 : memref<80xi32, #tpu.memory_space<hbm>>) target(%arg10 : memref<80xi32, #tpu.memory_space<vmem>>) target_semaphore(%arg19 : memref<!tpu.dma_semaphore, #tpu.memory_space<semaphore_mem>>)
    %add3A_8 = arith.constant 80 : i32
    %add3A_9 = arith.addi %mul3A_2, %add3A_8 : i32
    %dma_start3A_10 = tpu.memref_slice %arg4[%add3A_9] : memref<320000xi32, #tpu.memory_space<hbm>> -> memref<80xi32, #tpu.memory_space<hbm>>
    %dma_start3A_11 = tpu.memref_slice %arg4[%add3A_9] : memref<320000xi32, #tpu.memory_space<hbm>> -> memref<80xi32, #tpu.memory_space<hbm>>
    tpu.enqueue_dma source(%dma_start3A_11 : memref<80xi32, #tpu.memory_space<hbm>>) target(%arg14 : memref<80xi32, #tpu.memory_space<vmem>>) target_semaphore(%arg22 : memref<!tpu.dma_semaphore, #tpu.memory_space<semaphore_mem>>)
    %dma_start3A_12 = tpu.memref_slice %arg5[%add3A_9] : memref<320000xi32, #tpu.memory_space<hbm>> -> memref<80xi32, #tpu.memory_space<hbm>>
    %dma_start3A_13 = tpu.memref_slice %arg5[%add3A_9] : memref<320000xi32, #tpu.memory_space<hbm>> -> memref<80xi32, #tpu.memory_space<hbm>>
    tpu.enqueue_dma source(%dma_start3A_13 : memref<80xi32, #tpu.memory_space<hbm>>) target(%arg15 : memref<80xi32, #tpu.memory_space<vmem>>) target_semaphore(%arg22 : memref<!tpu.dma_semaphore, #tpu.memory_space<semaphore_mem>>)
    %add3A_14 = arith.constant 0 : i32
    %add3A_15 = arith.addi %mul3A_2, %add3A_14 : i32
    %dma_wait3A = tpu.memref_slice %arg4[%add3A_15] : memref<320000xi32, #tpu.memory_space<hbm>> -> memref<80xi32, #tpu.memory_space<hbm>>
    %dma_wait3A_16 = tpu.memref_slice %arg4[%add3A_15] : memref<320000xi32, #tpu.memory_space<hbm>> -> memref<80xi32, #tpu.memory_space<hbm>>
    tpu.wait_dma2 semaphore(%arg19 : memref<!tpu.dma_semaphore, #tpu.memory_space<semaphore_mem>>) src(%dma_wait3A_16 : memref<80xi32, #tpu.memory_space<hbm>>) dst(%arg9 : memref<80xi32, #tpu.memory_space<vmem>>)
    %dma_wait3A_17 = tpu.memref_slice %arg5[%add3A_15] : memref<320000xi32, #tpu.memory_space<hbm>> -> memref<80xi32, #tpu.memory_space<hbm>>
    %dma_wait3A_18 = tpu.memref_slice %arg5[%add3A_15] : memref<320000xi32, #tpu.memory_space<hbm>> -> memref<80xi32, #tpu.memory_space<hbm>>
    tpu.wait_dma2 semaphore(%arg19 : memref<!tpu.dma_semaphore, #tpu.memory_space<semaphore_mem>>) src(%dma_wait3A_18 : memref<80xi32, #tpu.memory_space<hbm>>) dst(%arg10 : memref<80xi32, #tpu.memory_space<vmem>>)
    %add3A_19 = arith.constant 0 : i32
    %add3A_20 = arith.addi %mul3A_2, %add3A_19 : i32
    %dma_start3A_21 = arith.constant 0 : i32
    %dma_start3A_22 = arith.constant 0 : i32
    %dma_start3A_23 = tpu.memref_slice %arg2[%dma_start3A_21, %dma_start3A_22] : memref<10000x128xf32, #tpu.memory_space<hbm>> -> memref<10000x128xf32, #tpu.memory_space<hbm>>
    tpu.enqueue_indirect_dma source(%dma_start3A_23 : memref<10000x128xf32, #tpu.memory_space<hbm>>) target(%arg11 : memref<80x128xf32, #tpu.memory_space<vmem>>) offsets(%arg9 : memref<80xi32, #tpu.memory_space<vmem>>) semaphore(%arg20 : memref<!tpu.dma_semaphore, #tpu.memory_space<semaphore_mem>>)
    %dma_start3A_24 = arith.constant 0 : i32
    %dma_start3A_25 = arith.constant 0 : i32
    %dma_start3A_26 = tpu.memref_slice %arg3[%dma_start3A_24, %dma_start3A_25] : memref<10000x128xf32, #tpu.memory_space<hbm>> -> memref<10000x128xf32, #tpu.memory_space<hbm>>
    tpu.enqueue_indirect_dma source(%dma_start3A_26 : memref<10000x128xf32, #tpu.memory_space<hbm>>) target(%arg12 : memref<80x128xf32, #tpu.memory_space<vmem>>) offsets(%arg10 : memref<80xi32, #tpu.memory_space<vmem>>) semaphore(%arg20 : memref<!tpu.dma_semaphore, #tpu.memory_space<semaphore_mem>>)
    %dma_start3A_27 = arith.constant 0 : i32
    %dma_start3A_28 = tpu.memref_slice %arg6[%add3A_20, %dma_start3A_27] : memref<320000x128xf32, #tpu.memory_space<hbm>> -> memref<80x128xf32, #tpu.memory_space<hbm>>
    %dma_start3A_29 = arith.constant 0 : i32
    %dma_start3A_30 = tpu.memref_slice %arg6[%add3A_20, %dma_start3A_29] : memref<320000x128xf32, #tpu.memory_space<hbm>> -> memref<80x128xf32, #tpu.memory_space<hbm>>
    tpu.enqueue_dma source(%dma_start3A_30 : memref<80x128xf32, #tpu.memory_space<hbm>>) target(%arg13 : memref<80x128xf32, #tpu.memory_space<vmem>>) target_semaphore(%arg20 : memref<!tpu.dma_semaphore, #tpu.memory_space<semaphore_mem>>)
    %scan3A = arith.constant 0 : i32
    %scan3A_31 = arith.constant 0 : i32
    %scan3A_32 = arith.constant 62 : i32
    %scan3A_33 = arith.addi %scan3A_31, %scan3A_32 : i32
    %scan3A_34 = arith.constant 1 : i32
    scf.for %scan3A_84 = %scan3A_31 to %scan3A_33 step %scan3A_34  : i32 {
      %mul3A_85 = arith.constant 2 : i32
      %mul3A_86 = arith.muli %mul3A_85, %scan3A_84 : i32
      %add3A_87 = arith.constant 0 : i32
      %add3A_88 = arith.addi %mul3A_86, %add3A_87 : i32
      %add3A_89 = arith.constant 1 : i32
      %add3A_90 = arith.addi %add3A_88, %add3A_89 : i32
      %lt3A = arith.constant 125 : i32
      %lt3A_91 = arith.cmpi slt, %add3A_90, %lt3A : i32
      %ge3A = arith.constant 1 : i32
      %ge3A_92 = arith.cmpi sge, %add3A_88, %ge3A : i32
      %and3A = arith.andi %lt3A_91, %ge3A_92 : i1
      %convert_element_type3A = arith.extui %and3A : i1 to i32
      %cond3A = arith.constant 0 : i32
      %cond3A_93 = arith.cmpi ne, %convert_element_type3A, %cond3A : i32
      scf.if %cond3A_93 {
        %sub3A = arith.constant 1 : i32
        %sub3A_196 = arith.subi %add3A_88, %sub3A : i32
        %mul3A_197 = arith.constant 80 : i32
        %mul3A_198 = arith.muli %sub3A_196, %mul3A_197 : i32
        %add3A_199 = arith.addi %mul3A_2, %mul3A_198 : i32
        %dma_wait3A_200 = arith.constant 0 : i32
        %dma_wait3A_201 = tpu.memref_slice %arg7[%add3A_199, %dma_wait3A_200] : memref<320000x128xf32, #tpu.memory_space<hbm>> -> memref<80x128xf32, #tpu.memory_space<hbm>>
        %dma_wait3A_202 = arith.constant 0 : i32
        %dma_wait3A_203 = tpu.memref_slice %arg7[%add3A_199, %dma_wait3A_202] : memref<320000x128xf32, #tpu.memory_space<hbm>> -> memref<80x128xf32, #tpu.memory_space<hbm>>
        tpu.wait_dma2 semaphore(%arg24 : memref<!tpu.dma_semaphore, #tpu.memory_space<semaphore_mem>>) src(%arg16 : memref<80x128xf32, #tpu.memory_space<vmem>>) dst(%dma_wait3A_203 : memref<80x128xf32, #tpu.memory_space<hbm>>)
        %dma_wait3A_204 = arith.constant 0 : i32
        %dma_wait3A_205 = tpu.memref_slice %arg8[%add3A_199, %dma_wait3A_204] : memref<320000x128xf32, #tpu.memory_space<hbm>> -> memref<80x128xf32, #tpu.memory_space<hbm>>
        %dma_wait3A_206 = arith.constant 0 : i32
        %dma_wait3A_207 = tpu.memref_slice %arg8[%add3A_199, %dma_wait3A_206] : memref<320000x128xf32, #tpu.memory_space<hbm>> -> memref<80x128xf32, #tpu.memory_space<hbm>>
        tpu.wait_dma2 semaphore(%arg24 : memref<!tpu.dma_semaphore, #tpu.memory_space<semaphore_mem>>) src(%arg17 : memref<80x128xf32, #tpu.memory_space<vmem>>) dst(%dma_wait3A_207 : memref<80x128xf32, #tpu.memory_space<hbm>>)
      } else {
      }
      %add3A_94 = arith.constant 1 : i32
      %add3A_95 = arith.addi %add3A_88, %add3A_94 : i32
      %lt3A_96 = arith.constant 125 : i32
      %lt3A_97 = arith.cmpi slt, %add3A_95, %lt3A_96 : i32
      %convert_element_type3A_98 = arith.extui %lt3A_97 : i1 to i32
      %cond3A_99 = arith.constant 0 : i32
      %cond3A_100 = arith.cmpi ne, %convert_element_type3A_98, %cond3A_99 : i32
      scf.if %cond3A_100 {
        %add3A_196 = arith.constant 1 : i32
        %add3A_197 = arith.addi %add3A_88, %add3A_196 : i32
        %mul3A_198 = arith.constant 80 : i32
        %mul3A_199 = arith.muli %add3A_197, %mul3A_198 : i32
        %add3A_200 = arith.addi %mul3A_2, %mul3A_199 : i32
        %dma_wait3A_201 = tpu.memref_slice %arg4[%add3A_200] : memref<320000xi32, #tpu.memory_space<hbm>> -> memref<80xi32, #tpu.memory_space<hbm>>
        %dma_wait3A_202 = tpu.memref_slice %arg4[%add3A_200] : memref<320000xi32, #tpu.memory_space<hbm>> -> memref<80xi32, #tpu.memory_space<hbm>>
        tpu.wait_dma2 semaphore(%arg22 : memref<!tpu.dma_semaphore, #tpu.memory_space<semaphore_mem>>) src(%dma_wait3A_202 : memref<80xi32, #tpu.memory_space<hbm>>) dst(%arg14 : memref<80xi32, #tpu.memory_space<vmem>>)
        %dma_wait3A_203 = tpu.memref_slice %arg5[%add3A_200] : memref<320000xi32, #tpu.memory_space<hbm>> -> memref<80xi32, #tpu.memory_space<hbm>>
        %dma_wait3A_204 = tpu.memref_slice %arg5[%add3A_200] : memref<320000xi32, #tpu.memory_space<hbm>> -> memref<80xi32, #tpu.memory_space<hbm>>
        tpu.wait_dma2 semaphore(%arg22 : memref<!tpu.dma_semaphore, #tpu.memory_space<semaphore_mem>>) src(%dma_wait3A_204 : memref<80xi32, #tpu.memory_space<hbm>>) dst(%arg15 : memref<80xi32, #tpu.memory_space<vmem>>)
        %add3A_205 = arith.constant 1 : i32
        %add3A_206 = arith.addi %add3A_88, %add3A_205 : i32
        %mul3A_207 = arith.constant 80 : i32
        %mul3A_208 = arith.muli %add3A_206, %mul3A_207 : i32
        %add3A_209 = arith.addi %mul3A_2, %mul3A_208 : i32
        %dma_start3A_210 = arith.constant 0 : i32
        %dma_start3A_211 = arith.constant 0 : i32
        %dma_start3A_212 = tpu.memref_slice %arg2[%dma_start3A_210, %dma_start3A_211] : memref<10000x128xf32, #tpu.memory_space<hbm>> -> memref<10000x128xf32, #tpu.memory_space<hbm>>
        tpu.enqueue_indirect_dma source(%dma_start3A_212 : memref<10000x128xf32, #tpu.memory_space<hbm>>) target(%arg16 : memref<80x128xf32, #tpu.memory_space<vmem>>) offsets(%arg14 : memref<80xi32, #tpu.memory_space<vmem>>) semaphore(%arg23 : memref<!tpu.dma_semaphore, #tpu.memory_space<semaphore_mem>>)
        %dma_start3A_213 = arith.constant 0 : i32
        %dma_start3A_214 = arith.constant 0 : i32
        %dma_start3A_215 = tpu.memref_slice %arg3[%dma_start3A_213, %dma_start3A_214] : memref<10000x128xf32, #tpu.memory_space<hbm>> -> memref<10000x128xf32, #tpu.memory_space<hbm>>
        tpu.enqueue_indirect_dma source(%dma_start3A_215 : memref<10000x128xf32, #tpu.memory_space<hbm>>) target(%arg17 : memref<80x128xf32, #tpu.memory_space<vmem>>) offsets(%arg15 : memref<80xi32, #tpu.memory_space<vmem>>) semaphore(%arg23 : memref<!tpu.dma_semaphore, #tpu.memory_space<semaphore_mem>>)
        %dma_start3A_216 = arith.constant 0 : i32
        %dma_start3A_217 = tpu.memref_slice %arg6[%add3A_209, %dma_start3A_216] : memref<320000x128xf32, #tpu.memory_space<hbm>> -> memref<80x128xf32, #tpu.memory_space<hbm>>
        %dma_start3A_218 = arith.constant 0 : i32
        %dma_start3A_219 = tpu.memref_slice %arg6[%add3A_209, %dma_start3A_218] : memref<320000x128xf32, #tpu.memory_space<hbm>> -> memref<80x128xf32, #tpu.memory_space<hbm>>
        tpu.enqueue_dma source(%dma_start3A_219 : memref<80x128xf32, #tpu.memory_space<hbm>>) target(%arg18 : memref<80x128xf32, #tpu.memory_space<vmem>>) target_semaphore(%arg23 : memref<!tpu.dma_semaphore, #tpu.memory_space<semaphore_mem>>)
      } else {
      }
      %mul3A_101 = arith.constant 80 : i32
      %mul3A_102 = arith.muli %add3A_88, %mul3A_101 : i32
      %add3A_103 = arith.addi %mul3A_2, %mul3A_102 : i32
      %dma_wait3A_104 = arith.constant 0 : i32
      %dma_wait3A_105 = arith.constant 0 : i32
      %dma_wait3A_106 = tpu.memref_slice %arg2[%dma_wait3A_104, %dma_wait3A_105] : memref<10000x128xf32, #tpu.memory_space<hbm>> -> memref<10000x128xf32, #tpu.memory_space<hbm>>
      tpu.wait_indirect_dma semaphore(%arg20 : memref<!tpu.dma_semaphore, #tpu.memory_space<semaphore_mem>>) src(%dma_wait3A_106 : memref<10000x128xf32, #tpu.memory_space<hbm>>) dst(%arg11 : memref<80x128xf32, #tpu.memory_space<vmem>>)
      %dma_wait3A_107 = arith.constant 0 : i32
      %dma_wait3A_108 = arith.constant 0 : i32
      %dma_wait3A_109 = tpu.memref_slice %arg3[%dma_wait3A_107, %dma_wait3A_108] : memref<10000x128xf32, #tpu.memory_space<hbm>> -> memref<10000x128xf32, #tpu.memory_space<hbm>>
      tpu.wait_indirect_dma semaphore(%arg20 : memref<!tpu.dma_semaphore, #tpu.memory_space<semaphore_mem>>) src(%dma_wait3A_109 : memref<10000x128xf32, #tpu.memory_space<hbm>>) dst(%arg12 : memref<80x128xf32, #tpu.memory_space<vmem>>)
      %dma_wait3A_110 = arith.constant 0 : i32
      %dma_wait3A_111 = tpu.memref_slice %arg6[%add3A_103, %dma_wait3A_110] : memref<320000x128xf32, #tpu.memory_space<hbm>> -> memref<80x128xf32, #tpu.memory_space<hbm>>
      %dma_wait3A_112 = arith.constant 0 : i32
      %dma_wait3A_113 = tpu.memref_slice %arg6[%add3A_103, %dma_wait3A_112] : memref<320000x128xf32, #tpu.memory_space<hbm>> -> memref<80x128xf32, #tpu.memory_space<hbm>>
      tpu.wait_dma2 semaphore(%arg20 : memref<!tpu.dma_semaphore, #tpu.memory_space<semaphore_mem>>) src(%dma_wait3A_113 : memref<80x128xf32, #tpu.memory_space<hbm>>) dst(%arg13 : memref<80x128xf32, #tpu.memory_space<vmem>>)
      %scan3A_114 = arith.constant 0 : i32
      %scan3A_115 = arith.constant 0 : i32
      %scan3A_116 = arith.constant 80 : i32
      %scan3A_117 = arith.addi %scan3A_115, %scan3A_116 : i32
      %scan3A_118 = arith.constant 1 : i32
      scf.for %scan3A_196 = %scan3A_115 to %scan3A_117 step %scan3A_118  : i32 {
        %get3A = arith.index_cast %scan3A_196 : i32 to index
        %get3A_197 = arith.constant 0 : index
        %get3A_198 = tpu.vector_load %arg11[%get3A, %get3A_197] {strides = array<i32>} : memref<80x128xf32, #tpu.memory_space<vmem>>, vector<16xf32>,
        %get3A_199 = arith.index_cast %scan3A_196 : i32 to index
        %get3A_200 = arith.constant 0 : index
        %get3A_201 = tpu.vector_load %arg13[%get3A_199, %get3A_200] {strides = array<i32>} : memref<80x128xf32, #tpu.memory_space<vmem>>, vector<16xf32>,
        %add3A_202 = arith.addf %get3A_198, %get3A_201 : vector<16xf32>
        %max3A = arith.constant 0.000000e+00 : f32
        %max3A_203 = vector.broadcast %max3A : f32 to vector<16xf32>
        %max3A_204 = arith.maximumf %add3A_202, %max3A_203 : vector<16xf32>
        %swap3A = arith.index_cast %scan3A_196 : i32 to index
        %swap3A_205 = arith.constant 0 : index
        %swap3A_206 = tpu.vector_load %arg11[%swap3A, %swap3A_205] {strides = array<i32>} : memref<80x128xf32, #tpu.memory_space<vmem>>, vector<16xf32>,
        tpu.vector_store %arg11[%swap3A, %swap3A_205], %max3A_204 {strides = array<i32>} : memref<80x128xf32, #tpu.memory_space<vmem>>, vector<16xf32>,
        %get3A_207 = arith.index_cast %scan3A_196 : i32 to index
        %get3A_208 = arith.constant 16 : index
        %get3A_209 = tpu.vector_load %arg11[%get3A_207, %get3A_208] {strides = array<i32>} : memref<80x128xf32, #tpu.memory_space<vmem>>, vector<16xf32>,
        %get3A_210 = arith.index_cast %scan3A_196 : i32 to index
        %get3A_211 = arith.constant 16 : index
        %get3A_212 = tpu.vector_load %arg13[%get3A_210, %get3A_211] {strides = array<i32>} : memref<80x128xf32, #tpu.memory_space<vmem>>, vector<16xf32>,
        %add3A_213 = arith.addf %get3A_209, %get3A_212 : vector<16xf32>
        %max3A_214 = arith.constant 0.000000e+00 : f32
        %max3A_215 = vector.broadcast %max3A_214 : f32 to vector<16xf32>
        %max3A_216 = arith.maximumf %add3A_213, %max3A_215 : vector<16xf32>
        %swap3A_217 = arith.index_cast %scan3A_196 : i32 to index
        %swap3A_218 = arith.constant 16 : index
        %swap3A_219 = tpu.vector_load %arg11[%swap3A_217, %swap3A_218] {strides = array<i32>} : memref<80x128xf32, #tpu.memory_space<vmem>>, vector<16xf32>,
        tpu.vector_store %arg11[%swap3A_217, %swap3A_218], %max3A_216 {strides = array<i32>} : memref<80x128xf32, #tpu.memory_space<vmem>>, vector<16xf32>,
        %get3A_220 = arith.index_cast %scan3A_196 : i32 to index
        %get3A_221 = arith.constant 32 : index
        %get3A_222 = tpu.vector_load %arg11[%get3A_220, %get3A_221] {strides = array<i32>} : memref<80x128xf32, #tpu.memory_space<vmem>>, vector<16xf32>,
        %get3A_223 = arith.index_cast %scan3A_196 : i32 to index
        %get3A_224 = arith.constant 32 : index
        %get3A_225 = tpu.vector_load %arg13[%get3A_223, %get3A_224] {strides = array<i32>} : memref<80x128xf32, #tpu.memory_space<vmem>>, vector<16xf32>,
        %add3A_226 = arith.addf %get3A_222, %get3A_225 : vector<16xf32>
        %max3A_227 = arith.constant 0.000000e+00 : f32
        %max3A_228 = vector.broadcast %max3A_227 : f32 to vector<16xf32>
        %max3A_229 = arith.maximumf %add3A_226, %max3A_228 : vector<16xf32>
        %swap3A_230 = arith.index_cast %scan3A_196 : i32 to index
        %swap3A_231 = arith.constant 32 : index
        %swap3A_232 = tpu.vector_load %arg11[%swap3A_230, %swap3A_231] {strides = array<i32>} : memref<80x128xf32, #tpu.memory_space<vmem>>, vector<16xf32>,
        tpu.vector_store %arg11[%swap3A_230, %swap3A_231], %max3A_229 {strides = array<i32>} : memref<80x128xf32, #tpu.memory_space<vmem>>, vector<16xf32>,
        %get3A_233 = arith.index_cast %scan3A_196 : i32 to index
        %get3A_234 = arith.constant 48 : index
        %get3A_235 = tpu.vector_load %arg11[%get3A_233, %get3A_234] {strides = array<i32>} : memref<80x128xf32, #tpu.memory_space<vmem>>, vector<16xf32>,
        %get3A_236 = arith.index_cast %scan3A_196 : i32 to index
        %get3A_237 = arith.constant 48 : index
        %get3A_238 = tpu.vector_load %arg13[%get3A_236, %get3A_237] {strides = array<i32>} : memref<80x128xf32, #tpu.memory_space<vmem>>, vector<16xf32>,
        %add3A_239 = arith.addf %get3A_235, %get3A_238 : vector<16xf32>
        %max3A_240 = arith.constant 0.000000e+00 : f32
        %max3A_241 = vector.broadcast %max3A_240 : f32 to vector<16xf32>
        %max3A_242 = arith.maximumf %add3A_239, %max3A_241 : vector<16xf32>
        %swap3A_243 = arith.index_cast %scan3A_196 : i32 to index
        %swap3A_244 = arith.constant 48 : index
        %swap3A_245 = tpu.vector_load %arg11[%swap3A_243, %swap3A_244] {strides = array<i32>} : memref<80x128xf32, #tpu.memory_space<vmem>>, vector<16xf32>,
        tpu.vector_store %arg11[%swap3A_243, %swap3A_244], %max3A_242 {strides = array<i32>} : memref<80x128xf32, #tpu.memory_space<vmem>>, vector<16xf32>,
        %get3A_246 = arith.index_cast %scan3A_196 : i32 to index
        %get3A_247 = arith.constant 64 : index
        %get3A_248 = tpu.vector_load %arg11[%get3A_246, %get3A_247] {strides = array<i32>} : memref<80x128xf32, #tpu.memory_space<vmem>>, vector<16xf32>,
        %get3A_249 = arith.index_cast %scan3A_196 : i32 to index
        %get3A_250 = arith.constant 64 : index
        %get3A_251 = tpu.vector_load %arg13[%get3A_249, %get3A_250] {strides = array<i32>} : memref<80x128xf32, #tpu.memory_space<vmem>>, vector<16xf32>,
        %add3A_252 = arith.addf %get3A_248, %get3A_251 : vector<16xf32>
        %max3A_253 = arith.constant 0.000000e+00 : f32
        %max3A_254 = vector.broadcast %max3A_253 : f32 to vector<16xf32>
        %max3A_255 = arith.maximumf %add3A_252, %max3A_254 : vector<16xf32>
        %swap3A_256 = arith.index_cast %scan3A_196 : i32 to index
        %swap3A_257 = arith.constant 64 : index
        %swap3A_258 = tpu.vector_load %arg11[%swap3A_256, %swap3A_257] {strides = array<i32>} : memref<80x128xf32, #tpu.memory_space<vmem>>, vector<16xf32>,
        tpu.vector_store %arg11[%swap3A_256, %swap3A_257], %max3A_255 {strides = array<i32>} : memref<80x128xf32, #tpu.memory_space<vmem>>, vector<16xf32>,
        %get3A_259 = arith.index_cast %scan3A_196 : i32 to index
        %get3A_260 = arith.constant 80 : index
        %get3A_261 = tpu.vector_load %arg11[%get3A_259, %get3A_260] {strides = array<i32>} : memref<80x128xf32, #tpu.memory_space<vmem>>, vector<16xf32>,
        %get3A_262 = arith.index_cast %scan3A_196 : i32 to index
        %get3A_263 = arith.constant 80 : index
        %get3A_264 = tpu.vector_load %arg13[%get3A_262, %get3A_263] {strides = array<i32>} : memref<80x128xf32, #tpu.memory_space<vmem>>, vector<16xf32>,
        %add3A_265 = arith.addf %get3A_261, %get3A_264 : vector<16xf32>
        %max3A_266 = arith.constant 0.000000e+00 : f32
        %max3A_267 = vector.broadcast %max3A_266 : f32 to vector<16xf32>
        %max3A_268 = arith.maximumf %add3A_265, %max3A_267 : vector<16xf32>
        %swap3A_269 = arith.index_cast %scan3A_196 : i32 to index
        %swap3A_270 = arith.constant 80 : index
        %swap3A_271 = tpu.vector_load %arg11[%swap3A_269, %swap3A_270] {strides = array<i32>} : memref<80x128xf32, #tpu.memory_space<vmem>>, vector<16xf32>,
        tpu.vector_store %arg11[%swap3A_269, %swap3A_270], %max3A_268 {strides = array<i32>} : memref<80x128xf32, #tpu.memory_space<vmem>>, vector<16xf32>,
        %get3A_272 = arith.index_cast %scan3A_196 : i32 to index
        %get3A_273 = arith.constant 96 : index
        %get3A_274 = tpu.vector_load %arg11[%get3A_272, %get3A_273] {strides = array<i32>} : memref<80x128xf32, #tpu.memory_space<vmem>>, vector<16xf32>,
        %get3A_275 = arith.index_cast %scan3A_196 : i32 to index
        %get3A_276 = arith.constant 96 : index
        %get3A_277 = tpu.vector_load %arg13[%get3A_275, %get3A_276] {strides = array<i32>} : memref<80x128xf32, #tpu.memory_space<vmem>>, vector<16xf32>,
        %add3A_278 = arith.addf %get3A_274, %get3A_277 : vector<16xf32>
        %max3A_279 = arith.constant 0.000000e+00 : f32
        %max3A_280 = vector.broadcast %max3A_279 : f32 to vector<16xf32>
        %max3A_281 = arith.maximumf %add3A_278, %max3A_280 : vector<16xf32>
        %swap3A_282 = arith.index_cast %scan3A_196 : i32 to index
        %swap3A_283 = arith.constant 96 : index
        %swap3A_284 = tpu.vector_load %arg11[%swap3A_282, %swap3A_283] {strides = array<i32>} : memref<80x128xf32, #tpu.memory_space<vmem>>, vector<16xf32>,
        tpu.vector_store %arg11[%swap3A_282, %swap3A_283], %max3A_281 {strides = array<i32>} : memref<80x128xf32, #tpu.memory_space<vmem>>, vector<16xf32>,
        %get3A_285 = arith.index_cast %scan3A_196 : i32 to index
        %get3A_286 = arith.constant 112 : index
        %get3A_287 = tpu.vector_load %arg11[%get3A_285, %get3A_286] {strides = array<i32>} : memref<80x128xf32, #tpu.memory_space<vmem>>, vector<16xf32>,
        %get3A_288 = arith.index_cast %scan3A_196 : i32 to index
        %get3A_289 = arith.constant 112 : index
        %get3A_290 = tpu.vector_load %arg13[%get3A_288, %get3A_289] {strides = array<i32>} : memref<80x128xf32, #tpu.memory_space<vmem>>, vector<16xf32>,
        %add3A_291 = arith.addf %get3A_287, %get3A_290 : vector<16xf32>
        %max3A_292 = arith.constant 0.000000e+00 : f32
        %max3A_293 = vector.broadcast %max3A_292 : f32 to vector<16xf32>
        %max3A_294 = arith.maximumf %add3A_291, %max3A_293 : vector<16xf32>
        %swap3A_295 = arith.index_cast %scan3A_196 : i32 to index
        %swap3A_296 = arith.constant 112 : index
        %swap3A_297 = tpu.vector_load %arg11[%swap3A_295, %swap3A_296] {strides = array<i32>} : memref<80x128xf32, #tpu.memory_space<vmem>>, vector<16xf32>,
        tpu.vector_store %arg11[%swap3A_295, %swap3A_296], %max3A_294 {strides = array<i32>} : memref<80x128xf32, #tpu.memory_space<vmem>>, vector<16xf32>,
      }
      %scan3A_119 = arith.constant 80 : i32
      %mul3A_120 = arith.constant 80 : i32
      %mul3A_121 = arith.muli %add3A_88, %mul3A_120 : i32
      %add3A_122 = arith.addi %mul3A_2, %mul3A_121 : i32
      %dma_start3A_123 = arith.constant 0 : i32
      %dma_start3A_124 = tpu.memref_slice %arg7[%add3A_122, %dma_start3A_123] : memref<320000x128xf32, #tpu.memory_space<hbm>> -> memref<80x128xf32, #tpu.memory_space<hbm>>
      %dma_start3A_125 = arith.constant 0 : i32
      %dma_start3A_126 = tpu.memref_slice %arg7[%add3A_122, %dma_start3A_125] : memref<320000x128xf32, #tpu.memory_space<hbm>> -> memref<80x128xf32, #tpu.memory_space<hbm>>
      tpu.enqueue_dma source(%arg11 : memref<80x128xf32, #tpu.memory_space<vmem>>) target(%dma_start3A_126 : memref<80x128xf32, #tpu.memory_space<hbm>>) target_semaphore(%arg21 : memref<!tpu.dma_semaphore, #tpu.memory_space<semaphore_mem>>)
      %dma_start3A_127 = arith.constant 0 : i32
      %dma_start3A_128 = tpu.memref_slice %arg8[%add3A_122, %dma_start3A_127] : memref<320000x128xf32, #tpu.memory_space<hbm>> -> memref<80x128xf32, #tpu.memory_space<hbm>>
      %dma_start3A_129 = arith.constant 0 : i32
      %dma_start3A_130 = tpu.memref_slice %arg8[%add3A_122, %dma_start3A_129] : memref<320000x128xf32, #tpu.memory_space<hbm>> -> memref<80x128xf32, #tpu.memory_space<hbm>>
      tpu.enqueue_dma source(%arg12 : memref<80x128xf32, #tpu.memory_space<vmem>>) target(%dma_start3A_130 : memref<80x128xf32, #tpu.memory_space<hbm>>) target_semaphore(%arg21 : memref<!tpu.dma_semaphore, #tpu.memory_space<semaphore_mem>>)
      %add3A_131 = arith.constant 2 : i32
      %add3A_132 = arith.addi %add3A_88, %add3A_131 : i32
      %lt3A_133 = arith.constant 125 : i32
      %lt3A_134 = arith.cmpi slt, %add3A_132, %lt3A_133 : i32
      %convert_element_type3A_135 = arith.extui %lt3A_134 : i1 to i32
      %cond3A_136 = arith.constant 0 : i32
      %cond3A_137 = arith.cmpi ne, %convert_element_type3A_135, %cond3A_136 : i32
      scf.if %cond3A_137 {
        %add3A_196 = arith.constant 2 : i32
        %add3A_197 = arith.addi %add3A_88, %add3A_196 : i32
        %mul3A_198 = arith.constant 80 : i32
        %mul3A_199 = arith.muli %add3A_197, %mul3A_198 : i32
        %add3A_200 = arith.addi %mul3A_2, %mul3A_199 : i32
        %dma_start3A_201 = tpu.memref_slice %arg4[%add3A_200] : memref<320000xi32, #tpu.memory_space<hbm>> -> memref<80xi32, #tpu.memory_space<hbm>>
        %dma_start3A_202 = tpu.memref_slice %arg4[%add3A_200] : memref<320000xi32, #tpu.memory_space<hbm>> -> memref<80xi32, #tpu.memory_space<hbm>>
        tpu.enqueue_dma source(%dma_start3A_202 : memref<80xi32, #tpu.memory_space<hbm>>) target(%arg9 : memref<80xi32, #tpu.memory_space<vmem>>) target_semaphore(%arg19 : memref<!tpu.dma_semaphore, #tpu.memory_space<semaphore_mem>>)
        %dma_start3A_203 = tpu.memref_slice %arg5[%add3A_200] : memref<320000xi32, #tpu.memory_space<hbm>> -> memref<80xi32, #tpu.memory_space<hbm>>
        %dma_start3A_204 = tpu.memref_slice %arg5[%add3A_200] : memref<320000xi32, #tpu.memory_space<hbm>> -> memref<80xi32, #tpu.memory_space<hbm>>
        tpu.enqueue_dma source(%dma_start3A_204 : memref<80xi32, #tpu.memory_space<hbm>>) target(%arg10 : memref<80xi32, #tpu.memory_space<vmem>>) target_semaphore(%arg19 : memref<!tpu.dma_semaphore, #tpu.memory_space<semaphore_mem>>)
      } else {
      }
      %mul3A_138 = arith.constant 2 : i32
      %mul3A_139 = arith.muli %mul3A_138, %scan3A_84 : i32
      %add3A_140 = arith.constant 1 : i32
      %add3A_141 = arith.addi %mul3A_139, %add3A_140 : i32
      %add3A_142 = arith.constant 1 : i32
      %add3A_143 = arith.addi %add3A_141, %add3A_142 : i32
      %lt3A_144 = arith.constant 125 : i32
      %lt3A_145 = arith.cmpi slt, %add3A_143, %lt3A_144 : i32
      %ge3A_146 = arith.constant 1 : i32
      %ge3A_147 = arith.cmpi sge, %add3A_141, %ge3A_146 : i32
      %and3A_148 = arith.andi %lt3A_145, %ge3A_147 : i1
      %convert_element_type3A_149 = arith.extui %and3A_148 : i1 to i32
      %cond3A_150 = arith.constant 0 : i32
      %cond3A_151 = arith.cmpi ne, %convert_element_type3A_149, %cond3A_150 : i32
      scf.if %cond3A_151 {
        %sub3A = arith.constant 1 : i32
        %sub3A_196 = arith.subi %add3A_141, %sub3A : i32
        %mul3A_197 = arith.constant 80 : i32
        %mul3A_198 = arith.muli %sub3A_196, %mul3A_197 : i32
        %add3A_199 = arith.addi %mul3A_2, %mul3A_198 : i32
        %dma_wait3A_200 = arith.constant 0 : i32
        %dma_wait3A_201 = tpu.memref_slice %arg7[%add3A_199, %dma_wait3A_200] : memref<320000x128xf32, #tpu.memory_space<hbm>> -> memref<80x128xf32, #tpu.memory_space<hbm>>
        %dma_wait3A_202 = arith.constant 0 : i32
        %dma_wait3A_203 = tpu.memref_slice %arg7[%add3A_199, %dma_wait3A_202] : memref<320000x128xf32, #tpu.memory_space<hbm>> -> memref<80x128xf32, #tpu.memory_space<hbm>>
        tpu.wait_dma2 semaphore(%arg21 : memref<!tpu.dma_semaphore, #tpu.memory_space<semaphore_mem>>) src(%arg11 : memref<80x128xf32, #tpu.memory_space<vmem>>) dst(%dma_wait3A_203 : memref<80x128xf32, #tpu.memory_space<hbm>>)
        %dma_wait3A_204 = arith.constant 0 : i32
        %dma_wait3A_205 = tpu.memref_slice %arg8[%add3A_199, %dma_wait3A_204] : memref<320000x128xf32, #tpu.memory_space<hbm>> -> memref<80x128xf32, #tpu.memory_space<hbm>>
        %dma_wait3A_206 = arith.constant 0 : i32
        %dma_wait3A_207 = tpu.memref_slice %arg8[%add3A_199, %dma_wait3A_206] : memref<320000x128xf32, #tpu.memory_space<hbm>> -> memref<80x128xf32, #tpu.memory_space<hbm>>
        tpu.wait_dma2 semaphore(%arg21 : memref<!tpu.dma_semaphore, #tpu.memory_space<semaphore_mem>>) src(%arg12 : memref<80x128xf32, #tpu.memory_space<vmem>>) dst(%dma_wait3A_207 : memref<80x128xf32, #tpu.memory_space<hbm>>)
      } else {
      }
      %add3A_152 = arith.constant 1 : i32
      %add3A_153 = arith.addi %add3A_141, %add3A_152 : i32
      %lt3A_154 = arith.constant 125 : i32
      %lt3A_155 = arith.cmpi slt, %add3A_153, %lt3A_154 : i32
      %convert_element_type3A_156 = arith.extui %lt3A_155 : i1 to i32
      %cond3A_157 = arith.constant 0 : i32
      %cond3A_158 = arith.cmpi ne, %convert_element_type3A_156, %cond3A_157 : i32
      scf.if %cond3A_158 {
        %add3A_196 = arith.constant 1 : i32
        %add3A_197 = arith.addi %add3A_141, %add3A_196 : i32
        %mul3A_198 = arith.constant 80 : i32
        %mul3A_199 = arith.muli %add3A_197, %mul3A_198 : i32
        %add3A_200 = arith.addi %mul3A_2, %mul3A_199 : i32
        %dma_wait3A_201 = tpu.memref_slice %arg4[%add3A_200] : memref<320000xi32, #tpu.memory_space<hbm>> -> memref<80xi32, #tpu.memory_space<hbm>>
        %dma_wait3A_202 = tpu.memref_slice %arg4[%add3A_200] : memref<320000xi32, #tpu.memory_space<hbm>> -> memref<80xi32, #tpu.memory_space<hbm>>
        tpu.wait_dma2 semaphore(%arg19 : memref<!tpu.dma_semaphore, #tpu.memory_space<semaphore_mem>>) src(%dma_wait3A_202 : memref<80xi32, #tpu.memory_space<hbm>>) dst(%arg9 : memref<80xi32, #tpu.memory_space<vmem>>)
        %dma_wait3A_203 = tpu.memref_slice %arg5[%add3A_200] : memref<320000xi32, #tpu.memory_space<hbm>> -> memref<80xi32, #tpu.memory_space<hbm>>
        %dma_wait3A_204 = tpu.memref_slice %arg5[%add3A_200] : memref<320000xi32, #tpu.memory_space<hbm>> -> memref<80xi32, #tpu.memory_space<hbm>>
        tpu.wait_dma2 semaphore(%arg19 : memref<!tpu.dma_semaphore, #tpu.memory_space<semaphore_mem>>) src(%dma_wait3A_204 : memref<80xi32, #tpu.memory_space<hbm>>) dst(%arg10 : memref<80xi32, #tpu.memory_space<vmem>>)
        %add3A_205 = arith.constant 1 : i32
        %add3A_206 = arith.addi %add3A_141, %add3A_205 : i32
        %mul3A_207 = arith.constant 80 : i32
        %mul3A_208 = arith.muli %add3A_206, %mul3A_207 : i32
        %add3A_209 = arith.addi %mul3A_2, %mul3A_208 : i32
        %dma_start3A_210 = arith.constant 0 : i32
        %dma_start3A_211 = arith.constant 0 : i32
        %dma_start3A_212 = tpu.memref_slice %arg2[%dma_start3A_210, %dma_start3A_211] : memref<10000x128xf32, #tpu.memory_space<hbm>> -> memref<10000x128xf32, #tpu.memory_space<hbm>>
        tpu.enqueue_indirect_dma source(%dma_start3A_212 : memref<10000x128xf32, #tpu.memory_space<hbm>>) target(%arg11 : memref<80x128xf32, #tpu.memory_space<vmem>>) offsets(%arg9 : memref<80xi32, #tpu.memory_space<vmem>>) semaphore(%arg20 : memref<!tpu.dma_semaphore, #tpu.memory_space<semaphore_mem>>)
        %dma_start3A_213 = arith.constant 0 : i32
        %dma_start3A_214 = arith.constant 0 : i32
        %dma_start3A_215 = tpu.memref_slice %arg3[%dma_start3A_213, %dma_start3A_214] : memref<10000x128xf32, #tpu.memory_space<hbm>> -> memref<10000x128xf32, #tpu.memory_space<hbm>>
        tpu.enqueue_indirect_dma source(%dma_start3A_215 : memref<10000x128xf32, #tpu.memory_space<hbm>>) target(%arg12 : memref<80x128xf32, #tpu.memory_space<vmem>>) offsets(%arg10 : memref<80xi32, #tpu.memory_space<vmem>>) semaphore(%arg20 : memref<!tpu.dma_semaphore, #tpu.memory_space<semaphore_mem>>)
        %dma_start3A_216 = arith.constant 0 : i32
        %dma_start3A_217 = tpu.memref_slice %arg6[%add3A_209, %dma_start3A_216] : memref<320000x128xf32, #tpu.memory_space<hbm>> -> memref<80x128xf32, #tpu.memory_space<hbm>>
        %dma_start3A_218 = arith.constant 0 : i32
        %dma_start3A_219 = tpu.memref_slice %arg6[%add3A_209, %dma_start3A_218] : memref<320000x128xf32, #tpu.memory_space<hbm>> -> memref<80x128xf32, #tpu.memory_space<hbm>>
        tpu.enqueue_dma source(%dma_start3A_219 : memref<80x128xf32, #tpu.memory_space<hbm>>) target(%arg13 : memref<80x128xf32, #tpu.memory_space<vmem>>) target_semaphore(%arg20 : memref<!tpu.dma_semaphore, #tpu.memory_space<semaphore_mem>>)
      } else {
      }
      %mul3A_159 = arith.constant 80 : i32
      %mul3A_160 = arith.muli %add3A_141, %mul3A_159 : i32
      %add3A_161 = arith.addi %mul3A_2, %mul3A_160 : i32
      %dma_wait3A_162 = arith.constant 0 : i32
      %dma_wait3A_163 = arith.constant 0 : i32
      %dma_wait3A_164 = tpu.memref_slice %arg2[%dma_wait3A_162, %dma_wait3A_163] : memref<10000x128xf32, #tpu.memory_space<hbm>> -> memref<10000x128xf32, #tpu.memory_space<hbm>>
      tpu.wait_indirect_dma semaphore(%arg23 : memref<!tpu.dma_semaphore, #tpu.memory_space<semaphore_mem>>) src(%dma_wait3A_164 : memref<10000x128xf32, #tpu.memory_space<hbm>>) dst(%arg16 : memref<80x128xf32, #tpu.memory_space<vmem>>)
      %dma_wait3A_165 = arith.constant 0 : i32
      %dma_wait3A_166 = arith.constant 0 : i32
      %dma_wait3A_167 = tpu.memref_slice %arg3[%dma_wait3A_165, %dma_wait3A_166] : memref<10000x128xf32, #tpu.memory_space<hbm>> -> memref<10000x128xf32, #tpu.memory_space<hbm>>
      tpu.wait_indirect_dma semaphore(%arg23 : memref<!tpu.dma_semaphore, #tpu.memory_space<semaphore_mem>>) src(%dma_wait3A_167 : memref<10000x128xf32, #tpu.memory_space<hbm>>) dst(%arg17 : memref<80x128xf32, #tpu.memory_space<vmem>>)
      %dma_wait3A_168 = arith.constant 0 : i32
      %dma_wait3A_169 = tpu.memref_slice %arg6[%add3A_161, %dma_wait3A_168] : memref<320000x128xf32, #tpu.memory_space<hbm>> -> memref<80x128xf32, #tpu.memory_space<hbm>>
      %dma_wait3A_170 = arith.constant 0 : i32
      %dma_wait3A_171 = tpu.memref_slice %arg6[%add3A_161, %dma_wait3A_170] : memref<320000x128xf32, #tpu.memory_space<hbm>> -> memref<80x128xf32, #tpu.memory_space<hbm>>
      tpu.wait_dma2 semaphore(%arg23 : memref<!tpu.dma_semaphore, #tpu.memory_space<semaphore_mem>>) src(%dma_wait3A_171 : memref<80x128xf32, #tpu.memory_space<hbm>>) dst(%arg18 : memref<80x128xf32, #tpu.memory_space<vmem>>)
      %scan3A_172 = arith.constant 0 : i32
      %scan3A_173 = arith.constant 0 : i32
      %scan3A_174 = arith.constant 80 : i32
      %scan3A_175 = arith.addi %scan3A_173, %scan3A_174 : i32
      %scan3A_176 = arith.constant 1 : i32
      scf.for %scan3A_196 = %scan3A_173 to %scan3A_175 step %scan3A_176  : i32 {
        %get3A = arith.index_cast %scan3A_196 : i32 to index
        %get3A_197 = arith.constant 0 : index
        %get3A_198 = tpu.vector_load %arg16[%get3A, %get3A_197] {strides = array<i32>} : memref<80x128xf32, #tpu.memory_space<vmem>>, vector<16xf32>,
        %get3A_199 = arith.index_cast %scan3A_196 : i32 to index
        %get3A_200 = arith.constant 0 : index
        %get3A_201 = tpu.vector_load %arg18[%get3A_199, %get3A_200] {strides = array<i32>} : memref<80x128xf32, #tpu.memory_space<vmem>>, vector<16xf32>,
        %add3A_202 = arith.addf %get3A_198, %get3A_201 : vector<16xf32>
        %max3A = arith.constant 0.000000e+00 : f32
        %max3A_203 = vector.broadcast %max3A : f32 to vector<16xf32>
        %max3A_204 = arith.maximumf %add3A_202, %max3A_203 : vector<16xf32>
        %swap3A = arith.index_cast %scan3A_196 : i32 to index
        %swap3A_205 = arith.constant 0 : index
        %swap3A_206 = tpu.vector_load %arg16[%swap3A, %swap3A_205] {strides = array<i32>} : memref<80x128xf32, #tpu.memory_space<vmem>>, vector<16xf32>,
        tpu.vector_store %arg16[%swap3A, %swap3A_205], %max3A_204 {strides = array<i32>} : memref<80x128xf32, #tpu.memory_space<vmem>>, vector<16xf32>,
        %get3A_207 = arith.index_cast %scan3A_196 : i32 to index
        %get3A_208 = arith.constant 16 : index
        %get3A_209 = tpu.vector_load %arg16[%get3A_207, %get3A_208] {strides = array<i32>} : memref<80x128xf32, #tpu.memory_space<vmem>>, vector<16xf32>,
        %get3A_210 = arith.index_cast %scan3A_196 : i32 to index
        %get3A_211 = arith.constant 16 : index
        %get3A_212 = tpu.vector_load %arg18[%get3A_210, %get3A_211] {strides = array<i32>} : memref<80x128xf32, #tpu.memory_space<vmem>>, vector<16xf32>,
        %add3A_213 = arith.addf %get3A_209, %get3A_212 : vector<16xf32>
        %max3A_214 = arith.constant 0.000000e+00 : f32
        %max3A_215 = vector.broadcast %max3A_214 : f32 to vector<16xf32>
        %max3A_216 = arith.maximumf %add3A_213, %max3A_215 : vector<16xf32>
        %swap3A_217 = arith.index_cast %scan3A_196 : i32 to index
        %swap3A_218 = arith.constant 16 : index
        %swap3A_219 = tpu.vector_load %arg16[%swap3A_217, %swap3A_218] {strides = array<i32>} : memref<80x128xf32, #tpu.memory_space<vmem>>, vector<16xf32>,
        tpu.vector_store %arg16[%swap3A_217, %swap3A_218], %max3A_216 {strides = array<i32>} : memref<80x128xf32, #tpu.memory_space<vmem>>, vector<16xf32>,
        %get3A_220 = arith.index_cast %scan3A_196 : i32 to index
        %get3A_221 = arith.constant 32 : index
        %get3A_222 = tpu.vector_load %arg16[%get3A_220, %get3A_221] {strides = array<i32>} : memref<80x128xf32, #tpu.memory_space<vmem>>, vector<16xf32>,
        %get3A_223 = arith.index_cast %scan3A_196 : i32 to index
        %get3A_224 = arith.constant 32 : index
        %get3A_225 = tpu.vector_load %arg18[%get3A_223, %get3A_224] {strides = array<i32>} : memref<80x128xf32, #tpu.memory_space<vmem>>, vector<16xf32>,
        %add3A_226 = arith.addf %get3A_222, %get3A_225 : vector<16xf32>
        %max3A_227 = arith.constant 0.000000e+00 : f32
        %max3A_228 = vector.broadcast %max3A_227 : f32 to vector<16xf32>
        %max3A_229 = arith.maximumf %add3A_226, %max3A_228 : vector<16xf32>
        %swap3A_230 = arith.index_cast %scan3A_196 : i32 to index
        %swap3A_231 = arith.constant 32 : index
        %swap3A_232 = tpu.vector_load %arg16[%swap3A_230, %swap3A_231] {strides = array<i32>} : memref<80x128xf32, #tpu.memory_space<vmem>>, vector<16xf32>,
        tpu.vector_store %arg16[%swap3A_230, %swap3A_231], %max3A_229 {strides = array<i32>} : memref<80x128xf32, #tpu.memory_space<vmem>>, vector<16xf32>,
        %get3A_233 = arith.index_cast %scan3A_196 : i32 to index
        %get3A_234 = arith.constant 48 : index
        %get3A_235 = tpu.vector_load %arg16[%get3A_233, %get3A_234] {strides = array<i32>} : memref<80x128xf32, #tpu.memory_space<vmem>>, vector<16xf32>,
        %get3A_236 = arith.index_cast %scan3A_196 : i32 to index
        %get3A_237 = arith.constant 48 : index
        %get3A_238 = tpu.vector_load %arg18[%get3A_236, %get3A_237] {strides = array<i32>} : memref<80x128xf32, #tpu.memory_space<vmem>>, vector<16xf32>,
        %add3A_239 = arith.addf %get3A_235, %get3A_238 : vector<16xf32>
        %max3A_240 = arith.constant 0.000000e+00 : f32
        %max3A_241 = vector.broadcast %max3A_240 : f32 to vector<16xf32>
        %max3A_242 = arith.maximumf %add3A_239, %max3A_241 : vector<16xf32>
        %swap3A_243 = arith.index_cast %scan3A_196 : i32 to index
        %swap3A_244 = arith.constant 48 : index
        %swap3A_245 = tpu.vector_load %arg16[%swap3A_243, %swap3A_244] {strides = array<i32>} : memref<80x128xf32, #tpu.memory_space<vmem>>, vector<16xf32>,
        tpu.vector_store %arg16[%swap3A_243, %swap3A_244], %max3A_242 {strides = array<i32>} : memref<80x128xf32, #tpu.memory_space<vmem>>, vector<16xf32>,
        %get3A_246 = arith.index_cast %scan3A_196 : i32 to index
        %get3A_247 = arith.constant 64 : index
        %get3A_248 = tpu.vector_load %arg16[%get3A_246, %get3A_247] {strides = array<i32>} : memref<80x128xf32, #tpu.memory_space<vmem>>, vector<16xf32>,
        %get3A_249 = arith.index_cast %scan3A_196 : i32 to index
        %get3A_250 = arith.constant 64 : index
        %get3A_251 = tpu.vector_load %arg18[%get3A_249, %get3A_250] {strides = array<i32>} : memref<80x128xf32, #tpu.memory_space<vmem>>, vector<16xf32>,
        %add3A_252 = arith.addf %get3A_248, %get3A_251 : vector<16xf32>
        %max3A_253 = arith.constant 0.000000e+00 : f32
        %max3A_254 = vector.broadcast %max3A_253 : f32 to vector<16xf32>
        %max3A_255 = arith.maximumf %add3A_252, %max3A_254 : vector<16xf32>
        %swap3A_256 = arith.index_cast %scan3A_196 : i32 to index
        %swap3A_257 = arith.constant 64 : index
        %swap3A_258 = tpu.vector_load %arg16[%swap3A_256, %swap3A_257] {strides = array<i32>} : memref<80x128xf32, #tpu.memory_space<vmem>>, vector<16xf32>,
        tpu.vector_store %arg16[%swap3A_256, %swap3A_257], %max3A_255 {strides = array<i32>} : memref<80x128xf32, #tpu.memory_space<vmem>>, vector<16xf32>,
        %get3A_259 = arith.index_cast %scan3A_196 : i32 to index
        %get3A_260 = arith.constant 80 : index
        %get3A_261 = tpu.vector_load %arg16[%get3A_259, %get3A_260] {strides = array<i32>} : memref<80x128xf32, #tpu.memory_space<vmem>>, vector<16xf32>,
        %get3A_262 = arith.index_cast %scan3A_196 : i32 to index
        %get3A_263 = arith.constant 80 : index
        %get3A_264 = tpu.vector_load %arg18[%get3A_262, %get3A_263] {strides = array<i32>} : memref<80x128xf32, #tpu.memory_space<vmem>>, vector<16xf32>,
        %add3A_265 = arith.addf %get3A_261, %get3A_264 : vector<16xf32>
        %max3A_266 = arith.constant 0.000000e+00 : f32
        %max3A_267 = vector.broadcast %max3A_266 : f32 to vector<16xf32>
        %max3A_268 = arith.maximumf %add3A_265, %max3A_267 : vector<16xf32>
        %swap3A_269 = arith.index_cast %scan3A_196 : i32 to index
        %swap3A_270 = arith.constant 80 : index
        %swap3A_271 = tpu.vector_load %arg16[%swap3A_269, %swap3A_270] {strides = array<i32>} : memref<80x128xf32, #tpu.memory_space<vmem>>, vector<16xf32>,
        tpu.vector_store %arg16[%swap3A_269, %swap3A_270], %max3A_268 {strides = array<i32>} : memref<80x128xf32, #tpu.memory_space<vmem>>, vector<16xf32>,
        %get3A_272 = arith.index_cast %scan3A_196 : i32 to index
        %get3A_273 = arith.constant 96 : index
        %get3A_274 = tpu.vector_load %arg16[%get3A_272, %get3A_273] {strides = array<i32>} : memref<80x128xf32, #tpu.memory_space<vmem>>, vector<16xf32>,
        %get3A_275 = arith.index_cast %scan3A_196 : i32 to index
        %get3A_276 = arith.constant 96 : index
        %get3A_277 = tpu.vector_load %arg18[%get3A_275, %get3A_276] {strides = array<i32>} : memref<80x128xf32, #tpu.memory_space<vmem>>, vector<16xf32>,
        %add3A_278 = arith.addf %get3A_274, %get3A_277 : vector<16xf32>
        %max3A_279 = arith.constant 0.000000e+00 : f32
        %max3A_280 = vector.broadcast %max3A_279 : f32 to vector<16xf32>
        %max3A_281 = arith.maximumf %add3A_278, %max3A_280 : vector<16xf32>
        %swap3A_282 = arith.index_cast %scan3A_196 : i32 to index
        %swap3A_283 = arith.constant 96 : index
        %swap3A_284 = tpu.vector_load %arg16[%swap3A_282, %swap3A_283] {strides = array<i32>} : memref<80x128xf32, #tpu.memory_space<vmem>>, vector<16xf32>,
        tpu.vector_store %arg16[%swap3A_282, %swap3A_283], %max3A_281 {strides = array<i32>} : memref<80x128xf32, #tpu.memory_space<vmem>>, vector<16xf32>,
        %get3A_285 = arith.index_cast %scan3A_196 : i32 to index
        %get3A_286 = arith.constant 112 : index
        %get3A_287 = tpu.vector_load %arg16[%get3A_285, %get3A_286] {strides = array<i32>} : memref<80x128xf32, #tpu.memory_space<vmem>>, vector<16xf32>,
        %get3A_288 = arith.index_cast %scan3A_196 : i32 to index
        %get3A_289 = arith.constant 112 : index
        %get3A_290 = tpu.vector_load %arg18[%get3A_288, %get3A_289] {strides = array<i32>} : memref<80x128xf32, #tpu.memory_space<vmem>>, vector<16xf32>,
        %add3A_291 = arith.addf %get3A_287, %get3A_290 : vector<16xf32>
        %max3A_292 = arith.constant 0.000000e+00 : f32
        %max3A_293 = vector.broadcast %max3A_292 : f32 to vector<16xf32>
        %max3A_294 = arith.maximumf %add3A_291, %max3A_293 : vector<16xf32>
        %swap3A_295 = arith.index_cast %scan3A_196 : i32 to index
        %swap3A_296 = arith.constant 112 : index
        %swap3A_297 = tpu.vector_load %arg16[%swap3A_295, %swap3A_296] {strides = array<i32>} : memref<80x128xf32, #tpu.memory_space<vmem>>, vector<16xf32>,
        tpu.vector_store %arg16[%swap3A_295, %swap3A_296], %max3A_294 {strides = array<i32>} : memref<80x128xf32, #tpu.memory_space<vmem>>, vector<16xf32>,
      }
      %scan3A_177 = arith.constant 80 : i32
      %mul3A_178 = arith.constant 80 : i32
      %mul3A_179 = arith.muli %add3A_141, %mul3A_178 : i32
      %add3A_180 = arith.addi %mul3A_2, %mul3A_179 : i32
      %dma_start3A_181 = arith.constant 0 : i32
      %dma_start3A_182 = tpu.memref_slice %arg7[%add3A_180, %dma_start3A_181] : memref<320000x128xf32, #tpu.memory_space<hbm>> -> memref<80x128xf32, #tpu.memory_space<hbm>>
      %dma_start3A_183 = arith.constant 0 : i32
      %dma_start3A_184 = tpu.memref_slice %arg7[%add3A_180, %dma_start3A_183] : memref<320000x128xf32, #tpu.memory_space<hbm>> -> memref<80x128xf32, #tpu.memory_space<hbm>>
      tpu.enqueue_dma source(%arg16 : memref<80x128xf32, #tpu.memory_space<vmem>>) target(%dma_start3A_184 : memref<80x128xf32, #tpu.memory_space<hbm>>) target_semaphore(%arg24 : memref<!tpu.dma_semaphore, #tpu.memory_space<semaphore_mem>>)
      %dma_start3A_185 = arith.constant 0 : i32
      %dma_start3A_186 = tpu.memref_slice %arg8[%add3A_180, %dma_start3A_185] : memref<320000x128xf32, #tpu.memory_space<hbm>> -> memref<80x128xf32, #tpu.memory_space<hbm>>
      %dma_start3A_187 = arith.constant 0 : i32
      %dma_start3A_188 = tpu.memref_slice %arg8[%add3A_180, %dma_start3A_187] : memref<320000x128xf32, #tpu.memory_space<hbm>> -> memref<80x128xf32, #tpu.memory_space<hbm>>
      tpu.enqueue_dma source(%arg17 : memref<80x128xf32, #tpu.memory_space<vmem>>) target(%dma_start3A_188 : memref<80x128xf32, #tpu.memory_space<hbm>>) target_semaphore(%arg24 : memref<!tpu.dma_semaphore, #tpu.memory_space<semaphore_mem>>)
      %add3A_189 = arith.constant 2 : i32
      %add3A_190 = arith.addi %add3A_141, %add3A_189 : i32
      %lt3A_191 = arith.constant 125 : i32
      %lt3A_192 = arith.cmpi slt, %add3A_190, %lt3A_191 : i32
      %convert_element_type3A_193 = arith.extui %lt3A_192 : i1 to i32
      %cond3A_194 = arith.constant 0 : i32
      %cond3A_195 = arith.cmpi ne, %convert_element_type3A_193, %cond3A_194 : i32
      scf.if %cond3A_195 {
        %add3A_196 = arith.constant 2 : i32
        %add3A_197 = arith.addi %add3A_141, %add3A_196 : i32
        %mul3A_198 = arith.constant 80 : i32
        %mul3A_199 = arith.muli %add3A_197, %mul3A_198 : i32
        %add3A_200 = arith.addi %mul3A_2, %mul3A_199 : i32
        %dma_start3A_201 = tpu.memref_slice %arg4[%add3A_200] : memref<320000xi32, #tpu.memory_space<hbm>> -> memref<80xi32, #tpu.memory_space<hbm>>
        %dma_start3A_202 = tpu.memref_slice %arg4[%add3A_200] : memref<320000xi32, #tpu.memory_space<hbm>> -> memref<80xi32, #tpu.memory_space<hbm>>
        tpu.enqueue_dma source(%dma_start3A_202 : memref<80xi32, #tpu.memory_space<hbm>>) target(%arg14 : memref<80xi32, #tpu.memory_space<vmem>>) target_semaphore(%arg22 : memref<!tpu.dma_semaphore, #tpu.memory_space<semaphore_mem>>)
        %dma_start3A_203 = tpu.memref_slice %arg5[%add3A_200] : memref<320000xi32, #tpu.memory_space<hbm>> -> memref<80xi32, #tpu.memory_space<hbm>>
        %dma_start3A_204 = tpu.memref_slice %arg5[%add3A_200] : memref<320000xi32, #tpu.memory_space<hbm>> -> memref<80xi32, #tpu.memory_space<hbm>>
        tpu.enqueue_dma source(%dma_start3A_204 : memref<80xi32, #tpu.memory_space<hbm>>) target(%arg15 : memref<80xi32, #tpu.memory_space<vmem>>) target_semaphore(%arg22 : memref<!tpu.dma_semaphore, #tpu.memory_space<semaphore_mem>>)
      } else {
      }
    }
    %scan3A_35 = arith.constant 62 : i32
    %add3A_36 = arith.constant 9920 : i32
    %add3A_37 = arith.addi %mul3A_2, %add3A_36 : i32
    %dma_wait3A_38 = arith.constant 0 : i32
    %dma_wait3A_39 = arith.constant 0 : i32
    %dma_wait3A_40 = tpu.memref_slice %arg2[%dma_wait3A_38, %dma_wait3A_39] : memref<10000x128xf32, #tpu.memory_space<hbm>> -> memref<10000x128xf32, #tpu.memory_space<hbm>>
    tpu.wait_indirect_dma semaphore(%arg20 : memref<!tpu.dma_semaphore, #tpu.memory_space<semaphore_mem>>) src(%dma_wait3A_40 : memref<10000x128xf32, #tpu.memory_space<hbm>>) dst(%arg11 : memref<80x128xf32, #tpu.memory_space<vmem>>)
    %dma_wait3A_41 = arith.constant 0 : i32
    %dma_wait3A_42 = arith.constant 0 : i32
    %dma_wait3A_43 = tpu.memref_slice %arg3[%dma_wait3A_41, %dma_wait3A_42] : memref<10000x128xf32, #tpu.memory_space<hbm>> -> memref<10000x128xf32, #tpu.memory_space<hbm>>
    tpu.wait_indirect_dma semaphore(%arg20 : memref<!tpu.dma_semaphore, #tpu.memory_space<semaphore_mem>>) src(%dma_wait3A_43 : memref<10000x128xf32, #tpu.memory_space<hbm>>) dst(%arg12 : memref<80x128xf32, #tpu.memory_space<vmem>>)
    %dma_wait3A_44 = arith.constant 0 : i32
    %dma_wait3A_45 = tpu.memref_slice %arg6[%add3A_37, %dma_wait3A_44] : memref<320000x128xf32, #tpu.memory_space<hbm>> -> memref<80x128xf32, #tpu.memory_space<hbm>>
    %dma_wait3A_46 = arith.constant 0 : i32
    %dma_wait3A_47 = tpu.memref_slice %arg6[%add3A_37, %dma_wait3A_46] : memref<320000x128xf32, #tpu.memory_space<hbm>> -> memref<80x128xf32, #tpu.memory_space<hbm>>
    tpu.wait_dma2 semaphore(%arg20 : memref<!tpu.dma_semaphore, #tpu.memory_space<semaphore_mem>>) src(%dma_wait3A_47 : memref<80x128xf32, #tpu.memory_space<hbm>>) dst(%arg13 : memref<80x128xf32, #tpu.memory_space<vmem>>)
    %scan3A_48 = arith.constant 0 : i32
    %scan3A_49 = arith.constant 0 : i32
    %scan3A_50 = arith.constant 80 : i32
    %scan3A_51 = arith.addi %scan3A_49, %scan3A_50 : i32
    %scan3A_52 = arith.constant 1 : i32
    scf.for %scan3A_84 = %scan3A_49 to %scan3A_51 step %scan3A_52  : i32 {
      %get3A = arith.index_cast %scan3A_84 : i32 to index
      %get3A_85 = arith.constant 0 : index
      %get3A_86 = tpu.vector_load %arg11[%get3A, %get3A_85] {strides = array<i32>} : memref<80x128xf32, #tpu.memory_space<vmem>>, vector<16xf32>,
      %get3A_87 = arith.index_cast %scan3A_84 : i32 to index
      %get3A_88 = arith.constant 0 : index
      %get3A_89 = tpu.vector_load %arg13[%get3A_87, %get3A_88] {strides = array<i32>} : memref<80x128xf32, #tpu.memory_space<vmem>>, vector<16xf32>,
      %add3A_90 = arith.addf %get3A_86, %get3A_89 : vector<16xf32>
      %max3A = arith.constant 0.000000e+00 : f32
      %max3A_91 = vector.broadcast %max3A : f32 to vector<16xf32>
      %max3A_92 = arith.maximumf %add3A_90, %max3A_91 : vector<16xf32>
      %swap3A = arith.index_cast %scan3A_84 : i32 to index
      %swap3A_93 = arith.constant 0 : index
      %swap3A_94 = tpu.vector_load %arg11[%swap3A, %swap3A_93] {strides = array<i32>} : memref<80x128xf32, #tpu.memory_space<vmem>>, vector<16xf32>,
      tpu.vector_store %arg11[%swap3A, %swap3A_93], %max3A_92 {strides = array<i32>} : memref<80x128xf32, #tpu.memory_space<vmem>>, vector<16xf32>,
      %get3A_95 = arith.index_cast %scan3A_84 : i32 to index
      %get3A_96 = arith.constant 16 : index
      %get3A_97 = tpu.vector_load %arg11[%get3A_95, %get3A_96] {strides = array<i32>} : memref<80x128xf32, #tpu.memory_space<vmem>>, vector<16xf32>,
      %get3A_98 = arith.index_cast %scan3A_84 : i32 to index
      %get3A_99 = arith.constant 16 : index
      %get3A_100 = tpu.vector_load %arg13[%get3A_98, %get3A_99] {strides = array<i32>} : memref<80x128xf32, #tpu.memory_space<vmem>>, vector<16xf32>,
      %add3A_101 = arith.addf %get3A_97, %get3A_100 : vector<16xf32>
      %max3A_102 = arith.constant 0.000000e+00 : f32
      %max3A_103 = vector.broadcast %max3A_102 : f32 to vector<16xf32>
      %max3A_104 = arith.maximumf %add3A_101, %max3A_103 : vector<16xf32>
      %swap3A_105 = arith.index_cast %scan3A_84 : i32 to index
      %swap3A_106 = arith.constant 16 : index
      %swap3A_107 = tpu.vector_load %arg11[%swap3A_105, %swap3A_106] {strides = array<i32>} : memref<80x128xf32, #tpu.memory_space<vmem>>, vector<16xf32>,
      tpu.vector_store %arg11[%swap3A_105, %swap3A_106], %max3A_104 {strides = array<i32>} : memref<80x128xf32, #tpu.memory_space<vmem>>, vector<16xf32>,
      %get3A_108 = arith.index_cast %scan3A_84 : i32 to index
      %get3A_109 = arith.constant 32 : index
      %get3A_110 = tpu.vector_load %arg11[%get3A_108, %get3A_109] {strides = array<i32>} : memref<80x128xf32, #tpu.memory_space<vmem>>, vector<16xf32>,
      %get3A_111 = arith.index_cast %scan3A_84 : i32 to index
      %get3A_112 = arith.constant 32 : index
      %get3A_113 = tpu.vector_load %arg13[%get3A_111, %get3A_112] {strides = array<i32>} : memref<80x128xf32, #tpu.memory_space<vmem>>, vector<16xf32>,
      %add3A_114 = arith.addf %get3A_110, %get3A_113 : vector<16xf32>
      %max3A_115 = arith.constant 0.000000e+00 : f32
      %max3A_116 = vector.broadcast %max3A_115 : f32 to vector<16xf32>
      %max3A_117 = arith.maximumf %add3A_114, %max3A_116 : vector<16xf32>
      %swap3A_118 = arith.index_cast %scan3A_84 : i32 to index
      %swap3A_119 = arith.constant 32 : index
      %swap3A_120 = tpu.vector_load %arg11[%swap3A_118, %swap3A_119] {strides = array<i32>} : memref<80x128xf32, #tpu.memory_space<vmem>>, vector<16xf32>,
      tpu.vector_store %arg11[%swap3A_118, %swap3A_119], %max3A_117 {strides = array<i32>} : memref<80x128xf32, #tpu.memory_space<vmem>>, vector<16xf32>,
      %get3A_121 = arith.index_cast %scan3A_84 : i32 to index
      %get3A_122 = arith.constant 48 : index
      %get3A_123 = tpu.vector_load %arg11[%get3A_121, %get3A_122] {strides = array<i32>} : memref<80x128xf32, #tpu.memory_space<vmem>>, vector<16xf32>,
      %get3A_124 = arith.index_cast %scan3A_84 : i32 to index
      %get3A_125 = arith.constant 48 : index
      %get3A_126 = tpu.vector_load %arg13[%get3A_124, %get3A_125] {strides = array<i32>} : memref<80x128xf32, #tpu.memory_space<vmem>>, vector<16xf32>,
      %add3A_127 = arith.addf %get3A_123, %get3A_126 : vector<16xf32>
      %max3A_128 = arith.constant 0.000000e+00 : f32
      %max3A_129 = vector.broadcast %max3A_128 : f32 to vector<16xf32>
      %max3A_130 = arith.maximumf %add3A_127, %max3A_129 : vector<16xf32>
      %swap3A_131 = arith.index_cast %scan3A_84 : i32 to index
      %swap3A_132 = arith.constant 48 : index
      %swap3A_133 = tpu.vector_load %arg11[%swap3A_131, %swap3A_132] {strides = array<i32>} : memref<80x128xf32, #tpu.memory_space<vmem>>, vector<16xf32>,
      tpu.vector_store %arg11[%swap3A_131, %swap3A_132], %max3A_130 {strides = array<i32>} : memref<80x128xf32, #tpu.memory_space<vmem>>, vector<16xf32>,
      %get3A_134 = arith.index_cast %scan3A_84 : i32 to index
      %get3A_135 = arith.constant 64 : index
      %get3A_136 = tpu.vector_load %arg11[%get3A_134, %get3A_135] {strides = array<i32>} : memref<80x128xf32, #tpu.memory_space<vmem>>, vector<16xf32>,
      %get3A_137 = arith.index_cast %scan3A_84 : i32 to index
      %get3A_138 = arith.constant 64 : index
      %get3A_139 = tpu.vector_load %arg13[%get3A_137, %get3A_138] {strides = array<i32>} : memref<80x128xf32, #tpu.memory_space<vmem>>, vector<16xf32>,
      %add3A_140 = arith.addf %get3A_136, %get3A_139 : vector<16xf32>
      %max3A_141 = arith.constant 0.000000e+00 : f32
      %max3A_142 = vector.broadcast %max3A_141 : f32 to vector<16xf32>
      %max3A_143 = arith.maximumf %add3A_140, %max3A_142 : vector<16xf32>
      %swap3A_144 = arith.index_cast %scan3A_84 : i32 to index
      %swap3A_145 = arith.constant 64 : index
      %swap3A_146 = tpu.vector_load %arg11[%swap3A_144, %swap3A_145] {strides = array<i32>} : memref<80x128xf32, #tpu.memory_space<vmem>>, vector<16xf32>,
      tpu.vector_store %arg11[%swap3A_144, %swap3A_145], %max3A_143 {strides = array<i32>} : memref<80x128xf32, #tpu.memory_space<vmem>>, vector<16xf32>,
      %get3A_147 = arith.index_cast %scan3A_84 : i32 to index
      %get3A_148 = arith.constant 80 : index
      %get3A_149 = tpu.vector_load %arg11[%get3A_147, %get3A_148] {strides = array<i32>} : memref<80x128xf32, #tpu.memory_space<vmem>>, vector<16xf32>,
      %get3A_150 = arith.index_cast %scan3A_84 : i32 to index
      %get3A_151 = arith.constant 80 : index
      %get3A_152 = tpu.vector_load %arg13[%get3A_150, %get3A_151] {strides = array<i32>} : memref<80x128xf32, #tpu.memory_space<vmem>>, vector<16xf32>,
      %add3A_153 = arith.addf %get3A_149, %get3A_152 : vector<16xf32>
      %max3A_154 = arith.constant 0.000000e+00 : f32
      %max3A_155 = vector.broadcast %max3A_154 : f32 to vector<16xf32>
      %max3A_156 = arith.maximumf %add3A_153, %max3A_155 : vector<16xf32>
      %swap3A_157 = arith.index_cast %scan3A_84 : i32 to index
      %swap3A_158 = arith.constant 80 : index
      %swap3A_159 = tpu.vector_load %arg11[%swap3A_157, %swap3A_158] {strides = array<i32>} : memref<80x128xf32, #tpu.memory_space<vmem>>, vector<16xf32>,
      tpu.vector_store %arg11[%swap3A_157, %swap3A_158], %max3A_156 {strides = array<i32>} : memref<80x128xf32, #tpu.memory_space<vmem>>, vector<16xf32>,
      %get3A_160 = arith.index_cast %scan3A_84 : i32 to index
      %get3A_161 = arith.constant 96 : index
      %get3A_162 = tpu.vector_load %arg11[%get3A_160, %get3A_161] {strides = array<i32>} : memref<80x128xf32, #tpu.memory_space<vmem>>, vector<16xf32>,
      %get3A_163 = arith.index_cast %scan3A_84 : i32 to index
      %get3A_164 = arith.constant 96 : index
      %get3A_165 = tpu.vector_load %arg13[%get3A_163, %get3A_164] {strides = array<i32>} : memref<80x128xf32, #tpu.memory_space<vmem>>, vector<16xf32>,
      %add3A_166 = arith.addf %get3A_162, %get3A_165 : vector<16xf32>
      %max3A_167 = arith.constant 0.000000e+00 : f32
      %max3A_168 = vector.broadcast %max3A_167 : f32 to vector<16xf32>
      %max3A_169 = arith.maximumf %add3A_166, %max3A_168 : vector<16xf32>
      %swap3A_170 = arith.index_cast %scan3A_84 : i32 to index
      %swap3A_171 = arith.constant 96 : index
      %swap3A_172 = tpu.vector_load %arg11[%swap3A_170, %swap3A_171] {strides = array<i32>} : memref<80x128xf32, #tpu.memory_space<vmem>>, vector<16xf32>,
      tpu.vector_store %arg11[%swap3A_170, %swap3A_171], %max3A_169 {strides = array<i32>} : memref<80x128xf32, #tpu.memory_space<vmem>>, vector<16xf32>,
      %get3A_173 = arith.index_cast %scan3A_84 : i32 to index
      %get3A_174 = arith.constant 112 : index
      %get3A_175 = tpu.vector_load %arg11[%get3A_173, %get3A_174] {strides = array<i32>} : memref<80x128xf32, #tpu.memory_space<vmem>>, vector<16xf32>,
      %get3A_176 = arith.index_cast %scan3A_84 : i32 to index
      %get3A_177 = arith.constant 112 : index
      %get3A_178 = tpu.vector_load %arg13[%get3A_176, %get3A_177] {strides = array<i32>} : memref<80x128xf32, #tpu.memory_space<vmem>>, vector<16xf32>,
      %add3A_179 = arith.addf %get3A_175, %get3A_178 : vector<16xf32>
      %max3A_180 = arith.constant 0.000000e+00 : f32
      %max3A_181 = vector.broadcast %max3A_180 : f32 to vector<16xf32>
      %max3A_182 = arith.maximumf %add3A_179, %max3A_181 : vector<16xf32>
      %swap3A_183 = arith.index_cast %scan3A_84 : i32 to index
      %swap3A_184 = arith.constant 112 : index
      %swap3A_185 = tpu.vector_load %arg11[%swap3A_183, %swap3A_184] {strides = array<i32>} : memref<80x128xf32, #tpu.memory_space<vmem>>, vector<16xf32>,
      tpu.vector_store %arg11[%swap3A_183, %swap3A_184], %max3A_182 {strides = array<i32>} : memref<80x128xf32, #tpu.memory_space<vmem>>, vector<16xf32>,
    }
    %scan3A_53 = arith.constant 80 : i32
    %add3A_54 = arith.constant 9920 : i32
    %add3A_55 = arith.addi %mul3A_2, %add3A_54 : i32
    %dma_start3A_56 = arith.constant 0 : i32
    %dma_start3A_57 = tpu.memref_slice %arg7[%add3A_55, %dma_start3A_56] : memref<320000x128xf32, #tpu.memory_space<hbm>> -> memref<80x128xf32, #tpu.memory_space<hbm>>
    %dma_start3A_58 = arith.constant 0 : i32
    %dma_start3A_59 = tpu.memref_slice %arg7[%add3A_55, %dma_start3A_58] : memref<320000x128xf32, #tpu.memory_space<hbm>> -> memref<80x128xf32, #tpu.memory_space<hbm>>
    tpu.enqueue_dma source(%arg11 : memref<80x128xf32, #tpu.memory_space<vmem>>) target(%dma_start3A_59 : memref<80x128xf32, #tpu.memory_space<hbm>>) target_semaphore(%arg21 : memref<!tpu.dma_semaphore, #tpu.memory_space<semaphore_mem>>)
    %dma_start3A_60 = arith.constant 0 : i32
    %dma_start3A_61 = tpu.memref_slice %arg8[%add3A_55, %dma_start3A_60] : memref<320000x128xf32, #tpu.memory_space<hbm>> -> memref<80x128xf32, #tpu.memory_space<hbm>>
    %dma_start3A_62 = arith.constant 0 : i32
    %dma_start3A_63 = tpu.memref_slice %arg8[%add3A_55, %dma_start3A_62] : memref<320000x128xf32, #tpu.memory_space<hbm>> -> memref<80x128xf32, #tpu.memory_space<hbm>>
    tpu.enqueue_dma source(%arg12 : memref<80x128xf32, #tpu.memory_space<vmem>>) target(%dma_start3A_63 : memref<80x128xf32, #tpu.memory_space<hbm>>) target_semaphore(%arg21 : memref<!tpu.dma_semaphore, #tpu.memory_space<semaphore_mem>>)
    %add3A_64 = arith.constant 9840 : i32
    %add3A_65 = arith.addi %mul3A_2, %add3A_64 : i32
    %dma_wait3A_66 = arith.constant 0 : i32
    %dma_wait3A_67 = tpu.memref_slice %arg7[%add3A_65, %dma_wait3A_66] : memref<320000x128xf32, #tpu.memory_space<hbm>> -> memref<80x128xf32, #tpu.memory_space<hbm>>
    %dma_wait3A_68 = arith.constant 0 : i32
    %dma_wait3A_69 = tpu.memref_slice %arg7[%add3A_65, %dma_wait3A_68] : memref<320000x128xf32, #tpu.memory_space<hbm>> -> memref<80x128xf32, #tpu.memory_space<hbm>>
    tpu.wait_dma2 semaphore(%arg24 : memref<!tpu.dma_semaphore, #tpu.memory_space<semaphore_mem>>) src(%arg16 : memref<80x128xf32, #tpu.memory_space<vmem>>) dst(%dma_wait3A_69 : memref<80x128xf32, #tpu.memory_space<hbm>>)
    %dma_wait3A_70 = arith.constant 0 : i32
    %dma_wait3A_71 = tpu.memref_slice %arg8[%add3A_65, %dma_wait3A_70] : memref<320000x128xf32, #tpu.memory_space<hbm>> -> memref<80x128xf32, #tpu.memory_space<hbm>>
    %dma_wait3A_72 = arith.constant 0 : i32
    %dma_wait3A_73 = tpu.memref_slice %arg8[%add3A_65, %dma_wait3A_72] : memref<320000x128xf32, #tpu.memory_space<hbm>> -> memref<80x128xf32, #tpu.memory_space<hbm>>
    tpu.wait_dma2 semaphore(%arg24 : memref<!tpu.dma_semaphore, #tpu.memory_space<semaphore_mem>>) src(%arg17 : memref<80x128xf32, #tpu.memory_space<vmem>>) dst(%dma_wait3A_73 : memref<80x128xf32, #tpu.memory_space<hbm>>)
    %add3A_74 = arith.constant 9920 : i32
    %add3A_75 = arith.addi %mul3A_2, %add3A_74 : i32
    %dma_wait3A_76 = arith.constant 0 : i32
    %dma_wait3A_77 = tpu.memref_slice %arg7[%add3A_75, %dma_wait3A_76] : memref<320000x128xf32, #tpu.memory_space<hbm>> -> memref<80x128xf32, #tpu.memory_space<hbm>>
    %dma_wait3A_78 = arith.constant 0 : i32
    %dma_wait3A_79 = tpu.memref_slice %arg7[%add3A_75, %dma_wait3A_78] : memref<320000x128xf32, #tpu.memory_space<hbm>> -> memref<80x128xf32, #tpu.memory_space<hbm>>
    tpu.wait_dma2 semaphore(%arg21 : memref<!tpu.dma_semaphore, #tpu.memory_space<semaphore_mem>>) src(%arg11 : memref<80x128xf32, #tpu.memory_space<vmem>>) dst(%dma_wait3A_79 : memref<80x128xf32, #tpu.memory_space<hbm>>)
    %dma_wait3A_80 = arith.constant 0 : i32
    %dma_wait3A_81 = tpu.memref_slice %arg8[%add3A_75, %dma_wait3A_80] : memref<320000x128xf32, #tpu.memory_space<hbm>> -> memref<80x128xf32, #tpu.memory_space<hbm>>
    %dma_wait3A_82 = arith.constant 0 : i32
    %dma_wait3A_83 = tpu.memref_slice %arg8[%add3A_75, %dma_wait3A_82] : memref<320000x128xf32, #tpu.memory_space<hbm>> -> memref<80x128xf32, #tpu.memory_space<hbm>>
    tpu.wait_dma2 semaphore(%arg21 : memref<!tpu.dma_semaphore, #tpu.memory_space<semaphore_mem>>) src(%arg12 : memref<80x128xf32, #tpu.memory_space<vmem>>) dst(%dma_wait3A_83 : memref<80x128xf32, #tpu.memory_space<hbm>>)
    return
  }
}

module attributes {stable_mosaic.version = 14 : i64} {
  func.func @_r_body(%arg0: i32, %arg1: memref<6400x16xf32, #tpu.memory_space<vmem>>, %arg2: memref<128x16xf32, #tpu.memory_space<vmem>>, %arg3: memref<1x128xf32, #tpu.memory_space<vmem>>, %arg4: memref<400x16xi32, #tpu.memory_space<vmem>>, %arg5: memref<10000x128xf32, #tpu.memory_space<vmem>>, %arg6: memref<128x128xf32, #tpu.memory_space<vmem>>, %arg7: memref<128x128xf32, #tpu.memory_space<vmem>>, %arg8: memref<6400x128xf32, #tpu.memory_space<vmem>>, %arg9: memref<200x1xi32, #tpu.memory_space<vmem>>, %arg10: memref<10000x128xf32, #tpu.memory_space<vmem>>, %arg11: memref<10000x128xf32, #tpu.memory_space<vmem>>) attributes {dimension_semantics = [#tpu.dimension_semantics<arbitrary>], iteration_bounds = array<i64: 50>, scalar_prefetch = 0 : i64, scratch_operands = 0 : i64, tpu.core_type = #tpu.core_type<tc>, window_params = [{transform_indices = @transform_0, window_bounds = array<i64: 6400, 16>}, {pipeline_mode = #tpu.pipeline_mode<synchronous>, transform_indices = @transform_1, window_bounds = array<i64: 128, 16>}, {pipeline_mode = #tpu.pipeline_mode<synchronous>, transform_indices = @transform_2, window_bounds = array<i64: 1, 128>}, {transform_indices = @transform_3, window_bounds = array<i64: 400, 16>}, {pipeline_mode = #tpu.pipeline_mode<synchronous>, transform_indices = @transform_4, window_bounds = array<i64: 10000, 128>}, {pipeline_mode = #tpu.pipeline_mode<synchronous>, transform_indices = @transform_5, window_bounds = array<i64: 128, 128>}, {pipeline_mode = #tpu.pipeline_mode<synchronous>, transform_indices = @transform_6, window_bounds = array<i64: 128, 128>}, {transform_indices = @transform_7, window_bounds = array<i64: 6400, 128>}, {transform_indices = @transform_8, window_bounds = array<i64: 200, 1>}, {pipeline_mode = #tpu.pipeline_mode<synchronous>, transform_indices = @transform_9, window_bounds = array<i64: 10000, 128>}, {pipeline_mode = #tpu.pipeline_mode<synchronous>, transform_indices = @transform_10, window_bounds = array<i64: 10000, 128>}]} {
    %eq3A = arith.constant 0 : i32
    %eq3A_0 = arith.cmpi eq, %arg0, %eq3A : i32
    %convert_element_type3A = arith.extui %eq3A_0 : i1 to i32
    %cond3A = arith.constant 0 : i32
    %cond3A_1 = arith.cmpi ne, %convert_element_type3A, %cond3A : i32
    scf.if %cond3A_1 {
      %get3A_106 = arith.constant 0 : index
      %get3A_107 = arith.constant 0 : index
      %get3A_108 = vector.load %arg5[%get3A_106, %get3A_107] : memref<10000x128xf32, #tpu.memory_space<vmem>>, vector<10000x128xf32>
      %get3A_109 = arith.constant 0 : index
      %get3A_110 = arith.constant 0 : index
      %get3A_111 = vector.load %arg6[%get3A_109, %get3A_110] : memref<128x128xf32, #tpu.memory_space<vmem>>, vector<128x128xf32>
      %dot_general3A_112 = arith.constant dense<0.000000e+00> : vector<10000x128xf32>
      %dot_general3A_113 = tpu.matmul %get3A_108, %get3A_111, %dot_general3A_112 {dimension_numbers = #tpu.dot_dimension_numbers<[1], [1], [0], [0], [0, 0, 1, 0], [], []>, transpose_lhs_hint = false} : vector<10000x128xf32>, vector<128x128xf32>, vector<10000x128xf32> -> vector<10000x128xf32>
      %swap3A_114 = arith.constant 0 : index
      %swap3A_115 = arith.constant 0 : index
      %swap3A_116 = vector.load %arg10[%swap3A_114, %swap3A_115] : memref<10000x128xf32, #tpu.memory_space<vmem>>, vector<10000x128xf32>
      tpu.vector_store %arg10[%swap3A_114, %swap3A_115], %dot_general3A_113 {strides = array<i32>} : memref<10000x128xf32, #tpu.memory_space<vmem>>, vector<10000x128xf32>,
      %get3A_117 = arith.constant 0 : index
      %get3A_118 = arith.constant 0 : index
      %get3A_119 = vector.load %arg7[%get3A_117, %get3A_118] : memref<128x128xf32, #tpu.memory_space<vmem>>, vector<128x128xf32>
      %dot_general3A_120 = arith.constant dense<0.000000e+00> : vector<10000x128xf32>
      %dot_general3A_121 = tpu.matmul %get3A_108, %get3A_119, %dot_general3A_120 {dimension_numbers = #tpu.dot_dimension_numbers<[1], [1], [0], [0], [0, 0, 1, 0], [], []>, transpose_lhs_hint = false} : vector<10000x128xf32>, vector<128x128xf32>, vector<10000x128xf32> -> vector<10000x128xf32>
      %swap3A_122 = arith.constant 0 : index
      %swap3A_123 = arith.constant 0 : index
      %swap3A_124 = vector.load %arg11[%swap3A_122, %swap3A_123] : memref<10000x128xf32, #tpu.memory_space<vmem>>, vector<10000x128xf32>
      tpu.vector_store %arg11[%swap3A_122, %swap3A_123], %dot_general3A_121 {strides = array<i32>} : memref<10000x128xf32, #tpu.memory_space<vmem>>, vector<10000x128xf32>,
    } else {
    }
    %get3A = arith.constant 0 : index
    %get3A_2 = arith.constant 0 : index
    %get3A_3 = vector.load %arg1[%get3A, %get3A_2] : memref<6400x16xf32, #tpu.memory_space<vmem>>, vector<6400x16xf32>
    %get3A_4 = arith.constant 0 : index
    %get3A_5 = arith.constant 0 : index
    %get3A_6 = vector.load %arg2[%get3A_4, %get3A_5] : memref<128x16xf32, #tpu.memory_space<vmem>>, vector<128x16xf32>
    %dot_general3A = arith.constant dense<0.000000e+00> : vector<6400x128xf32>
    %dot_general3A_7 = tpu.matmul %get3A_3, %get3A_6, %dot_general3A {dimension_numbers = #tpu.dot_dimension_numbers<[1], [1], [0], [0], [0, 0, 1, 0], [], []>, transpose_lhs_hint = false} : vector<6400x16xf32>, vector<128x16xf32>, vector<6400x128xf32> -> vector<6400x128xf32>
    %get3A_8 = arith.constant 0 : index
    %get3A_9 = arith.constant 0 : index
    %get3A_10 = vector.load %arg3[%get3A_8, %get3A_9] : memref<1x128xf32, #tpu.memory_space<vmem>>, vector<1x128xf32>
    %add3A = vector.broadcast %get3A_10 : vector<1x128xf32> to vector<6400x128xf32>
    %add3A_11 = arith.addf %dot_general3A_7, %add3A : vector<6400x128xf32>
    %swap3A = arith.constant 0 : index
    %swap3A_12 = arith.constant 0 : index
    %swap3A_13 = vector.load %arg8[%swap3A, %swap3A_12] : memref<6400x128xf32, #tpu.memory_space<vmem>>, vector<6400x128xf32>
    tpu.vector_store %arg8[%swap3A, %swap3A_12], %add3A_11 {strides = array<i32>} : memref<6400x128xf32, #tpu.memory_space<vmem>>, vector<6400x128xf32>,
    %get3A_14 = arith.constant 0 : index
    %get3A_15 = arith.constant 0 : index
    %get3A_16 = vector.load %arg4[%get3A_14, %get3A_15] : memref<400x16xi32, #tpu.memory_space<vmem>>, vector<400x16xi32>
    %slice3A = vector.extract_strided_slice %get3A_16 {offsets = [0, 1], sizes = [400, 15], strides = [1, 1]} : vector<400x16xi32> to vector<400x15xi32>
    %slice3A_17 = vector.extract_strided_slice %get3A_16 {offsets = [0, 0], sizes = [400, 1], strides = [1, 1]} : vector<400x16xi32> to vector<400x1xi32>
    %concatenate3A = tpu.concatenate %slice3A, %slice3A_17 in 1 : vector<400x15xi32>, vector<400x1xi32> -> vector<400x16xi32>
    %eq3A_18 = arith.cmpi eq, %get3A_16, %concatenate3A : vector<400x16xi32>
    %slice3A_19 = vector.extract_strided_slice %get3A_16 {offsets = [0, 2], sizes = [400, 14], strides = [1, 1]} : vector<400x16xi32> to vector<400x14xi32>
    %slice3A_20 = vector.extract_strided_slice %get3A_16 {offsets = [0, 0], sizes = [400, 2], strides = [1, 1]} : vector<400x16xi32> to vector<400x2xi32>
    %concatenate3A_21 = tpu.concatenate %slice3A_19, %slice3A_20 in 1 : vector<400x14xi32>, vector<400x2xi32> -> vector<400x16xi32>
    %eq3A_22 = arith.cmpi eq, %get3A_16, %concatenate3A_21 : vector<400x16xi32>
    %or3A = arith.ori %eq3A_18, %eq3A_22 : vector<400x16xi1>
    %slice3A_23 = vector.extract_strided_slice %get3A_16 {offsets = [0, 3], sizes = [400, 13], strides = [1, 1]} : vector<400x16xi32> to vector<400x13xi32>
    %slice3A_24 = vector.extract_strided_slice %get3A_16 {offsets = [0, 0], sizes = [400, 3], strides = [1, 1]} : vector<400x16xi32> to vector<400x3xi32>
    %concatenate3A_25 = tpu.concatenate %slice3A_23, %slice3A_24 in 1 : vector<400x13xi32>, vector<400x3xi32> -> vector<400x16xi32>
    %eq3A_26 = arith.cmpi eq, %get3A_16, %concatenate3A_25 : vector<400x16xi32>
    %or3A_27 = arith.ori %or3A, %eq3A_26 : vector<400x16xi1>
    %slice3A_28 = vector.extract_strided_slice %get3A_16 {offsets = [0, 4], sizes = [400, 12], strides = [1, 1]} : vector<400x16xi32> to vector<400x12xi32>
    %slice3A_29 = vector.extract_strided_slice %get3A_16 {offsets = [0, 0], sizes = [400, 4], strides = [1, 1]} : vector<400x16xi32> to vector<400x4xi32>
    %concatenate3A_30 = tpu.concatenate %slice3A_28, %slice3A_29 in 1 : vector<400x12xi32>, vector<400x4xi32> -> vector<400x16xi32>
    %eq3A_31 = arith.cmpi eq, %get3A_16, %concatenate3A_30 : vector<400x16xi32>
    %or3A_32 = arith.ori %or3A_27, %eq3A_31 : vector<400x16xi1>
    %slice3A_33 = vector.extract_strided_slice %get3A_16 {offsets = [0, 5], sizes = [400, 11], strides = [1, 1]} : vector<400x16xi32> to vector<400x11xi32>
    %slice3A_34 = vector.extract_strided_slice %get3A_16 {offsets = [0, 0], sizes = [400, 5], strides = [1, 1]} : vector<400x16xi32> to vector<400x5xi32>
    %concatenate3A_35 = tpu.concatenate %slice3A_33, %slice3A_34 in 1 : vector<400x11xi32>, vector<400x5xi32> -> vector<400x16xi32>
    %eq3A_36 = arith.cmpi eq, %get3A_16, %concatenate3A_35 : vector<400x16xi32>
    %or3A_37 = arith.ori %or3A_32, %eq3A_36 : vector<400x16xi1>
    %slice3A_38 = vector.extract_strided_slice %get3A_16 {offsets = [0, 6], sizes = [400, 10], strides = [1, 1]} : vector<400x16xi32> to vector<400x10xi32>
    %slice3A_39 = vector.extract_strided_slice %get3A_16 {offsets = [0, 0], sizes = [400, 6], strides = [1, 1]} : vector<400x16xi32> to vector<400x6xi32>
    %concatenate3A_40 = tpu.concatenate %slice3A_38, %slice3A_39 in 1 : vector<400x10xi32>, vector<400x6xi32> -> vector<400x16xi32>
    %eq3A_41 = arith.cmpi eq, %get3A_16, %concatenate3A_40 : vector<400x16xi32>
    %or3A_42 = arith.ori %or3A_37, %eq3A_41 : vector<400x16xi1>
    %slice3A_43 = vector.extract_strided_slice %get3A_16 {offsets = [0, 7], sizes = [400, 9], strides = [1, 1]} : vector<400x16xi32> to vector<400x9xi32>
    %slice3A_44 = vector.extract_strided_slice %get3A_16 {offsets = [0, 0], sizes = [400, 7], strides = [1, 1]} : vector<400x16xi32> to vector<400x7xi32>
    %concatenate3A_45 = tpu.concatenate %slice3A_43, %slice3A_44 in 1 : vector<400x9xi32>, vector<400x7xi32> -> vector<400x16xi32>
    %eq3A_46 = arith.cmpi eq, %get3A_16, %concatenate3A_45 : vector<400x16xi32>
    %or3A_47 = arith.ori %or3A_42, %eq3A_46 : vector<400x16xi1>
    %slice3A_48 = vector.extract_strided_slice %get3A_16 {offsets = [0, 8], sizes = [400, 8], strides = [1, 1]} : vector<400x16xi32> to vector<400x8xi32>
    %slice3A_49 = vector.extract_strided_slice %get3A_16 {offsets = [0, 0], sizes = [400, 8], strides = [1, 1]} : vector<400x16xi32> to vector<400x8xi32>
    %concatenate3A_50 = tpu.concatenate %slice3A_48, %slice3A_49 in 1 : vector<400x8xi32>, vector<400x8xi32> -> vector<400x16xi32>
    %eq3A_51 = arith.cmpi eq, %get3A_16, %concatenate3A_50 : vector<400x16xi32>
    %or3A_52 = arith.ori %or3A_47, %eq3A_51 : vector<400x16xi1>
    %slice3A_53 = vector.extract_strided_slice %get3A_16 {offsets = [0, 9], sizes = [400, 7], strides = [1, 1]} : vector<400x16xi32> to vector<400x7xi32>
    %slice3A_54 = vector.extract_strided_slice %get3A_16 {offsets = [0, 0], sizes = [400, 9], strides = [1, 1]} : vector<400x16xi32> to vector<400x9xi32>
    %concatenate3A_55 = tpu.concatenate %slice3A_53, %slice3A_54 in 1 : vector<400x7xi32>, vector<400x9xi32> -> vector<400x16xi32>
    %eq3A_56 = arith.cmpi eq, %get3A_16, %concatenate3A_55 : vector<400x16xi32>
    %or3A_57 = arith.ori %or3A_52, %eq3A_56 : vector<400x16xi1>
    %slice3A_58 = vector.extract_strided_slice %get3A_16 {offsets = [0, 10], sizes = [400, 6], strides = [1, 1]} : vector<400x16xi32> to vector<400x6xi32>
    %slice3A_59 = vector.extract_strided_slice %get3A_16 {offsets = [0, 0], sizes = [400, 10], strides = [1, 1]} : vector<400x16xi32> to vector<400x10xi32>
    %concatenate3A_60 = tpu.concatenate %slice3A_58, %slice3A_59 in 1 : vector<400x6xi32>, vector<400x10xi32> -> vector<400x16xi32>
    %eq3A_61 = arith.cmpi eq, %get3A_16, %concatenate3A_60 : vector<400x16xi32>
    %or3A_62 = arith.ori %or3A_57, %eq3A_61 : vector<400x16xi1>
    %slice3A_63 = vector.extract_strided_slice %get3A_16 {offsets = [0, 11], sizes = [400, 5], strides = [1, 1]} : vector<400x16xi32> to vector<400x5xi32>
    %slice3A_64 = vector.extract_strided_slice %get3A_16 {offsets = [0, 0], sizes = [400, 11], strides = [1, 1]} : vector<400x16xi32> to vector<400x11xi32>
    %concatenate3A_65 = tpu.concatenate %slice3A_63, %slice3A_64 in 1 : vector<400x5xi32>, vector<400x11xi32> -> vector<400x16xi32>
    %eq3A_66 = arith.cmpi eq, %get3A_16, %concatenate3A_65 : vector<400x16xi32>
    %or3A_67 = arith.ori %or3A_62, %eq3A_66 : vector<400x16xi1>
    %slice3A_68 = vector.extract_strided_slice %get3A_16 {offsets = [0, 12], sizes = [400, 4], strides = [1, 1]} : vector<400x16xi32> to vector<400x4xi32>
    %slice3A_69 = vector.extract_strided_slice %get3A_16 {offsets = [0, 0], sizes = [400, 12], strides = [1, 1]} : vector<400x16xi32> to vector<400x12xi32>
    %concatenate3A_70 = tpu.concatenate %slice3A_68, %slice3A_69 in 1 : vector<400x4xi32>, vector<400x12xi32> -> vector<400x16xi32>
    %eq3A_71 = arith.cmpi eq, %get3A_16, %concatenate3A_70 : vector<400x16xi32>
    %or3A_72 = arith.ori %or3A_67, %eq3A_71 : vector<400x16xi1>
    %slice3A_73 = vector.extract_strided_slice %get3A_16 {offsets = [0, 13], sizes = [400, 3], strides = [1, 1]} : vector<400x16xi32> to vector<400x3xi32>
    %slice3A_74 = vector.extract_strided_slice %get3A_16 {offsets = [0, 0], sizes = [400, 13], strides = [1, 1]} : vector<400x16xi32> to vector<400x13xi32>
    %concatenate3A_75 = tpu.concatenate %slice3A_73, %slice3A_74 in 1 : vector<400x3xi32>, vector<400x13xi32> -> vector<400x16xi32>
    %eq3A_76 = arith.cmpi eq, %get3A_16, %concatenate3A_75 : vector<400x16xi32>
    %or3A_77 = arith.ori %or3A_72, %eq3A_76 : vector<400x16xi1>
    %slice3A_78 = vector.extract_strided_slice %get3A_16 {offsets = [0, 14], sizes = [400, 2], strides = [1, 1]} : vector<400x16xi32> to vector<400x2xi32>
    %slice3A_79 = vector.extract_strided_slice %get3A_16 {offsets = [0, 0], sizes = [400, 14], strides = [1, 1]} : vector<400x16xi32> to vector<400x14xi32>
    %concatenate3A_80 = tpu.concatenate %slice3A_78, %slice3A_79 in 1 : vector<400x2xi32>, vector<400x14xi32> -> vector<400x16xi32>
    %eq3A_81 = arith.cmpi eq, %get3A_16, %concatenate3A_80 : vector<400x16xi32>
    %or3A_82 = arith.ori %or3A_77, %eq3A_81 : vector<400x16xi1>
    %slice3A_83 = vector.extract_strided_slice %get3A_16 {offsets = [0, 15], sizes = [400, 1], strides = [1, 1]} : vector<400x16xi32> to vector<400x1xi32>
    %slice3A_84 = vector.extract_strided_slice %get3A_16 {offsets = [0, 0], sizes = [400, 15], strides = [1, 1]} : vector<400x16xi32> to vector<400x15xi32>
    %concatenate3A_85 = tpu.concatenate %slice3A_83, %slice3A_84 in 1 : vector<400x1xi32>, vector<400x15xi32> -> vector<400x16xi32>
    %eq3A_86 = arith.cmpi eq, %get3A_16, %concatenate3A_85 : vector<400x16xi32>
    %or3A_87 = arith.ori %or3A_82, %eq3A_86 : vector<400x16xi1>
    %reduce_or3A = arith.constant 1.000000e+00 : f32
    %reduce_or3A_88 = arith.constant 0.000000e+00 : f32
    %reduce_or3A_89 = vector.broadcast %reduce_or3A : f32 to vector<400x16xf32>
    %reduce_or3A_90 = vector.broadcast %reduce_or3A_88 : f32 to vector<400x16xf32>
    %reduce_or3A_91 = arith.select %or3A_87, %reduce_or3A_89, %reduce_or3A_90 : vector<400x16xi1>, vector<400x16xf32>
    %reduce_or3A_92 = arith.constant dense<0xFF800000> : vector<400xf32>
    %reduce_or3A_93 = vector.multi_reduction <maximumf>, %reduce_or3A_91, %reduce_or3A_92 [1] : vector<400x16xf32> to vector<400xf32>
    %reduce_or3A_94 = arith.constant 0.000000e+00 : f32
    %reduce_or3A_95 = vector.broadcast %reduce_or3A_94 : f32 to vector<400xf32>
    %reduce_or3A_96 = arith.cmpf ogt, %reduce_or3A_93, %reduce_or3A_95 : vector<400xf32>
    %reshape3A = vector.shape_cast %reduce_or3A_96 : vector<400xi1> to vector<200x2xi1>
    %slice3A_97 = vector.extract_strided_slice %reshape3A {offsets = [0, 0], sizes = [200, 1], strides = [1, 1]} : vector<200x2xi1> to vector<200x1xi1>
    %squeeze3A = vector.shape_cast %slice3A_97 : vector<200x1xi1> to vector<200xi1>
    %slice3A_98 = vector.extract_strided_slice %reshape3A {offsets = [0, 1], sizes = [200, 1], strides = [1, 1]} : vector<200x2xi1> to vector<200x1xi1>
    %squeeze3A_99 = vector.shape_cast %slice3A_98 : vector<200x1xi1> to vector<200xi1>
    %or3A_100 = arith.ori %squeeze3A, %squeeze3A_99 : vector<200xi1>
    %convert_element_type3A_101 = arith.extui %or3A_100 : vector<200xi1> to vector<200xi32>
    %reshape3A_102 = vector.shape_cast %convert_element_type3A_101 : vector<200xi32> to vector<200x1xi32>
    %swap3A_103 = arith.constant 0 : index
    %swap3A_104 = arith.constant 0 : index
    %swap3A_105 = vector.load %arg9[%swap3A_103, %swap3A_104] : memref<200x1xi32, #tpu.memory_space<vmem>>, vector<200x1xi32>
    tpu.vector_store %arg9[%swap3A_103, %swap3A_104], %reshape3A_102 {strides = array<i32>} : memref<200x1xi32, #tpu.memory_space<vmem>>, vector<200x1xi32>,
    return
  }
  func.func @transform_0(%arg0: i32) -> (i32, i32) {
    %c0_i32 = arith.constant 0 : i32
    %c0_i32_0 = arith.constant 0 : i32
    return %arg0, %c0_i32 : i32, i32
  }
  func.func @transform_1(%arg0: i32) -> (i32, i32) {
    %c0_i32 = arith.constant 0 : i32
    %c0_i32_0 = arith.constant 0 : i32
    %c0_i32_1 = arith.constant 0 : i32
    return %c0_i32, %c0_i32_0 : i32, i32
  }
  func.func @transform_2(%arg0: i32) -> (i32, i32) {
    %c0_i32 = arith.constant 0 : i32
    %c0_i32_0 = arith.constant 0 : i32
    %c0_i32_1 = arith.constant 0 : i32
    return %c0_i32, %c0_i32_0 : i32, i32
  }
  func.func @transform_3(%arg0: i32) -> (i32, i32) {
    %c0_i32 = arith.constant 0 : i32
    %c0_i32_0 = arith.constant 0 : i32
    return %arg0, %c0_i32 : i32, i32
  }
  func.func @transform_4(%arg0: i32) -> (i32, i32) {
    %c0_i32 = arith.constant 0 : i32
    %c0_i32_0 = arith.constant 0 : i32
    %c0_i32_1 = arith.constant 0 : i32
    return %c0_i32, %c0_i32_0 : i32, i32
  }
  func.func @transform_5(%arg0: i32) -> (i32, i32) {
    %c0_i32 = arith.constant 0 : i32
    %c0_i32_0 = arith.constant 0 : i32
    %c0_i32_1 = arith.constant 0 : i32
    return %c0_i32, %c0_i32_0 : i32, i32
  }
  func.func @transform_6(%arg0: i32) -> (i32, i32) {
    %c0_i32 = arith.constant 0 : i32
    %c0_i32_0 = arith.constant 0 : i32
    %c0_i32_1 = arith.constant 0 : i32
    return %c0_i32, %c0_i32_0 : i32, i32
  }
  func.func @transform_7(%arg0: i32) -> (i32, i32) {
    %c0_i32 = arith.constant 0 : i32
    %c0_i32_0 = arith.constant 0 : i32
    return %arg0, %c0_i32 : i32, i32
  }
  func.func @transform_8(%arg0: i32) -> (i32, i32) {
    %c0_i32 = arith.constant 0 : i32
    %c0_i32_0 = arith.constant 0 : i32
    return %arg0, %c0_i32 : i32, i32
  }
  func.func @transform_9(%arg0: i32) -> (i32, i32) {
    %c0_i32 = arith.constant 0 : i32
    %c0_i32_0 = arith.constant 0 : i32
    %c0_i32_1 = arith.constant 0 : i32
    return %c0_i32, %c0_i32_0 : i32, i32
  }
  func.func @transform_10(%arg0: i32) -> (i32, i32) {
    %c0_i32 = arith.constant 0 : i32
    %c0_i32_0 = arith.constant 0 : i32
    %c0_i32_1 = arith.constant 0 : i32
    return %c0_i32, %c0_i32_0 : i32, i32
  }
}

module attributes {stable_mosaic.version = 14 : i64} {
  func.func @_hT_body(%arg0: i32, %arg1: memref<6400x128xf32, #tpu.memory_space<vmem>>, %arg2: memref<6400x128xf32, #tpu.memory_space<vmem>>, %arg3: memref<128x128xf32, #tpu.memory_space<vmem>>, %arg4: memref<128x1xf32, #tpu.memory_space<vmem>>, %arg5: memref<128x6400xf32, #tpu.memory_space<vmem>>) attributes {dimension_semantics = [#tpu.dimension_semantics<arbitrary>], iteration_bounds = array<i64: 50>, scalar_prefetch = 0 : i64, scratch_operands = 0 : i64, tpu.core_type = #tpu.core_type<tc>, window_params = [{transform_indices = @transform_0, window_bounds = array<i64: 6400, 128>}, {transform_indices = @transform_1, window_bounds = array<i64: 6400, 128>}, {pipeline_mode = #tpu.pipeline_mode<synchronous>, transform_indices = @transform_2, window_bounds = array<i64: 128, 128>}, {pipeline_mode = #tpu.pipeline_mode<synchronous>, transform_indices = @transform_3, window_bounds = array<i64: 128, 1>}, {transform_indices = @transform_4, window_bounds = array<i64: 128, 6400>}]} {
    %get3A = arith.constant 0 : index
    %get3A_0 = arith.constant 0 : index
    %get3A_1 = vector.load %arg3[%get3A, %get3A_0] : memref<128x128xf32, #tpu.memory_space<vmem>>, vector<128x128xf32>
    %get3A_2 = arith.constant 0 : index
    %get3A_3 = arith.constant 0 : index
    %get3A_4 = vector.load %arg1[%get3A_2, %get3A_3] : memref<6400x128xf32, #tpu.memory_space<vmem>>, vector<6400x128xf32>
    %dot_general3A = arith.constant dense<0.000000e+00> : vector<128x6400xf32>
    %dot_general3A_5 = tpu.matmul %get3A_1, %get3A_4, %dot_general3A {dimension_numbers = #tpu.dot_dimension_numbers<[1], [1], [0], [0], [0, 0, 1, 0], [], []>, transpose_lhs_hint = false} : vector<128x128xf32>, vector<6400x128xf32>, vector<128x6400xf32> -> vector<128x6400xf32>
    %get3A_6 = arith.constant 0 : index
    %get3A_7 = arith.constant 0 : index
    %get3A_8 = vector.load %arg2[%get3A_6, %get3A_7] : memref<6400x128xf32, #tpu.memory_space<vmem>>, vector<6400x128xf32>
    %transpose3A = tpu.transpose %get3A_8, [1, 0] : vector<6400x128xf32> -> vector<128x6400xf32>
    %add3A = arith.addf %dot_general3A_5, %transpose3A : vector<128x6400xf32>
    %get3A_9 = arith.constant 0 : index
    %get3A_10 = arith.constant 0 : index
    %get3A_11 = vector.load %arg4[%get3A_9, %get3A_10] : memref<128x1xf32, #tpu.memory_space<vmem>>, vector<128x1xf32>
    %add3A_12 = vector.broadcast %get3A_11 : vector<128x1xf32> to vector<128x6400xf32>
    %add3A_13 = arith.addf %add3A, %add3A_12 : vector<128x6400xf32>
    %swap3A = arith.constant 0 : index
    %swap3A_14 = arith.constant 0 : index
    %swap3A_15 = vector.load %arg5[%swap3A, %swap3A_14] : memref<128x6400xf32, #tpu.memory_space<vmem>>, vector<128x6400xf32>
    tpu.vector_store %arg5[%swap3A, %swap3A_14], %add3A_13 {strides = array<i32>} : memref<128x6400xf32, #tpu.memory_space<vmem>>, vector<128x6400xf32>,
    return
  }
  func.func @transform_0(%arg0: i32) -> (i32, i32) {
    %c0_i32 = arith.constant 0 : i32
    %c0_i32_0 = arith.constant 0 : i32
    return %arg0, %c0_i32 : i32, i32
  }
  func.func @transform_1(%arg0: i32) -> (i32, i32) {
    %c0_i32 = arith.constant 0 : i32
    %c0_i32_0 = arith.constant 0 : i32
    return %arg0, %c0_i32 : i32, i32
  }
  func.func @transform_2(%arg0: i32) -> (i32, i32) {
    %c0_i32 = arith.constant 0 : i32
    %c0_i32_0 = arith.constant 0 : i32
    %c0_i32_1 = arith.constant 0 : i32
    return %c0_i32, %c0_i32_0 : i32, i32
  }
  func.func @transform_3(%arg0: i32) -> (i32, i32) {
    %c0_i32 = arith.constant 0 : i32
    %c0_i32_0 = arith.constant 0 : i32
    %c0_i32_1 = arith.constant 0 : i32
    return %c0_i32, %c0_i32_0 : i32, i32
  }
  func.func @transform_4(%arg0: i32) -> (i32, i32) {
    %c0_i32 = arith.constant 0 : i32
    %c0_i32_0 = arith.constant 0 : i32
    return %c0_i32, %arg0 : i32, i32
  }
}

module attributes {stable_mosaic.version = 14 : i64} {
  func.func @_final_body(%arg0: memref<128x10000xf32, #tpu.memory_space<vmem>>, %arg1: memref<10000x1xi32, #tpu.memory_space<vmem>>, %arg2: memref<16x32xf32, #tpu.memory_space<vmem>>, %arg3: memref<128x128xf32, #tpu.memory_space<vmem>>, %arg4: memref<1x128xf32, #tpu.memory_space<vmem>>, %arg5: memref<128x32xf32, #tpu.memory_space<vmem>>, %arg6: memref<32x32xf32, #tpu.memory_space<vmem>>, %arg7: memref<32x128xf32, #tpu.memory_space<vmem>>, %arg8: memref<1x32xf32, #tpu.memory_space<vmem>>, %arg9: memref<10000x128xf32, #tpu.memory_space<vmem>>, %arg10: memref<16x32xf32, #tpu.memory_space<vmem>>) attributes {dimension_semantics = [], scalar_prefetch = 0 : i64, scratch_operands = 0 : i64, tpu.core_type = #tpu.core_type<tc>} {
    %get3A = arith.constant 0 : index
    %get3A_0 = arith.constant 0 : index
    %get3A_1 = vector.load %arg0[%get3A, %get3A_0] : memref<128x10000xf32, #tpu.memory_space<vmem>>, vector<128x10000xf32>
    %get3A_2 = arith.constant 0 : index
    %get3A_3 = arith.constant 0 : index
    %get3A_4 = vector.load %arg3[%get3A_2, %get3A_3] : memref<128x128xf32, #tpu.memory_space<vmem>>, vector<128x128xf32>
    %dot_general3A = arith.constant dense<0.000000e+00> : vector<10000x128xf32>
    %dot_general3A_5 = tpu.matmul %get3A_1, %get3A_4, %dot_general3A {dimension_numbers = #tpu.dot_dimension_numbers<[0], [1], [1], [0], [0, 1, 1, 0], [], []>, transpose_lhs_hint = false} : vector<128x10000xf32>, vector<128x128xf32>, vector<10000x128xf32> -> vector<10000x128xf32>
    %get3A_6 = arith.constant 0 : index
    %get3A_7 = arith.constant 0 : index
    %get3A_8 = vector.load %arg1[%get3A_6, %get3A_7] : memref<10000x1xi32, #tpu.memory_space<vmem>>, vector<10000x1xi32>
    %iota3A = tpu.iota {dimensions = array<i32: 1>} : vector<10000x16xi32>
    %eq3A = vector.broadcast %get3A_8 : vector<10000x1xi32> to vector<10000x16xi32>
    %eq3A_9 = arith.cmpi eq, %eq3A, %iota3A : vector<10000x16xi32>
    %convert_element_type3A = arith.extui %eq3A_9 : vector<10000x16xi1> to vector<10000x16xi32>
    %convert_element_type3A_10 = arith.sitofp %convert_element_type3A : vector<10000x16xi32> to vector<10000x16xf32>
    %get3A_11 = arith.constant 0 : index
    %get3A_12 = arith.constant 0 : index
    %get3A_13 = vector.load %arg2[%get3A_11, %get3A_12] : memref<16x32xf32, #tpu.memory_space<vmem>>, vector<16x32xf32>
    %get3A_14 = arith.constant 0 : index
    %get3A_15 = arith.constant 0 : index
    %get3A_16 = vector.load %arg5[%get3A_14, %get3A_15] : memref<128x32xf32, #tpu.memory_space<vmem>>, vector<128x32xf32>
    %dot_general3A_17 = arith.constant dense<0.000000e+00> : vector<16x128xf32>
    %dot_general3A_18 = tpu.matmul %get3A_13, %get3A_16, %dot_general3A_17 {dimension_numbers = #tpu.dot_dimension_numbers<[1], [1], [0], [0], [0, 0, 1, 0], [], []>, transpose_lhs_hint = false} : vector<16x32xf32>, vector<128x32xf32>, vector<16x128xf32> -> vector<16x128xf32>
    %dot_general3A_19 = arith.constant dense<0.000000e+00> : vector<10000x128xf32>
    %dot_general3A_20 = tpu.matmul %convert_element_type3A_10, %dot_general3A_18, %dot_general3A_19 {dimension_numbers = #tpu.dot_dimension_numbers<[1], [0], [0], [1], [0, 0, 1, 1], [], []>, transpose_lhs_hint = false} : vector<10000x16xf32>, vector<16x128xf32>, vector<10000x128xf32> -> vector<10000x128xf32>
    %add3A = arith.addf %dot_general3A_5, %dot_general3A_20 : vector<10000x128xf32>
    %get3A_21 = arith.constant 0 : index
    %get3A_22 = arith.constant 0 : index
    %get3A_23 = vector.load %arg4[%get3A_21, %get3A_22] : memref<1x128xf32, #tpu.memory_space<vmem>>, vector<1x128xf32>
    %add3A_24 = vector.broadcast %get3A_23 : vector<1x128xf32> to vector<10000x128xf32>
    %add3A_25 = arith.addf %add3A, %add3A_24 : vector<10000x128xf32>
    %max3A = arith.constant 0.000000e+00 : f32
    %max3A_26 = vector.broadcast %max3A : f32 to vector<10000x128xf32>
    %max3A_27 = arith.maximumf %add3A_25, %max3A_26 : vector<10000x128xf32>
    %swap3A = arith.constant 0 : index
    %swap3A_28 = arith.constant 0 : index
    %swap3A_29 = vector.load %arg9[%swap3A, %swap3A_28] : memref<10000x128xf32, #tpu.memory_space<vmem>>, vector<10000x128xf32>
    tpu.vector_store %arg9[%swap3A, %swap3A_28], %max3A_27 {strides = array<i32>} : memref<10000x128xf32, #tpu.memory_space<vmem>>, vector<10000x128xf32>,
    %dot_general3A_30 = arith.constant dense<0.000000e+00> : vector<16x128xf32>
    %dot_general3A_31 = tpu.matmul %convert_element_type3A_10, %max3A_27, %dot_general3A_30 {dimension_numbers = #tpu.dot_dimension_numbers<[0], [0], [1], [1], [0, 1, 1, 1], [], []>, transpose_lhs_hint = false} : vector<10000x16xf32>, vector<10000x128xf32>, vector<16x128xf32> -> vector<16x128xf32>
    %broadcast_in_dim3A = arith.constant 1.000000e+00 : f32
    %broadcast_in_dim3A_32 = vector.broadcast %broadcast_in_dim3A : f32 to vector<10000x128xf32>
    %dot_general3A_33 = arith.constant dense<0.000000e+00> : vector<16x128xf32>
    %dot_general3A_34 = tpu.matmul %convert_element_type3A_10, %broadcast_in_dim3A_32, %dot_general3A_33 {dimension_numbers = #tpu.dot_dimension_numbers<[0], [0], [1], [1], [0, 1, 1, 1], [], []>, transpose_lhs_hint = false} : vector<10000x16xf32>, vector<10000x128xf32>, vector<16x128xf32> -> vector<16x128xf32>
    %max3A_35 = arith.constant 1.000000e+00 : f32
    %max3A_36 = vector.broadcast %max3A_35 : f32 to vector<16x128xf32>
    %max3A_37 = arith.maximumf %dot_general3A_34, %max3A_36 : vector<16x128xf32>
    %div3A = arith.divf %dot_general3A_31, %max3A_37 : vector<16x128xf32>
    %get3A_38 = arith.constant 0 : index
    %get3A_39 = arith.constant 0 : index
    %get3A_40 = vector.load %arg2[%get3A_38, %get3A_39] : memref<16x32xf32, #tpu.memory_space<vmem>>, vector<16x32xf32>
    %get3A_41 = arith.constant 0 : index
    %get3A_42 = arith.constant 0 : index
    %get3A_43 = vector.load %arg6[%get3A_41, %get3A_42] : memref<32x32xf32, #tpu.memory_space<vmem>>, vector<32x32xf32>
    %dot_general3A_44 = arith.constant dense<0.000000e+00> : vector<16x32xf32>
    %dot_general3A_45 = tpu.matmul %get3A_40, %get3A_43, %dot_general3A_44 {dimension_numbers = #tpu.dot_dimension_numbers<[1], [1], [0], [0], [0, 0, 1, 0], [], []>, transpose_lhs_hint = false} : vector<16x32xf32>, vector<32x32xf32>, vector<16x32xf32> -> vector<16x32xf32>
    %get3A_46 = arith.constant 0 : index
    %get3A_47 = arith.constant 0 : index
    %get3A_48 = vector.load %arg7[%get3A_46, %get3A_47] : memref<32x128xf32, #tpu.memory_space<vmem>>, vector<32x128xf32>
    %dot_general3A_49 = arith.constant dense<0.000000e+00> : vector<16x32xf32>
    %dot_general3A_50 = tpu.matmul %div3A, %get3A_48, %dot_general3A_49 {dimension_numbers = #tpu.dot_dimension_numbers<[1], [1], [0], [0], [0, 0, 1, 0], [], []>, transpose_lhs_hint = false} : vector<16x128xf32>, vector<32x128xf32>, vector<16x32xf32> -> vector<16x32xf32>
    %add3A_51 = arith.addf %dot_general3A_45, %dot_general3A_50 : vector<16x32xf32>
    %get3A_52 = arith.constant 0 : index
    %get3A_53 = arith.constant 0 : index
    %get3A_54 = vector.load %arg8[%get3A_52, %get3A_53] : memref<1x32xf32, #tpu.memory_space<vmem>>, vector<1x32xf32>
    %add3A_55 = vector.broadcast %get3A_54 : vector<1x32xf32> to vector<16x32xf32>
    %add3A_56 = arith.addf %add3A_51, %add3A_55 : vector<16x32xf32>
    %max3A_57 = arith.constant 0.000000e+00 : f32
    %max3A_58 = vector.broadcast %max3A_57 : f32 to vector<16x32xf32>
    %max3A_59 = arith.maximumf %add3A_56, %max3A_58 : vector<16x32xf32>
    %swap3A_60 = arith.constant 0 : index
    %swap3A_61 = arith.constant 0 : index
    %swap3A_62 = vector.load %arg10[%swap3A_60, %swap3A_61] : memref<16x32xf32, #tpu.memory_space<vmem>>, vector<16x32xf32>
    tpu.vector_store %arg10[%swap3A_60, %swap3A_61], %max3A_59 {strides = array<i32>} : memref<16x32xf32, #tpu.memory_space<vmem>>, vector<16x32xf32>,
    return
  }
}

</mosaic_0001>

<sc_bundles>
// kernel: kernel.10.cloned.1.call-start
scs
__scs_entry_jumppad:
0x0: {  	(pc) =	sbr.rel $0x88, $3  }
0x1: {  	(tag) =	ssettag $0x0;
	lr =	simm.s32 $0x1  }
0x2: {  	[smem:$0x3F94] =	sst lr;
	_ =	strace $0xD0000000  }
0x3: {  	_ = 	snop  }
0x4: {  	_ = 	snop  }
0x5: {  	_ = 	snop  }
0x6: {  	_ = 	snop  }
0x7: {  	_ = 	snop  }
__scs_overlays_trampoline_lowered:
0x8: {  	[smem:$0x3FA3] =	sst s0  }
0x9: {  	[smem:$0x3FA4] =	sst s1  }
0xa: {  	[smem:$0x3FA5] =	sst s2  }
0xb: {  	[smem:$0x3FA6] =	sst s3  }
0xc: {  	[smem:$0x3FA7] =	sst s4  }
0xd: {  	[smem:$0x3FA8] =	sst s5  }
0xe: {  	[smem:$0x3FA9] =	sst s6  }
0xf: {  	[smem:$0x3FAA] =	sst s7  }
0x10: {  	[smem:$0x3FAB] =	sst s8  }
0x11: {  	[smem:$0x3FAC] =	sst s9;
	s0 =	simm.s32 @!p0 $0x0  }
0x12: {  	s1 =	sld [smem:$0x3F92];
	s0 =	simm.s32 @p0 $0x1  }
0x13: {  	[smem:$0x3FAD] =	sst s0;
	s0 =	simm.s32 @!p1 $0x0  }
0x14: {  	s2 =	sld [smem:$0x3F91];
	s0 =	simm.s32 @p1 $0x1  }
0x15: {  	[smem:$0x3FAE] =	sst s0;
	s0 =	simm.s32 @!p2 $0x0  }
0x16: {  	s3 =	sld [smem:$0x3FDB];
	s0 =	simm.s32 @p2 $0x1  }
0x17: {  	s4 =	simm.s32 $0x1BF5;
	[smem:$0x3FB0] =	sst s0  }
0x18: {  	s0 =	sld [smem:$0x3F93];
	_ =	swait.ge [sflag:s4], $0x0  }
0x19: {  	s7 =	sld [smem:$0x3F94]  }
0x1a: {  	s8 =	sadd.s32 $0xFFFFE003, lr  }
0x1b: {  	s9 =	sadd.s32 $0xFFFFFEF7, lr;
	s5 =	simm.s32 $0xFFFFFFFF;
	p2 =	slt.u32 s8, $0xFFFFF086  }
0x1c: {  	p1 =	slt.u32 s9, $0xF7A;
	s5 =	simm.s32 @!p2 $0x0  }
0x1d: {  	s5 =	simm.s32 @p1 $0x1;
	p0 =	seq.s32 s7, s2  }
0x1e: {  	s7 =	smul.u32 @!p0 $0xF7A, s2;
	p2 =	seq.s32 @!p0 s5, $0x0  }
0x1f: {  	s9 =	smul.u32 $0xF7A, s1;
	s8 =	simm.s32 @!p0 $0x1BF5;
	p2 =	por !p2, p0  }
0x20: {  	[sflag:s8] =	ssyncset.s32 @!p0 $0xFFFFF086;
	s6 =	sadd.s32 @!p0 s3, s7;
	s7 =	simm.s32 @!p0 $0x108  }
0x21: {  	s3 =	sadd.s32 s3, s9;
	s6 =	sadd.s32 @!p0 $0x88, s6;
	s7 =	simm.s32 @p2 $0x1082  }
0x22: {  	[simem:s7], [sflag:s8] =	dma.local @!p0 [hbm:s6], $0xF7A  }
0x23: {  	s9 =	sor.u32 $0xD0000000, s2;
	s6 =	simm.s32 $0x108;
	_ =	swait.ge @!p0 [sflag:s8], $0x0  }
0x24: {  	s3 =	sadd.s32 $0x88, s3;
	s6 =	simm.s32 @!p1 $0x1082;
	[sflag:s4] =	ssyncset.s32 $0xFFFFF086  }
0x25: {  	[simem:s6], [sflag:s4] =	dma.local [hbm:s3], $0xF7A  }
0x26: {  	[smem:$0x3F94] =	sst s1;
	(tag) =	ssettag s2;
	_ =	strace s9  }
0x27: {  	s1 =	sld [smem:$0x3FA4]  }
0x28: {  	s2 =	sld [smem:$0x3FA5]  }
0x29: {  	s4 =	sld [smem:$0x3FA7]  }
0x2a: {  	p0 =	seq.s32 s5, $0x0;
	s5 =	sld [smem:$0x3FA8]  }
0x2b: {  	s6 =	sld [smem:$0x3FA9]  }
0x2c: {  	s7 =	sld [smem:$0x3FAA]  }
0x2d: {  	s3 =	simm.s32 $0x108;
	s8 =	sld [smem:$0x3FAB]  }
0x2e: {  	s3 =	simm.s32 @!p0 $0x1082;
	s9 =	sld [smem:$0x3FAC]  }
0x2f: {  	lr =	sadd.s32 s0, s3;
	s0 =	sld [smem:$0x3FA3]  }
0x30: {  	s3 =	sld [smem:$0x3FA6]  }
0x31: {  	[smem:$0x3FAF] =	sst s10  }
0x32: {  	s10 =	sld [smem:$0x3FAD];
	_ =	sdelay $0x3  }
0x33: {  	p0 =	seq.s32 s10, $0x1;
	s10 =	sld [smem:$0x3FAF];
	_ =	sdelay $0x3  }
0x34: {  	[smem:$0x3FAF] =	sst s10  }
0x35: {  	s10 =	sld [smem:$0x3FAE];
	_ =	sdelay $0x3  }
0x36: {  	p1 =	seq.s32 s10, $0x1;
	s10 =	sld [smem:$0x3FAF];
	_ =	sdelay $0x3  }
0x37: {  	[smem:$0x3FAF] =	sst s10  }
0x38: {  	s10 =	sld [smem:$0x3FB0]  }
0x39: {  	_ = 	snop;
	(pc) =	sbr.ind lr, $3  }
0x3a: {  	_ = 	snop  }
0x3b: {  	_ = 	snop  }
0x3c: {  	p2 =	seq.s32 s10, $0x1;
	s10 =	sld [smem:$0x3FAF]  }
0x3d: {  	_ =	shalt  }
0x3e: {  	_ =	shalt  }
0x3f: {  	_ =	shalt  }
0x40: {  	_ =	shalt  }
0x41: {  	_ =	shalt  }
0x42: {  	_ =	shalt  }
0x43: {  	_ =	shalt  }
0x44: {  	_ =	shalt  }
0x45: {  	_ =	shalt  }
0x46: {  	_ =	shalt  }
0x47: {  	_ =	shalt  }
0x48: {  	_ =	shalt  }
0x49: {  	_ =	shalt  }
0x4a: {  	_ =	shalt  }
0x4b: {  	_ =	shalt  }
0x4c: {  	_ =	shalt  }
0x4d: {  	_ =	shalt  }
0x4e: {  	_ =	shalt  }
0x4f: {  	_ =	shalt  }
0x50: {  	_ =	shalt  }
0x51: {  	_ =	shalt  }
0x52: {  	_ =	shalt  }
0x53: {  	_ =	shalt  }
0x54: {  	_ =	shalt  }
0x55: {  	_ =	shalt  }
0x56: {  	_ =	shalt  }
0x57: {  	_ =	shalt  }
0x58: {  	_ =	shalt  }
0x59: {  	_ =	shalt  }
0x5a: {  	_ =	shalt  }
0x5b: {  	_ =	shalt  }
0x5c: {  	_ =	shalt  }
0x5d: {  	_ =	shalt  }
0x5e: {  	_ =	shalt  }
0x5f: {  	_ =	shalt  }
0x60: {  	_ =	shalt  }
0x61: {  	_ =	shalt  }
0x62: {  	_ =	shalt  }
0x63: {  	_ =	shalt  }
0x64: {  	_ =	shalt  }
0x65: {  	_ =	shalt  }
0x66: {  	_ =	shalt  }
0x67: {  	_ =	shalt  }
0x68: {  	_ =	shalt  }
0x69: {  	_ =	shalt  }
0x6a: {  	_ =	shalt  }
0x6b: {  	_ =	shalt  }
0x6c: {  	_ =	shalt  }
0x6d: {  	_ =	shalt  }
0x6e: {  	_ =	shalt  }
0x6f: {  	_ =	shalt  }
0x70: {  	_ =	shalt  }
0x71: {  	_ =	shalt  }
0x72: {  	_ =	shalt  }
0x73: {  	_ =	shalt  }
0x74: {  	_ =	shalt  }
0x75: {  	_ =	shalt  }
0x76: {  	_ =	shalt  }
0x77: {  	_ =	shalt  }
0x78: {  	_ =	shalt  }
0x79: {  	_ =	shalt  }
0x7a: {  	_ =	shalt  }
0x7b: {  	_ =	shalt  }
0x7c: {  	_ =	shalt  }
0x7d: {  	_ =	shalt  }
0x7e: {  	_ =	shalt  }
0x7f: {  	_ =	shalt  }
0x80: {  	_ =	shalt  }
0x81: {  	_ =	shalt  }
0x82: {  	_ =	shalt  }
0x83: {  	_ =	shalt  }
0x84: {  	_ =	shalt  }
0x85: {  	_ =	shalt  }
0x86: {  	_ =	shalt  }
0x87: {  	_ =	shalt  }
.Lfunc_end0:
.L_simem_size_0:
called_computation.1_lowered:
.L_overlay_start_0:
0x88: {  	s2 =	sld [smem:$0x3FD9]  }
0x89: {  	s3 =	sld [smem:$0x3FFE];
	_ =	sdelay $0x1  }
0x8a: {  	s1 =	srdreg.scid  }
0x8b: {  	s0 =	sand.u32 $0x1, s1  }
0x8c: {  	s14 =	sshll.u32 s0, $0xA;
	s2 =	sadd.s32 s3, s2  }
0x8d: {  	s2 =	sadd.s32 s2, s14  }
0x8e: {  	[smem:$0x3FBB] =	sst s2  }
0x8f: {  	_ = 	snop  }
0x90: {  	s2 =	sld [smem:$0x3FD0];
	_ =	sdelay $0x2  }
0x91: {  	s15 =	simm.s32 $0xA;
	s4 =	simm.s32 $0x10  }
0x92: {  	[smem:s4], [sflag:s15] =	dma.local [hbm:s2], $0x1  }
0x93: {  	_ =	swait.eq [sflag:s15], $0x1  }
0x94: {  	[sflag:s15] =	ssyncset.done $0x0  }
0x95: {  	[sflag:s15] =	ssyncadd.s32 $0xFFFFFFFF  }
0x96: {  	s16 =	sld [smem:$0x10];
	(tm) =	ssettm $0x1  }
0x97: {  	s17 =	sld [smem:$0x3FFB];
	_ =	sdelay $0x3  }
0x98: {  	_ =	strace s17  }
0x99: {  	s3 =	sld [smem:$0x3FFC];
	_ =	sdelay $0x3  }
0x9a: {  	_ =	strace s3  }
0x9b: {  	s3 =	sld [smem:$0x3FFD];
	_ =	sdelay $0x3  }
0x9c: {  	_ =	strace s3  }
0x9d: {  	_ =	strace $0x8FFFFFFF  }
0x9e: {  	s18 =	sld [smem:$0x3FDB];
	_ =	sdelay $0x1  }
0x9f: {  	s19 =	simm.s32 $_scs_section_size  }
0xa0: {  	s5 =	simm.s32 $_size__tile_overlayer_lowered;
	s6 =	simm.s32 $_tile_overlayer_lowered  }
0xa1: {  	s22 =	simm.s32 $0x1BFF;
	s21 =	sshll.u32 s6, $0x1;
	s3 =	sadd.s32 s19, s18  }
0xa2: {  	s7 =	simm.s32 $0x0;
	s20 =	sshll.u32 s5, $0x1;
	s5 =	sadd.s32 s21, s3  }
0xa3: {  	[timem:s7], [sflag:s22] =	dma.local [hbm:s5], s20  }
0xa4: {  	_ =	swait.ge [sflag:s22], s20  }
0xa5: {  	s4 =	ssub.s32 $0x0, s20;
	[sflag:s22] =	ssyncset.done $0x0  }
0xa6: {  	[sflag:s22] =	ssyncadd.s32 s4;
	_ =	sdelay $0x1  }
0xa7: {  	s23 =	simm.s32 $0x1B8B  }
0xa8: {  	_ =	swait.ge [sflag:s23], $0x1  }
0xa9: {  	[sflag:s23] =	ssyncset.done $0x0  }
0xaa: {  	s25 =	simm.s32 $0x1B8E;
	s24 =	sld [smem:$0x3FFE];
	[sflag:s23] =	ssyncadd.s32 $0xFFFFFFFF  }
0xab: {  	s26 =	simm.s32 $execute0_lowered;
	[smem:$0x3FD2] =	sst s25  }
0xac: {  	s5 =	sshll.u32 s26, $0x1;
	_ =	strace $0x80000049;
	[dreg:$0x1] =	wrdreg $0xFFFFFFFF  }
0xad: {  	s28 =	simm.s32 $_size_execute0_lowered;
	s3 =	sadd.s32 s3, s5;
	[dreg:$0x0] =	wrdreg $0x0  }
0xae: {  	s5 =	sshll.u32 s28, $0x1;
	[dreg:$0x2] =	wrdreg s3  }
0xaf: {  	[dreg:$0x3] =	wrdreg s5  }
0xb0: {  	[dreg:$0x4] =	wrdreg $0xC0  }
0xb1: {  	_ =	task [dreg:s7], $0x5FFFF  }
0xb2: {  	[dreg:$0x1] =	wrdreg $0xFFFFFFFF  }
0xb3: {  	[dreg:$0x0] =	wrdreg $0x60  }
0xb4: {  	[dreg:$0x2] =	wrdreg s24  }
0xb5: {  	[dreg:$0x3] =	wrdreg s16  }
0xb6: {  	[dreg:$0x4] =	wrdreg $0x1BA000  }
0xb7: {  	[dreg:$0x5] =	wrdreg $0x9  }
0xb8: {  	_ =	task.clear_ibuf [dreg:s7], $0x6FFFF;
	_ =	strace $0x90000049  }
0xb9: {  	s29 =	simm.s32 $0x9;
	_ =	strace $0x8000004B  }
0xba: {  	_ =	swait.ge [sflag:s29], $0x1  }
0xbb: {  	[sflag:s29] =	ssyncadd.s32 $0xFFFFFFFF  }
0xbc: {  	_ =	strace $0x9000004B  }
0xbd: {  	_ =	sfence  }
0xbe: {  	s30 =	sld [smem:$0x0];
	_ =	sdelay $0x2  }
0xbf: {  	s31 =	sshll.u32 s1, $0xD;
	s1 =	sshrl.u32 s1, $0x2  }
0xc0: {  	s3 =	sand.u32 $0x4000, s31;
	s1 =	sadd.s32 s1, s30  }
0xc1: {  	s0 =	sor.u32 s3, s0;
	s1 =	sshll.u32 s1, $0x11  }
0xc2: {  	s0 =	sor.u32 s1, s0  }
0xc3: {  	s0 =	sadd.s32 $0x8F2B, s0  }
0xc4: {  	[sflag:s0] =	ssyncadd.remote.s32 $0x1  }
0xc5: {  	_ =	sfence.sel $0xFFFF  }
0xc6: {  	[dreg:$0x0] =	wrdreg $0xFFFFFFFF;
	(pc) =	sbr.abs _section_cstart, $3  }
0xc7: {  	[dreg:$0x1] =	wrdreg $0xFFFFFFFF  }
0xc8: {  	_ =	task.clear_ibuf [dreg:s7], $0x2FFFF;
	_ =	strace $0x9FFFFFFF  }
0xc9: {  	(tm) =	ssettm $0x7FFFFFFF  }
tec
execute0_lowered:
.L_overlay_start_1:
0x0: {  	(tag) =	ssettag $0x1  }
0x1: {  	s2 =	rddreg [dreg:$0x0]  }
0x2: {  	s5 =	rddreg [dreg:$0x1]  }
0x3: {  	s4 =	rddreg [dreg:$0x2];
	s1 =	simm.s32 $0x0;
	s0 =	srdreg.scid  }
0x4: {  	s3 =	stileid.u32;
	[smem:$0x7FF] =	sst s1  }
0x5: {  	s0 =	sand.u32 $0x1, s0;
	s6 =	sshrl.u32 s3, $0x1;
	s7 =	sand.u32 $0x1, s3  }
0x6: {  	s8 =	sshll.u32 s0, $0x6;
	s9 =	sshll.u32 s6, $0x3;
	s3 =	smul.u32 $0x27100, s7  }
0x7: {  	v0 =	vimm.f32 $1.000000000e+00;
	_ =	strace $0x8000004A;
	s6 =	smul.u32 $0x9C40, s6;
	s8 =	sor.u32 s8, s9  }
0x8: {  	(xrf0) =	vmax.scan.msk.f32 $0xffff, v0;
	s9 =	sor.u32 $0x1, s8;
	s10 =	smul.u32 $0x4E2, s8  }
0x9: {  	s11 =	sor.u32 $0x2, s8;
	s12 =	smul.u32 $0x4E2, s9  }
0xa: {  	s18 =	sor.u32 $0x3, s8;
	s14 =	smul.u32 $0x4E2, s11  }
0xb: {  	s20 =	sor.u32 $0x4, s8;
	s31 =	smul.u32 $0x4E2, s18  }
0xc: {  	s0 =	ssub.s32 $0x2, s0;
	s22 =	sor.u32 $0x5, s8;
	s15 =	smul.u32 $0x4E2, s20  }
0xd: {  	s26 =	sor.u32 $0x6, s8;
	s6 =	sshrl.u32 s6, $0x2;
	s16 =	smul.u32 $0x4E2, s22  }
0xe: {  	s28 =	sor.u32 $0x7, s8;
	s4 =	sadd.s32 s6, s4;
	s6 =	smul.u32 $0x4E2, s26;
	v0, _, _ =	vpop (xrf0)  }
0xf: {  	s13 =	sshrl.u32 s0, $0x1;
	s21 =	smul.u32 $0x4E2, s28;
	(v2sf) =	vpush v0, $0xF  }
0x10: {  	p1 =	sne.s32 s7, $0x0;
	s0 =	ssub.s32 s0, s13;
	s29 =	smul.u32 $0x4E200, s26  }
0x11: {  	s13 =	sadd.s32 $0x520800, s2;
	s30 =	smul.u32 $0x4E200, s28;
	s0 =	smax.u32 s0, $0x1  }
0x12: {  	s28 =	simm.s32 $0x2;
	s10 =	sadd.s32 s5, s10;
	[smem:$0x7FD] =	sst s0  }
0x13: {  	[dreg:$0x4] =	wrdreg s10;
	s19 =	sadd.s32 s5, s12;
	s23 =	sadd.s32 s5, s14  }
0x14: {  	s24 =	sadd.s32 s5, s31;
	s25 =	sadd.s32 s5, s15;
	[dreg:$0x5] =	wrdreg s19  }
0x15: {  	s31 =	sadd.s32 s5, s16;
	s6 =	sadd.s32 s5, s6;
	[dreg:$0x6] =	wrdreg s23  }
0x16: {  	s5 =	sadd.s32 s5, s21;
	s14 =	smul.u32 $0x4E200, s8;
	[dreg:$0x7] =	wrdreg s24  }
0x17: {  	s15 =	sadd.s32 $0xD200, s2;
	s21 =	smul.u32 $0x4E200, s11;
	[dreg:$0x8] =	wrdreg s25  }
0x18: {  	s16 =	sadd.s32 $0x3E200, s2;
	[dreg:$0x9] =	wrdreg s31;
	s19 =	smul.u32 $0x4E200, s9  }
0x19: {  	s8 =	sshrl.u32 s3, $0x3;
	[dreg:$0xa] =	wrdreg s6;
	s23 =	smul.u32 $0x4E200, s18  }
0x1a: {  	s11 =	sadd.s32 s3, s30;
	[dreg:$0xb] =	wrdreg s5;
	s24 =	smul.u32 $0x4E200, s20  }
0x1b: {  	s5 =	sadd.s32 s15, s8;
	s25 =	smul.u32 $0x4E200, s22;
	s18 =	sadd.s32 s3, s21  }
0x1c: {  	[dreg:$0xc] =	wrdreg s5;
	s9 =	sadd.s32 s3, s14;
	s5 =	sshrl.u32 s18, $0x3  }
0x1d: {  	s10 =	sshrl.u32 s9, $0x3;
	s12 =	sadd.s32 s3, s19;
	s22 =	sadd.s32 s13, s5  }
0x1e: {  	s6 =	sadd.s32 s3, s24;
	[dreg:$0x10] =	wrdreg s22;
	s17 =	spop (v2sf)  }
0x1f: {  	s5 =	sshrl.u32 s6, $0x3;
	p0 =	sgt.f32 s17, $0.0e+00;
	s17 =	smul.u32 $0x1388, s7  }
0x20: {  	s8 =	sadd.s32 s13, s5;
	s5 =	sshrl.u32 s11, $0x3;
	s7 =	smul.u32 $0x271, s7  }
0x21: {  	s20 =	sadd.s32 s3, s23;
	[dreg:$0x12] =	wrdreg s8;
	s18 =	sadd.s32 s13, s5  }
0x22: {  	s31 =	sshrl.u32 s20, $0x3;
	[dreg:$0x15] =	wrdreg s18;
	s2 =	sadd.s32 s16, s7  }
0x23: {  	s7 =	sadd.s32 s3, s25;
	s22 =	sadd.s32 $0x28, s17;
	[dreg:$0xd] =	wrdreg s2  }
0x24: {  	s2 =	sadd.s32 s13, s10;
	s6 =	sshrl.u32 s7, $0x3;
	s10 =	sadd.s32 s3, s29  }
0x25: {  	[dreg:$0xe] =	wrdreg s2;
	s2 =	sshrl.u32 s12, $0x3;
	s9 =	sadd.s32 s13, s6  }
0x26: {  	s6 =	sadd.s32 $0x500, s3;
	s2 =	sadd.s32 s13, s2;
	[dreg:$0x13] =	wrdreg s9  }
0x27: {  	s12 =	sshrl.u32 s6, $0x3;
	s26 =	sadd.s32 s6, s14;
	s9 =	sadd.s32 s6, s21  }
0x28: {  	s11 =	sadd.s32 s6, s24;
	[dreg:$0xf] =	wrdreg s2;
	s2 =	sadd.s32 s13, s31  }
0x29: {  	s20 =	sadd.s32 s15, s12;
	s31 =	sadd.s32 s6, s19;
	[dreg:$0x11] =	wrdreg s2  }
0x2a: {  	s5 =	sshrl.u32 s26, $0x3;
	s2 =	sshrl.u32 s10, $0x3;
	[dreg:$0x16] =	wrdreg s20  }
0x2b: {  	s7 =	sshrl.u32 s31, $0x3;
	s5 =	sadd.s32 s13, s5;
	s10 =	sadd.s32 s6, s23  }
0x2c: {  	s20 =	sadd.s32 s6, s25;
	s2 =	sadd.s32 s13, s2;
	[dreg:$0x18] =	wrdreg s5  }
0x2d: {  	s8 =	sadd.s32 s13, s7;
	s5 =	sshrl.u32 s10, $0x3;
	s7 =	sshrl.u32 s11, $0x3  }
0x2e: {  	s10 =	simm.s32 $0x15680;
	s11 =	simm.s32 $0x15B80;
	[dreg:$0x14] =	wrdreg s2  }
0x2f: {  	s2 =	sshrl.u32 s22, $0x3;
	[dreg:$0x19] =	wrdreg s8;
	s12 =	sadd.s32 s13, s5  }
0x30: {  	s18 =	sadd.s32 s13, s7;
	s22 =	sadd.s32 s6, s29;
	s6 =	sadd.s32 s6, s30  }
0x31: {  	s7 =	simm.s32 $0x14780;
	s8 =	simm.s32 $0x14C80;
	[dreg:$0x1b] =	wrdreg s12  }
0x32: {  	s2 =	sadd.s32 s16, s2;
	[dreg:$0x1c] =	wrdreg s18;
	s5 =	sshrl.u32 s22, $0x3  }
0x33: {  	s6 =	sshrl.u32 s6, $0x3;
	s12 =	simm.s32 $0x3;
	[dreg:$0x17] =	wrdreg s2  }
.Ltmp0:
0x34: {  	s2 =	sshrl.u32 s9, $0x3;
	s26 =	sadd.s32 s13, s5;
	(pc) =	sbr.rel .LBB2_1-.Ltmp0, $4  }
0x35: {  	s31 =	sadd.s32 s13, s6;
	s2 =	sadd.s32 s13, s2;
	[dreg:$0x1e] =	wrdreg s26  }
0x36: {  	s6 =	simm.s32 $0x14280;
	[dreg:$0x1a] =	wrdreg s2;
	s2 =	sshrl.u32 s20, $0x3  }
0x37: {  	s9 =	simm.s32 $0x15180;
	[dreg:$0x1f] =	wrdreg s31;
	s2 =	sadd.s32 s13, s2  }
0x38: {  	v1 =	vimm.f32 $0.0e+00;
	v0 =	vimm.f32 $-Inf;
	s26 =	simm.s32 $0x1;
	[dreg:$0x1d] =	wrdreg s2;
	s2 =	simm.s32 $0x0  }
.LBB2_124:
0x39: {  	s2 =	sld [smem:$0x7FC]  }
0x3a: {  	s0 =	sld [smem:$0x7FD];
	_ =	sdelay $0x1  }
0x3b: {  	s2 =	sadd.s32 $0x1, s2  }
0x3c: {  	p2 =	sne.s32 s2, s0  }
.Ltmp1:
0x3d: {  	_ = 	snop;
	(pc) =	sbr.rel @!p2 .LBB2_125-.Ltmp1, $1  }
0x3e: {  	_ =	sdelay $0x3  }
.LBB2_1:
0x3f: {  	[smem:$0x7FC] =	sst s2  }
0x40: {  	s0 =	rddreg [dreg:$0xc]  }
0x41: {  	s20 =	simm.s32 $0x16080;
	s22 =	rddreg [dreg:$0xd]  }
0x42: {  	[tilespmem:s20], [sflag:$0x1] =	stream.linear.gather [hbm4b:s0+s1], $0x500, $0x38;
	[tilespmem:$0x1CD88] =	vst v63  }
0x43: {  	s31 =	simm.s32 $0x16580;
	s2 =	rddreg [dreg:$0xe]  }
0x44: {  	[tilespmem:s31], [sflag:$0x1] =	stream.linear.gather [hbm4b:s22+s1], $0x28, $0x38;
	[tilespmem:$0x1CD88] =	vst v63  }
0x45: {  	s5 =	simm.s32 $0x13880;
	s18 =	rddreg [dreg:$0xf]  }
0x46: {  	[tilespmem:s5], [sflag:$0x1] =	stream.linear.gather [hbm4b:s2+s1], $0x500, $0x38;
	[tilespmem:$0x1CD88] =	vst v63  }
0x47: {  	s20 =	simm.s32 $0x13D80;
	s22 =	rddreg [dreg:$0x10]  }
0x48: {  	[tilespmem:s20], [sflag:$0x1] =	stream.linear.gather [hbm4b:s18+s1], $0x500, $0x38;
	[tilespmem:$0x1CD88] =	vst v63  }
0x49: {  	s31 =	rddreg [dreg:$0x11]  }
0x4a: {  	[tilespmem:s6], [sflag:$0x1] =	stream.linear.gather [hbm4b:s22+s1], $0x500, $0x38;
	[tilespmem:$0x1CD88] =	vst v63  }
0x4b: {  	s2 =	rddreg [dreg:$0x12]  }
0x4c: {  	[tilespmem:s7], [sflag:$0x1] =	stream.linear.gather [hbm4b:s31+s1], $0x500, $0x38;
	[tilespmem:$0x1CD88] =	vst v63  }
0x4d: {  	s5 =	rddreg [dreg:$0x13]  }
0x4e: {  	[tilespmem:s8], [sflag:$0x1] =	stream.linear.gather [hbm4b:s2+s1], $0x500, $0x38;
	[tilespmem:$0x1CD88] =	vst v63  }
0x4f: {  	s18 =	rddreg [dreg:$0x14]  }
0x50: {  	[tilespmem:s9], [sflag:$0x1] =	stream.linear.gather [hbm4b:s5+s1], $0x500, $0x38;
	[tilespmem:$0x1CD88] =	vst v63  }
0x51: {  	s20 =	rddreg [dreg:$0x15]  }
0x52: {  	[tilespmem:s10], [sflag:$0x1] =	stream.linear.gather [hbm4b:s18+s1], $0x500, $0x38;
	[tilespmem:$0x1CD88] =	vst v63  }
0x53: {  	s22 =	rddreg [dreg:$0x16]  }
0x54: {  	[tilespmem:s11], [sflag:$0x1] =	stream.linear.gather [hbm4b:s20+s1], $0x500, $0x38;
	[tilespmem:$0x1CD88] =	vst v63  }
0x55: {  	s31 =	simm.s32 $0x18DB8;
	s2 =	rddreg [dreg:$0x17]  }
0x56: {  	[tilespmem:s31], [sflag:$0x2] =	stream.linear.gather [hbm4b:s22+s1], $0x500, $0x38;
	[tilespmem:$0x1CD88] =	vst v63  }
0x57: {  	s5 =	simm.s32 $0x192B8;
	s18 =	rddreg [dreg:$0x18]  }
0x58: {  	[tilespmem:s5], [sflag:$0x2] =	stream.linear.gather [hbm4b:s2+s1], $0x28, $0x38;
	[tilespmem:$0x1CD88] =	vst v63  }
0x59: {  	s20 =	simm.s32 $0x165B8;
	s22 =	rddreg [dreg:$0x19]  }
0x5a: {  	[tilespmem:s20], [sflag:$0x2] =	stream.linear.gather [hbm4b:s18+s1], $0x500, $0x38;
	[tilespmem:$0x1CD88] =	vst v63  }
0x5b: {  	s31 =	simm.s32 $0x16AB8;
	s2 =	rddreg [dreg:$0x1a]  }
0x5c: {  	[tilespmem:s31], [sflag:$0x2] =	stream.linear.gather [hbm4b:s22+s1], $0x500, $0x38;
	[tilespmem:$0x1CD88] =	vst v63  }
0x5d: {  	s5 =	simm.s32 $0x16FB8;
	s18 =	rddreg [dreg:$0x1b]  }
0x5e: {  	[tilespmem:s5], [sflag:$0x2] =	stream.linear.gather [hbm4b:s2+s1], $0x500, $0x38;
	[tilespmem:$0x1CD88] =	vst v63  }
0x5f: {  	s20 =	simm.s32 $0x174B8;
	s22 =	rddreg [dreg:$0x1c]  }
0x60: {  	[tilespmem:s20], [sflag:$0x2] =	stream.linear.gather [hbm4b:s18+s1], $0x500, $0x38;
	[tilespmem:$0x1CD88] =	vst v63  }
0x61: {  	s31 =	simm.s32 $0x179B8;
	s2 =	rddreg [dreg:$0x1d]  }
0x62: {  	[tilespmem:s31], [sflag:$0x2] =	stream.linear.gather [hbm4b:s22+s1], $0x500, $0x38;
	[tilespmem:$0x1CD88] =	vst v63  }
0x63: {  	s5 =	simm.s32 $0x17EB8;
	s18 =	rddreg [dreg:$0x1e]  }
0x64: {  	[tilespmem:s5], [sflag:$0x2] =	stream.linear.gather [hbm4b:s2+s1], $0x500, $0x38;
	[tilespmem:$0x1CD88] =	vst v63  }
0x65: {  	s20 =	simm.s32 $0x183B8;
	s22 =	rddreg [dreg:$0x1f]  }
0x66: {  	[tilespmem:s20], [sflag:$0x2] =	stream.linear.gather [hbm4b:s18+s1], $0x500, $0x38;
	[tilespmem:$0x1CD88] =	vst v63  }
0x67: {  	s31 =	simm.s32 $0x188B8;
	s18 =	simm.s32 $0x40;
	s20 =	simm.s32 $0x0  }
0x68: {  	[tilespmem:s31], [sflag:$0x2] =	stream.linear.gather [hbm4b:s22+s1], $0x500, $0x38;
	[tilespmem:$0x1CD88] =	vst v63  }
.LBB2_2:
0x69: {  	p2 =	sne.s32 s18, $0x4E1C0;
	[tilespmem:s20+$0x0] =	vst v0;
	s20 =	smov.u32 s18;
	s18 =	sadd.s32 $0x40, s18  }
.Ltmp2:
0x6a: {  	(pc) =	sbr.rel @p2 .LBB2_2-.Ltmp2, $2  }
0x6b: {  	_ =	sdelay $0x2  }
0x6c: {  	s20 =	sshra.s32 s20, $0x2  }
0x6d: {  	[tilespmem:s20+$0x0] =	vst v0;
	s18 =	simm.s32 $0x0  }
.LBB2_4:
0x6e: {  	_ =	swait.ge [sflag:s26], $0x500  }
0x6f: {  	[sflag:s26] =	ssyncset.done $0x0  }
0x70: {  	[sflag:s26] =	ssyncadd.s32 $0xFFFFFB00  }
0x71: {  	_ =	swait.ge [sflag:s26], $0x28  }
0x72: {  	[sflag:s26] =	ssyncset.done $0x0  }
0x73: {  	[sflag:s26] =	ssyncadd.s32 $0xFFFFFFD8  }
0x74: {  	_ =	swait.ge [sflag:s26], $0x500  }
0x75: {  	[sflag:s26] =	ssyncset.done $0x0  }
0x76: {  	[sflag:s26] =	ssyncadd.s32 $0xFFFFFB00  }
0x77: {  	_ =	swait.ge [sflag:s26], $0x500  }
0x78: {  	[sflag:s26] =	ssyncset.done $0x0  }
0x79: {  	[sflag:s26] =	ssyncadd.s32 $0xFFFFFB00  }
0x7a: {  	_ =	swait.ge [sflag:s26], $0x500  }
0x7b: {  	[sflag:s26] =	ssyncset.done $0x0  }
0x7c: {  	[sflag:s26] =	ssyncadd.s32 $0xFFFFFB00  }
0x7d: {  	_ =	swait.ge [sflag:s26], $0x500  }
0x7e: {  	[sflag:s26] =	ssyncset.done $0x0  }
0x7f: {  	[sflag:s26] =	ssyncadd.s32 $0xFFFFFB00  }
0x80: {  	_ =	swait.ge [sflag:s26], $0x500  }
0x81: {  	[sflag:s26] =	ssyncset.done $0x0  }
0x82: {  	[sflag:s26] =	ssyncadd.s32 $0xFFFFFB00  }
0x83: {  	_ =	swait.ge [sflag:s26], $0x500  }
0x84: {  	[sflag:s26] =	ssyncset.done $0x0  }
0x85: {  	[sflag:s26] =	ssyncadd.s32 $0xFFFFFB00  }
0x86: {  	_ =	swait.ge [sflag:s26], $0x500  }
.Ltmp3:
0x87: {  	[sflag:s26] =	ssyncset.done $0x0;
	(pc) =	sbr.rel .LBB2_5-.Ltmp3, $4  }
0x88: {  	[sflag:s26] =	ssyncadd.s32 $0xFFFFFB00  }
0x89: {  	_ =	swait.ge [sflag:s26], $0x500  }
0x8a: {  	[sflag:s26] =	ssyncset.done $0x0  }
0x8b: {  	s20 =	simm.s32 $0x0;
	[sflag:s26] =	ssyncadd.s32 $0xFFFFFB00  }
.LBB2_38:
0x8c: {  	v20 =	vadd.s32 $0x2710, v18  }
0x8d: {  	v21 =	vadd.s32 $0x4E20, v18  }
0x8e: {  	v22 =	vadd.s32 $0x7530, v18  }
0x8f: {  	v23 =	vadd.s32 $0x9C40, v18  }
0x90: {  	v24 =	vld.idx.msk [tilespmem:v18+s1+$0x0], $0xffff;
	v25 =	vadd.s32 $0xC350, v18  }
0x91: {  	v27 =	vadd.s32 $0xEA60, v18;
	v26 =	vld.idx.msk [tilespmem:v20+s1+$0x0], $0xffff  }
0x92: {  	v29 =	vadd.s32 $0x11170, v18;
	v28 =	vld.idx.msk [tilespmem:v21+s1+$0x0], $0xffff  }
0x93: {  	v30 =	vld.idx.msk [tilespmem:v22+s1+$0x0], $0xffff  }
0x94: {  	v31 =	vld.idx.msk [tilespmem:v23+s1+$0x0], $0xffff  }
0x95: {  	v32 =	vld.idx.msk [tilespmem:v25+s1+$0x0], $0xffff  }
0x96: {  	v33 =	vld.idx.msk [tilespmem:v27+s1+$0x0], $0xffff;
	v19 =	vmax.f32 v24, v19  }
0x97: {  	v34 =	vld.idx.msk [tilespmem:v29+s1+$0x0], $0xffff;
	[tilespmem:v18+s1+$0x0] =	vst.idx.msk $0xffff, v19;
	v17 =	vmax.f32 v26, v17  }
0x98: {  	v16 =	vmax.f32 v28, v16;
	[tilespmem:v20+s1+$0x0] =	vst.idx.msk $0xffff, v17  }
0x99: {  	v15 =	vmax.f32 v30, v15;
	[tilespmem:v21+s1+$0x0] =	vst.idx.msk $0xffff, v16  }
0x9a: {  	v14 =	vmax.f32 v31, v14;
	[tilespmem:v22+s1+$0x0] =	vst.idx.msk $0xffff, v15  }
0x9b: {  	v56 =	vadd.s32 $0x2710, v9;
	v13 =	vmax.f32 v32, v13;
	[tilespmem:v23+s1+$0x0] =	vst.idx.msk $0xffff, v14  }
0x9c: {  	v57 =	vadd.s32 $0x4E20, v9;
	v12 =	vmax.f32 v33, v12;
	[tilespmem:v25+s1+$0x0] =	vst.idx.msk $0xffff, v13  }
0x9d: {  	v58 =	vadd.s32 $0x7530, v9;
	v11 =	vmax.f32 v34, v11;
	[tilespmem:v27+s1+$0x0] =	vst.idx.msk $0xffff, v12  }
0x9e: {  	v59 =	vadd.s32 $0x9C40, v9;
	[tilespmem:v29+s1+$0x0] =	vst.idx.msk $0xffff, v11  }
0x9f: {  	v60 =	vadd.s32 $0xC350, v9;
	v15 =	vld.idx.msk [tilespmem:v9+s1+$0x0], $0xffff  }
0xa0: {  	v61 =	vadd.s32 $0xEA60, v9;
	v17 =	vld.idx.msk [tilespmem:v56+s1+$0x0], $0xffff  }
0xa1: {  	v62 =	vadd.s32 $0x11170, v9;
	v19 =	vld.idx.msk [tilespmem:v57+s1+$0x0], $0xffff  }
0xa2: {  	v21 =	vld.idx.msk [tilespmem:v58+s1+$0x0], $0xffff  }
0xa3: {  	v22 =	vld.idx.msk [tilespmem:v59+s1+$0x0], $0xffff  }
0xa4: {  	v23 =	vld.idx.msk [tilespmem:v60+s1+$0x0], $0xffff  }
0xa5: {  	v63 =	vld.idx.msk [tilespmem:v61+s1+$0x0], $0xffff;
	v10 =	vmax.f32 v15, v10  }
0xa6: {  	v25 =	vld.idx.msk [tilespmem:v62+s1+$0x0], $0xffff;
	v8 =	vmax.f32 v17, v8;
	[tilespmem:v9+s1+$0x0] =	vst.idx.msk $0xffff, v10  }
0xa7: {  	v7 =	vmax.f32 v19, v7;
	[tilespmem:v56+s1+$0x0] =	vst.idx.msk $0xffff, v8  }
0xa8: {  	v6 =	vmax.f32 v21, v6;
	[tilespmem:v57+s1+$0x0] =	vst.idx.msk $0xffff, v7  }
0xa9: {  	v5 =	vmax.f32 v22, v5;
	[tilespmem:v58+s1+$0x0] =	vst.idx.msk $0xffff, v6  }
0xaa: {  	v4 =	vmax.f32 v23, v4;
	[tilespmem:v59+s1+$0x0] =	vst.idx.msk $0xffff, v5  }
0xab: {  	v3 =	vmax.f32 v63, v3;
	[tilespmem:v60+s1+$0x0] =	vst.idx.msk $0xffff, v4  }
0xac: {  	v2 =	vmax.f32 v25, v2;
	[tilespmem:v61+s1+$0x0] =	vst.idx.msk $0xffff, v3  }
0xad: {  	[tilespmem:v62+s1+$0x0] =	vst.idx.msk $0xffff, v2  }
.LBB2_39:
0xae: {  	s20 =	sadd.s32 $0x1, s20  }
0xaf: {  	p2 =	sne.s32 s20, $0x28  }
.Ltmp4:
0xb0: {  	_ = 	snop;
	(pc) =	sbr.rel @!p2 .LBB2_40-.Ltmp4, $1  }
0xb1: {  	_ =	sdelay $0x3  }
.LBB2_5:
0xb2: {  	v2 =	vld [tilespmem:s20+$0x16580];
	_ =	sdelay $0x4  }
0xb3: {  	(v2sf) =	vpush v2, $0x0;
	_ =	sdelay $0x2  }
0xb4: {  	s22 =	sshll.u32 s20, $0x5  }
0xb5: {  	v18 =	vld [tilespmem:s22+$0x16080]  }
0xb6: {  	v19 =	vld [tilespmem:s22+$0x13880]  }
0xb7: {  	v17 =	vld [tilespmem:s22+$0x13D80]  }
0xb8: {  	v16 =	vld [tilespmem:s22+$0x14280]  }
0xb9: {  	v15 =	vld [tilespmem:s22+$0x14780]  }
0xba: {  	v14 =	vld [tilespmem:s22+$0x14C80]  }
0xbb: {  	v13 =	vld [tilespmem:s22+$0x15180]  }
0xbc: {  	v12 =	vld [tilespmem:s22+$0x15680]  }
0xbd: {  	v11 =	vld [tilespmem:s22+$0x15B80]  }
0xbe: {  	v9 =	vld [tilespmem:s22+$0x16090]  }
0xbf: {  	v10 =	vld [tilespmem:s22+$0x13890]  }
0xc0: {  	v8 =	vld [tilespmem:s22+$0x13D90];
	s31 =	spop (v2sf)  }
0xc1: {  	v7 =	vld [tilespmem:s22+$0x14290];
	p2 =	seq.s32 s31, $0x0  }
.Ltmp5:
0xc2: {  	v6 =	vld [tilespmem:s22+$0x14790];
	(pc) =	sbr.rel @p2 .LBB2_38-.Ltmp5, $4  }
0xc3: {  	v5 =	vld [tilespmem:s22+$0x14C90]  }
0xc4: {  	v4 =	vld [tilespmem:s22+$0x15190]  }
0xc5: {  	v3 =	vld [tilespmem:s22+$0x15690]  }
0xc6: {  	v2 =	vld [tilespmem:s22+$0x15B90]  }
.Ltmp6:
0xc7: {  	(pc) =	sbr.rel @!p0 .LBB2_39-.Ltmp6, $1  }
0xc8: {  	_ =	sdelay $0x3  }
0xc9: {  	vm0 =	vmmov $0xffff  }
.LBB2_8:
0xca: {  	v20 =	vld.idx.msk [tilespmem:v18+s1+$0x0], $0xffff;
	_ =	sdelay $0x4  }
0xcb: {  	v20 =	vmax.f32 v20, v19  }
0xcc: {  	[tilespmem:v18+s1+$0x0] =	vst.idx.msk vm0, v20  }
0xcd: {  	v20 =	vld.idx.msk [tilespmem:v18+s1+$0x0], $0xffff;
	_ =	sdelay $0x4  }
0xce: {  	vm1 =	vlt.f32 v20, v19  }
0xcf: {  	vm0 =	vmand vm0, vm1  }
0xd0: {  	v20 =	vsel vm0, $0x3F800000, v1  }
0xd1: {  	(xrf0) =	vmax.scan.msk.f32 $0xffff, v20;
	_ =	sdelay $0x5  }
0xd2: {  	v20, _, _ =	vpop (xrf0)  }
0xd3: {  	(v2sf) =	vpush v20, $0xF;
	_ =	sdelay $0xe  }
0xd4: {  	s22 =	spop (v2sf)  }
0xd5: {  	p2 =	sgt.f32 s22, $0.0e+00  }
.Ltmp7:
0xd6: {  	_ = 	snop;
	(pc) =	sbr.rel @p2 .LBB2_8-.Ltmp7, $1  }
0xd7: {  	_ =	sdelay $0x3  }
0xd8: {  	v19 =	vand.u32 $0xFFFFFFF8, v18;
	v18 =	vand.u32 $0x7, v18  }
0xd9: {  	v20 =	vor.u32 v18, v19  }
0xda: {  	v20 =	vadd.s32 $0x2710, v20;
	_ =	sdelay $0x3  }
0xdb: {  	vm0 =	vmmov $0xffff  }
.LBB2_10:
0xdc: {  	v21 =	vld.idx.msk [tilespmem:v20+s1+$0x0], $0xffff;
	_ =	sdelay $0x4  }
0xdd: {  	v21 =	vmax.f32 v21, v17  }
0xde: {  	[tilespmem:v20+s1+$0x0] =	vst.idx.msk vm0, v21  }
0xdf: {  	v21 =	vld.idx.msk [tilespmem:v20+s1+$0x0], $0xffff;
	_ =	sdelay $0x4  }
0xe0: {  	vm1 =	vlt.f32 v21, v17  }
0xe1: {  	vm0 =	vmand vm0, vm1  }
0xe2: {  	v21 =	vsel vm0, $0x3F800000, v1  }
0xe3: {  	(xrf0) =	vmax.scan.msk.f32 $0xffff, v21;
	_ =	sdelay $0x5  }
0xe4: {  	v21, _, _ =	vpop (xrf0)  }
0xe5: {  	(v2sf) =	vpush v21, $0xF;
	_ =	sdelay $0xe  }
0xe6: {  	s22 =	spop (v2sf)  }
0xe7: {  	p2 =	sgt.f32 s22, $0.0e+00  }
.Ltmp8:
0xe8: {  	_ = 	snop;
	(pc) =	sbr.rel @p2 .LBB2_10-.Ltmp8, $1  }
0xe9: {  	_ =	sdelay $0x3  }
0xea: {  	v17 =	vadd.s32 v18, v19  }
0xeb: {  	v18 =	vadd.s32 $0x4E20, v17;
	_ =	sdelay $0x3  }
0xec: {  	vm0 =	vmmov $0xffff  }
.LBB2_12:
0xed: {  	v19 =	vld.idx.msk [tilespmem:v18+s1+$0x0], $0xffff;
	_ =	sdelay $0x4  }
0xee: {  	v19 =	vmax.f32 v19, v16  }
0xef: {  	[tilespmem:v18+s1+$0x0] =	vst.idx.msk vm0, v19  }
0xf0: {  	v19 =	vld.idx.msk [tilespmem:v18+s1+$0x0], $0xffff;
	_ =	sdelay $0x4  }
0xf1: {  	vm1 =	vlt.f32 v19, v16  }
0xf2: {  	vm0 =	vmand vm0, vm1  }
0xf3: {  	v19 =	vsel vm0, $0x3F800000, v1  }
0xf4: {  	(xrf0) =	vmax.scan.msk.f32 $0xffff, v19;
	_ =	sdelay $0x5  }
0xf5: {  	v19, _, _ =	vpop (xrf0)  }
0xf6: {  	(v2sf) =	vpush v19, $0xF;
	_ =	sdelay $0xe  }
0xf7: {  	s22 =	spop (v2sf)  }
0xf8: {  	p2 =	sgt.f32 s22, $0.0e+00  }
.Ltmp9:
0xf9: {  	_ = 	snop;
	(pc) =	sbr.rel @p2 .LBB2_12-.Ltmp9, $1  }
0xfa: {  	_ =	sdelay $0x3  }
0xfb: {  	v16 =	vadd.s32 $0x7530, v17;
	_ =	sdelay $0x3  }
0xfc: {  	vm0 =	vmmov $0xffff  }
.LBB2_14:
0xfd: {  	v18 =	vld.idx.msk [tilespmem:v16+s1+$0x0], $0xffff;
	_ =	sdelay $0x4  }
0xfe: {  	v18 =	vmax.f32 v18, v15  }
0xff: {  	[tilespmem:v16+s1+$0x0] =	vst.idx.msk vm0, v18  }
0x100: {  	v18 =	vld.idx.msk [tilespmem:v16+s1+$0x0], $0xffff;
	_ =	sdelay $0x4  }
0x101: {  	vm1 =	vlt.f32 v18, v15  }
0x102: {  	vm0 =	vmand vm0, vm1  }
0x103: {  	v18 =	vsel vm0, $0x3F800000, v1  }
0x104: {  	(xrf0) =	vmax.scan.msk.f32 $0xffff, v18;
	_ =	sdelay $0x5  }
0x105: {  	v18, _, _ =	vpop (xrf0)  }
0x106: {  	(v2sf) =	vpush v18, $0xF;
	_ =	sdelay $0xe  }
0x107: {  	s22 =	spop (v2sf)  }
0x108: {  	p2 =	sgt.f32 s22, $0.0e+00  }
.Ltmp10:
0x109: {  	_ = 	snop;
	(pc) =	sbr.rel @p2 .LBB2_14-.Ltmp10, $1  }
0x10a: {  	_ =	sdelay $0x3  }
0x10b: {  	v15 =	vadd.s32 $0x9C40, v17;
	_ =	sdelay $0x3  }
0x10c: {  	vm0 =	vmmov $0xffff  }
.LBB2_16:
0x10d: {  	v16 =	vld.idx.msk [tilespmem:v15+s1+$0x0], $0xffff;
	_ =	sdelay $0x4  }
0x10e: {  	v16 =	vmax.f32 v16, v14  }
0x10f: {  	[tilespmem:v15+s1+$0x0] =	vst.idx.msk vm0, v16  }
0x110: {  	v16 =	vld.idx.msk [tilespmem:v15+s1+$0x0], $0xffff;
	_ =	sdelay $0x4  }
0x111: {  	vm1 =	vlt.f32 v16, v14  }
0x112: {  	vm0 =	vmand vm0, vm1  }
0x113: {  	v16 =	vsel vm0, $0x3F800000, v1  }
0x114: {  	(xrf0) =	vmax.scan.msk.f32 $0xffff, v16;
	_ =	sdelay $0x5  }
0x115: {  	v16, _, _ =	vpop (xrf0)  }
0x116: {  	(v2sf) =	vpush v16, $0xF;
	_ =	sdelay $0xe  }
0x117: {  	s22 =	spop (v2sf)  }
0x118: {  	p2 =	sgt.f32 s22, $0.0e+00  }
.Ltmp11:
0x119: {  	_ = 	snop;
	(pc) =	sbr.rel @p2 .LBB2_16-.Ltmp11, $1  }
0x11a: {  	_ =	sdelay $0x3  }
0x11b: {  	v14 =	vadd.s32 $0xC350, v17;
	_ =	sdelay $0x3  }
0x11c: {  	vm0 =	vmmov $0xffff  }
.LBB2_18:
0x11d: {  	v15 =	vld.idx.msk [tilespmem:v14+s1+$0x0], $0xffff;
	_ =	sdelay $0x4  }
0x11e: {  	v15 =	vmax.f32 v15, v13  }
0x11f: {  	[tilespmem:v14+s1+$0x0] =	vst.idx.msk vm0, v15  }
0x120: {  	v15 =	vld.idx.msk [tilespmem:v14+s1+$0x0], $0xffff;
	_ =	sdelay $0x4  }
0x121: {  	vm1 =	vlt.f32 v15, v13  }
0x122: {  	vm0 =	vmand vm0, vm1  }
0x123: {  	v15 =	vsel vm0, $0x3F800000, v1  }
0x124: {  	(xrf0) =	vmax.scan.msk.f32 $0xffff, v15;
	_ =	sdelay $0x5  }
0x125: {  	v15, _, _ =	vpop (xrf0)  }
0x126: {  	(v2sf) =	vpush v15, $0xF;
	_ =	sdelay $0xe  }
0x127: {  	s22 =	spop (v2sf)  }
0x128: {  	p2 =	sgt.f32 s22, $0.0e+00  }
.Ltmp12:
0x129: {  	_ = 	snop;
	(pc) =	sbr.rel @p2 .LBB2_18-.Ltmp12, $1  }
0x12a: {  	_ =	sdelay $0x3  }
0x12b: {  	v13 =	vadd.s32 $0xEA60, v17;
	_ =	sdelay $0x3  }
0x12c: {  	vm0 =	vmmov $0xffff  }
.LBB2_20:
0x12d: {  	v14 =	vld.idx.msk [tilespmem:v13+s1+$0x0], $0xffff;
	_ =	sdelay $0x4  }
0x12e: {  	v14 =	vmax.f32 v14, v12  }
0x12f: {  	[tilespmem:v13+s1+$0x0] =	vst.idx.msk vm0, v14  }
0x130: {  	v14 =	vld.idx.msk [tilespmem:v13+s1+$0x0], $0xffff;
	_ =	sdelay $0x4  }
0x131: {  	vm1 =	vlt.f32 v14, v12  }
0x132: {  	vm0 =	vmand vm0, vm1  }
0x133: {  	v14 =	vsel vm0, $0x3F800000, v1  }
0x134: {  	(xrf0) =	vmax.scan.msk.f32 $0xffff, v14;
	_ =	sdelay $0x5  }
0x135: {  	v14, _, _ =	vpop (xrf0)  }
0x136: {  	(v2sf) =	vpush v14, $0xF;
	_ =	sdelay $0xe  }
0x137: {  	s22 =	spop (v2sf)  }
0x138: {  	p2 =	sgt.f32 s22, $0.0e+00  }
.Ltmp13:
0x139: {  	_ = 	snop;
	(pc) =	sbr.rel @p2 .LBB2_20-.Ltmp13, $1  }
0x13a: {  	_ =	sdelay $0x3  }
0x13b: {  	v12 =	vadd.s32 $0x11170, v17;
	_ =	sdelay $0x2  }
0x13c: {  	vm0 =	vmmov $0xffff  }
0x13d: {  	vm1 =	vmmov vm0  }
.LBB2_22:
0x13e: {  	v13 =	vld.idx.msk [tilespmem:v12+s1+$0x0], $0xffff;
	_ =	sdelay $0x4  }
0x13f: {  	v13 =	vmax.f32 v13, v11  }
0x140: {  	[tilespmem:v12+s1+$0x0] =	vst.idx.msk vm1, v13  }
0x141: {  	v13 =	vld.idx.msk [tilespmem:v12+s1+$0x0], $0xffff;
	_ =	sdelay $0x4  }
0x142: {  	vm2 =	vlt.f32 v13, v11  }
0x143: {  	vm1 =	vmand vm1, vm2  }
0x144: {  	v13 =	vsel vm1, $0x3F800000, v1  }
0x145: {  	(xrf0) =	vmax.scan.msk.f32 $0xffff, v13;
	_ =	sdelay $0x5  }
0x146: {  	v13, _, _ =	vpop (xrf0)  }
0x147: {  	(v2sf) =	vpush v13, $0xF;
	_ =	sdelay $0xe  }
0x148: {  	s22 =	spop (v2sf)  }
0x149: {  	p2 =	sgt.f32 s22, $0.0e+00  }
.Ltmp14:
0x14a: {  	_ = 	snop;
	(pc) =	sbr.rel @p2 .LBB2_22-.Ltmp14, $1  }
0x14b: {  	_ =	sdelay $0x3  }
.LBB2_23:
0x14c: {  	v11 =	vld.idx.msk [tilespmem:v9+s1+$0x0], $0xffff;
	_ =	sdelay $0x4  }
0x14d: {  	v11 =	vmax.f32 v11, v10  }
0x14e: {  	[tilespmem:v9+s1+$0x0] =	vst.idx.msk vm0, v11  }
0x14f: {  	v11 =	vld.idx.msk [tilespmem:v9+s1+$0x0], $0xffff;
	_ =	sdelay $0x4  }
0x150: {  	vm1 =	vlt.f32 v11, v10  }
0x151: {  	vm0 =	vmand vm0, vm1  }
0x152: {  	v11 =	vsel vm0, $0x3F800000, v1  }
0x153: {  	(xrf0) =	vmax.scan.msk.f32 $0xffff, v11;
	_ =	sdelay $0x5  }
0x154: {  	v11, _, _ =	vpop (xrf0)  }
0x155: {  	(v2sf) =	vpush v11, $0xF;
	_ =	sdelay $0xe  }
0x156: {  	s22 =	spop (v2sf)  }
0x157: {  	p2 =	sgt.f32 s22, $0.0e+00  }
.Ltmp15:
0x158: {  	_ = 	snop;
	(pc) =	sbr.rel @p2 .LBB2_23-.Ltmp15, $1  }
0x159: {  	_ =	sdelay $0x3  }
0x15a: {  	v10 =	vand.u32 $0xFFFFFFF8, v9;
	v9 =	vand.u32 $0x7, v9  }
0x15b: {  	v11 =	vor.u32 v9, v10  }
0x15c: {  	v11 =	vadd.s32 $0x2710, v11;
	_ =	sdelay $0x3  }
0x15d: {  	vm0 =	vmmov $0xffff  }
.LBB2_25:
0x15e: {  	v12 =	vld.idx.msk [tilespmem:v11+s1+$0x0], $0xffff;
	_ =	sdelay $0x4  }
0x15f: {  	v12 =	vmax.f32 v12, v8  }
0x160: {  	[tilespmem:v11+s1+$0x0] =	vst.idx.msk vm0, v12  }
0x161: {  	v12 =	vld.idx.msk [tilespmem:v11+s1+$0x0], $0xffff;
	_ =	sdelay $0x4  }
0x162: {  	vm1 =	vlt.f32 v12, v8  }
0x163: {  	vm0 =	vmand vm0, vm1  }
0x164: {  	v63 =	vsel vm0, $0x3F800000, v1  }
0x165: {  	(xrf0) =	vmax.scan.msk.f32 $0xffff, v63;
	_ =	sdelay $0x5  }
0x166: {  	v12, _, _ =	vpop (xrf0)  }
0x167: {  	(v2sf) =	vpush v12, $0xF;
	_ =	sdelay $0xe  }
0x168: {  	s22 =	spop (v2sf)  }
0x169: {  	p2 =	sgt.f32 s22, $0.0e+00  }
.Ltmp16:
0x16a: {  	_ = 	snop;
	(pc) =	sbr.rel @p2 .LBB2_25-.Ltmp16, $1  }
0x16b: {  	_ =	sdelay $0x3  }
0x16c: {  	v8 =	vadd.s32 v9, v10  }
0x16d: {  	v9 =	vadd.s32 $0x4E20, v8;
	_ =	sdelay $0x3  }
0x16e: {  	vm0 =	vmmov $0xffff  }
.LBB2_27:
0x16f: {  	v10 =	vld.idx.msk [tilespmem:v9+s1+$0x0], $0xffff;
	_ =	sdelay $0x4  }
0x170: {  	v10 =	vmax.f32 v10, v7  }
0x171: {  	[tilespmem:v9+s1+$0x0] =	vst.idx.msk vm0, v10  }
0x172: {  	v10 =	vld.idx.msk [tilespmem:v9+s1+$0x0], $0xffff;
	_ =	sdelay $0x4  }
0x173: {  	vm1 =	vlt.f32 v10, v7  }
0x174: {  	vm0 =	vmand vm0, vm1  }
0x175: {  	v10 =	vsel vm0, $0x3F800000, v1  }
0x176: {  	(xrf0) =	vmax.scan.msk.f32 $0xffff, v10;
	_ =	sdelay $0x5  }
0x177: {  	v10, _, _ =	vpop (xrf0)  }
0x178: {  	(v2sf) =	vpush v10, $0xF;
	_ =	sdelay $0xe  }
0x179: {  	s22 =	spop (v2sf)  }
0x17a: {  	p2 =	sgt.f32 s22, $0.0e+00  }
.Ltmp17:
0x17b: {  	_ = 	snop;
	(pc) =	sbr.rel @p2 .LBB2_27-.Ltmp17, $1  }
0x17c: {  	_ =	sdelay $0x3  }
0x17d: {  	v7 =	vadd.s32 $0x7530, v8;
	_ =	sdelay $0x3  }
0x17e: {  	vm0 =	vmmov $0xffff  }
.LBB2_29:
0x17f: {  	v9 =	vld.idx.msk [tilespmem:v7+s1+$0x0], $0xffff;
	_ =	sdelay $0x4  }
0x180: {  	v9 =	vmax.f32 v9, v6  }
0x181: {  	[tilespmem:v7+s1+$0x0] =	vst.idx.msk vm0, v9  }
0x182: {  	v9 =	vld.idx.msk [tilespmem:v7+s1+$0x0], $0xffff;
	_ =	sdelay $0x4  }
0x183: {  	vm1 =	vlt.f32 v9, v6  }
0x184: {  	vm0 =	vmand vm0, vm1  }
0x185: {  	v9 =	vsel vm0, $0x3F800000, v1  }
0x186: {  	(xrf0) =	vmax.scan.msk.f32 $0xffff, v9;
	_ =	sdelay $0x5  }
0x187: {  	v9, _, _ =	vpop (xrf0)  }
0x188: {  	(v2sf) =	vpush v9, $0xF;
	_ =	sdelay $0xe  }
0x189: {  	s22 =	spop (v2sf)  }
0x18a: {  	p2 =	sgt.f32 s22, $0.0e+00  }
.Ltmp18:
0x18b: {  	_ = 	snop;
	(pc) =	sbr.rel @p2 .LBB2_29-.Ltmp18, $1  }
0x18c: {  	_ =	sdelay $0x3  }
0x18d: {  	v6 =	vadd.s32 $0x9C40, v8;
	_ =	sdelay $0x3  }
0x18e: {  	vm0 =	vmmov $0xffff  }
.LBB2_31:
0x18f: {  	v7 =	vld.idx.msk [tilespmem:v6+s1+$0x0], $0xffff;
	_ =	sdelay $0x4  }
0x190: {  	v7 =	vmax.f32 v7, v5  }
0x191: {  	[tilespmem:v6+s1+$0x0] =	vst.idx.msk vm0, v7  }
0x192: {  	v7 =	vld.idx.msk [tilespmem:v6+s1+$0x0], $0xffff;
	_ =	sdelay $0x4  }
0x193: {  	vm1 =	vlt.f32 v7, v5  }
0x194: {  	vm0 =	vmand vm0, vm1  }
0x195: {  	v7 =	vsel vm0, $0x3F800000, v1  }
0x196: {  	(xrf0) =	vmax.scan.msk.f32 $0xffff, v7;
	_ =	sdelay $0x5  }
0x197: {  	v7, _, _ =	vpop (xrf0)  }
0x198: {  	(v2sf) =	vpush v7, $0xF;
	_ =	sdelay $0xe  }
0x199: {  	s22 =	spop (v2sf)  }
0x19a: {  	p2 =	sgt.f32 s22, $0.0e+00  }
.Ltmp19:
0x19b: {  	_ = 	snop;
	(pc) =	sbr.rel @p2 .LBB2_31-.Ltmp19, $1  }
0x19c: {  	_ =	sdelay $0x3  }
0x19d: {  	v5 =	vadd.s32 $0xC350, v8;
	_ =	sdelay $0x3  }
0x19e: {  	vm0 =	vmmov $0xffff  }
.LBB2_33:
0x19f: {  	v6 =	vld.idx.msk [tilespmem:v5+s1+$0x0], $0xffff;
	_ =	sdelay $0x4  }
0x1a0: {  	v6 =	vmax.f32 v6, v4  }
0x1a1: {  	[tilespmem:v5+s1+$0x0] =	vst.idx.msk vm0, v6  }
0x1a2: {  	v6 =	vld.idx.msk [tilespmem:v5+s1+$0x0], $0xffff;
	_ =	sdelay $0x4  }
0x1a3: {  	vm1 =	vlt.f32 v6, v4  }
0x1a4: {  	vm0 =	vmand vm0, vm1  }
0x1a5: {  	v6 =	vsel vm0, $0x3F800000, v1  }
0x1a6: {  	(xrf0) =	vmax.scan.msk.f32 $0xffff, v6;
	_ =	sdelay $0x5  }
0x1a7: {  	v6, _, _ =	vpop (xrf0)  }
0x1a8: {  	(v2sf) =	vpush v6, $0xF;
	_ =	sdelay $0xe  }
0x1a9: {  	s22 =	spop (v2sf)  }
0x1aa: {  	p2 =	sgt.f32 s22, $0.0e+00  }
.Ltmp20:
0x1ab: {  	_ = 	snop;
	(pc) =	sbr.rel @p2 .LBB2_33-.Ltmp20, $1  }
0x1ac: {  	_ =	sdelay $0x3  }
0x1ad: {  	v4 =	vadd.s32 $0xEA60, v8;
	_ =	sdelay $0x3  }
0x1ae: {  	vm0 =	vmmov $0xffff  }
.LBB2_35:
0x1af: {  	v5 =	vld.idx.msk [tilespmem:v4+s1+$0x0], $0xffff;
	_ =	sdelay $0x4  }
0x1b0: {  	v5 =	vmax.f32 v5, v3  }
0x1b1: {  	[tilespmem:v4+s1+$0x0] =	vst.idx.msk vm0, v5  }
0x1b2: {  	v5 =	vld.idx.msk [tilespmem:v4+s1+$0x0], $0xffff;
	_ =	sdelay $0x4  }
0x1b3: {  	vm1 =	vlt.f32 v5, v3  }
0x1b4: {  	vm0 =	vmand vm0, vm1  }
0x1b5: {  	v5 =	vsel vm0, $0x3F800000, v1  }
0x1b6: {  	(xrf0) =	vmax.scan.msk.f32 $0xffff, v5;
	_ =	sdelay $0x5  }
0x1b7: {  	v5, _, _ =	vpop (xrf0)  }
0x1b8: {  	(v2sf) =	vpush v5, $0xF;
	_ =	sdelay $0xe  }
0x1b9: {  	s22 =	spop (v2sf)  }
0x1ba: {  	p2 =	sgt.f32 s22, $0.0e+00  }
.Ltmp21:
0x1bb: {  	_ = 	snop;
	(pc) =	sbr.rel @p2 .LBB2_35-.Ltmp21, $1  }
0x1bc: {  	_ =	sdelay $0x3  }
0x1bd: {  	v3 =	vadd.s32 $0x11170, v8;
	_ =	sdelay $0x3  }
0x1be: {  	vm0 =	vmmov $0xffff  }
.LBB2_37:
0x1bf: {  	v4 =	vld.idx.msk [tilespmem:v3+s1+$0x0], $0xffff;
	_ =	sdelay $0x4  }
0x1c0: {  	v4 =	vmax.f32 v4, v2  }
0x1c1: {  	[tilespmem:v3+s1+$0x0] =	vst.idx.msk vm0, v4  }
0x1c2: {  	v4 =	vld.idx.msk [tilespmem:v3+s1+$0x0], $0xffff;
	_ =	sdelay $0x4  }
0x1c3: {  	vm1 =	vlt.f32 v4, v2  }
0x1c4: {  	vm0 =	vmand vm0, vm1  }
0x1c5: {  	v4 =	vsel vm0, $0x3F800000, v1  }
0x1c6: {  	(xrf0) =	vmax.scan.msk.f32 $0xffff, v4;
	_ =	sdelay $0x5  }
0x1c7: {  	v4, _, _ =	vpop (xrf0)  }
0x1c8: {  	(v2sf) =	vpush v4, $0xF;
	_ =	sdelay $0xe  }
0x1c9: {  	s22 =	spop (v2sf)  }
0x1ca: {  	p2 =	sgt.f32 s22, $0.0e+00  }
.Ltmp22:
0x1cb: {  	_ = 	snop;
	(pc) =	sbr.rel @p2 .LBB2_37-.Ltmp22, $1  }
0x1cc: {  	_ =	sdelay $0x3  }
.Ltmp23:
0x1cd: {  	_ = 	snop;
	(pc) =	sbr.rel .LBB2_39-.Ltmp23, $1  }
0x1ce: {  	_ =	sdelay $0x3  }
.LBB2_40:
0x1cf: {  	s20 =	sshll.u32 s18, $0x1  }
0x1d0: {  	s31 =	sadd.s32 $0x2, s20  }
0x1d1: {  	s22 =	smul.u32 $0x500, s31;
	_ =	sdelay $0x1  }
0x1d2: {  	s0 =	sadd.s32 s3, s22  }
0x1d3: {  	s5 =	simm.s32 $0x16080;
	s22 =	sshrl.u32 s0, $0x3  }
0x1d4: {  	s31 =	smul.u32 $0x28, s31;
	s2 =	sadd.s32 s15, s22;
	s22 =	simm.s32 $0x0  }
0x1d5: {  	[tilespmem:s5], [sflag:$0x1] =	stream.linear.gather [hbm4b:s2+s22], $0x500, $0x38;
	[tilespmem:$0x1CD88] =	vst v63  }
0x1d6: {  	s5 =	sadd.s32 s17, s31  }
0x1d7: {  	s2 =	sshrl.u32 s5, $0x3  }
0x1d8: {  	s31 =	simm.s32 $0x16580;
	s5 =	sadd.s32 s14, s0;
	s2 =	sadd.s32 s16, s2  }
0x1d9: {  	[tilespmem:s31], [sflag:$0x1] =	stream.linear.gather [hbm4b:s2+s22], $0x28, $0x38;
	[tilespmem:$0x1CD88] =	vst v63  }
0x1da: {  	s2 =	sshrl.u32 s5, $0x3  }
0x1db: {  	s31 =	simm.s32 $0x13880;
	s5 =	sadd.s32 s19, s0;
	s2 =	sadd.s32 s13, s2  }
0x1dc: {  	[tilespmem:s31], [sflag:$0x1] =	stream.linear.gather [hbm4b:s2+s22], $0x500, $0x38;
	[tilespmem:$0x1CD88] =	vst v63  }
0x1dd: {  	s2 =	sshrl.u32 s5, $0x3  }
0x1de: {  	s31 =	simm.s32 $0x13D80;
	s2 =	sadd.s32 s13, s2  }
0x1df: {  	[tilespmem:s31], [sflag:$0x1] =	stream.linear.gather [hbm4b:s2+s22], $0x500, $0x38;
	[tilespmem:$0x1CD88] =	vst v63  }
0x1e0: {  	s31 =	sadd.s32 s21, s0  }
0x1e1: {  	s2 =	sshrl.u32 s31, $0x3  }
0x1e2: {  	s5 =	sadd.s32 s23, s0;
	s2 =	sadd.s32 s13, s2  }
0x1e3: {  	[tilespmem:s6], [sflag:$0x1] =	stream.linear.gather [hbm4b:s2+s22], $0x500, $0x38;
	[tilespmem:$0x1CD88] =	vst v63  }
0x1e4: {  	s2 =	sshrl.u32 s5, $0x3  }
0x1e5: {  	s31 =	sadd.s32 s24, s0;
	s2 =	sadd.s32 s13, s2  }
0x1e6: {  	[tilespmem:s7], [sflag:$0x1] =	stream.linear.gather [hbm4b:s2+s22], $0x500, $0x38;
	[tilespmem:$0x1CD88] =	vst v63  }
0x1e7: {  	s2 =	sshrl.u32 s31, $0x3  }
0x1e8: {  	s5 =	sadd.s32 s25, s0;
	s2 =	sadd.s32 s13, s2  }
0x1e9: {  	[tilespmem:s8], [sflag:$0x1] =	stream.linear.gather [hbm4b:s2+s22], $0x500, $0x38;
	[tilespmem:$0x1CD88] =	vst v63  }
0x1ea: {  	s2 =	sshrl.u32 s5, $0x3  }
0x1eb: {  	s31 =	sadd.s32 s29, s0;
	s2 =	sadd.s32 s13, s2  }
0x1ec: {  	[tilespmem:s9], [sflag:$0x1] =	stream.linear.gather [hbm4b:s2+s22], $0x500, $0x38;
	[tilespmem:$0x1CD88] =	vst v63  }
0x1ed: {  	s0 =	sadd.s32 s30, s0;
	s2 =	sshrl.u32 s31, $0x3  }
0x1ee: {  	s0 =	sshrl.u32 s0, $0x3;
	s2 =	sadd.s32 s13, s2  }
0x1ef: {  	[tilespmem:s10], [sflag:$0x1] =	stream.linear.gather [hbm4b:s2+s22], $0x500, $0x38;
	[tilespmem:$0x1CD88] =	vst v63  }
0x1f0: {  	s0 =	sadd.s32 s13, s0  }
0x1f1: {  	[tilespmem:s11], [sflag:$0x1] =	stream.linear.gather [hbm4b:s0+s22], $0x500, $0x38;
	[tilespmem:$0x1CD88] =	vst v63  }
0x1f2: {  	_ =	swait.ge [sflag:s28], $0x500  }
0x1f3: {  	[sflag:s28] =	ssyncset.done $0x0  }
0x1f4: {  	[sflag:s28] =	ssyncadd.s32 $0xFFFFFB00  }
0x1f5: {  	_ =	swait.ge [sflag:s28], $0x28  }
0x1f6: {  	[sflag:s28] =	ssyncset.done $0x0  }
0x1f7: {  	[sflag:s28] =	ssyncadd.s32 $0xFFFFFFD8  }
0x1f8: {  	_ =	swait.ge [sflag:s28], $0x500  }
0x1f9: {  	[sflag:s28] =	ssyncset.done $0x0  }
0x1fa: {  	[sflag:s28] =	ssyncadd.s32 $0xFFFFFB00  }
0x1fb: {  	_ =	swait.ge [sflag:s28], $0x500  }
0x1fc: {  	[sflag:s28] =	ssyncset.done $0x0  }
0x1fd: {  	[sflag:s28] =	ssyncadd.s32 $0xFFFFFB00  }
0x1fe: {  	_ =	swait.ge [sflag:s28], $0x500  }
0x1ff: {  	[sflag:s28] =	ssyncset.done $0x0  }
0x200: {  	[sflag:s28] =	ssyncadd.s32 $0xFFFFFB00  }
0x201: {  	_ =	swait.ge [sflag:s28], $0x500  }
0x202: {  	[sflag:s28] =	ssyncset.done $0x0  }
0x203: {  	[sflag:s28] =	ssyncadd.s32 $0xFFFFFB00  }
0x204: {  	_ =	swait.ge [sflag:s28], $0x500  }
0x205: {  	[sflag:s28] =	ssyncset.done $0x0  }
0x206: {  	[sflag:s28] =	ssyncadd.s32 $0xFFFFFB00  }
0x207: {  	_ =	swait.ge [sflag:s28], $0x500  }
0x208: {  	[sflag:s28] =	ssyncset.done $0x0  }
0x209: {  	[sflag:s28] =	ssyncadd.s32 $0xFFFFFB00  }
0x20a: {  	_ =	swait.ge [sflag:s28], $0x500  }
.Ltmp24:
0x20b: {  	[sflag:s28] =	ssyncset.done $0x0;
	(pc) =	sbr.rel .LBB2_41-.Ltmp24, $4  }
0x20c: {  	[sflag:s28] =	ssyncadd.s32 $0xFFFFFB00  }
0x20d: {  	_ =	swait.ge [sflag:s28], $0x500  }
0x20e: {  	[sflag:s28] =	ssyncset.done $0x0  }
0x20f: {  	[sflag:s28] =	ssyncadd.s32 $0xFFFFFB00  }
.LBB2_74:
0x210: {  	v20 =	vadd.s32 $0x2710, v18  }
0x211: {  	v21 =	vadd.s32 $0x4E20, v18  }
0x212: {  	v22 =	vadd.s32 $0x7530, v18  }
0x213: {  	v23 =	vadd.s32 $0x9C40, v18  }
0x214: {  	v24 =	vld.idx.msk [tilespmem:v18+s1+$0x0], $0xffff;
	v25 =	vadd.s32 $0xC350, v18  }
0x215: {  	v27 =	vadd.s32 $0xEA60, v18;
	v26 =	vld.idx.msk [tilespmem:v20+s1+$0x0], $0xffff  }
0x216: {  	v29 =	vadd.s32 $0x11170, v18;
	v28 =	vld.idx.msk [tilespmem:v21+s1+$0x0], $0xffff  }
0x217: {  	v30 =	vld.idx.msk [tilespmem:v22+s1+$0x0], $0xffff  }
0x218: {  	v31 =	vld.idx.msk [tilespmem:v23+s1+$0x0], $0xffff  }
0x219: {  	v32 =	vld.idx.msk [tilespmem:v25+s1+$0x0], $0xffff  }
0x21a: {  	v33 =	vld.idx.msk [tilespmem:v27+s1+$0x0], $0xffff;
	v19 =	vmax.f32 v24, v19  }
0x21b: {  	v34 =	vld.idx.msk [tilespmem:v29+s1+$0x0], $0xffff;
	[tilespmem:v18+s1+$0x0] =	vst.idx.msk $0xffff, v19;
	v17 =	vmax.f32 v26, v17  }
0x21c: {  	v16 =	vmax.f32 v28, v16;
	[tilespmem:v20+s1+$0x0] =	vst.idx.msk $0xffff, v17  }
0x21d: {  	v15 =	vmax.f32 v30, v15;
	[tilespmem:v21+s1+$0x0] =	vst.idx.msk $0xffff, v16  }
0x21e: {  	v14 =	vmax.f32 v31, v14;
	[tilespmem:v22+s1+$0x0] =	vst.idx.msk $0xffff, v15  }
0x21f: {  	v56 =	vadd.s32 $0x2710, v9;
	v13 =	vmax.f32 v32, v13;
	[tilespmem:v23+s1+$0x0] =	vst.idx.msk $0xffff, v14  }
0x220: {  	v57 =	vadd.s32 $0x4E20, v9;
	v12 =	vmax.f32 v33, v12;
	[tilespmem:v25+s1+$0x0] =	vst.idx.msk $0xffff, v13  }
0x221: {  	v58 =	vadd.s32 $0x7530, v9;
	v11 =	vmax.f32 v34, v11;
	[tilespmem:v27+s1+$0x0] =	vst.idx.msk $0xffff, v12  }
0x222: {  	v59 =	vadd.s32 $0x9C40, v9;
	[tilespmem:v29+s1+$0x0] =	vst.idx.msk $0xffff, v11  }
0x223: {  	v60 =	vadd.s32 $0xC350, v9;
	v15 =	vld.idx.msk [tilespmem:v9+s1+$0x0], $0xffff  }
0x224: {  	v61 =	vadd.s32 $0xEA60, v9;
	v17 =	vld.idx.msk [tilespmem:v56+s1+$0x0], $0xffff  }
0x225: {  	v62 =	vadd.s32 $0x11170, v9;
	v19 =	vld.idx.msk [tilespmem:v57+s1+$0x0], $0xffff  }
0x226: {  	v21 =	vld.idx.msk [tilespmem:v58+s1+$0x0], $0xffff  }
0x227: {  	v22 =	vld.idx.msk [tilespmem:v59+s1+$0x0], $0xffff  }
0x228: {  	v23 =	vld.idx.msk [tilespmem:v60+s1+$0x0], $0xffff  }
0x229: {  	v63 =	vld.idx.msk [tilespmem:v61+s1+$0x0], $0xffff;
	v10 =	vmax.f32 v15, v10  }
0x22a: {  	v25 =	vld.idx.msk [tilespmem:v62+s1+$0x0], $0xffff;
	v8 =	vmax.f32 v17, v8;
	[tilespmem:v9+s1+$0x0] =	vst.idx.msk $0xffff, v10  }
0x22b: {  	v7 =	vmax.f32 v19, v7;
	[tilespmem:v56+s1+$0x0] =	vst.idx.msk $0xffff, v8  }
0x22c: {  	v6 =	vmax.f32 v21, v6;
	[tilespmem:v57+s1+$0x0] =	vst.idx.msk $0xffff, v7  }
0x22d: {  	v5 =	vmax.f32 v22, v5;
	[tilespmem:v58+s1+$0x0] =	vst.idx.msk $0xffff, v6  }
0x22e: {  	v4 =	vmax.f32 v23, v4;
	[tilespmem:v59+s1+$0x0] =	vst.idx.msk $0xffff, v5  }
0x22f: {  	v3 =	vmax.f32 v63, v3;
	[tilespmem:v60+s1+$0x0] =	vst.idx.msk $0xffff, v4  }
0x230: {  	v2 =	vmax.f32 v25, v2;
	[tilespmem:v61+s1+$0x0] =	vst.idx.msk $0xffff, v3  }
0x231: {  	[tilespmem:v62+s1+$0x0] =	vst.idx.msk $0xffff, v2  }
.LBB2_75:
0x232: {  	s22 =	sadd.s32 $0x1, s22  }
0x233: {  	p2 =	sne.s32 s22, $0x28  }
.Ltmp25:
0x234: {  	_ = 	snop;
	(pc) =	sbr.rel @!p2 .LBB2_76-.Ltmp25, $1  }
0x235: {  	_ =	sdelay $0x3  }
.LBB2_41:
0x236: {  	v2 =	vld [tilespmem:s22+$0x192B8];
	_ =	sdelay $0x4  }
0x237: {  	(v2sf) =	vpush v2, $0x0;
	_ =	sdelay $0x2  }
0x238: {  	s0 =	sshll.u32 s22, $0x5  }
0x239: {  	v18 =	vld [tilespmem:s0+$0x18DB8]  }
0x23a: {  	v19 =	vld [tilespmem:s0+$0x165B8]  }
0x23b: {  	v17 =	vld [tilespmem:s0+$0x16AB8]  }
0x23c: {  	v16 =	vld [tilespmem:s0+$0x16FB8]  }
0x23d: {  	v15 =	vld [tilespmem:s0+$0x174B8]  }
0x23e: {  	v14 =	vld [tilespmem:s0+$0x179B8]  }
0x23f: {  	v13 =	vld [tilespmem:s0+$0x17EB8]  }
0x240: {  	v12 =	vld [tilespmem:s0+$0x183B8]  }
0x241: {  	v11 =	vld [tilespmem:s0+$0x188B8]  }
0x242: {  	v9 =	vld [tilespmem:s0+$0x18DC8]  }
0x243: {  	v10 =	vld [tilespmem:s0+$0x165C8]  }
0x244: {  	v8 =	vld [tilespmem:s0+$0x16AC8];
	s2 =	spop (v2sf)  }
0x245: {  	v7 =	vld [tilespmem:s0+$0x16FC8];
	p2 =	seq.s32 s2, $0x0  }
.Ltmp26:
0x246: {  	v6 =	vld [tilespmem:s0+$0x174C8];
	(pc) =	sbr.rel @p2 .LBB2_74-.Ltmp26, $4  }
0x247: {  	v5 =	vld [tilespmem:s0+$0x179C8]  }
0x248: {  	v4 =	vld [tilespmem:s0+$0x17EC8]  }
0x249: {  	v3 =	vld [tilespmem:s0+$0x183C8]  }
0x24a: {  	v2 =	vld [tilespmem:s0+$0x188C8]  }
.Ltmp27:
0x24b: {  	(pc) =	sbr.rel @!p0 .LBB2_75-.Ltmp27, $1  }
0x24c: {  	_ =	sdelay $0x3  }
0x24d: {  	vm0 =	vmmov $0xffff  }
.LBB2_44:
0x24e: {  	v20 =	vld.idx.msk [tilespmem:v18+s1+$0x0], $0xffff;
	_ =	sdelay $0x4  }
0x24f: {  	v20 =	vmax.f32 v20, v19  }
0x250: {  	[tilespmem:v18+s1+$0x0] =	vst.idx.msk vm0, v20  }
0x251: {  	v20 =	vld.idx.msk [tilespmem:v18+s1+$0x0], $0xffff;
	_ =	sdelay $0x4  }
0x252: {  	vm1 =	vlt.f32 v20, v19  }
0x253: {  	vm0 =	vmand vm0, vm1  }
0x254: {  	v20 =	vsel vm0, $0x3F800000, v1  }
0x255: {  	(xrf0) =	vmax.scan.msk.f32 $0xffff, v20;
	_ =	sdelay $0x5  }
0x256: {  	v20, _, _ =	vpop (xrf0)  }
0x257: {  	(v2sf) =	vpush v20, $0xF;
	_ =	sdelay $0xe  }
0x258: {  	s0 =	spop (v2sf)  }
0x259: {  	p2 =	sgt.f32 s0, $0.0e+00  }
.Ltmp28:
0x25a: {  	_ = 	snop;
	(pc) =	sbr.rel @p2 .LBB2_44-.Ltmp28, $1  }
0x25b: {  	_ =	sdelay $0x3  }
0x25c: {  	v19 =	vand.u32 $0xFFFFFFF8, v18;
	v18 =	vand.u32 $0x7, v18  }
0x25d: {  	v20 =	vor.u32 v18, v19  }
0x25e: {  	v20 =	vadd.s32 $0x2710, v20;
	_ =	sdelay $0x3  }
0x25f: {  	vm0 =	vmmov $0xffff  }
.LBB2_46:
0x260: {  	v21 =	vld.idx.msk [tilespmem:v20+s1+$0x0], $0xffff;
	_ =	sdelay $0x4  }
0x261: {  	v21 =	vmax.f32 v21, v17  }
0x262: {  	[tilespmem:v20+s1+$0x0] =	vst.idx.msk vm0, v21  }
0x263: {  	v21 =	vld.idx.msk [tilespmem:v20+s1+$0x0], $0xffff;
	_ =	sdelay $0x4  }
0x264: {  	vm1 =	vlt.f32 v21, v17  }
0x265: {  	vm0 =	vmand vm0, vm1  }
0x266: {  	v21 =	vsel vm0, $0x3F800000, v1  }
0x267: {  	(xrf0) =	vmax.scan.msk.f32 $0xffff, v21;
	_ =	sdelay $0x5  }
0x268: {  	v21, _, _ =	vpop (xrf0)  }
0x269: {  	(v2sf) =	vpush v21, $0xF;
	_ =	sdelay $0xe  }
0x26a: {  	s0 =	spop (v2sf)  }
0x26b: {  	p2 =	sgt.f32 s0, $0.0e+00  }
.Ltmp29:
0x26c: {  	_ = 	snop;
	(pc) =	sbr.rel @p2 .LBB2_46-.Ltmp29, $1  }
0x26d: {  	_ =	sdelay $0x3  }
0x26e: {  	v17 =	vadd.s32 v18, v19  }
0x26f: {  	v18 =	vadd.s32 $0x4E20, v17;
	_ =	sdelay $0x3  }
0x270: {  	vm0 =	vmmov $0xffff  }
.LBB2_48:
0x271: {  	v19 =	vld.idx.msk [tilespmem:v18+s1+$0x0], $0xffff;
	_ =	sdelay $0x4  }
0x272: {  	v19 =	vmax.f32 v19, v16  }
0x273: {  	[tilespmem:v18+s1+$0x0] =	vst.idx.msk vm0, v19  }
0x274: {  	v19 =	vld.idx.msk [tilespmem:v18+s1+$0x0], $0xffff;
	_ =	sdelay $0x4  }
0x275: {  	vm1 =	vlt.f32 v19, v16  }
0x276: {  	vm0 =	vmand vm0, vm1  }
0x277: {  	v19 =	vsel vm0, $0x3F800000, v1  }
0x278: {  	(xrf0) =	vmax.scan.msk.f32 $0xffff, v19;
	_ =	sdelay $0x5  }
0x279: {  	v19, _, _ =	vpop (xrf0)  }
0x27a: {  	(v2sf) =	vpush v19, $0xF;
	_ =	sdelay $0xe  }
0x27b: {  	s0 =	spop (v2sf)  }
0x27c: {  	p2 =	sgt.f32 s0, $0.0e+00  }
.Ltmp30:
0x27d: {  	_ = 	snop;
	(pc) =	sbr.rel @p2 .LBB2_48-.Ltmp30, $1  }
0x27e: {  	_ =	sdelay $0x3  }
0x27f: {  	v16 =	vadd.s32 $0x7530, v17;
	_ =	sdelay $0x3  }
0x280: {  	vm0 =	vmmov $0xffff  }
.LBB2_50:
0x281: {  	v18 =	vld.idx.msk [tilespmem:v16+s1+$0x0], $0xffff;
	_ =	sdelay $0x4  }
0x282: {  	v18 =	vmax.f32 v18, v15  }
0x283: {  	[tilespmem:v16+s1+$0x0] =	vst.idx.msk vm0, v18  }
0x284: {  	v18 =	vld.idx.msk [tilespmem:v16+s1+$0x0], $0xffff;
	_ =	sdelay $0x4  }
0x285: {  	vm1 =	vlt.f32 v18, v15  }
0x286: {  	vm0 =	vmand vm0, vm1  }
0x287: {  	v18 =	vsel vm0, $0x3F800000, v1  }
0x288: {  	(xrf0) =	vmax.scan.msk.f32 $0xffff, v18;
	_ =	sdelay $0x5  }
0x289: {  	v18, _, _ =	vpop (xrf0)  }
0x28a: {  	(v2sf) =	vpush v18, $0xF;
	_ =	sdelay $0xe  }
0x28b: {  	s0 =	spop (v2sf)  }
0x28c: {  	p2 =	sgt.f32 s0, $0.0e+00  }
.Ltmp31:
0x28d: {  	_ = 	snop;
	(pc) =	sbr.rel @p2 .LBB2_50-.Ltmp31, $1  }
0x28e: {  	_ =	sdelay $0x3  }
0x28f: {  	v15 =	vadd.s32 $0x9C40, v17;
	_ =	sdelay $0x3  }
0x290: {  	vm0 =	vmmov $0xffff  }
.LBB2_52:
0x291: {  	v16 =	vld.idx.msk [tilespmem:v15+s1+$0x0], $0xffff;
	_ =	sdelay $0x4  }
0x292: {  	v16 =	vmax.f32 v16, v14  }
0x293: {  	[tilespmem:v15+s1+$0x0] =	vst.idx.msk vm0, v16  }
0x294: {  	v16 =	vld.idx.msk [tilespmem:v15+s1+$0x0], $0xffff;
	_ =	sdelay $0x4  }
0x295: {  	vm1 =	vlt.f32 v16, v14  }
0x296: {  	vm0 =	vmand vm0, vm1  }
0x297: {  	v16 =	vsel vm0, $0x3F800000, v1  }
0x298: {  	(xrf0) =	vmax.scan.msk.f32 $0xffff, v16;
	_ =	sdelay $0x5  }
0x299: {  	v16, _, _ =	vpop (xrf0)  }
0x29a: {  	(v2sf) =	vpush v16, $0xF;
	_ =	sdelay $0xe  }
0x29b: {  	s0 =	spop (v2sf)  }
0x29c: {  	p2 =	sgt.f32 s0, $0.0e+00  }
.Ltmp32:
0x29d: {  	_ = 	snop;
	(pc) =	sbr.rel @p2 .LBB2_52-.Ltmp32, $1  }
0x29e: {  	_ =	sdelay $0x3  }
0x29f: {  	v14 =	vadd.s32 $0xC350, v17;
	_ =	sdelay $0x3  }
0x2a0: {  	vm0 =	vmmov $0xffff  }
.LBB2_54:
0x2a1: {  	v15 =	vld.idx.msk [tilespmem:v14+s1+$0x0], $0xffff;
	_ =	sdelay $0x4  }
0x2a2: {  	v15 =	vmax.f32 v15, v13  }
0x2a3: {  	[tilespmem:v14+s1+$0x0] =	vst.idx.msk vm0, v15  }
0x2a4: {  	v15 =	vld.idx.msk [tilespmem:v14+s1+$0x0], $0xffff;
	_ =	sdelay $0x4  }
0x2a5: {  	vm1 =	vlt.f32 v15, v13  }
0x2a6: {  	vm0 =	vmand vm0, vm1  }
0x2a7: {  	v15 =	vsel vm0, $0x3F800000, v1  }
0x2a8: {  	(xrf0) =	vmax.scan.msk.f32 $0xffff, v15;
	_ =	sdelay $0x5  }
0x2a9: {  	v15, _, _ =	vpop (xrf0)  }
0x2aa: {  	(v2sf) =	vpush v15, $0xF;
	_ =	sdelay $0xe  }
0x2ab: {  	s0 =	spop (v2sf)  }
0x2ac: {  	p2 =	sgt.f32 s0, $0.0e+00  }
.Ltmp33:
0x2ad: {  	_ = 	snop;
	(pc) =	sbr.rel @p2 .LBB2_54-.Ltmp33, $1  }
0x2ae: {  	_ =	sdelay $0x3  }
0x2af: {  	v13 =	vadd.s32 $0xEA60, v17;
	_ =	sdelay $0x3  }
0x2b0: {  	vm0 =	vmmov $0xffff  }
.LBB2_56:
0x2b1: {  	v14 =	vld.idx.msk [tilespmem:v13+s1+$0x0], $0xffff;
	_ =	sdelay $0x4  }
0x2b2: {  	v14 =	vmax.f32 v14, v12  }
0x2b3: {  	[tilespmem:v13+s1+$0x0] =	vst.idx.msk vm0, v14  }
0x2b4: {  	v14 =	vld.idx.msk [tilespmem:v13+s1+$0x0], $0xffff;
	_ =	sdelay $0x4  }
0x2b5: {  	vm1 =	vlt.f32 v14, v12  }
0x2b6: {  	vm0 =	vmand vm0, vm1  }
0x2b7: {  	v14 =	vsel vm0, $0x3F800000, v1  }
0x2b8: {  	(xrf0) =	vmax.scan.msk.f32 $0xffff, v14;
	_ =	sdelay $0x5  }
0x2b9: {  	v14, _, _ =	vpop (xrf0)  }
0x2ba: {  	(v2sf) =	vpush v14, $0xF;
	_ =	sdelay $0xe  }
0x2bb: {  	s0 =	spop (v2sf)  }
0x2bc: {  	p2 =	sgt.f32 s0, $0.0e+00  }
.Ltmp34:
0x2bd: {  	_ = 	snop;
	(pc) =	sbr.rel @p2 .LBB2_56-.Ltmp34, $1  }
0x2be: {  	_ =	sdelay $0x3  }
0x2bf: {  	v12 =	vadd.s32 $0x11170, v17;
	_ =	sdelay $0x2  }
0x2c0: {  	vm0 =	vmmov $0xffff  }
0x2c1: {  	vm1 =	vmmov vm0  }
.LBB2_58:
0x2c2: {  	v13 =	vld.idx.msk [tilespmem:v12+s1+$0x0], $0xffff;
	_ =	sdelay $0x4  }
0x2c3: {  	v13 =	vmax.f32 v13, v11  }
0x2c4: {  	[tilespmem:v12+s1+$0x0] =	vst.idx.msk vm1, v13  }
0x2c5: {  	v13 =	vld.idx.msk [tilespmem:v12+s1+$0x0], $0xffff;
	_ =	sdelay $0x4  }
0x2c6: {  	vm2 =	vlt.f32 v13, v11  }
0x2c7: {  	vm1 =	vmand vm1, vm2  }
0x2c8: {  	v13 =	vsel vm1, $0x3F800000, v1  }
0x2c9: {  	(xrf0) =	vmax.scan.msk.f32 $0xffff, v13;
	_ =	sdelay $0x5  }
0x2ca: {  	v13, _, _ =	vpop (xrf0)  }
0x2cb: {  	(v2sf) =	vpush v13, $0xF;
	_ =	sdelay $0xe  }
0x2cc: {  	s0 =	spop (v2sf)  }
0x2cd: {  	p2 =	sgt.f32 s0, $0.0e+00  }
.Ltmp35:
0x2ce: {  	_ = 	snop;
	(pc) =	sbr.rel @p2 .LBB2_58-.Ltmp35, $1  }
0x2cf: {  	_ =	sdelay $0x3  }
.LBB2_59:
0x2d0: {  	v11 =	vld.idx.msk [tilespmem:v9+s1+$0x0], $0xffff;
	_ =	sdelay $0x4  }
0x2d1: {  	v11 =	vmax.f32 v11, v10  }
0x2d2: {  	[tilespmem:v9+s1+$0x0] =	vst.idx.msk vm0, v11  }
0x2d3: {  	v11 =	vld.idx.msk [tilespmem:v9+s1+$0x0], $0xffff;
	_ =	sdelay $0x4  }
0x2d4: {  	vm1 =	vlt.f32 v11, v10  }
0x2d5: {  	vm0 =	vmand vm0, vm1  }
0x2d6: {  	v11 =	vsel vm0, $0x3F800000, v1  }
0x2d7: {  	(xrf0) =	vmax.scan.msk.f32 $0xffff, v11;
	_ =	sdelay $0x5  }
0x2d8: {  	v11, _, _ =	vpop (xrf0)  }
0x2d9: {  	(v2sf) =	vpush v11, $0xF;
	_ =	sdelay $0xe  }
0x2da: {  	s0 =	spop (v2sf)  }
0x2db: {  	p2 =	sgt.f32 s0, $0.0e+00  }
.Ltmp36:
0x2dc: {  	_ = 	snop;
	(pc) =	sbr.rel @p2 .LBB2_59-.Ltmp36, $1  }
0x2dd: {  	_ =	sdelay $0x3  }
0x2de: {  	v10 =	vand.u32 $0xFFFFFFF8, v9;
	v9 =	vand.u32 $0x7, v9  }
0x2df: {  	v11 =	vor.u32 v9, v10  }
0x2e0: {  	v11 =	vadd.s32 $0x2710, v11;
	_ =	sdelay $0x3  }
0x2e1: {  	vm0 =	vmmov $0xffff  }
.LBB2_61:
0x2e2: {  	v12 =	vld.idx.msk [tilespmem:v11+s1+$0x0], $0xffff;
	_ =	sdelay $0x4  }
0x2e3: {  	v12 =	vmax.f32 v12, v8  }
0x2e4: {  	[tilespmem:v11+s1+$0x0] =	vst.idx.msk vm0, v12  }
0x2e5: {  	v12 =	vld.idx.msk [tilespmem:v11+s1+$0x0], $0xffff;
	_ =	sdelay $0x4  }
0x2e6: {  	vm1 =	vlt.f32 v12, v8  }
0x2e7: {  	vm0 =	vmand vm0, vm1  }
0x2e8: {  	v63 =	vsel vm0, $0x3F800000, v1  }
0x2e9: {  	(xrf0) =	vmax.scan.msk.f32 $0xffff, v63;
	_ =	sdelay $0x5  }
0x2ea: {  	v12, _, _ =	vpop (xrf0)  }
0x2eb: {  	(v2sf) =	vpush v12, $0xF;
	_ =	sdelay $0xe  }
0x2ec: {  	s0 =	spop (v2sf)  }
0x2ed: {  	p2 =	sgt.f32 s0, $0.0e+00  }
.Ltmp37:
0x2ee: {  	_ = 	snop;
	(pc) =	sbr.rel @p2 .LBB2_61-.Ltmp37, $1  }
0x2ef: {  	_ =	sdelay $0x3  }
0x2f0: {  	v8 =	vadd.s32 v9, v10  }
0x2f1: {  	v9 =	vadd.s32 $0x4E20, v8;
	_ =	sdelay $0x3  }
0x2f2: {  	vm0 =	vmmov $0xffff  }
.LBB2_63:
0x2f3: {  	v10 =	vld.idx.msk [tilespmem:v9+s1+$0x0], $0xffff;
	_ =	sdelay $0x4  }
0x2f4: {  	v10 =	vmax.f32 v10, v7  }
0x2f5: {  	[tilespmem:v9+s1+$0x0] =	vst.idx.msk vm0, v10  }
0x2f6: {  	v10 =	vld.idx.msk [tilespmem:v9+s1+$0x0], $0xffff;
	_ =	sdelay $0x4  }
0x2f7: {  	vm1 =	vlt.f32 v10, v7  }
0x2f8: {  	vm0 =	vmand vm0, vm1  }
0x2f9: {  	v10 =	vsel vm0, $0x3F800000, v1  }
0x2fa: {  	(xrf0) =	vmax.scan.msk.f32 $0xffff, v10;
	_ =	sdelay $0x5  }
0x2fb: {  	v10, _, _ =	vpop (xrf0)  }
0x2fc: {  	(v2sf) =	vpush v10, $0xF;
	_ =	sdelay $0xe  }
0x2fd: {  	s0 =	spop (v2sf)  }
0x2fe: {  	p2 =	sgt.f32 s0, $0.0e+00  }
.Ltmp38:
0x2ff: {  	_ = 	snop;
	(pc) =	sbr.rel @p2 .LBB2_63-.Ltmp38, $1  }
0x300: {  	_ =	sdelay $0x3  }
0x301: {  	v7 =	vadd.s32 $0x7530, v8;
	_ =	sdelay $0x3  }
0x302: {  	vm0 =	vmmov $0xffff  }
.LBB2_65:
0x303: {  	v9 =	vld.idx.msk [tilespmem:v7+s1+$0x0], $0xffff;
	_ =	sdelay $0x4  }
0x304: {  	v9 =	vmax.f32 v9, v6  }
0x305: {  	[tilespmem:v7+s1+$0x0] =	vst.idx.msk vm0, v9  }
0x306: {  	v9 =	vld.idx.msk [tilespmem:v7+s1+$0x0], $0xffff;
	_ =	sdelay $0x4  }
0x307: {  	vm1 =	vlt.f32 v9, v6  }
0x308: {  	vm0 =	vmand vm0, vm1  }
0x309: {  	v9 =	vsel vm0, $0x3F800000, v1  }
0x30a: {  	(xrf0) =	vmax.scan.msk.f32 $0xffff, v9;
	_ =	sdelay $0x5  }
0x30b: {  	v9, _, _ =	vpop (xrf0)  }
0x30c: {  	(v2sf) =	vpush v9, $0xF;
	_ =	sdelay $0xe  }
0x30d: {  	s0 =	spop (v2sf)  }
0x30e: {  	p2 =	sgt.f32 s0, $0.0e+00  }
.Ltmp39:
0x30f: {  	_ = 	snop;
	(pc) =	sbr.rel @p2 .LBB2_65-.Ltmp39, $1  }
0x310: {  	_ =	sdelay $0x3  }
0x311: {  	v6 =	vadd.s32 $0x9C40, v8;
	_ =	sdelay $0x3  }
0x312: {  	vm0 =	vmmov $0xffff  }
.LBB2_67:
0x313: {  	v7 =	vld.idx.msk [tilespmem:v6+s1+$0x0], $0xffff;
	_ =	sdelay $0x4  }
0x314: {  	v7 =	vmax.f32 v7, v5  }
0x315: {  	[tilespmem:v6+s1+$0x0] =	vst.idx.msk vm0, v7  }
0x316: {  	v7 =	vld.idx.msk [tilespmem:v6+s1+$0x0], $0xffff;
	_ =	sdelay $0x4  }
0x317: {  	vm1 =	vlt.f32 v7, v5  }
0x318: {  	vm0 =	vmand vm0, vm1  }
0x319: {  	v7 =	vsel vm0, $0x3F800000, v1  }
0x31a: {  	(xrf0) =	vmax.scan.msk.f32 $0xffff, v7;
	_ =	sdelay $0x5  }
0x31b: {  	v7, _, _ =	vpop (xrf0)  }
0x31c: {  	(v2sf) =	vpush v7, $0xF;
	_ =	sdelay $0xe  }
0x31d: {  	s0 =	spop (v2sf)  }
0x31e: {  	p2 =	sgt.f32 s0, $0.0e+00  }
.Ltmp40:
0x31f: {  	_ = 	snop;
	(pc) =	sbr.rel @p2 .LBB2_67-.Ltmp40, $1  }
0x320: {  	_ =	sdelay $0x3  }
0x321: {  	v5 =	vadd.s32 $0xC350, v8;
	_ =	sdelay $0x3  }
0x322: {  	vm0 =	vmmov $0xffff  }
.LBB2_69:
0x323: {  	v6 =	vld.idx.msk [tilespmem:v5+s1+$0x0], $0xffff;
	_ =	sdelay $0x4  }
0x324: {  	v6 =	vmax.f32 v6, v4  }
0x325: {  	[tilespmem:v5+s1+$0x0] =	vst.idx.msk vm0, v6  }
0x326: {  	v6 =	vld.idx.msk [tilespmem:v5+s1+$0x0], $0xffff;
	_ =	sdelay $0x4  }
0x327: {  	vm1 =	vlt.f32 v6, v4  }
0x328: {  	vm0 =	vmand vm0, vm1  }
0x329: {  	v6 =	vsel vm0, $0x3F800000, v1  }
0x32a: {  	(xrf0) =	vmax.scan.msk.f32 $0xffff, v6;
	_ =	sdelay $0x5  }
0x32b: {  	v6, _, _ =	vpop (xrf0)  }
0x32c: {  	(v2sf) =	vpush v6, $0xF;
	_ =	sdelay $0xe  }
0x32d: {  	s0 =	spop (v2sf)  }
0x32e: {  	p2 =	sgt.f32 s0, $0.0e+00  }
.Ltmp41:
0x32f: {  	_ = 	snop;
	(pc) =	sbr.rel @p2 .LBB2_69-.Ltmp41, $1  }
0x330: {  	_ =	sdelay $0x3  }
0x331: {  	v4 =	vadd.s32 $0xEA60, v8;
	_ =	sdelay $0x3  }
0x332: {  	vm0 =	vmmov $0xffff  }
.LBB2_71:
0x333: {  	v5 =	vld.idx.msk [tilespmem:v4+s1+$0x0], $0xffff;
	_ =	sdelay $0x4  }
0x334: {  	v5 =	vmax.f32 v5, v3  }
0x335: {  	[tilespmem:v4+s1+$0x0] =	vst.idx.msk vm0, v5  }
0x336: {  	v5 =	vld.idx.msk [tilespmem:v4+s1+$0x0], $0xffff;
	_ =	sdelay $0x4  }
0x337: {  	vm1 =	vlt.f32 v5, v3  }
0x338: {  	vm0 =	vmand vm0, vm1  }
0x339: {  	v5 =	vsel vm0, $0x3F800000, v1  }
0x33a: {  	(xrf0) =	vmax.scan.msk.f32 $0xffff, v5;
	_ =	sdelay $0x5  }
0x33b: {  	v5, _, _ =	vpop (xrf0)  }
0x33c: {  	(v2sf) =	vpush v5, $0xF;
	_ =	sdelay $0xe  }
0x33d: {  	s0 =	spop (v2sf)  }
0x33e: {  	p2 =	sgt.f32 s0, $0.0e+00  }
.Ltmp42:
0x33f: {  	_ = 	snop;
	(pc) =	sbr.rel @p2 .LBB2_71-.Ltmp42, $1  }
0x340: {  	_ =	sdelay $0x3  }
0x341: {  	v3 =	vadd.s32 $0x11170, v8;
	_ =	sdelay $0x3  }
0x342: {  	vm0 =	vmmov $0xffff  }
.LBB2_73:
0x343: {  	v4 =	vld.idx.msk [tilespmem:v3+s1+$0x0], $0xffff;
	_ =	sdelay $0x4  }
0x344: {  	v4 =	vmax.f32 v4, v2  }
0x345: {  	[tilespmem:v3+s1+$0x0] =	vst.idx.msk vm0, v4  }
0x346: {  	v4 =	vld.idx.msk [tilespmem:v3+s1+$0x0], $0xffff;
	_ =	sdelay $0x4  }
0x347: {  	vm1 =	vlt.f32 v4, v2  }
0x348: {  	vm0 =	vmand vm0, vm1  }
0x349: {  	v4 =	vsel vm0, $0x3F800000, v1  }
0x34a: {  	(xrf0) =	vmax.scan.msk.f32 $0xffff, v4;
	_ =	sdelay $0x5  }
0x34b: {  	v4, _, _ =	vpop (xrf0)  }
0x34c: {  	(v2sf) =	vpush v4, $0xF;
	_ =	sdelay $0xe  }
0x34d: {  	s0 =	spop (v2sf)  }
0x34e: {  	p2 =	sgt.f32 s0, $0.0e+00  }
.Ltmp43:
0x34f: {  	_ = 	snop;
	(pc) =	sbr.rel @p2 .LBB2_73-.Ltmp43, $1  }
0x350: {  	_ =	sdelay $0x3  }
.Ltmp44:
0x351: {  	_ = 	snop;
	(pc) =	sbr.rel .LBB2_75-.Ltmp44, $1  }
0x352: {  	_ =	sdelay $0x3  }
.LBB2_76:
0x353: {  	p2 =	seq.s32 s18, $0x3D  }
.Ltmp45:
0x354: {  	_ = 	snop;
	(pc) =	sbr.rel @p2 .LBB2_78-.Ltmp45, $1  }
0x355: {  	_ =	sdelay $0x3  }
0x356: {  	s0 =	sadd.s32 $0x3, s20  }
0x357: {  	s2 =	smul.u32 $0x500, s0  }
0x358: {  	s0 =	smul.u32 $0x28, s0  }
0x359: {  	s2 =	sadd.s32 s3, s2  }
0x35a: {  	s0 =	sadd.s32 s17, s0;
	s22 =	sshrl.u32 s2, $0x3  }
0x35b: {  	s5 =	simm.s32 $0x18DB8;
	s0 =	sshrl.u32 s0, $0x3;
	s20 =	sadd.s32 s15, s22  }
0x35c: {  	[tilespmem:s5], [sflag:$0x2] =	stream.linear.gather [hbm4b:s20+s1], $0x500, $0x38;
	[tilespmem:$0x1CD88] =	vst v63  }
0x35d: {  	s31 =	simm.s32 $0x192B8;
	s0 =	sadd.s32 s16, s0;
	s5 =	sadd.s32 s14, s2  }
0x35e: {  	[tilespmem:s31], [sflag:$0x2] =	stream.linear.gather [hbm4b:s0+s1], $0x28, $0x38;
	[tilespmem:$0x1CD88] =	vst v63  }
0x35f: {  	s0 =	sshrl.u32 s5, $0x3  }
0x360: {  	s22 =	sadd.s32 s19, s2;
	s20 =	simm.s32 $0x165B8;
	s0 =	sadd.s32 s13, s0  }
0x361: {  	[tilespmem:s20], [sflag:$0x2] =	stream.linear.gather [hbm4b:s0+s1], $0x500, $0x38;
	[tilespmem:$0x1CD88] =	vst v63  }
0x362: {  	s0 =	sshrl.u32 s22, $0x3  }
0x363: {  	s31 =	simm.s32 $0x16AB8;
	s5 =	sadd.s32 s21, s2;
	s0 =	sadd.s32 s13, s0  }
0x364: {  	[tilespmem:s31], [sflag:$0x2] =	stream.linear.gather [hbm4b:s0+s1], $0x500, $0x38;
	[tilespmem:$0x1CD88] =	vst v63  }
0x365: {  	s0 =	sshrl.u32 s5, $0x3  }
0x366: {  	s20 =	simm.s32 $0x16FB8;
	s22 =	sadd.s32 s23, s2;
	s0 =	sadd.s32 s13, s0  }
0x367: {  	[tilespmem:s20], [sflag:$0x2] =	stream.linear.gather [hbm4b:s0+s1], $0x500, $0x38;
	[tilespmem:$0x1CD88] =	vst v63  }
0x368: {  	s0 =	sshrl.u32 s22, $0x3  }
0x369: {  	s31 =	simm.s32 $0x174B8;
	s5 =	sadd.s32 s24, s2;
	s0 =	sadd.s32 s13, s0  }
0x36a: {  	[tilespmem:s31], [sflag:$0x2] =	stream.linear.gather [hbm4b:s0+s1], $0x500, $0x38;
	[tilespmem:$0x1CD88] =	vst v63  }
0x36b: {  	s0 =	sshrl.u32 s5, $0x3  }
0x36c: {  	s20 =	simm.s32 $0x179B8;
	s22 =	sadd.s32 s25, s2;
	s0 =	sadd.s32 s13, s0  }
0x36d: {  	[tilespmem:s20], [sflag:$0x2] =	stream.linear.gather [hbm4b:s0+s1], $0x500, $0x38;
	[tilespmem:$0x1CD88] =	vst v63  }
0x36e: {  	s0 =	sshrl.u32 s22, $0x3  }
0x36f: {  	s31 =	simm.s32 $0x17EB8;
	s5 =	sadd.s32 s29, s2;
	s0 =	sadd.s32 s13, s0  }
0x370: {  	[tilespmem:s31], [sflag:$0x2] =	stream.linear.gather [hbm4b:s0+s1], $0x500, $0x38;
	[tilespmem:$0x1CD88] =	vst v63  }
0x371: {  	s20 =	simm.s32 $0x183B8;
	s0 =	sshrl.u32 s5, $0x3  }
.Ltmp46:
0x372: {  	s22 =	sadd.s32 s30, s2;
	s0 =	sadd.s32 s13, s0;
	(pc) =	sbr.rel .LBB2_4-.Ltmp46, $4  }
0x373: {  	[tilespmem:s20], [sflag:$0x2] =	stream.linear.gather [hbm4b:s0+s1], $0x500, $0x38;
	[tilespmem:$0x1CD88] =	vst v63  }
0x374: {  	s0 =	sshrl.u32 s22, $0x3  }
0x375: {  	s18 =	sadd.s32 $0x1, s18;
	s31 =	simm.s32 $0x188B8;
	s0 =	sadd.s32 s13, s0  }
0x376: {  	[tilespmem:s31], [sflag:$0x2] =	stream.linear.gather [hbm4b:s0+s1], $0x500, $0x38;
	[tilespmem:$0x1CD88] =	vst v63  }
.LBB2_78:
0x377: {  	_ =	swait.ge [sflag:s26], $0x500  }
0x378: {  	[sflag:s26] =	ssyncset.done $0x0  }
0x379: {  	[sflag:s26] =	ssyncadd.s32 $0xFFFFFB00  }
0x37a: {  	_ =	swait.ge [sflag:s26], $0x28  }
0x37b: {  	[sflag:s26] =	ssyncset.done $0x0  }
0x37c: {  	[sflag:s26] =	ssyncadd.s32 $0xFFFFFFD8  }
0x37d: {  	_ =	swait.ge [sflag:s26], $0x500  }
0x37e: {  	[sflag:s26] =	ssyncset.done $0x0  }
0x37f: {  	[sflag:s26] =	ssyncadd.s32 $0xFFFFFB00  }
0x380: {  	_ =	swait.ge [sflag:s26], $0x500  }
0x381: {  	[sflag:s26] =	ssyncset.done $0x0  }
0x382: {  	[sflag:s26] =	ssyncadd.s32 $0xFFFFFB00  }
0x383: {  	_ =	swait.ge [sflag:s26], $0x500  }
0x384: {  	[sflag:s26] =	ssyncset.done $0x0  }
0x385: {  	[sflag:s26] =	ssyncadd.s32 $0xFFFFFB00  }
0x386: {  	_ =	swait.ge [sflag:s26], $0x500  }
0x387: {  	[sflag:s26] =	ssyncset.done $0x0  }
0x388: {  	[sflag:s26] =	ssyncadd.s32 $0xFFFFFB00  }
0x389: {  	_ =	swait.ge [sflag:s26], $0x500  }
0x38a: {  	[sflag:s26] =	ssyncset.done $0x0  }
0x38b: {  	[sflag:s26] =	ssyncadd.s32 $0xFFFFFB00  }
0x38c: {  	_ =	swait.ge [sflag:s26], $0x500  }
0x38d: {  	[sflag:s26] =	ssyncset.done $0x0  }
0x38e: {  	[sflag:s26] =	ssyncadd.s32 $0xFFFFFB00  }
0x38f: {  	_ =	swait.ge [sflag:s26], $0x500  }
.Ltmp47:
0x390: {  	[sflag:s26] =	ssyncset.done $0x0;
	(pc) =	sbr.rel .LBB2_79-.Ltmp47, $4  }
0x391: {  	[sflag:s26] =	ssyncadd.s32 $0xFFFFFB00  }
0x392: {  	_ =	swait.ge [sflag:s26], $0x500  }
0x393: {  	[sflag:s26] =	ssyncset.done $0x0  }
0x394: {  	s18 =	simm.s32 $0x0;
	[sflag:s26] =	ssyncadd.s32 $0xFFFFFB00  }
.LBB2_112:
0x395: {  	v20 =	vadd.s32 $0x2710, v18  }
0x396: {  	v21 =	vadd.s32 $0x4E20, v18  }
0x397: {  	v22 =	vadd.s32 $0x7530, v18  }
0x398: {  	v23 =	vadd.s32 $0x9C40, v18  }
0x399: {  	v24 =	vld.idx.msk [tilespmem:v18+s1+$0x0], $0xffff;
	v25 =	vadd.s32 $0xC350, v18  }
0x39a: {  	v27 =	vadd.s32 $0xEA60, v18;
	v26 =	vld.idx.msk [tilespmem:v20+s1+$0x0], $0xffff  }
0x39b: {  	v29 =	vadd.s32 $0x11170, v18;
	v28 =	vld.idx.msk [tilespmem:v21+s1+$0x0], $0xffff  }
0x39c: {  	v30 =	vld.idx.msk [tilespmem:v22+s1+$0x0], $0xffff  }
0x39d: {  	v31 =	vld.idx.msk [tilespmem:v23+s1+$0x0], $0xffff  }
0x39e: {  	v32 =	vld.idx.msk [tilespmem:v25+s1+$0x0], $0xffff  }
0x39f: {  	v33 =	vld.idx.msk [tilespmem:v27+s1+$0x0], $0xffff;
	v19 =	vmax.f32 v24, v19  }
0x3a0: {  	v34 =	vld.idx.msk [tilespmem:v29+s1+$0x0], $0xffff;
	[tilespmem:v18+s1+$0x0] =	vst.idx.msk $0xffff, v19;
	v17 =	vmax.f32 v26, v17  }
0x3a1: {  	v16 =	vmax.f32 v28, v16;
	[tilespmem:v20+s1+$0x0] =	vst.idx.msk $0xffff, v17  }
0x3a2: {  	v15 =	vmax.f32 v30, v15;
	[tilespmem:v21+s1+$0x0] =	vst.idx.msk $0xffff, v16  }
0x3a3: {  	v14 =	vmax.f32 v31, v14;
	[tilespmem:v22+s1+$0x0] =	vst.idx.msk $0xffff, v15  }
0x3a4: {  	v56 =	vadd.s32 $0x2710, v9;
	v13 =	vmax.f32 v32, v13;
	[tilespmem:v23+s1+$0x0] =	vst.idx.msk $0xffff, v14  }
0x3a5: {  	v57 =	vadd.s32 $0x4E20, v9;
	v12 =	vmax.f32 v33, v12;
	[tilespmem:v25+s1+$0x0] =	vst.idx.msk $0xffff, v13  }
0x3a6: {  	v58 =	vadd.s32 $0x7530, v9;
	v11 =	vmax.f32 v34, v11;
	[tilespmem:v27+s1+$0x0] =	vst.idx.msk $0xffff, v12  }
0x3a7: {  	v59 =	vadd.s32 $0x9C40, v9;
	[tilespmem:v29+s1+$0x0] =	vst.idx.msk $0xffff, v11  }
0x3a8: {  	v60 =	vadd.s32 $0xC350, v9;
	v15 =	vld.idx.msk [tilespmem:v9+s1+$0x0], $0xffff  }
0x3a9: {  	v61 =	vadd.s32 $0xEA60, v9;
	v17 =	vld.idx.msk [tilespmem:v56+s1+$0x0], $0xffff  }
0x3aa: {  	v62 =	vadd.s32 $0x11170, v9;
	v19 =	vld.idx.msk [tilespmem:v57+s1+$0x0], $0xffff  }
0x3ab: {  	v21 =	vld.idx.msk [tilespmem:v58+s1+$0x0], $0xffff  }
0x3ac: {  	v22 =	vld.idx.msk [tilespmem:v59+s1+$0x0], $0xffff  }
0x3ad: {  	v23 =	vld.idx.msk [tilespmem:v60+s1+$0x0], $0xffff  }
0x3ae: {  	v63 =	vld.idx.msk [tilespmem:v61+s1+$0x0], $0xffff;
	v10 =	vmax.f32 v15, v10  }
0x3af: {  	v25 =	vld.idx.msk [tilespmem:v62+s1+$0x0], $0xffff;
	v8 =	vmax.f32 v17, v8;
	[tilespmem:v9+s1+$0x0] =	vst.idx.msk $0xffff, v10  }
0x3b0: {  	v7 =	vmax.f32 v19, v7;
	[tilespmem:v56+s1+$0x0] =	vst.idx.msk $0xffff, v8  }
0x3b1: {  	v6 =	vmax.f32 v21, v6;
	[tilespmem:v57+s1+$0x0] =	vst.idx.msk $0xffff, v7  }
0x3b2: {  	v5 =	vmax.f32 v22, v5;
	[tilespmem:v58+s1+$0x0] =	vst.idx.msk $0xffff, v6  }
0x3b3: {  	v4 =	vmax.f32 v23, v4;
	[tilespmem:v59+s1+$0x0] =	vst.idx.msk $0xffff, v5  }
0x3b4: {  	v3 =	vmax.f32 v63, v3;
	[tilespmem:v60+s1+$0x0] =	vst.idx.msk $0xffff, v4  }
0x3b5: {  	v2 =	vmax.f32 v25, v2;
	[tilespmem:v61+s1+$0x0] =	vst.idx.msk $0xffff, v3  }
0x3b6: {  	[tilespmem:v62+s1+$0x0] =	vst.idx.msk $0xffff, v2  }
.LBB2_113:
0x3b7: {  	s18 =	sadd.s32 $0x1, s18  }
0x3b8: {  	p2 =	sne.s32 s18, $0x28  }
.Ltmp48:
0x3b9: {  	_ = 	snop;
	(pc) =	sbr.rel @!p2 .LBB2_114-.Ltmp48, $1  }
0x3ba: {  	_ =	sdelay $0x3  }
.LBB2_79:
0x3bb: {  	v2 =	vld [tilespmem:s18+$0x16580];
	_ =	sdelay $0x4  }
0x3bc: {  	(v2sf) =	vpush v2, $0x0;
	_ =	sdelay $0x2  }
0x3bd: {  	s0 =	sshll.u32 s18, $0x5  }
0x3be: {  	v18 =	vld [tilespmem:s0+$0x16080]  }
0x3bf: {  	v19 =	vld [tilespmem:s0+$0x13880]  }
0x3c0: {  	v17 =	vld [tilespmem:s0+$0x13D80]  }
0x3c1: {  	v16 =	vld [tilespmem:s0+$0x14280]  }
0x3c2: {  	v15 =	vld [tilespmem:s0+$0x14780]  }
0x3c3: {  	v14 =	vld [tilespmem:s0+$0x14C80]  }
0x3c4: {  	v13 =	vld [tilespmem:s0+$0x15180]  }
0x3c5: {  	v12 =	vld [tilespmem:s0+$0x15680]  }
0x3c6: {  	v11 =	vld [tilespmem:s0+$0x15B80]  }
0x3c7: {  	v9 =	vld [tilespmem:s0+$0x16090]  }
0x3c8: {  	v10 =	vld [tilespmem:s0+$0x13890]  }
0x3c9: {  	v8 =	vld [tilespmem:s0+$0x13D90];
	s2 =	spop (v2sf)  }
0x3ca: {  	v7 =	vld [tilespmem:s0+$0x14290];
	p2 =	seq.s32 s2, $0x0  }
.Ltmp49:
0x3cb: {  	v6 =	vld [tilespmem:s0+$0x14790];
	(pc) =	sbr.rel @p2 .LBB2_112-.Ltmp49, $4  }
0x3cc: {  	v5 =	vld [tilespmem:s0+$0x14C90]  }
0x3cd: {  	v4 =	vld [tilespmem:s0+$0x15190]  }
0x3ce: {  	v3 =	vld [tilespmem:s0+$0x15690]  }
0x3cf: {  	v2 =	vld [tilespmem:s0+$0x15B90]  }
.Ltmp50:
0x3d0: {  	(pc) =	sbr.rel @!p0 .LBB2_113-.Ltmp50, $1  }
0x3d1: {  	_ =	sdelay $0x3  }
0x3d2: {  	vm0 =	vmmov $0xffff  }
.LBB2_82:
0x3d3: {  	v20 =	vld.idx.msk [tilespmem:v18+s1+$0x0], $0xffff;
	_ =	sdelay $0x4  }
0x3d4: {  	v20 =	vmax.f32 v20, v19  }
0x3d5: {  	[tilespmem:v18+s1+$0x0] =	vst.idx.msk vm0, v20  }
0x3d6: {  	v20 =	vld.idx.msk [tilespmem:v18+s1+$0x0], $0xffff;
	_ =	sdelay $0x4  }
0x3d7: {  	vm1 =	vlt.f32 v20, v19  }
0x3d8: {  	vm0 =	vmand vm0, vm1  }
0x3d9: {  	v20 =	vsel vm0, $0x3F800000, v1  }
0x3da: {  	(xrf0) =	vmax.scan.msk.f32 $0xffff, v20;
	_ =	sdelay $0x5  }
0x3db: {  	v20, _, _ =	vpop (xrf0)  }
0x3dc: {  	(v2sf) =	vpush v20, $0xF;
	_ =	sdelay $0xe  }
0x3dd: {  	s0 =	spop (v2sf)  }
0x3de: {  	p2 =	sgt.f32 s0, $0.0e+00  }
.Ltmp51:
0x3df: {  	_ = 	snop;
	(pc) =	sbr.rel @p2 .LBB2_82-.Ltmp51, $1  }
0x3e0: {  	_ =	sdelay $0x3  }
0x3e1: {  	v19 =	vand.u32 $0xFFFFFFF8, v18;
	v18 =	vand.u32 $0x7, v18  }
0x3e2: {  	v20 =	vor.u32 v18, v19  }
0x3e3: {  	v20 =	vadd.s32 $0x2710, v20;
	_ =	sdelay $0x3  }
0x3e4: {  	vm0 =	vmmov $0xffff  }
.LBB2_84:
0x3e5: {  	v21 =	vld.idx.msk [tilespmem:v20+s1+$0x0], $0xffff;
	_ =	sdelay $0x4  }
0x3e6: {  	v21 =	vmax.f32 v21, v17  }
0x3e7: {  	[tilespmem:v20+s1+$0x0] =	vst.idx.msk vm0, v21  }
0x3e8: {  	v21 =	vld.idx.msk [tilespmem:v20+s1+$0x0], $0xffff;
	_ =	sdelay $0x4  }
0x3e9: {  	vm1 =	vlt.f32 v21, v17  }
0x3ea: {  	vm0 =	vmand vm0, vm1  }
0x3eb: {  	v21 =	vsel vm0, $0x3F800000, v1  }
0x3ec: {  	(xrf0) =	vmax.scan.msk.f32 $0xffff, v21;
	_ =	sdelay $0x5  }
0x3ed: {  	v21, _, _ =	vpop (xrf0)  }
0x3ee: {  	(v2sf) =	vpush v21, $0xF;
	_ =	sdelay $0xe  }
0x3ef: {  	s0 =	spop (v2sf)  }
0x3f0: {  	p2 =	sgt.f32 s0, $0.0e+00  }
.Ltmp52:
0x3f1: {  	_ = 	snop;
	(pc) =	sbr.rel @p2 .LBB2_84-.Ltmp52, $1  }
0x3f2: {  	_ =	sdelay $0x3  }
0x3f3: {  	v17 =	vadd.s32 v18, v19  }
0x3f4: {  	v18 =	vadd.s32 $0x4E20, v17;
	_ =	sdelay $0x3  }
0x3f5: {  	vm0 =	vmmov $0xffff  }
.LBB2_86:
0x3f6: {  	v19 =	vld.idx.msk [tilespmem:v18+s1+$0x0], $0xffff;
	_ =	sdelay $0x4  }
0x3f7: {  	v19 =	vmax.f32 v19, v16  }
0x3f8: {  	[tilespmem:v18+s1+$0x0] =	vst.idx.msk vm0, v19  }
0x3f9: {  	v19 =	vld.idx.msk [tilespmem:v18+s1+$0x0], $0xffff;
	_ =	sdelay $0x4  }
0x3fa: {  	vm1 =	vlt.f32 v19, v16  }
0x3fb: {  	vm0 =	vmand vm0, vm1  }
0x3fc: {  	v19 =	vsel vm0, $0x3F800000, v1  }
0x3fd: {  	(xrf0) =	vmax.scan.msk.f32 $0xffff, v19;
	_ =	sdelay $0x5  }
0x3fe: {  	v19, _, _ =	vpop (xrf0)  }
0x3ff: {  	(v2sf) =	vpush v19, $0xF;
	_ =	sdelay $0xe  }
0x400: {  	s0 =	spop (v2sf)  }
0x401: {  	p2 =	sgt.f32 s0, $0.0e+00  }
.Ltmp53:
0x402: {  	_ = 	snop;
	(pc) =	sbr.rel @p2 .LBB2_86-.Ltmp53, $1  }
0x403: {  	_ =	sdelay $0x3  }
0x404: {  	v16 =	vadd.s32 $0x7530, v17;
	_ =	sdelay $0x3  }
0x405: {  	vm0 =	vmmov $0xffff  }
.LBB2_88:
0x406: {  	v18 =	vld.idx.msk [tilespmem:v16+s1+$0x0], $0xffff;
	_ =	sdelay $0x4  }
0x407: {  	v18 =	vmax.f32 v18, v15  }
0x408: {  	[tilespmem:v16+s1+$0x0] =	vst.idx.msk vm0, v18  }
0x409: {  	v18 =	vld.idx.msk [tilespmem:v16+s1+$0x0], $0xffff;
	_ =	sdelay $0x4  }
0x40a: {  	vm1 =	vlt.f32 v18, v15  }
0x40b: {  	vm0 =	vmand vm0, vm1  }
0x40c: {  	v18 =	vsel vm0, $0x3F800000, v1  }
0x40d: {  	(xrf0) =	vmax.scan.msk.f32 $0xffff, v18;
	_ =	sdelay $0x5  }
0x40e: {  	v18, _, _ =	vpop (xrf0)  }
0x40f: {  	(v2sf) =	vpush v18, $0xF;
	_ =	sdelay $0xe  }
0x410: {  	s0 =	spop (v2sf)  }
0x411: {  	p2 =	sgt.f32 s0, $0.0e+00  }
.Ltmp54:
0x412: {  	_ = 	snop;
	(pc) =	sbr.rel @p2 .LBB2_88-.Ltmp54, $1  }
0x413: {  	_ =	sdelay $0x3  }
0x414: {  	v15 =	vadd.s32 $0x9C40, v17;
	_ =	sdelay $0x3  }
0x415: {  	vm0 =	vmmov $0xffff  }
.LBB2_90:
0x416: {  	v16 =	vld.idx.msk [tilespmem:v15+s1+$0x0], $0xffff;
	_ =	sdelay $0x4  }
0x417: {  	v16 =	vmax.f32 v16, v14  }
0x418: {  	[tilespmem:v15+s1+$0x0] =	vst.idx.msk vm0, v16  }
0x419: {  	v16 =	vld.idx.msk [tilespmem:v15+s1+$0x0], $0xffff;
	_ =	sdelay $0x4  }
0x41a: {  	vm1 =	vlt.f32 v16, v14  }
0x41b: {  	vm0 =	vmand vm0, vm1  }
0x41c: {  	v16 =	vsel vm0, $0x3F800000, v1  }
0x41d: {  	(xrf0) =	vmax.scan.msk.f32 $0xffff, v16;
	_ =	sdelay $0x5  }
0x41e: {  	v16, _, _ =	vpop (xrf0)  }
0x41f: {  	(v2sf) =	vpush v16, $0xF;
	_ =	sdelay $0xe  }
0x420: {  	s0 =	spop (v2sf)  }
0x421: {  	p2 =	sgt.f32 s0, $0.0e+00  }
.Ltmp55:
0x422: {  	_ = 	snop;
	(pc) =	sbr.rel @p2 .LBB2_90-.Ltmp55, $1  }
0x423: {  	_ =	sdelay $0x3  }
0x424: {  	v14 =	vadd.s32 $0xC350, v17;
	_ =	sdelay $0x3  }
0x425: {  	vm0 =	vmmov $0xffff  }
.LBB2_92:
0x426: {  	v15 =	vld.idx.msk [tilespmem:v14+s1+$0x0], $0xffff;
	_ =	sdelay $0x4  }
0x427: {  	v15 =	vmax.f32 v15, v13  }
0x428: {  	[tilespmem:v14+s1+$0x0] =	vst.idx.msk vm0, v15  }
0x429: {  	v15 =	vld.idx.msk [tilespmem:v14+s1+$0x0], $0xffff;
	_ =	sdelay $0x4  }
0x42a: {  	vm1 =	vlt.f32 v15, v13  }
0x42b: {  	vm0 =	vmand vm0, vm1  }
0x42c: {  	v15 =	vsel vm0, $0x3F800000, v1  }
0x42d: {  	(xrf0) =	vmax.scan.msk.f32 $0xffff, v15;
	_ =	sdelay $0x5  }
0x42e: {  	v15, _, _ =	vpop (xrf0)  }
0x42f: {  	(v2sf) =	vpush v15, $0xF;
	_ =	sdelay $0xe  }
0x430: {  	s0 =	spop (v2sf)  }
0x431: {  	p2 =	sgt.f32 s0, $0.0e+00  }
.Ltmp56:
0x432: {  	_ = 	snop;
	(pc) =	sbr.rel @p2 .LBB2_92-.Ltmp56, $1  }
0x433: {  	_ =	sdelay $0x3  }
0x434: {  	v13 =	vadd.s32 $0xEA60, v17;
	_ =	sdelay $0x3  }
0x435: {  	vm0 =	vmmov $0xffff  }
.LBB2_94:
0x436: {  	v14 =	vld.idx.msk [tilespmem:v13+s1+$0x0], $0xffff;
	_ =	sdelay $0x4  }
0x437: {  	v14 =	vmax.f32 v14, v12  }
0x438: {  	[tilespmem:v13+s1+$0x0] =	vst.idx.msk vm0, v14  }
0x439: {  	v14 =	vld.idx.msk [tilespmem:v13+s1+$0x0], $0xffff;
	_ =	sdelay $0x4  }
0x43a: {  	vm1 =	vlt.f32 v14, v12  }
0x43b: {  	vm0 =	vmand vm0, vm1  }
0x43c: {  	v14 =	vsel vm0, $0x3F800000, v1  }
0x43d: {  	(xrf0) =	vmax.scan.msk.f32 $0xffff, v14;
	_ =	sdelay $0x5  }
0x43e: {  	v14, _, _ =	vpop (xrf0)  }
0x43f: {  	(v2sf) =	vpush v14, $0xF;
	_ =	sdelay $0xe  }
0x440: {  	s0 =	spop (v2sf)  }
0x441: {  	p2 =	sgt.f32 s0, $0.0e+00  }
.Ltmp57:
0x442: {  	_ = 	snop;
	(pc) =	sbr.rel @p2 .LBB2_94-.Ltmp57, $1  }
0x443: {  	_ =	sdelay $0x3  }
0x444: {  	v12 =	vadd.s32 $0x11170, v17;
	_ =	sdelay $0x2  }
0x445: {  	vm0 =	vmmov $0xffff  }
0x446: {  	vm1 =	vmmov vm0  }
.LBB2_96:
0x447: {  	v13 =	vld.idx.msk [tilespmem:v12+s1+$0x0], $0xffff;
	_ =	sdelay $0x4  }
0x448: {  	v13 =	vmax.f32 v13, v11  }
0x449: {  	[tilespmem:v12+s1+$0x0] =	vst.idx.msk vm1, v13  }
0x44a: {  	v13 =	vld.idx.msk [tilespmem:v12+s1+$0x0], $0xffff;
	_ =	sdelay $0x4  }
0x44b: {  	vm2 =	vlt.f32 v13, v11  }
0x44c: {  	vm1 =	vmand vm1, vm2  }
0x44d: {  	v13 =	vsel vm1, $0x3F800000, v1  }
0x44e: {  	(xrf0) =	vmax.scan.msk.f32 $0xffff, v13;
	_ =	sdelay $0x5  }
0x44f: {  	v13, _, _ =	vpop (xrf0)  }
0x450: {  	(v2sf) =	vpush v13, $0xF;
	_ =	sdelay $0xe  }
0x451: {  	s0 =	spop (v2sf)  }
0x452: {  	p2 =	sgt.f32 s0, $0.0e+00  }
.Ltmp58:
0x453: {  	_ = 	snop;
	(pc) =	sbr.rel @p2 .LBB2_96-.Ltmp58, $1  }
0x454: {  	_ =	sdelay $0x3  }
.LBB2_97:
0x455: {  	v11 =	vld.idx.msk [tilespmem:v9+s1+$0x0], $0xffff;
	_ =	sdelay $0x4  }
0x456: {  	v11 =	vmax.f32 v11, v10  }
0x457: {  	[tilespmem:v9+s1+$0x0] =	vst.idx.msk vm0, v11  }
0x458: {  	v11 =	vld.idx.msk [tilespmem:v9+s1+$0x0], $0xffff;
	_ =	sdelay $0x4  }
0x459: {  	vm1 =	vlt.f32 v11, v10  }
0x45a: {  	vm0 =	vmand vm0, vm1  }
0x45b: {  	v11 =	vsel vm0, $0x3F800000, v1  }
0x45c: {  	(xrf0) =	vmax.scan.msk.f32 $0xffff, v11;
	_ =	sdelay $0x5  }
0x45d: {  	v11, _, _ =	vpop (xrf0)  }
0x45e: {  	(v2sf) =	vpush v11, $0xF;
	_ =	sdelay $0xe  }
0x45f: {  	s0 =	spop (v2sf)  }
0x460: {  	p2 =	sgt.f32 s0, $0.0e+00  }
.Ltmp59:
0x461: {  	_ = 	snop;
	(pc) =	sbr.rel @p2 .LBB2_97-.Ltmp59, $1  }
0x462: {  	_ =	sdelay $0x3  }
0x463: {  	v10 =	vand.u32 $0xFFFFFFF8, v9;
	v9 =	vand.u32 $0x7, v9  }
0x464: {  	v11 =	vor.u32 v9, v10  }
0x465: {  	v11 =	vadd.s32 $0x2710, v11;
	_ =	sdelay $0x3  }
0x466: {  	vm0 =	vmmov $0xffff  }
.LBB2_99:
0x467: {  	v12 =	vld.idx.msk [tilespmem:v11+s1+$0x0], $0xffff;
	_ =	sdelay $0x4  }
0x468: {  	v12 =	vmax.f32 v12, v8  }
0x469: {  	[tilespmem:v11+s1+$0x0] =	vst.idx.msk vm0, v12  }
0x46a: {  	v12 =	vld.idx.msk [tilespmem:v11+s1+$0x0], $0xffff;
	_ =	sdelay $0x4  }
0x46b: {  	vm1 =	vlt.f32 v12, v8  }
0x46c: {  	vm0 =	vmand vm0, vm1  }
0x46d: {  	v63 =	vsel vm0, $0x3F800000, v1  }
0x46e: {  	(xrf0) =	vmax.scan.msk.f32 $0xffff, v63;
	_ =	sdelay $0x5  }
0x46f: {  	v12, _, _ =	vpop (xrf0)  }
0x470: {  	(v2sf) =	vpush v12, $0xF;
	_ =	sdelay $0xe  }
0x471: {  	s0 =	spop (v2sf)  }
0x472: {  	p2 =	sgt.f32 s0, $0.0e+00  }
.Ltmp60:
0x473: {  	_ = 	snop;
	(pc) =	sbr.rel @p2 .LBB2_99-.Ltmp60, $1  }
0x474: {  	_ =	sdelay $0x3  }
0x475: {  	v8 =	vadd.s32 v9, v10  }
0x476: {  	v9 =	vadd.s32 $0x4E20, v8;
	_ =	sdelay $0x3  }
0x477: {  	vm0 =	vmmov $0xffff  }
.LBB2_101:
0x478: {  	v10 =	vld.idx.msk [tilespmem:v9+s1+$0x0], $0xffff;
	_ =	sdelay $0x4  }
0x479: {  	v10 =	vmax.f32 v10, v7  }
0x47a: {  	[tilespmem:v9+s1+$0x0] =	vst.idx.msk vm0, v10  }
0x47b: {  	v10 =	vld.idx.msk [tilespmem:v9+s1+$0x0], $0xffff;
	_ =	sdelay $0x4  }
0x47c: {  	vm1 =	vlt.f32 v10, v7  }
0x47d: {  	vm0 =	vmand vm0, vm1  }
0x47e: {  	v10 =	vsel vm0, $0x3F800000, v1  }
0x47f: {  	(xrf0) =	vmax.scan.msk.f32 $0xffff, v10;
	_ =	sdelay $0x5  }
0x480: {  	v10, _, _ =	vpop (xrf0)  }
0x481: {  	(v2sf) =	vpush v10, $0xF;
	_ =	sdelay $0xe  }
0x482: {  	s0 =	spop (v2sf)  }
0x483: {  	p2 =	sgt.f32 s0, $0.0e+00  }
.Ltmp61:
0x484: {  	_ = 	snop;
	(pc) =	sbr.rel @p2 .LBB2_101-.Ltmp61, $1  }
0x485: {  	_ =	sdelay $0x3  }
0x486: {  	v7 =	vadd.s32 $0x7530, v8;
	_ =	sdelay $0x3  }
0x487: {  	vm0 =	vmmov $0xffff  }
.LBB2_103:
0x488: {  	v9 =	vld.idx.msk [tilespmem:v7+s1+$0x0], $0xffff;
	_ =	sdelay $0x4  }
0x489: {  	v9 =	vmax.f32 v9, v6  }
0x48a: {  	[tilespmem:v7+s1+$0x0] =	vst.idx.msk vm0, v9  }
0x48b: {  	v9 =	vld.idx.msk [tilespmem:v7+s1+$0x0], $0xffff;
	_ =	sdelay $0x4  }
0x48c: {  	vm1 =	vlt.f32 v9, v6  }
0x48d: {  	vm0 =	vmand vm0, vm1  }
0x48e: {  	v9 =	vsel vm0, $0x3F800000, v1  }
0x48f: {  	(xrf0) =	vmax.scan.msk.f32 $0xffff, v9;
	_ =	sdelay $0x5  }
0x490: {  	v9, _, _ =	vpop (xrf0)  }
0x491: {  	(v2sf) =	vpush v9, $0xF;
	_ =	sdelay $0xe  }
0x492: {  	s0 =	spop (v2sf)  }
0x493: {  	p2 =	sgt.f32 s0, $0.0e+00  }
.Ltmp62:
0x494: {  	_ = 	snop;
	(pc) =	sbr.rel @p2 .LBB2_103-.Ltmp62, $1  }
0x495: {  	_ =	sdelay $0x3  }
0x496: {  	v6 =	vadd.s32 $0x9C40, v8;
	_ =	sdelay $0x3  }
0x497: {  	vm0 =	vmmov $0xffff  }
.LBB2_105:
0x498: {  	v7 =	vld.idx.msk [tilespmem:v6+s1+$0x0], $0xffff;
	_ =	sdelay $0x4  }
0x499: {  	v7 =	vmax.f32 v7, v5  }
0x49a: {  	[tilespmem:v6+s1+$0x0] =	vst.idx.msk vm0, v7  }
0x49b: {  	v7 =	vld.idx.msk [tilespmem:v6+s1+$0x0], $0xffff;
	_ =	sdelay $0x4  }
0x49c: {  	vm1 =	vlt.f32 v7, v5  }
0x49d: {  	vm0 =	vmand vm0, vm1  }
0x49e: {  	v7 =	vsel vm0, $0x3F800000, v1  }
0x49f: {  	(xrf0) =	vmax.scan.msk.f32 $0xffff, v7;
	_ =	sdelay $0x5  }
0x4a0: {  	v7, _, _ =	vpop (xrf0)  }
0x4a1: {  	(v2sf) =	vpush v7, $0xF;
	_ =	sdelay $0xe  }
0x4a2: {  	s0 =	spop (v2sf)  }
0x4a3: {  	p2 =	sgt.f32 s0, $0.0e+00  }
.Ltmp63:
0x4a4: {  	_ = 	snop;
	(pc) =	sbr.rel @p2 .LBB2_105-.Ltmp63, $1  }
0x4a5: {  	_ =	sdelay $0x3  }
0x4a6: {  	v5 =	vadd.s32 $0xC350, v8;
	_ =	sdelay $0x3  }
0x4a7: {  	vm0 =	vmmov $0xffff  }
.LBB2_107:
0x4a8: {  	v6 =	vld.idx.msk [tilespmem:v5+s1+$0x0], $0xffff;
	_ =	sdelay $0x4  }
0x4a9: {  	v6 =	vmax.f32 v6, v4  }
0x4aa: {  	[tilespmem:v5+s1+$0x0] =	vst.idx.msk vm0, v6  }
0x4ab: {  	v6 =	vld.idx.msk [tilespmem:v5+s1+$0x0], $0xffff;
	_ =	sdelay $0x4  }
0x4ac: {  	vm1 =	vlt.f32 v6, v4  }
0x4ad: {  	vm0 =	vmand vm0, vm1  }
0x4ae: {  	v6 =	vsel vm0, $0x3F800000, v1  }
0x4af: {  	(xrf0) =	vmax.scan.msk.f32 $0xffff, v6;
	_ =	sdelay $0x5  }
0x4b0: {  	v6, _, _ =	vpop (xrf0)  }
0x4b1: {  	(v2sf) =	vpush v6, $0xF;
	_ =	sdelay $0xe  }
0x4b2: {  	s0 =	spop (v2sf)  }
0x4b3: {  	p2 =	sgt.f32 s0, $0.0e+00  }
.Ltmp64:
0x4b4: {  	_ = 	snop;
	(pc) =	sbr.rel @p2 .LBB2_107-.Ltmp64, $1  }
0x4b5: {  	_ =	sdelay $0x3  }
0x4b6: {  	v4 =	vadd.s32 $0xEA60, v8;
	_ =	sdelay $0x3  }
0x4b7: {  	vm0 =	vmmov $0xffff  }
.LBB2_109:
0x4b8: {  	v5 =	vld.idx.msk [tilespmem:v4+s1+$0x0], $0xffff;
	_ =	sdelay $0x4  }
0x4b9: {  	v5 =	vmax.f32 v5, v3  }
0x4ba: {  	[tilespmem:v4+s1+$0x0] =	vst.idx.msk vm0, v5  }
0x4bb: {  	v5 =	vld.idx.msk [tilespmem:v4+s1+$0x0], $0xffff;
	_ =	sdelay $0x4  }
0x4bc: {  	vm1 =	vlt.f32 v5, v3  }
0x4bd: {  	vm0 =	vmand vm0, vm1  }
0x4be: {  	v5 =	vsel vm0, $0x3F800000, v1  }
0x4bf: {  	(xrf0) =	vmax.scan.msk.f32 $0xffff, v5;
	_ =	sdelay $0x5  }
0x4c0: {  	v5, _, _ =	vpop (xrf0)  }
0x4c1: {  	(v2sf) =	vpush v5, $0xF;
	_ =	sdelay $0xe  }
0x4c2: {  	s0 =	spop (v2sf)  }
0x4c3: {  	p2 =	sgt.f32 s0, $0.0e+00  }
.Ltmp65:
0x4c4: {  	_ = 	snop;
	(pc) =	sbr.rel @p2 .LBB2_109-.Ltmp65, $1  }
0x4c5: {  	_ =	sdelay $0x3  }
0x4c6: {  	v3 =	vadd.s32 $0x11170, v8;
	_ =	sdelay $0x3  }
0x4c7: {  	vm0 =	vmmov $0xffff  }
.LBB2_111:
0x4c8: {  	v4 =	vld.idx.msk [tilespmem:v3+s1+$0x0], $0xffff;
	_ =	sdelay $0x4  }
0x4c9: {  	v4 =	vmax.f32 v4, v2  }
0x4ca: {  	[tilespmem:v3+s1+$0x0] =	vst.idx.msk vm0, v4  }
0x4cb: {  	v4 =	vld.idx.msk [tilespmem:v3+s1+$0x0], $0xffff;
	_ =	sdelay $0x4  }
0x4cc: {  	vm1 =	vlt.f32 v4, v2  }
0x4cd: {  	vm0 =	vmand vm0, vm1  }
0x4ce: {  	v4 =	vsel vm0, $0x3F800000, v1  }
0x4cf: {  	(xrf0) =	vmax.scan.msk.f32 $0xffff, v4;
	_ =	sdelay $0x5  }
0x4d0: {  	v4, _, _ =	vpop (xrf0)  }
0x4d1: {  	(v2sf) =	vpush v4, $0xF;
	_ =	sdelay $0xe  }
0x4d2: {  	s0 =	spop (v2sf)  }
0x4d3: {  	p2 =	sgt.f32 s0, $0.0e+00  }
.Ltmp66:
0x4d4: {  	_ = 	snop;
	(pc) =	sbr.rel @p2 .LBB2_111-.Ltmp66, $1  }
0x4d5: {  	_ =	sdelay $0x3  }
.Ltmp67:
0x4d6: {  	_ = 	snop;
	(pc) =	sbr.rel .LBB2_113-.Ltmp67, $1  }
0x4d7: {  	_ =	sdelay $0x3  }
.LBB2_114:
.Ltmp68:
0x4d8: {  	(pc) =	sbr.rel .LBB2_115-.Ltmp68, $2  }
0x4d9: {  	_ =	sdelay $0x2  }
0x4da: {  	s18 =	simm.s32 $0x0;
	s20 =	simm.s32 $0x0  }
.LBB2_120:
0x4db: {  	s0 =	smul.u32 $0x9C40, s20;
	_ =	sdelay $0x1  }
0x4dc: {  	s20 =	sadd.s32 $0x1, s20;
	s0 =	sshra.s32 s0, $0x2  }
0x4dd: {  	[spmem:s4] =	stream.linear.scatter [tilespmem:s0], [sflag:$0x3], $0x2710, $0x38;
	[tilespmem:$0x1CD88] =	vst v63  }
0x4de: {  	p2 =	seq.s32 s20, $0x8;
	_ =	swait.ge [sflag:s12], $0x2710  }
.Ltmp69:
0x4df: {  	[sflag:s12] =	ssyncset.done $0x0;
	(pc) =	sbr.rel @p2 .LBB2_124-.Ltmp69, $3  }
0x4e0: {  	[sflag:s12] =	ssyncadd.s32 $0xFFFFD8F0  }
0x4e1: {  	[bflag:$0x0] =	sbarrier.arrive $0xFFFF  }
0x4e2: {  	[bflag:$0x0] =	sbarrier.arrive $0xFFFF;
	_ =	sdelay $0x1  }
.LBB2_119:
0x4e3: {  	s18 =	sadd.s32 $0x2710, s18  }
.LBB2_115:
.Ltmp70:
0x4e4: {  	(pc) =	sbr.rel @p1 .LBB2_120-.Ltmp70, $1  }
0x4e5: {  	_ =	sdelay $0x3  }
0x4e6: {  	[bflag:$0x0] =	sbarrier.arrive $0xFFFF;
	s0 =	simm.s32 $0x192F0;
	v2 =	vmov s18  }
0x4e7: {  	[tilespmem:s0], [sflag:$0x3] =	stream.linear.gather [spmem:s4], $0x2710, $0x38;
	[tilespmem:$0x1CD88] =	vst v63  }
0x4e8: {  	_ =	swait.ge [sflag:s12], $0x2710  }
0x4e9: {  	[sflag:s12] =	ssyncset.done $0x0  }
0x4ea: {  	s22 =	simm.s32 $0x0;
	s31 =	simm.s32 $0x40;
	[sflag:s12] =	ssyncadd.s32 $0xFFFFD8F0  }
.LBB2_117:
0x4eb: {  	p2 =	sne.s32 s31, $0x9C00;
	v3 =	vld.idx.msk [tilespmem:v2+s22+$0x0 ss:$0x1], $0xffff  }
0x4ec: {  	v4 =	vld [tilespmem:s22+$0x192F0];
	_ =	sdelay $0x1  }
.Ltmp71:
0x4ed: {  	(pc) =	sbr.rel @p2 .LBB2_117-.Ltmp71, $3  }
0x4ee: {  	_ =	sdelay $0x1  }
0x4ef: {  	v3 =	vmax.f32 v3, v4  }
0x4f0: {  	[tilespmem:v2+s22+$0x0 ss:$0x1] =	vst.idx.msk $0xffff, v3;
	s22 =	sshra.s32 s31, $0x2;
	s31 =	sadd.s32 $0x40, s31  }
0x4f1: {  	_ =	sdelay $0x3  }
0x4f2: {  	v3 =	vld.idx.msk [tilespmem:v2+s22+$0x0 ss:$0x1], $0xffff  }
0x4f3: {  	v4 =	vld [tilespmem:s22+$0x192F0];
	_ =	sdelay $0x1  }
0x4f4: {  	s20 =	sadd.s32 $0x1, s20  }
0x4f5: {  	p2 =	seq.s32 s20, $0x8  }
.Ltmp72:
0x4f6: {  	_ = 	snop;
	(pc) =	sbr.rel @!p2 .LBB2_119-.Ltmp72, $3  }
0x4f7: {  	v3 =	vmax.f32 v3, v4  }
0x4f8: {  	[tilespmem:v2+s22+$0x0 ss:$0x1] =	vst.idx.msk $0xffff, v3  }
0x4f9: {  	[bflag:$0x0] =	sbarrier.arrive $0xFFFF;
	_ =	sdelay $0x1  }
0x4fa: {  	s18 =	simm.s32 $0x0;
	s20 =	simm.s32 $0x40  }
.LBB2_122:
0x4fb: {  	p2 =	sne.s32 s20, $0x4E1C0;
	v2 =	vld [tilespmem:s18+$0x0];
	_ =	sdelay $0x4  }
.Ltmp73:
0x4fc: {  	v3 =	vsub.f32 v2, v2;
	(pc) =	sbr.rel @p2 .LBB2_122-.Ltmp73, $4  }
0x4fd: {  	_ = 	snop  }
0x4fe: {  	vm0 =	veq.f32 v3, $0.0e+00  }
0x4ff: {  	v2 =	vnsel vm0, $0x0, v2  }
0x500: {  	[tilespmem:s18+$0x0] =	vst v2;
	s18 =	sshra.s32 s20, $0x2;
	s20 =	sadd.s32 $0x40, s20  }
0x501: {  	v2 =	vld [tilespmem:s18+$0x0];
	_ =	sdelay $0x4  }
0x502: {  	v3 =	vsub.f32 v2, v2;
	_ =	sdelay $0x1  }
0x503: {  	vm0 =	veq.f32 v3, $0.0e+00  }
0x504: {  	v2 =	vnsel vm0, $0x0, v2  }
0x505: {  	s0 =	rddreg [dreg:$0x4];
	[tilespmem:s18+$0x0] =	vst v2  }
0x506: {  	[hbm4b:s0+s1] =	stream.linear.scatter [tilespmem:s1], [sflag:$0x3], $0x2710, $0x38;
	[tilespmem:$0x1CD88] =	vst v63  }
0x507: {  	_ =	swait.ge [sflag:s12], $0x2710  }
0x508: {  	[sflag:s12] =	ssyncset.done $0x0  }
0x509: {  	s2 =	simm.s32 $0x2710;
	s31 =	rddreg [dreg:$0x5];
	[sflag:s12] =	ssyncadd.s32 $0xFFFFD8F0  }
0x50a: {  	[hbm4b:s31+s1] =	stream.linear.scatter [tilespmem:s2], [sflag:$0x3], $0x2710, $0x38;
	[tilespmem:$0x1CD88] =	vst v63  }
0x50b: {  	_ =	swait.ge [sflag:s12], $0x2710  }
0x50c: {  	[sflag:s12] =	ssyncset.done $0x0  }
0x50d: {  	s5 =	simm.s32 $0x4E20;
	s2 =	rddreg [dreg:$0x6];
	[sflag:s12] =	ssyncadd.s32 $0xFFFFD8F0  }
0x50e: {  	[hbm4b:s2+s1] =	stream.linear.scatter [tilespmem:s5], [sflag:$0x3], $0x2710, $0x38;
	[tilespmem:$0x1CD88] =	vst v63  }
0x50f: {  	_ =	swait.ge [sflag:s12], $0x2710  }
0x510: {  	[sflag:s12] =	ssyncset.done $0x0  }
0x511: {  	s20 =	simm.s32 $0x7530;
	s18 =	rddreg [dreg:$0x7];
	[sflag:s12] =	ssyncadd.s32 $0xFFFFD8F0  }
0x512: {  	[hbm4b:s18+s1] =	stream.linear.scatter [tilespmem:s20], [sflag:$0x3], $0x2710, $0x38;
	[tilespmem:$0x1CD88] =	vst v63  }
0x513: {  	_ =	swait.ge [sflag:s12], $0x2710  }
0x514: {  	[sflag:s12] =	ssyncset.done $0x0  }
0x515: {  	s31 =	simm.s32 $0x9C40;
	s22 =	rddreg [dreg:$0x8];
	[sflag:s12] =	ssyncadd.s32 $0xFFFFD8F0  }
0x516: {  	[hbm4b:s22+s1] =	stream.linear.scatter [tilespmem:s31], [sflag:$0x3], $0x2710, $0x38;
	[tilespmem:$0x1CD88] =	vst v63  }
0x517: {  	_ =	swait.ge [sflag:s12], $0x2710  }
0x518: {  	[sflag:s12] =	ssyncset.done $0x0  }
0x519: {  	s5 =	simm.s32 $0xC350;
	s2 =	rddreg [dreg:$0x9];
	[sflag:s12] =	ssyncadd.s32 $0xFFFFD8F0  }
0x51a: {  	[hbm4b:s2+s1] =	stream.linear.scatter [tilespmem:s5], [sflag:$0x3], $0x2710, $0x38;
	[tilespmem:$0x1CD88] =	vst v63  }
0x51b: {  	_ =	swait.ge [sflag:s12], $0x2710  }
0x51c: {  	[sflag:s12] =	ssyncset.done $0x0  }
0x51d: {  	s20 =	simm.s32 $0xEA60;
	s18 =	rddreg [dreg:$0xa];
	[sflag:s12] =	ssyncadd.s32 $0xFFFFD8F0  }
0x51e: {  	[hbm4b:s18+s1] =	stream.linear.scatter [tilespmem:s20], [sflag:$0x3], $0x2710, $0x38;
	[tilespmem:$0x1CD88] =	vst v63  }
0x51f: {  	_ =	swait.ge [sflag:s12], $0x2710  }
0x520: {  	s31 =	simm.s32 $0x11170;
	[sflag:s12] =	ssyncset.done $0x0  }
.Ltmp74:
0x521: {  	s22 =	rddreg [dreg:$0xb];
	[sflag:s12] =	ssyncadd.s32 $0xFFFFD8F0;
	(pc) =	sbr.rel .LBB2_124-.Ltmp74, $4  }
0x522: {  	[hbm4b:s22+s1] =	stream.linear.scatter [tilespmem:s31], [sflag:$0x3], $0x2710, $0x38;
	[tilespmem:$0x1CD88] =	vst v63  }
0x523: {  	_ =	swait.ge [sflag:s12], $0x2710  }
0x524: {  	[sflag:s12] =	ssyncset.done $0x0  }
0x525: {  	[sflag:s12] =	ssyncadd.s32 $0xFFFFD8F0  }
.LBB2_125:
0x526: {  	_ =	sfence.sel $0x180000  }
0x527: {  	[bflag:$0x0] =	sbarrier.arrive $0xFFFF  }
0x528: {  	_ =	strace $0x9000004A  }
0x529: {  	s0 =	stileid.u32;
	[bflag:$0x2] =	sbarrier.arrive $0xFFFF  }
0x52a: {  	p0 =	sne.s32 s0, $0x0;
	s0 =	rddreg [dreg:$0x3]  }
0x52b: {  	s0 =	sadd.s32 @!p0 $0x100000, s0  }
0x52c: {  	[sflag:s0] =	ssyncadd.tile.s32 @!p0 $0x1;
	_ =	shalt  }
.Lfunc_end2:
_tile_overlayer_lowered:
.L_overlay_start_2:
0x52d: {  	(tag) =	ssettag $0x2  }
0x52e: {  	s0 =	rddreg [dreg:$0x0];
	s2 =	stileid.u32  }
0x52f: {  	s1 =	rddreg [dreg:$0x1];
	p0 =	sne.s32 s2, $0x0  }
0x530: {  	s3 =	rddreg [dreg:$0x2];
	[bflag:$0x3] =	sbarrier.arrive $0xFFFF;
	s2 =	simm.s32 @!p0 $0x1C03  }
0x531: {  	[timem:s3], [sflag:s2] =	dma.local @!p0 [hbm:s0], s1  }
0x532: {  	s0 =	simm.s32 @!p0 $0x3  }
0x533: {  	_ =	swait.ge @!p0 [sflag:s0], s1  }
0x534: {  	s1 =	ssub.s32 @!p0 $0x0, s1;
	[sflag:s0] =	ssyncset.done @!p0 $0x0  }
0x535: {  	[sflag:s0] =	ssyncadd.s32 @!p0 s1  }
0x536: {  	[bflag:$0x3] =	sbarrier.arrive $0xFFFF  }
0x537: {  	_ =	shalt  }

// kernel: kernel.7.cloned.1.call-start
scs
__scs_entry_jumppad:
0x0: {  	(pc) =	sbr.rel $0x88, $3  }
0x1: {  	(tag) =	ssettag $0x0;
	lr =	simm.s32 $0x1  }
0x2: {  	[smem:$0x3F94] =	sst lr;
	_ =	strace $0xD0000000  }
0x3: {  	_ = 	snop  }
0x4: {  	_ = 	snop  }
0x5: {  	_ = 	snop  }
0x6: {  	_ = 	snop  }
0x7: {  	_ = 	snop  }
__scs_overlays_trampoline_lowered:
0x8: {  	[smem:$0x3FA3] =	sst s0  }
0x9: {  	[smem:$0x3FA4] =	sst s1  }
0xa: {  	[smem:$0x3FA5] =	sst s2  }
0xb: {  	[smem:$0x3FA6] =	sst s3  }
0xc: {  	[smem:$0x3FA7] =	sst s4  }
0xd: {  	[smem:$0x3FA8] =	sst s5  }
0xe: {  	[smem:$0x3FA9] =	sst s6  }
0xf: {  	[smem:$0x3FAA] =	sst s7  }
0x10: {  	[smem:$0x3FAB] =	sst s8  }
0x11: {  	[smem:$0x3FAC] =	sst s9;
	s0 =	simm.s32 @!p0 $0x0  }
0x12: {  	s1 =	sld [smem:$0x3F92];
	s0 =	simm.s32 @p0 $0x1  }
0x13: {  	[smem:$0x3FAD] =	sst s0;
	s0 =	simm.s32 @!p1 $0x0  }
0x14: {  	s2 =	sld [smem:$0x3F91];
	s0 =	simm.s32 @p1 $0x1  }
0x15: {  	[smem:$0x3FAE] =	sst s0;
	s0 =	simm.s32 @!p2 $0x0  }
0x16: {  	s3 =	sld [smem:$0x3FDB];
	s0 =	simm.s32 @p2 $0x1  }
0x17: {  	s4 =	simm.s32 $0x1BF5;
	[smem:$0x3FB0] =	sst s0  }
0x18: {  	s0 =	sld [smem:$0x3F93];
	_ =	swait.ge [sflag:s4], $0x0  }
0x19: {  	s7 =	sld [smem:$0x3F94]  }
0x1a: {  	s8 =	sadd.s32 $0xFFFFE003, lr  }
0x1b: {  	s9 =	sadd.s32 $0xFFFFFEF7, lr;
	s5 =	simm.s32 $0xFFFFFFFF;
	p2 =	slt.u32 s8, $0xFFFFF086  }
0x1c: {  	p1 =	slt.u32 s9, $0xF7A;
	s5 =	simm.s32 @!p2 $0x0  }
0x1d: {  	s5 =	simm.s32 @p1 $0x1;
	p0 =	seq.s32 s7, s2  }
0x1e: {  	s7 =	smul.u32 @!p0 $0xF7A, s2;
	p2 =	seq.s32 @!p0 s5, $0x0  }
0x1f: {  	s9 =	smul.u32 $0xF7A, s1;
	s8 =	simm.s32 @!p0 $0x1BF5;
	p2 =	por !p2, p0  }
0x20: {  	[sflag:s8] =	ssyncset.s32 @!p0 $0xFFFFF086;
	s6 =	sadd.s32 @!p0 s3, s7;
	s7 =	simm.s32 @!p0 $0x108  }
0x21: {  	s3 =	sadd.s32 s3, s9;
	s6 =	sadd.s32 @!p0 $0x88, s6;
	s7 =	simm.s32 @p2 $0x1082  }
0x22: {  	[simem:s7], [sflag:s8] =	dma.local @!p0 [hbm:s6], $0xF7A  }
0x23: {  	s9 =	sor.u32 $0xD0000000, s2;
	s6 =	simm.s32 $0x108;
	_ =	swait.ge @!p0 [sflag:s8], $0x0  }
0x24: {  	s3 =	sadd.s32 $0x88, s3;
	s6 =	simm.s32 @!p1 $0x1082;
	[sflag:s4] =	ssyncset.s32 $0xFFFFF086  }
0x25: {  	[simem:s6], [sflag:s4] =	dma.local [hbm:s3], $0xF7A  }
0x26: {  	[smem:$0x3F94] =	sst s1;
	(tag) =	ssettag s2;
	_ =	strace s9  }
0x27: {  	s1 =	sld [smem:$0x3FA4]  }
0x28: {  	s2 =	sld [smem:$0x3FA5]  }
0x29: {  	s4 =	sld [smem:$0x3FA7]  }
0x2a: {  	p0 =	seq.s32 s5, $0x0;
	s5 =	sld [smem:$0x3FA8]  }
0x2b: {  	s6 =	sld [smem:$0x3FA9]  }
0x2c: {  	s7 =	sld [smem:$0x3FAA]  }
0x2d: {  	s3 =	simm.s32 $0x108;
	s8 =	sld [smem:$0x3FAB]  }
0x2e: {  	s3 =	simm.s32 @!p0 $0x1082;
	s9 =	sld [smem:$0x3FAC]  }
0x2f: {  	lr =	sadd.s32 s0, s3;
	s0 =	sld [smem:$0x3FA3]  }
0x30: {  	s3 =	sld [smem:$0x3FA6]  }
0x31: {  	[smem:$0x3FAF] =	sst s10  }
0x32: {  	s10 =	sld [smem:$0x3FAD];
	_ =	sdelay $0x3  }
0x33: {  	p0 =	seq.s32 s10, $0x1;
	s10 =	sld [smem:$0x3FAF];
	_ =	sdelay $0x3  }
0x34: {  	[smem:$0x3FAF] =	sst s10  }
0x35: {  	s10 =	sld [smem:$0x3FAE];
	_ =	sdelay $0x3  }
0x36: {  	p1 =	seq.s32 s10, $0x1;
	s10 =	sld [smem:$0x3FAF];
	_ =	sdelay $0x3  }
0x37: {  	[smem:$0x3FAF] =	sst s10  }
0x38: {  	s10 =	sld [smem:$0x3FB0]  }
0x39: {  	_ = 	snop;
	(pc) =	sbr.ind lr, $3  }
0x3a: {  	_ = 	snop  }
0x3b: {  	_ = 	snop  }
0x3c: {  	p2 =	seq.s32 s10, $0x1;
	s10 =	sld [smem:$0x3FAF]  }
0x3d: {  	_ =	shalt  }
0x3e: {  	_ =	shalt  }
0x3f: {  	_ =	shalt  }
0x40: {  	_ =	shalt  }
0x41: {  	_ =	shalt  }
0x42: {  	_ =	shalt  }
0x43: {  	_ =	shalt  }
0x44: {  	_ =	shalt  }
0x45: {  	_ =	shalt  }
0x46: {  	_ =	shalt  }
0x47: {  	_ =	shalt  }
0x48: {  	_ =	shalt  }
0x49: {  	_ =	shalt  }
0x4a: {  	_ =	shalt  }
0x4b: {  	_ =	shalt  }
0x4c: {  	_ =	shalt  }
0x4d: {  	_ =	shalt  }
0x4e: {  	_ =	shalt  }
0x4f: {  	_ =	shalt  }
0x50: {  	_ =	shalt  }
0x51: {  	_ =	shalt  }
0x52: {  	_ =	shalt  }
0x53: {  	_ =	shalt  }
0x54: {  	_ =	shalt  }
0x55: {  	_ =	shalt  }
0x56: {  	_ =	shalt  }
0x57: {  	_ =	shalt  }
0x58: {  	_ =	shalt  }
0x59: {  	_ =	shalt  }
0x5a: {  	_ =	shalt  }
0x5b: {  	_ =	shalt  }
0x5c: {  	_ =	shalt  }
0x5d: {  	_ =	shalt  }
0x5e: {  	_ =	shalt  }
0x5f: {  	_ =	shalt  }
0x60: {  	_ =	shalt  }
0x61: {  	_ =	shalt  }
0x62: {  	_ =	shalt  }
0x63: {  	_ =	shalt  }
0x64: {  	_ =	shalt  }
0x65: {  	_ =	shalt  }
0x66: {  	_ =	shalt  }
0x67: {  	_ =	shalt  }
0x68: {  	_ =	shalt  }
0x69: {  	_ =	shalt  }
0x6a: {  	_ =	shalt  }
0x6b: {  	_ =	shalt  }
0x6c: {  	_ =	shalt  }
0x6d: {  	_ =	shalt  }
0x6e: {  	_ =	shalt  }
0x6f: {  	_ =	shalt  }
0x70: {  	_ =	shalt  }
0x71: {  	_ =	shalt  }
0x72: {  	_ =	shalt  }
0x73: {  	_ =	shalt  }
0x74: {  	_ =	shalt  }
0x75: {  	_ =	shalt  }
0x76: {  	_ =	shalt  }
0x77: {  	_ =	shalt  }
0x78: {  	_ =	shalt  }
0x79: {  	_ =	shalt  }
0x7a: {  	_ =	shalt  }
0x7b: {  	_ =	shalt  }
0x7c: {  	_ =	shalt  }
0x7d: {  	_ =	shalt  }
0x7e: {  	_ =	shalt  }
0x7f: {  	_ =	shalt  }
0x80: {  	_ =	shalt  }
0x81: {  	_ =	shalt  }
0x82: {  	_ =	shalt  }
0x83: {  	_ =	shalt  }
0x84: {  	_ =	shalt  }
0x85: {  	_ =	shalt  }
0x86: {  	_ =	shalt  }
0x87: {  	_ =	shalt  }
.Lfunc_end0:
.L_simem_size_0:
called_computation_lowered:
.L_overlay_start_0:
0x88: {  	s2 =	sld [smem:$0x3FD9]  }
0x89: {  	s3 =	sld [smem:$0x3FFE];
	_ =	sdelay $0x1  }
0x8a: {  	s1 =	srdreg.scid  }
0x8b: {  	s0 =	sand.u32 $0x1, s1  }
0x8c: {  	s14 =	sshll.u32 s0, $0xA;
	s2 =	sadd.s32 s3, s2  }
0x8d: {  	s2 =	sadd.s32 s2, s14  }
0x8e: {  	[smem:$0x3FBB] =	sst s2  }
0x8f: {  	_ = 	snop  }
0x90: {  	s2 =	sld [smem:$0x3FD0];
	_ =	sdelay $0x2  }
0x91: {  	s15 =	simm.s32 $0xA;
	s4 =	simm.s32 $0x10  }
0x92: {  	[smem:s4], [sflag:s15] =	dma.local [hbm:s2], $0x1  }
0x93: {  	_ =	swait.eq [sflag:s15], $0x1  }
0x94: {  	[sflag:s15] =	ssyncset.done $0x0  }
0x95: {  	s16 =	sld [smem:$0x10];
	[sflag:s15] =	ssyncadd.s32 $0xFFFFFFFF  }
0x96: {  	s17 =	sld [smem:$0x11];
	(tm) =	ssettm $0x1  }
0x97: {  	s18 =	sld [smem:$0x3FFB];
	_ =	sdelay $0x3  }
0x98: {  	_ =	strace s18  }
0x99: {  	s4 =	sld [smem:$0x3FFC];
	_ =	sdelay $0x3  }
0x9a: {  	_ =	strace s4  }
0x9b: {  	s4 =	sld [smem:$0x3FFD];
	_ =	sdelay $0x3  }
0x9c: {  	_ =	strace s4  }
0x9d: {  	_ =	strace $0x8FFFFFFF  }
0x9e: {  	s19 =	sld [smem:$0x3FDB];
	_ =	sdelay $0x1  }
0x9f: {  	s5 =	simm.s32 $_scs_section_size  }
0xa0: {  	s6 =	simm.s32 $_size__tile_overlayer_lowered;
	s7 =	simm.s32 $_tile_overlayer_lowered  }
0xa1: {  	s22 =	simm.s32 $0x1BFF;
	s21 =	sshll.u32 s7, $0x1;
	s4 =	sadd.s32 s5, s19  }
0xa2: {  	s8 =	simm.s32 $0x0;
	s20 =	sshll.u32 s6, $0x1;
	s6 =	sadd.s32 s21, s4  }
0xa3: {  	[timem:s8], [sflag:s22] =	dma.local [hbm:s6], s20  }
0xa4: {  	_ =	swait.ge [sflag:s22], s20  }
0xa5: {  	s5 =	ssub.s32 $0x0, s20;
	[sflag:s22] =	ssyncset.done $0x0  }
0xa6: {  	[sflag:s22] =	ssyncadd.s32 s5;
	_ =	sdelay $0x1  }
0xa7: {  	s23 =	simm.s32 $0x1B8B  }
0xa8: {  	_ =	swait.ge [sflag:s23], $0x1  }
0xa9: {  	[sflag:s23] =	ssyncset.done $0x0  }
0xaa: {  	s25 =	simm.s32 $0x1B8E;
	s24 =	sld [smem:$0x3FFE];
	[sflag:s23] =	ssyncadd.s32 $0xFFFFFFFF  }
0xab: {  	s26 =	simm.s32 $execute0_lowered;
	[smem:$0x3FD2] =	sst s25  }
0xac: {  	s6 =	sshll.u32 s26, $0x1;
	_ =	strace $0x80000046;
	[dreg:$0x1] =	wrdreg $0xFFFFFFFF  }
0xad: {  	s28 =	simm.s32 $_size_execute0_lowered;
	s4 =	sadd.s32 s4, s6;
	[dreg:$0x0] =	wrdreg $0x0  }
0xae: {  	s6 =	sshll.u32 s28, $0x1;
	[dreg:$0x2] =	wrdreg s4  }
0xaf: {  	[dreg:$0x3] =	wrdreg s6  }
0xb0: {  	[dreg:$0x4] =	wrdreg $0xC0  }
0xb1: {  	_ =	task [dreg:s8], $0x5FFFF  }
0xb2: {  	[dreg:$0x1] =	wrdreg $0xFFFFFFFF  }
0xb3: {  	[dreg:$0x0] =	wrdreg $0x60  }
0xb4: {  	[dreg:$0x2] =	wrdreg s16  }
0xb5: {  	[dreg:$0x3] =	wrdreg s24  }
0xb6: {  	[dreg:$0x4] =	wrdreg s17  }
0xb7: {  	[dreg:$0x5] =	wrdreg $0x9  }
0xb8: {  	_ =	task.clear_ibuf [dreg:s8], $0x6FFFF;
	_ =	strace $0x90000046  }
0xb9: {  	s29 =	simm.s32 $0x9;
	_ =	strace $0x80000048  }
0xba: {  	_ =	swait.ge [sflag:s29], $0x1  }
0xbb: {  	[sflag:s29] =	ssyncadd.s32 $0xFFFFFFFF  }
0xbc: {  	_ =	strace $0x90000048  }
0xbd: {  	_ =	sfence  }
0xbe: {  	s30 =	sld [smem:$0x0];
	_ =	sdelay $0x2  }
0xbf: {  	s31 =	sshll.u32 s1, $0xD;
	s1 =	sshrl.u32 s1, $0x2  }
0xc0: {  	s3 =	sand.u32 $0x4000, s31;
	s1 =	sadd.s32 s1, s30  }
0xc1: {  	s0 =	sor.u32 s3, s0;
	s1 =	sshll.u32 s1, $0x11  }
0xc2: {  	s0 =	sor.u32 s1, s0  }
0xc3: {  	s0 =	sadd.s32 $0x8F2B, s0  }
0xc4: {  	[sflag:s0] =	ssyncadd.remote.s32 $0x1  }
0xc5: {  	_ =	sfence.sel $0xFFFF  }
0xc6: {  	[dreg:$0x0] =	wrdreg $0xFFFFFFFF;
	(pc) =	sbr.abs _section_cstart, $3  }
0xc7: {  	[dreg:$0x1] =	wrdreg $0xFFFFFFFF  }
0xc8: {  	_ =	task.clear_ibuf [dreg:s8], $0x2FFFF;
	_ =	strace $0x9FFFFFFF  }
0xc9: {  	(tm) =	ssettm $0x7FFFFFFF  }
tec
execute0_lowered:
.L_overlay_start_1:
0x0: {  	(tag) =	ssettag $0x1  }
0x1: {  	s1 =	rddreg [dreg:$0x0]  }
0x2: {  	s0 =	rddreg [dreg:$0x1]  }
0x3: {  	s2 =	rddreg [dreg:$0x2];
	s4 =	simm.s32 $0x0  }
0x4: {  	s3 =	srdreg.scid;
	s6 =	stileid.u32;
	s28 =	simm.s32 $0x28A0  }
0x5: {  	s30 =	simm.s32 $0x4;
	s31 =	simm.s32 $0x7940;
	[smem:$0x7FF] =	sst s4  }
0x6: {  	s5 =	sadd.s32 $0x17000, s0;
	s3 =	sand.u32 $0x1, s3;
	s7 =	sshll.u32 s6, $0x1  }
0x7: {  	s6 =	sadd.s32 $0xD200, s0;
	s11 =	ssub.s32 $0x2, s3;
	s3 =	sor.u32 s3, s7  }
0x8: {  	s9 =	sadd.s32 $0x65A00, s0;
	s10 =	sadd.s32 $0x547A00, s0;
	s8 =	smul.u32 $0x2710, s3  }
0x9: {  	s15 =	simm.s32 $0x0;
	_ =	strace $0x80000047;
	s13 =	smul.u32 $0x138800, s3  }
0xa: {  	s7 =	sadd.s32 $0x3400, s0;
	s12 =	sshrl.u32 s11, $0x1;
	s3 =	smul.u32 $0x27100, s3  }
0xb: {  	s21 =	ssub.s32 s11, s12;
	s22 =	sshrl.u32 s8, $0x3;
	s11 =	sadd.s32 $0x50, s8  }
0xc: {  	s25 =	sshrl.u32 s13, $0x3;
	s3 =	sadd.s32 s9, s3;
	s17 =	sadd.s32 $0xA0, s8  }
0xd: {  	s18 =	sadd.s32 $0xF0, s8;
	s0 =	smax.u32 s21, $0x1;
	[dreg:$0x8] =	wrdreg s3  }
0xe: {  	s13 =	simm.s32 $0x3;
	s14 =	sadd.s32 s6, s22;
	[dreg:$0xb] =	wrdreg s0  }
0xf: {  	s23 =	sshrl.u32 s11, $0x3;
	s12 =	sadd.s32 s7, s22;
	[dreg:$0x4] =	wrdreg s14  }
0x10: {  	s29 =	sadd.s32 $0x26C00, s25;
	[dreg:$0x5] =	wrdreg s12;
	s24 =	sadd.s32 s6, s23  }
0x11: {  	s22 =	simm.s32 $0x50;
	s26 =	sadd.s32 s7, s23;
	[dreg:$0x6] =	wrdreg s24  }
0x12: {  	s25 =	simm.s32 $0x1;
	s12 =	sadd.s32 s2, s29;
	[dreg:$0x7] =	wrdreg s26  }
0x13: {  	s0 =	simm.s32 $0xA140;
	s3 =	sadd.s32 s10, s29;
	[dreg:$0x9] =	wrdreg s12  }
0x14: {  	s23 =	simm.s32 $0x78A0;
	s14 =	simm.s32 $0x5;
	[dreg:$0xa] =	wrdreg s3  }
0x15: {  	s24 =	simm.s32 $0x78F0;
	s26 =	simm.s32 $0xA0;
	s12 =	simm.s32 $0x2  }
.LBB2_1:
0x16: {  	[dreg:$0xc] =	wrdreg s15  }
0x17: {  	s3 =	rddreg [dreg:$0x4]  }
0x18: {  	[tilespmem:s4], [sflag:$0x1] =	stream.linear.gather [hbm4b:s3+s4], $0x50, $0x38;
	[tilespmem:$0xF140] =	vst v63  }
0x19: {  	s16 =	rddreg [dreg:$0x5]  }
0x1a: {  	[tilespmem:s22], [sflag:$0x1] =	stream.linear.gather [hbm4b:s16+s4], $0x50, $0x38;
	[tilespmem:$0xF140] =	vst v63  }
0x1b: {  	s19 =	rddreg [dreg:$0x6]  }
0x1c: {  	[tilespmem:s23], [sflag:$0x4] =	stream.linear.gather [hbm4b:s19+s4], $0x50, $0x38;
	[tilespmem:$0xF140] =	vst v63  }
0x1d: {  	s20 =	rddreg [dreg:$0x7]  }
0x1e: {  	[tilespmem:s24], [sflag:$0x4] =	stream.linear.gather [hbm4b:s20+s4], $0x50, $0x38;
	[tilespmem:$0xF140] =	vst v63  }
0x1f: {  	_ =	swait.ge [sflag:s25], $0x50  }
0x20: {  	[sflag:s25] =	ssyncset.done $0x0  }
0x21: {  	[sflag:s25] =	ssyncadd.s32 $0xFFFFFFB0  }
0x22: {  	_ =	swait.ge [sflag:s25], $0x50  }
0x23: {  	[sflag:s25] =	ssyncset.done $0x0  }
0x24: {  	[sflag:s25] =	ssyncadd.s32 $0xFFFFFFB0  }
0x25: {  	[tilespmem:s26], [sflag:$0x2] =	stream.indirect.gather [hbm4b:s1+s22], $0x80, s4, s22, $0xb8;
	[tilespmem:$0xF140] =	vst v63  }
0x26: {  	_ = 	snop  }
0x27: {  	[tilespmem:s28], [sflag:$0x2] =	stream.indirect.gather [hbm4b:s5+s22], $0x80, s22, s22, $0xb8;
	[tilespmem:$0xF140] =	vst v63  }
0x28: {  	s29 =	simm.s32 $0x50A0;
	s19 =	simm.s32 $0x0;
	s21 =	rddreg [dreg:$0x8]  }
0x29: {  	[tilespmem:s29], [sflag:$0x2] =	stream.linear.gather [hbm4b:s21+s4], $0x2800, $0x38;
	[tilespmem:$0xF140] =	vst v63  }
.LBB2_2:
0x2a: {  	p0 =	seq.s32 s19, $0x0  }
0x2b: {  	s15 =	simm.s32 @!p0 $0x6  }
0x2c: {  	_ =	swait.ge @!p0 [sflag:s15], $0x2800  }
0x2d: {  	[sflag:s15] =	ssyncset.done @!p0 $0x0  }
0x2e: {  	[sflag:s15] =	ssyncadd.s32 @!p0 $0xFFFFD800  }
0x2f: {  	_ =	swait.ge @!p0 [sflag:s15], $0x2800  }
0x30: {  	[sflag:s15] =	ssyncset.done @!p0 $0x0  }
0x31: {  	[sflag:s15] =	ssyncadd.s32 @!p0 $0xFFFFD800  }
0x32: {  	_ =	swait.ge [sflag:s30], $0x50  }
0x33: {  	[sflag:s30] =	ssyncset.done $0x0  }
0x34: {  	s20 =	smul.u32 $0xA0, s19;
	[sflag:s30] =	ssyncadd.s32 $0xFFFFFFB0  }
0x35: {  	_ =	swait.ge [sflag:s30], $0x50  }
0x36: {  	s29 =	sadd.s32 s11, s20;
	[sflag:s30] =	ssyncset.done $0x0  }
0x37: {  	s15 =	sshll.u32 s29, $0x4;
	[sflag:s30] =	ssyncadd.s32 $0xFFFFFFB0  }
0x38: {  	[tilespmem:s31], [sflag:$0x5] =	stream.indirect.gather [hbm4b:s1+s22], $0x80, s23, s22, $0xb8;
	[tilespmem:$0xF140] =	vst v63  }
0x39: {  	s21 =	sand.u32 $0x1FFFFF00, s15  }
0x3a: {  	[tilespmem:s0], [sflag:$0x5] =	stream.indirect.gather [hbm4b:s5+s22], $0x80, s24, s22, $0xb8;
	[tilespmem:$0xF140] =	vst v63  }
0x3b: {  	s16 =	simm.s32 $0x0;
	s3 =	simm.s32 $0xC940;
	s15 =	sadd.s32 s9, s21  }
0x3c: {  	[tilespmem:s3], [sflag:$0x5] =	stream.linear.gather [hbm4b:s15+s16], $0x2800, $0x38;
	[tilespmem:$0xF140] =	vst v63  }
0x3d: {  	_ =	swait.ge [sflag:s12], $0x2800  }
0x3e: {  	[sflag:s12] =	ssyncset.done $0x0  }
0x3f: {  	[sflag:s12] =	ssyncadd.s32 $0xFFFFD800  }
0x40: {  	_ =	swait.ge [sflag:s12], $0x2800  }
0x41: {  	[sflag:s12] =	ssyncset.done $0x0  }
0x42: {  	[sflag:s12] =	ssyncadd.s32 $0xFFFFD800  }
0x43: {  	_ =	swait.ge [sflag:s12], $0x2800  }
0x44: {  	[sflag:s12] =	ssyncset.done $0x0  }
0x45: {  	s15 =	simm.s32 $0x0;
	[sflag:s12] =	ssyncadd.s32 $0xFFFFD800  }
0x46: {  	v6 =	vld [tilespmem:s15+$0x50A0]  }
0x47: {  	v11 =	vld [tilespmem:s15+$0x50B0]  }
0x48: {  	v5 =	vld [tilespmem:s15+$0x50C0]  }
0x49: {  	v4 =	vld [tilespmem:s15+$0x50D0]  }
0x4a: {  	v3 =	vld [tilespmem:s15+$0x50E0]  }
0x4b: {  	v2 =	vld [tilespmem:s15+$0x50F0]  }
0x4c: {  	v1 =	vld [tilespmem:s15+$0x5100]  }
0x4d: {  	v0 =	vld [tilespmem:s15+$0x5110]  }
0x4e: {  	v12 =	vld [tilespmem:s15+$0xA0]  }
0x4f: {  	v13 =	vld [tilespmem:s15+$0xB0]  }
0x50: {  	v10 =	vld [tilespmem:s15+$0xC0]  }
0x51: {  	v9 =	vld [tilespmem:s15+$0xD0]  }
0x52: {  	v8 =	vld [tilespmem:s15+$0xE0]  }
0x53: {  	v7 =	vld [tilespmem:s15+$0xF0];
	v12 =	vadd.f32 v6, v12  }
0x54: {  	s16 =	simm.s32 $0x200;
	v11 =	vadd.f32 v11, v13;
	v6 =	vld [tilespmem:s15+$0x100]  }
.LBB2_3:
0x55: {  	s3 =	sshra.s32 s16, $0x2;
	p0 =	sne.s32 s16, $0x9E00;
	v12 =	vmax.f32 v12, $0.0e+00;
	v5 =	vadd.f32 v5, v10;
	v10 =	vld [tilespmem:s15+$0x110]  }
0x56: {  	v13 =	vld [tilespmem:s3+$0x50A0];
	[tilespmem:s15+$0xA0] =	vst v12;
	v11 =	vmax.f32 v11, $0.0e+00;
	v4 =	vadd.f32 v4, v9  }
0x57: {  	v14 =	vld [tilespmem:s3+$0x50B0];
	[tilespmem:s15+$0xB0] =	vst v11;
	v9 =	vmax.f32 v5, $0.0e+00;
	v3 =	vadd.f32 v3, v8  }
0x58: {  	v5 =	vld [tilespmem:s3+$0x50C0];
	[tilespmem:s15+$0xC0] =	vst v9;
	v8 =	vmax.f32 v4, $0.0e+00;
	v2 =	vadd.f32 v2, v7  }
0x59: {  	v4 =	vld [tilespmem:s3+$0x50D0];
	[tilespmem:s15+$0xD0] =	vst v8;
	v7 =	vmax.f32 v3, $0.0e+00;
	v1 =	vadd.f32 v1, v6  }
0x5a: {  	v3 =	vld [tilespmem:s3+$0x50E0];
	[tilespmem:s15+$0xE0] =	vst v7;
	v6 =	vmax.f32 v2, $0.0e+00;
	v0 =	vadd.f32 v0, v10  }
0x5b: {  	v2 =	vld [tilespmem:s3+$0x50F0];
	[tilespmem:s15+$0xF0] =	vst v6;
	v6 =	vmax.f32 v1, $0.0e+00  }
0x5c: {  	v1 =	vld [tilespmem:s3+$0x5100];
	[tilespmem:s15+$0x100] =	vst v6;
	v6 =	vmax.f32 v0, $0.0e+00  }
0x5d: {  	v0 =	vld [tilespmem:s3+$0x5110];
	[tilespmem:s15+$0x110] =	vst v6;
	s15 =	smov.u32 s3  }
0x5e: {  	v6 =	vld [tilespmem:s15+$0xA0]  }
0x5f: {  	v11 =	vld [tilespmem:s15+$0xB0]  }
.Ltmp0:
0x60: {  	v10 =	vld [tilespmem:s15+$0xC0];
	(pc) =	sbr.rel @p0 .LBB2_3-.Ltmp0, $4  }
0x61: {  	v9 =	vld [tilespmem:s15+$0xD0]  }
0x62: {  	v8 =	vld [tilespmem:s15+$0xE0]  }
0x63: {  	v12 =	vadd.f32 v13, v6;
	v7 =	vld [tilespmem:s15+$0xF0]  }
0x64: {  	s16 =	sadd.s32 $0x200, s16;
	v11 =	vadd.f32 v14, v11;
	v6 =	vld [tilespmem:s15+$0x100]  }
0x65: {  	v12 =	vmax.f32 v12, $0.0e+00;
	v5 =	vadd.f32 v5, v10;
	v10 =	vld [tilespmem:s15+$0x110]  }
0x66: {  	[tilespmem:s15+$0xA0] =	vst v12;
	v11 =	vmax.f32 v11, $0.0e+00;
	v4 =	vadd.f32 v4, v9  }
0x67: {  	[tilespmem:s15+$0xB0] =	vst v11;
	v5 =	vmax.f32 v5, $0.0e+00;
	v3 =	vadd.f32 v3, v8  }
0x68: {  	[tilespmem:s15+$0xC0] =	vst v5;
	v4 =	vmax.f32 v4, $0.0e+00;
	v2 =	vadd.f32 v2, v7  }
0x69: {  	[tilespmem:s15+$0xD0] =	vst v4;
	v3 =	vmax.f32 v3, $0.0e+00;
	v1 =	vadd.f32 v1, v6  }
0x6a: {  	[tilespmem:s15+$0xE0] =	vst v3;
	v2 =	vmax.f32 v2, $0.0e+00;
	v0 =	vadd.f32 v0, v10  }
0x6b: {  	s3 =	sadd.s32 s8, s20;
	[tilespmem:s15+$0xF0] =	vst v2;
	v1 =	vmax.f32 v1, $0.0e+00  }
0x6c: {  	s3 =	sshll.u32 s3, $0x4;
	[tilespmem:s15+$0x100] =	vst v1;
	v0 =	vmax.f32 v0, $0.0e+00  }
0x6d: {  	s16 =	simm.s32 $0x0;
	s29 =	sadd.s32 s2, s3;
	[tilespmem:s15+$0x110] =	vst v0  }
0x6e: {  	[hbm4b:s29+s16] =	stream.linear.scatter [tilespmem:s26], [sflag:$0x3], $0x2800, $0x38;
	[tilespmem:$0xF140] =	vst v63  }
0x6f: {  	s3 =	sadd.s32 s10, s3  }
0x70: {  	[hbm4b:s3+s16] =	stream.linear.scatter [tilespmem:s28], [sflag:$0x3], $0x2800, $0x38;
	[tilespmem:$0xF140] =	vst v63  }
0x71: {  	s3 =	sadd.s32 s20, s17  }
0x72: {  	s15 =	sshrl.u32 s3, $0x3  }
0x73: {  	s29 =	sadd.s32 s6, s15  }
0x74: {  	[tilespmem:s16], [sflag:$0x1] =	stream.linear.gather [hbm4b:s29+s16], $0x50, $0x38;
	[tilespmem:$0xF140] =	vst v63  }
0x75: {  	s15 =	sadd.s32 s7, s15  }
0x76: {  	[tilespmem:s22], [sflag:$0x1] =	stream.linear.gather [hbm4b:s15+s16], $0x50, $0x38;
	[tilespmem:$0xF140] =	vst v63  }
0x77: {  	_ =	swait.ge [sflag:s13], $0x2800  }
0x78: {  	[sflag:s13] =	ssyncset.done $0x0  }
0x79: {  	[sflag:s13] =	ssyncadd.s32 $0xFFFFD800  }
0x7a: {  	_ =	swait.ge [sflag:s13], $0x2800  }
0x7b: {  	[sflag:s13] =	ssyncset.done $0x0  }
0x7c: {  	[sflag:s13] =	ssyncadd.s32 $0xFFFFD800  }
0x7d: {  	_ =	swait.ge [sflag:s25], $0x50  }
0x7e: {  	[sflag:s25] =	ssyncset.done $0x0  }
0x7f: {  	[sflag:s25] =	ssyncadd.s32 $0xFFFFFFB0  }
0x80: {  	_ =	swait.ge [sflag:s25], $0x50  }
0x81: {  	[sflag:s25] =	ssyncset.done $0x0  }
0x82: {  	s3 =	sshll.u32 s3, $0x4;
	[sflag:s25] =	ssyncadd.s32 $0xFFFFFFB0  }
0x83: {  	[tilespmem:s26], [sflag:$0x2] =	stream.indirect.gather [hbm4b:s1+s22], $0x80, s16, s22, $0xb8;
	[tilespmem:$0xF140] =	vst v63  }
0x84: {  	s3 =	sand.u32 $0x1FFFFF00, s3  }
0x85: {  	[tilespmem:s28], [sflag:$0x2] =	stream.indirect.gather [hbm4b:s5+s22], $0x80, s22, s22, $0xb8;
	[tilespmem:$0xF140] =	vst v63  }
0x86: {  	s3 =	sadd.s32 s9, s3;
	s29 =	simm.s32 $0x50A0  }
0x87: {  	[tilespmem:s29], [sflag:$0x2] =	stream.linear.gather [hbm4b:s3+s16], $0x2800, $0x38;
	[tilespmem:$0xF140] =	vst v63  }
0x88: {  	_ =	swait.ge [sflag:s14], $0x2800  }
0x89: {  	[sflag:s14] =	ssyncset.done $0x0  }
0x8a: {  	[sflag:s14] =	ssyncadd.s32 $0xFFFFD800  }
0x8b: {  	_ =	swait.ge [sflag:s14], $0x2800  }
0x8c: {  	[sflag:s14] =	ssyncset.done $0x0  }
0x8d: {  	[sflag:s14] =	ssyncadd.s32 $0xFFFFD800  }
0x8e: {  	_ =	swait.ge [sflag:s14], $0x2800  }
0x8f: {  	[sflag:s14] =	ssyncset.done $0x0  }
0x90: {  	s15 =	simm.s32 $0x0;
	[sflag:s14] =	ssyncadd.s32 $0xFFFFD800  }
0x91: {  	v6 =	vld [tilespmem:s15+$0xC940]  }
0x92: {  	v11 =	vld [tilespmem:s15+$0xC950]  }
0x93: {  	v5 =	vld [tilespmem:s15+$0xC960]  }
0x94: {  	v4 =	vld [tilespmem:s15+$0xC970]  }
0x95: {  	v3 =	vld [tilespmem:s15+$0xC980]  }
0x96: {  	v2 =	vld [tilespmem:s15+$0xC990]  }
0x97: {  	v1 =	vld [tilespmem:s15+$0xC9A0]  }
0x98: {  	v0 =	vld [tilespmem:s15+$0xC9B0]  }
0x99: {  	v12 =	vld [tilespmem:s15+$0x7940]  }
0x9a: {  	v13 =	vld [tilespmem:s15+$0x7950]  }
0x9b: {  	v10 =	vld [tilespmem:s15+$0x7960]  }
0x9c: {  	v9 =	vld [tilespmem:s15+$0x7970]  }
0x9d: {  	v8 =	vld [tilespmem:s15+$0x7980]  }
0x9e: {  	v7 =	vld [tilespmem:s15+$0x7990];
	v12 =	vadd.f32 v6, v12  }
0x9f: {  	s16 =	simm.s32 $0x200;
	v11 =	vadd.f32 v11, v13;
	v6 =	vld [tilespmem:s15+$0x79A0]  }
.LBB2_5:
0xa0: {  	s3 =	sshra.s32 s16, $0x2;
	p0 =	sne.s32 s16, $0x9E00;
	v12 =	vmax.f32 v12, $0.0e+00;
	v5 =	vadd.f32 v5, v10;
	v10 =	vld [tilespmem:s15+$0x79B0]  }
0xa1: {  	v13 =	vld [tilespmem:s3+$0xC940];
	[tilespmem:s15+$0x7940] =	vst v12;
	v11 =	vmax.f32 v11, $0.0e+00;
	v4 =	vadd.f32 v4, v9  }
0xa2: {  	v14 =	vld [tilespmem:s3+$0xC950];
	[tilespmem:s15+$0x7950] =	vst v11;
	v9 =	vmax.f32 v5, $0.0e+00;
	v3 =	vadd.f32 v3, v8  }
0xa3: {  	v5 =	vld [tilespmem:s3+$0xC960];
	[tilespmem:s15+$0x7960] =	vst v9;
	v8 =	vmax.f32 v4, $0.0e+00;
	v2 =	vadd.f32 v2, v7  }
0xa4: {  	v4 =	vld [tilespmem:s3+$0xC970];
	[tilespmem:s15+$0x7970] =	vst v8;
	v7 =	vmax.f32 v3, $0.0e+00;
	v1 =	vadd.f32 v1, v6  }
0xa5: {  	v3 =	vld [tilespmem:s3+$0xC980];
	[tilespmem:s15+$0x7980] =	vst v7;
	v6 =	vmax.f32 v2, $0.0e+00;
	v0 =	vadd.f32 v0, v10  }
0xa6: {  	v2 =	vld [tilespmem:s3+$0xC990];
	[tilespmem:s15+$0x7990] =	vst v6;
	v6 =	vmax.f32 v1, $0.0e+00  }
0xa7: {  	v1 =	vld [tilespmem:s3+$0xC9A0];
	[tilespmem:s15+$0x79A0] =	vst v6;
	v6 =	vmax.f32 v0, $0.0e+00  }
0xa8: {  	v0 =	vld [tilespmem:s3+$0xC9B0];
	[tilespmem:s15+$0x79B0] =	vst v6;
	s15 =	smov.u32 s3  }
0xa9: {  	v6 =	vld [tilespmem:s15+$0x7940]  }
0xaa: {  	v11 =	vld [tilespmem:s15+$0x7950]  }
.Ltmp1:
0xab: {  	v10 =	vld [tilespmem:s15+$0x7960];
	(pc) =	sbr.rel @p0 .LBB2_5-.Ltmp1, $4  }
0xac: {  	v9 =	vld [tilespmem:s15+$0x7970]  }
0xad: {  	v8 =	vld [tilespmem:s15+$0x7980]  }
0xae: {  	v12 =	vadd.f32 v13, v6;
	v7 =	vld [tilespmem:s15+$0x7990]  }
0xaf: {  	s16 =	sadd.s32 $0x200, s16;
	v11 =	vadd.f32 v14, v11;
	v6 =	vld [tilespmem:s15+$0x79A0]  }
0xb0: {  	v12 =	vmax.f32 v12, $0.0e+00;
	v5 =	vadd.f32 v5, v10;
	v63 =	vld [tilespmem:s15+$0x79B0]  }
0xb1: {  	[tilespmem:s15+$0x7940] =	vst v12;
	v11 =	vmax.f32 v11, $0.0e+00;
	v4 =	vadd.f32 v4, v9  }
0xb2: {  	[tilespmem:s15+$0x7950] =	vst v11;
	v5 =	vmax.f32 v5, $0.0e+00;
	v3 =	vadd.f32 v3, v8  }
0xb3: {  	[tilespmem:s15+$0x7960] =	vst v5;
	v4 =	vmax.f32 v4, $0.0e+00;
	v2 =	vadd.f32 v2, v7  }
0xb4: {  	[tilespmem:s15+$0x7970] =	vst v4;
	v3 =	vmax.f32 v3, $0.0e+00;
	v1 =	vadd.f32 v1, v6  }
0xb5: {  	[tilespmem:s15+$0x7980] =	vst v3;
	v2 =	vmax.f32 v2, $0.0e+00;
	v0 =	vadd.f32 v0, v63  }
0xb6: {  	p0 =	seq.s32 s19, $0x3D;
	[tilespmem:s15+$0x7990] =	vst v2;
	v1 =	vmax.f32 v1, $0.0e+00  }
.Ltmp2:
0xb7: {  	[tilespmem:s15+$0x79A0] =	vst v1;
	v0 =	vmax.f32 v0, $0.0e+00;
	(pc) =	sbr.rel @p0 .LBB2_8-.Ltmp2, $4  }
0xb8: {  	s3 =	sadd.s32 s2, s21;
	[tilespmem:s15+$0x79B0] =	vst v0  }
0xb9: {  	[hbm4b:s3+s4] =	stream.linear.scatter [tilespmem:s31], [sflag:$0x6], $0x2800, $0x38;
	[tilespmem:$0xF140] =	vst v63  }
0xba: {  	s29 =	sadd.s32 s10, s21  }
0xbb: {  	[hbm4b:s29+s4] =	stream.linear.scatter [tilespmem:s0], [sflag:$0x6], $0x2800, $0x38;
	[tilespmem:$0xF140] =	vst v63  }
0xbc: {  	s3 =	sadd.s32 s20, s18  }
.Ltmp3:
0xbd: {  	s3 =	sshrl.u32 s3, $0x3;
	(pc) =	sbr.rel .LBB2_2-.Ltmp3, $4  }
0xbe: {  	s15 =	sadd.s32 s6, s3  }
0xbf: {  	[tilespmem:s23], [sflag:$0x4] =	stream.linear.gather [hbm4b:s15+s4], $0x50, $0x38;
	[tilespmem:$0xF140] =	vst v63  }
0xc0: {  	s19 =	sadd.s32 $0x1, s19;
	s3 =	sadd.s32 s7, s3  }
0xc1: {  	[tilespmem:s24], [sflag:$0x4] =	stream.linear.gather [hbm4b:s3+s4], $0x50, $0x38;
	[tilespmem:$0xF140] =	vst v63  }
.LBB2_8:
0xc2: {  	_ =	swait.ge [sflag:s12], $0x2800  }
0xc3: {  	[sflag:s12] =	ssyncset.done $0x0  }
0xc4: {  	[sflag:s12] =	ssyncadd.s32 $0xFFFFD800  }
0xc5: {  	_ =	swait.ge [sflag:s12], $0x2800  }
0xc6: {  	[sflag:s12] =	ssyncset.done $0x0  }
0xc7: {  	[sflag:s12] =	ssyncadd.s32 $0xFFFFD800  }
0xc8: {  	_ =	swait.ge [sflag:s12], $0x2800  }
0xc9: {  	[sflag:s12] =	ssyncset.done $0x0  }
0xca: {  	s15 =	simm.s32 $0x0;
	[sflag:s12] =	ssyncadd.s32 $0xFFFFD800  }
0xcb: {  	v6 =	vld [tilespmem:s15+$0x50A0]  }
0xcc: {  	v11 =	vld [tilespmem:s15+$0x50B0]  }
0xcd: {  	v5 =	vld [tilespmem:s15+$0x50C0]  }
0xce: {  	v4 =	vld [tilespmem:s15+$0x50D0]  }
0xcf: {  	v3 =	vld [tilespmem:s15+$0x50E0]  }
0xd0: {  	v2 =	vld [tilespmem:s15+$0x50F0]  }
0xd1: {  	v1 =	vld [tilespmem:s15+$0x5100]  }
0xd2: {  	v0 =	vld [tilespmem:s15+$0x5110]  }
0xd3: {  	v12 =	vld [tilespmem:s15+$0xA0]  }
0xd4: {  	v13 =	vld [tilespmem:s15+$0xB0]  }
0xd5: {  	v10 =	vld [tilespmem:s15+$0xC0]  }
0xd6: {  	v9 =	vld [tilespmem:s15+$0xD0]  }
0xd7: {  	v8 =	vld [tilespmem:s15+$0xE0]  }
0xd8: {  	v7 =	vld [tilespmem:s15+$0xF0];
	v12 =	vadd.f32 v6, v12  }
0xd9: {  	s16 =	simm.s32 $0x200;
	v11 =	vadd.f32 v11, v13;
	v6 =	vld [tilespmem:s15+$0x100]  }
.LBB2_9:
0xda: {  	s3 =	sshra.s32 s16, $0x2;
	p0 =	sne.s32 s16, $0x9E00;
	v12 =	vmax.f32 v12, $0.0e+00;
	v5 =	vadd.f32 v5, v10;
	v10 =	vld [tilespmem:s15+$0x110]  }
0xdb: {  	v13 =	vld [tilespmem:s3+$0x50A0];
	[tilespmem:s15+$0xA0] =	vst v12;
	v11 =	vmax.f32 v11, $0.0e+00;
	v4 =	vadd.f32 v4, v9  }
0xdc: {  	v14 =	vld [tilespmem:s3+$0x50B0];
	[tilespmem:s15+$0xB0] =	vst v11;
	v9 =	vmax.f32 v5, $0.0e+00;
	v3 =	vadd.f32 v3, v8  }
0xdd: {  	v5 =	vld [tilespmem:s3+$0x50C0];
	[tilespmem:s15+$0xC0] =	vst v9;
	v8 =	vmax.f32 v4, $0.0e+00;
	v2 =	vadd.f32 v2, v7  }
0xde: {  	v4 =	vld [tilespmem:s3+$0x50D0];
	[tilespmem:s15+$0xD0] =	vst v8;
	v7 =	vmax.f32 v3, $0.0e+00;
	v1 =	vadd.f32 v1, v6  }
0xdf: {  	v3 =	vld [tilespmem:s3+$0x50E0];
	[tilespmem:s15+$0xE0] =	vst v7;
	v6 =	vmax.f32 v2, $0.0e+00;
	v0 =	vadd.f32 v0, v10  }
0xe0: {  	v2 =	vld [tilespmem:s3+$0x50F0];
	[tilespmem:s15+$0xF0] =	vst v6;
	v6 =	vmax.f32 v1, $0.0e+00  }
0xe1: {  	v1 =	vld [tilespmem:s3+$0x5100];
	[tilespmem:s15+$0x100] =	vst v6;
	v6 =	vmax.f32 v0, $0.0e+00  }
0xe2: {  	v0 =	vld [tilespmem:s3+$0x5110];
	[tilespmem:s15+$0x110] =	vst v6;
	s15 =	smov.u32 s3  }
0xe3: {  	v6 =	vld [tilespmem:s15+$0xA0]  }
0xe4: {  	v11 =	vld [tilespmem:s15+$0xB0]  }
.Ltmp4:
0xe5: {  	v10 =	vld [tilespmem:s15+$0xC0];
	(pc) =	sbr.rel @p0 .LBB2_9-.Ltmp4, $4  }
0xe6: {  	v9 =	vld [tilespmem:s15+$0xD0]  }
0xe7: {  	v8 =	vld [tilespmem:s15+$0xE0]  }
0xe8: {  	v12 =	vadd.f32 v13, v6;
	v7 =	vld [tilespmem:s15+$0xF0]  }
0xe9: {  	s16 =	sadd.s32 $0x200, s16;
	v11 =	vadd.f32 v14, v11;
	v6 =	vld [tilespmem:s15+$0x100]  }
0xea: {  	v12 =	vmax.f32 v12, $0.0e+00;
	v5 =	vadd.f32 v5, v10;
	v63 =	vld [tilespmem:s15+$0x110]  }
0xeb: {  	[tilespmem:s15+$0xA0] =	vst v12;
	v11 =	vmax.f32 v11, $0.0e+00;
	v4 =	vadd.f32 v4, v9  }
0xec: {  	[tilespmem:s15+$0xB0] =	vst v11;
	v5 =	vmax.f32 v5, $0.0e+00;
	v3 =	vadd.f32 v3, v8  }
0xed: {  	[tilespmem:s15+$0xC0] =	vst v5;
	v4 =	vmax.f32 v4, $0.0e+00;
	v2 =	vadd.f32 v2, v7  }
0xee: {  	[tilespmem:s15+$0xD0] =	vst v4;
	v3 =	vmax.f32 v3, $0.0e+00;
	v1 =	vadd.f32 v1, v6  }
0xef: {  	[tilespmem:s15+$0xE0] =	vst v3;
	v2 =	vmax.f32 v2, $0.0e+00;
	v0 =	vadd.f32 v0, v63  }
0xf0: {  	[tilespmem:s15+$0xF0] =	vst v2;
	v1 =	vmax.f32 v1, $0.0e+00  }
0xf1: {  	[tilespmem:s15+$0x100] =	vst v1;
	v0 =	vmax.f32 v0, $0.0e+00  }
0xf2: {  	s3 =	rddreg [dreg:$0x9];
	[tilespmem:s15+$0x110] =	vst v0  }
0xf3: {  	[hbm4b:s3+s4] =	stream.linear.scatter [tilespmem:s26], [sflag:$0x3], $0x2800, $0x38;
	[tilespmem:$0xF140] =	vst v63  }
0xf4: {  	s19 =	rddreg [dreg:$0xa];
	s20 =	simm.s32 $0x6  }
0xf5: {  	[hbm4b:s19+s4] =	stream.linear.scatter [tilespmem:s28], [sflag:$0x3], $0x2800, $0x38;
	[tilespmem:$0xF140] =	vst v63  }
0xf6: {  	_ =	swait.ge [sflag:s20], $0x2800  }
0xf7: {  	[sflag:s20] =	ssyncset.done $0x0  }
0xf8: {  	[sflag:s20] =	ssyncadd.s32 $0xFFFFD800  }
0xf9: {  	_ =	swait.ge [sflag:s20], $0x2800  }
0xfa: {  	[sflag:s20] =	ssyncset.done $0x0  }
0xfb: {  	[sflag:s20] =	ssyncadd.s32 $0xFFFFD800  }
0xfc: {  	_ =	swait.ge [sflag:s13], $0x2800  }
0xfd: {  	[sflag:s13] =	ssyncset.done $0x0  }
0xfe: {  	[sflag:s13] =	ssyncadd.s32 $0xFFFFD800  }
0xff: {  	_ =	swait.ge [sflag:s13], $0x2800  }
0x100: {  	s21 =	rddreg [dreg:$0xc]  }
0x101: {  	s29 =	rddreg [dreg:$0xb];
	s15 =	sadd.s32 $0x1, s21  }
0x102: {  	p0 =	sne.s32 s15, s29  }
.Ltmp5:
0x103: {  	_ = 	snop;
	(pc) =	sbr.rel @p0 .LBB2_1-.Ltmp5, $3  }
0x104: {  	_ =	sdelay $0x1  }
0x105: {  	[sflag:s13] =	ssyncset.done $0x0  }
0x106: {  	[sflag:s13] =	ssyncadd.s32 $0xFFFFD800  }
0x107: {  	_ =	sfence.sel $0x180000  }
0x108: {  	[bflag:$0x0] =	sbarrier.arrive $0xFFFF  }
0x109: {  	_ =	strace $0x90000047  }
0x10a: {  	s0 =	stileid.u32;
	[bflag:$0x2] =	sbarrier.arrive $0xFFFF  }
0x10b: {  	p0 =	sne.s32 s0, $0x0;
	s0 =	rddreg [dreg:$0x3]  }
0x10c: {  	s0 =	sadd.s32 @!p0 $0x100000, s0  }
0x10d: {  	[sflag:s0] =	ssyncadd.tile.s32 @!p0 $0x1;
	_ =	shalt  }
.Lfunc_end2:
_tile_overlayer_lowered:
.L_overlay_start_2:
0x10e: {  	(tag) =	ssettag $0x2  }
0x10f: {  	s0 =	rddreg [dreg:$0x0];
	s2 =	stileid.u32  }
0x110: {  	s1 =	rddreg [dreg:$0x1];
	p0 =	sne.s32 s2, $0x0  }
0x111: {  	s3 =	rddreg [dreg:$0x2];
	[bflag:$0x3] =	sbarrier.arrive $0xFFFF;
	s2 =	simm.s32 @!p0 $0x1C07  }
0x112: {  	[timem:s3], [sflag:s2] =	dma.local @!p0 [hbm:s0], s1  }
0x113: {  	s0 =	simm.s32 @!p0 $0x7  }
0x114: {  	_ =	swait.ge @!p0 [sflag:s0], s1  }
0x115: {  	s1 =	ssub.s32 @!p0 $0x0, s1;
	[sflag:s0] =	ssyncset.done @!p0 $0x0  }
0x116: {  	[sflag:s0] =	ssyncadd.s32 @!p0 s1  }
0x117: {  	[bflag:$0x3] =	sbarrier.arrive $0xFFFF  }
0x118: {  	_ =	shalt  }

</sc_bundles>
